<compile_context>
chip_gen: v7x
topology: tpu7x:2x2x1
jax: 0.10.2.dev20260603
libtpu: 0.0.44.dev20260713+nightly
codegen_flags: <defaults>
</compile_context>

<pallas_src>
import functools

import jax
import jax.numpy as jnp
from jax import lax
from jax.experimental import pallas as pl
from jax.experimental.pallas import tpu as pltpu
from jax.experimental.pallas import tpu_sc as plsc

DIM = 16
CHUNK = 128
GRP = 8


@functools.lru_cache(maxsize=None)
def _sc_gather(B: int, V: int, S: int):
    info = plsc.get_sparse_core_info()
    nw = info.num_cores * info.num_subcores
    assert B % (8 * nw) == 0
    bpw = B // nw
    mesh = plsc.VectorSubcoreMesh(core_axis_name="c", subcore_axis_name="s")

    @functools.partial(
        pl.kernel,
        out_type=[
            jax.ShapeDtypeStruct((DIM, B), jnp.float32),
            jax.ShapeDtypeStruct((DIM, B), jnp.float32),
            jax.ShapeDtypeStruct((B,), jnp.float32),
            jax.ShapeDtypeStruct((DIM, S), jnp.float32),
            jax.ShapeDtypeStruct((S,), jnp.float32),
        ],
        mesh=mesh,
        scratch_types=[
            pltpu.VMEM((bpw,), jnp.int32),
            pltpu.VMEM((bpw,), jnp.int32),
            pltpu.VMEM((bpw,), jnp.int32),
            pltpu.VMEM((2, GRP, DIM, 128), jnp.float32),
            pltpu.VMEM((2, GRP, DIM, 128), jnp.float32),
            pltpu.VMEM((DIM, bpw), jnp.float32),
            pltpu.VMEM((DIM, bpw), jnp.float32),
            pltpu.VMEM((bpw,), jnp.float32),
            pltpu.VMEM((S,), jnp.int32),
            pltpu.VMEM((S,), jnp.int32),
            pltpu.VMEM((DIM, S), jnp.float32),
            pltpu.VMEM((S,), jnp.float32),
            pltpu.SemaphoreType.DMA,
            pltpu.SemaphoreType.DMA,
            pltpu.SemaphoreType.DMA,
        ],
        compiler_params=pltpu.CompilerParams(needs_layout_passes=False),
    )
    def k(x_hbm, lbl_hbm, embt_hbm, wt_hbm, b_hbm, sid_hbm,
          et_o, wt_o, tb_o, swt_o, sb_o,
          xs_s, ls_s, lidx_v, ecol_v, wcol_v, et_v, wt_v, bv_v,
          sid_s, sidx_v, swt_v, sb_v, sem, semb, semb2):
        wid = lax.axis_index("s") * info.num_cores + lax.axis_index("c")
        base = wid * bpw
        pltpu.sync_copy(x_hbm.at[pl.ds(base, bpw)], xs_s)
        pltpu.sync_copy(lbl_hbm.at[pl.ds(base, bpw)], ls_s)
        pltpu.sync_copy(lbl_hbm.at[pl.ds(base, bpw)], lidx_v)

        bcps = [pltpu.async_copy(b_hbm.at[lidx_v.at[pl.ds(j * CHUNK, CHUNK)]],
                                 bv_v.at[pl.ds(j * CHUNK, CHUNK)], semb)
                for j in range(bpw // CHUNK)]

        iota16 = lax.iota(jnp.int32, 16)
        n_sup = bpw // 16

        def issue(k, half, buf, s):
            xvec = xs_s[pl.ds(k * 16, 16)]
            lvec = ls_s[pl.ds(k * 16, 16)]
            for u in range(GRP):
                xc = pl.multiple_of((xvec[half * GRP + u] >> 7) * 128, 128)
                lc = pl.multiple_of((lvec[half * GRP + u] >> 7) * 128, 128)
                pltpu.async_copy(
                    embt_hbm.at[:, pl.ds(xc, 128)], ecol_v.at[buf, u], s)
                pltpu.async_copy(
                    wt_hbm.at[:, pl.ds(lc, 128)], wcol_v.at[buf, u], s)

        def drain(s):
            for _ in range(4):
                pltpu.make_async_copy(
                    embt_hbm.at[:, pl.ds(0, bpw)],
                    et_v, s).wait()

        def extract(k, half, buf):
            e0 = k * 16 + half * GRP
            xvec = xs_s[pl.ds(k * 16, 16)]
            lvec = ls_s[pl.ds(k * 16, 16)]
            for u in range(GRP):
                xlane = jnp.full((16,), xvec[half * GRP + u] & 127, jnp.int32)
                llane = jnp.full((16,), lvec[half * GRP + u] & 127, jnp.int32)
                ecol = e0 + u + jnp.zeros((16,), jnp.int32)
                erow = plsc.load_gather(ecol_v.at[buf, u], [iota16, xlane])
                wrow = plsc.load_gather(wcol_v.at[buf, u], [iota16, llane])
                plsc.store_scatter(et_v, [iota16, ecol], erow)
                plsc.store_scatter(wt_v, [iota16, ecol], wrow)

        issue(0, 0, 0, sem)
        issue(0, 1, 1, semb2)

        def body(k, carry):
            del carry
            drain(sem)
            extract(k, 0, 0)

            @pl.when(k + 1 < n_sup)
            def _():
                issue(k + 1, 0, 0, sem)

            drain(semb2)
            extract(k, 1, 1)

            @pl.when(k + 1 < n_sup)
            def _():
                issue(k + 1, 1, 1, semb2)

            return 0

        lax.fori_loop(0, n_sup, body, 0)

        for cp in bcps:
            cp.wait()
        pltpu.sync_copy(et_v, et_o.at[:, pl.ds(base, bpw)])
        pltpu.sync_copy(wt_v, wt_o.at[:, pl.ds(base, bpw)])
        pltpu.sync_copy(bv_v, tb_o.at[pl.ds(base, bpw)])

        @pl.when(wid == 0)
        def _():
            pltpu.sync_copy(sid_hbm, sid_s)
            pltpu.sync_copy(sid_hbm, sidx_v)
            bcp = pltpu.async_copy(b_hbm.at[sidx_v], sb_v, semb)
            bufs = [ecol_v, wcol_v]
            scps = []
            svecs = [sid_s[pl.ds(h * 16, 16)] for h in range(S // 16)]
            for h in range(S // 16):
                for half in range(2):
                    for u in range(GRP):
                        sc = pl.multiple_of(
                            (svecs[h][half * GRP + u] >> 7) * 128, 128)
                        scps.append(pltpu.async_copy(
                            wt_hbm.at[:, pl.ds(sc, 128)],
                            bufs[h].at[half, u], sem))
            for cp in scps:
                cp.wait()
            for h in range(S // 16):
                for half in range(2):
                    for u in range(GRP):
                        slane = jnp.full(
                            (16,), svecs[h][half * GRP + u] & 127, jnp.int32)
                        scol = (h * 16 + half * GRP + u
                                + jnp.zeros((16,), jnp.int32))
                        srow = plsc.load_gather(
                            bufs[h].at[half, u], [iota16, slane])
                        plsc.store_scatter(swt_v, [iota16, scol], srow)
            bcp.wait()
            pltpu.sync_copy(swt_v, swt_o)
            pltpu.sync_copy(sb_v, sb_o)

    return k


def _tc_loss_body(V, S, et_ref, wt_ref, tb_ref, lbl_ref, swt_ref, sb_ref,
                  sid_ref, out_ref):
    e = et_ref[...]
    tw = wt_ref[...]
    tb = tb_ref[...]
    lbl = lbl_ref[...]
    swt = swt_ref[...]
    sb = sb_ref[...]
    sid = sid_ref[...]

    log_vp1 = jnp.log(float(V) + 1.0)

    def log_k_prob(ids):
        idsf = ids.astype(jnp.float32)
        p = (jnp.log(idsf + 2.0) - jnp.log(idsf + 1.0)) / log_vp1
        return jnp.log(float(S) * p)

    def sce(logits, label):
        return (jnp.maximum(logits, 0.0) - logits * label
                + jnp.log1p(jnp.exp(-jnp.abs(logits))))

    true_logits = jnp.sum(e * tw, axis=0) + tb - log_k_prob(lbl)
    sampled = lax.dot_general(e, swt, (((0,), (0,)), ((), ())),
                              preferred_element_type=jnp.float32)
    sampled = sampled + (sb - log_k_prob(sid))[None, :]
    loss = sce(true_logits, 1.0) + jnp.sum(sce(sampled, 0.0), axis=1)
    out_ref[...] = loss


@functools.lru_cache(maxsize=None)
def _tc_loss(B: int, V: int, S: int):
    BB = B
    return pl.pallas_call(
        functools.partial(_tc_loss_body, V, S),
        grid=(B // BB,),
        in_specs=[
            pl.BlockSpec((DIM, BB), lambda i: (0, i)),
            pl.BlockSpec((DIM, BB), lambda i: (0, i)),
            pl.BlockSpec((BB,), lambda i: (i,)),
            pl.BlockSpec((BB,), lambda i: (i,)),
            pl.BlockSpec((DIM, S), lambda i: (0, 0)),
            pl.BlockSpec((S,), lambda i: (0,)),
            pl.BlockSpec((S,), lambda i: (0,)),
        ],
        out_specs=pl.BlockSpec((BB,), lambda i: (i,)),
        out_shape=jax.ShapeDtypeStruct((B,), jnp.float32),
    )


def kernel(x, target, emb_table, w_score, b_score, sampled_ids):
    B = x.shape[0]
    V, _ = emb_table.shape
    S = sampled_ids.shape[0]
    labels = target.reshape(B)
    et, wt, tb, swt, sb = _sc_gather(B, V, S)(
        x, labels, emb_table.T, w_score.T, b_score, sampled_ids)
    loss = _tc_loss(B, V, S)(et, wt, tb, labels, swt, sb, sampled_ids)
    return loss

# --- scband reference (transcript-rebuilt; emitter-appended) ---
"""Pipeline reference for scband-skip-gram-893353197723 (READ-ONLY COPY).

The authoritative reference and input builder live on the scoring server;
editing this copy changes nothing except your own understanding.
"""

import jax, jax.numpy as jnp
import numpy as np

VOCAB = 1000000
DIM = 16
B = 16384
NUM_SAMPLED = 32


def setup_inputs(seed: int = 0) -> dict:
    key = jax.random.key(seed)
    ks = jax.random.split(key, 6)
    x = jax.random.randint(ks[0], (B,), 0, VOCAB, dtype=jnp.int64 if jax.config.jax_enable_x64 else jnp.int32)
    target = jax.random.randint(ks[1], (B, 1), 0, VOCAB, dtype=jnp.int64 if jax.config.jax_enable_x64 else jnp.int32)
    emb_table = jax.random.normal(ks[2], (VOCAB, DIM), dtype=jnp.float32) * 0.05
    w_score = jax.random.normal(ks[3], (VOCAB, DIM), dtype=jnp.float32) * 0.05
    b_score = jax.random.normal(ks[4], (VOCAB,), dtype=jnp.float32) * 0.05
    sampled_ids = jax.random.randint(ks[5], (NUM_SAMPLED,), 0, VOCAB, dtype=jnp.int64 if jax.config.jax_enable_x64 else jnp.int32)
    return {"x": x, "target": target, "emb_table": emb_table, "w_score": w_score, "b_score": b_score, "sampled_ids": sampled_ids}


def _log_uniform_prob(ids):
    # probability under tf's log-uniform (Zipfian) candidate sampler
    idsf = ids.astype(jnp.float32)
    return (jnp.log(idsf + 2.0) - jnp.log(idsf + 1.0)) / jnp.log(float(VOCAB) + 1.0)


def _sigmoid_ce(logits, labels):
    # numerically stable sigmoid cross entropy, matching tf.nn.sigmoid_cross_entropy_with_logits
    return jnp.maximum(logits, 0.0) - logits * labels + jnp.log1p(jnp.exp(-jnp.abs(logits)))


def reference(x, target, emb_table, w_score, b_score, sampled_ids):
    # embedding lookup (gather)
    embedd = jnp.take(emb_table, x, axis=0)  # [B, DIM]
    labels = target[:, 0]

    # true (positive) logits
    true_w = jnp.take(w_score, labels, axis=0)          # [B, DIM]
    true_b = jnp.take(b_score, labels, axis=0)          # [B]
    true_logits = jnp.sum(embedd * true_w, axis=-1) + true_b
    true_logits = true_logits - jnp.log(NUM_SAMPLED * _log_uniform_prob(labels))

    # sampled (negative) logits against NUM_SAMPLED shared negatives
    sampled_w = jnp.take(w_score, sampled_ids, axis=0)  # [S, DIM]
    sampled_b = jnp.take(b_score, sampled_ids, axis=0)  # [S]
    sampled_logits = embedd @ sampled_w.T + sampled_b[None, :]
    sampled_logits = sampled_logits - jnp.log(NUM_SAMPLED * _log_uniform_prob(sampled_ids))[None, :]

    # NCE loss: binary cross-entropy, label 1 for true class, 0 for sampled
    loss = _sigmoid_ce(true_logits, 1.0) + jnp.sum(_sigmoid_ce(sampled_logits, 0.0), axis=-1)
    return loss  # per-example NCE loss, shape [B], as tf.nn.nce_loss returns

if __name__ == "__main__":
    import jax
    _d = setup_inputs()
    print(jax.jit(kernel)(*tuple(_d.values())))

</pallas_src>

<mosaic_0001>
#map = affine_map<(d0, d1) -> (0)>
#map1 = affine_map<(d0, d1) -> (0, 0)>
module attributes {stable_mosaic.version = 14 : i64} {
  func.func @k(%arg0: i32, %arg1: i32, %arg2: memref<16384xi32, #tpu.memory_space<hbm>>, %arg3: memref<16384xi32, #tpu.memory_space<hbm>>, %arg4: memref<16x1000000xf32, #tpu.memory_space<hbm>>, %arg5: memref<16x1000000xf32, #tpu.memory_space<hbm>>, %arg6: memref<1000000xf32, #tpu.memory_space<hbm>>, %arg7: memref<32xi32, #tpu.memory_space<hbm>>, %arg8: memref<16x16384xf32, #tpu.memory_space<hbm>>, %arg9: memref<16x16384xf32, #tpu.memory_space<hbm>>, %arg10: memref<16384xf32, #tpu.memory_space<hbm>>, %arg11: memref<16x32xf32, #tpu.memory_space<hbm>>, %arg12: memref<32xf32, #tpu.memory_space<hbm>>, %arg13: memref<512xi32, #tpu.memory_space<vmem>>, %arg14: memref<512xi32, #tpu.memory_space<vmem>>, %arg15: memref<512xi32, #tpu.memory_space<vmem>>, %arg16: memref<2x8x16x128xf32, #tpu.memory_space<vmem>>, %arg17: memref<2x8x16x128xf32, #tpu.memory_space<vmem>>, %arg18: memref<16x512xf32, #tpu.memory_space<vmem>>, %arg19: memref<16x512xf32, #tpu.memory_space<vmem>>, %arg20: memref<512xf32, #tpu.memory_space<vmem>>, %arg21: memref<32xi32, #tpu.memory_space<vmem>>, %arg22: memref<32xi32, #tpu.memory_space<vmem>>, %arg23: memref<16x32xf32, #tpu.memory_space<vmem>>, %arg24: memref<32xf32, #tpu.memory_space<vmem>>, %arg25: memref<!tpu.dma_semaphore, #tpu.memory_space<semaphore_mem>>, %arg26: memref<!tpu.dma_semaphore, #tpu.memory_space<semaphore_mem>>, %arg27: memref<!tpu.dma_semaphore, #tpu.memory_space<semaphore_mem>>) attributes {dimension_semantics = [#tpu.dimension_semantics<core_parallel>, #tpu.dimension_semantics<subcore_parallel>], iteration_bounds = array<i64: 2, 16>, scalar_prefetch = 0 : i64, scratch_operands = 15 : i64, tpu.core_type = #tpu.core_type<sc_vector_subcore>, window_params = [{transform_indices = #map}, {transform_indices = #map}, {transform_indices = #map1}, {transform_indices = #map1}, {transform_indices = #map}, {transform_indices = #map}, {transform_indices = #map1}, {transform_indices = #map1}, {transform_indices = #map}, {transform_indices = #map1}, {transform_indices = #map}]} {
    %mul3A = arith.constant 2 : i32
    %mul3A_0 = arith.muli %arg1, %mul3A : i32
    %add3A = arith.addi %mul3A_0, %arg0 : i32
    %mul3A_1 = arith.constant 512 : i32
    %mul3A_2 = arith.muli %add3A, %mul3A_1 : i32
    "tpu.region"() ({
      %run_scoped3A = tpu.sem_alloc : memref<!tpu.dma_semaphore, #tpu.memory_space<semaphore_mem>>
      %dma_start3A_732 = tpu.memref_slice %arg2[%mul3A_2] : memref<16384xi32, #tpu.memory_space<hbm>> -> memref<512xi32, #tpu.memory_space<hbm>>
      %dma_start3A_733 = tpu.memref_slice %arg2[%mul3A_2] : memref<16384xi32, #tpu.memory_space<hbm>> -> memref<512xi32, #tpu.memory_space<hbm>>
      tpu.enqueue_dma source(%dma_start3A_733 : memref<512xi32, #tpu.memory_space<hbm>>) target(%arg13 : memref<512xi32, #tpu.memory_space<vmem>>) target_semaphore(%run_scoped3A : memref<!tpu.dma_semaphore, #tpu.memory_space<semaphore_mem>>)
      %dma_wait3A_734 = tpu.memref_slice %arg2[%mul3A_2] : memref<16384xi32, #tpu.memory_space<hbm>> -> memref<512xi32, #tpu.memory_space<hbm>>
      %dma_wait3A_735 = tpu.memref_slice %arg2[%mul3A_2] : memref<16384xi32, #tpu.memory_space<hbm>> -> memref<512xi32, #tpu.memory_space<hbm>>
      tpu.wait_dma2 semaphore(%run_scoped3A : memref<!tpu.dma_semaphore, #tpu.memory_space<semaphore_mem>>) src(%dma_wait3A_735 : memref<512xi32, #tpu.memory_space<hbm>>) dst(%arg13 : memref<512xi32, #tpu.memory_space<vmem>>)
      tpu.yield
    }) : () -> ()
    "tpu.region"() ({
      %run_scoped3A = tpu.sem_alloc : memref<!tpu.dma_semaphore, #tpu.memory_space<semaphore_mem>>
      %dma_start3A_732 = tpu.memref_slice %arg3[%mul3A_2] : memref<16384xi32, #tpu.memory_space<hbm>> -> memref<512xi32, #tpu.memory_space<hbm>>
      %dma_start3A_733 = tpu.memref_slice %arg3[%mul3A_2] : memref<16384xi32, #tpu.memory_space<hbm>> -> memref<512xi32, #tpu.memory_space<hbm>>
      tpu.enqueue_dma source(%dma_start3A_733 : memref<512xi32, #tpu.memory_space<hbm>>) target(%arg14 : memref<512xi32, #tpu.memory_space<vmem>>) target_semaphore(%run_scoped3A : memref<!tpu.dma_semaphore, #tpu.memory_space<semaphore_mem>>)
      %dma_wait3A_734 = tpu.memref_slice %arg3[%mul3A_2] : memref<16384xi32, #tpu.memory_space<hbm>> -> memref<512xi32, #tpu.memory_space<hbm>>
      %dma_wait3A_735 = tpu.memref_slice %arg3[%mul3A_2] : memref<16384xi32, #tpu.memory_space<hbm>> -> memref<512xi32, #tpu.memory_space<hbm>>
      tpu.wait_dma2 semaphore(%run_scoped3A : memref<!tpu.dma_semaphore, #tpu.memory_space<semaphore_mem>>) src(%dma_wait3A_735 : memref<512xi32, #tpu.memory_space<hbm>>) dst(%arg14 : memref<512xi32, #tpu.memory_space<vmem>>)
      tpu.yield
    }) : () -> ()
    "tpu.region"() ({
      %run_scoped3A = tpu.sem_alloc : memref<!tpu.dma_semaphore, #tpu.memory_space<semaphore_mem>>
      %dma_start3A_732 = tpu.memref_slice %arg3[%mul3A_2] : memref<16384xi32, #tpu.memory_space<hbm>> -> memref<512xi32, #tpu.memory_space<hbm>>
      %dma_start3A_733 = tpu.memref_slice %arg3[%mul3A_2] : memref<16384xi32, #tpu.memory_space<hbm>> -> memref<512xi32, #tpu.memory_space<hbm>>
      tpu.enqueue_dma source(%dma_start3A_733 : memref<512xi32, #tpu.memory_space<hbm>>) target(%arg15 : memref<512xi32, #tpu.memory_space<vmem>>) target_semaphore(%run_scoped3A : memref<!tpu.dma_semaphore, #tpu.memory_space<semaphore_mem>>)
      %dma_wait3A_734 = tpu.memref_slice %arg3[%mul3A_2] : memref<16384xi32, #tpu.memory_space<hbm>> -> memref<512xi32, #tpu.memory_space<hbm>>
      %dma_wait3A_735 = tpu.memref_slice %arg3[%mul3A_2] : memref<16384xi32, #tpu.memory_space<hbm>> -> memref<512xi32, #tpu.memory_space<hbm>>
      tpu.wait_dma2 semaphore(%run_scoped3A : memref<!tpu.dma_semaphore, #tpu.memory_space<semaphore_mem>>) src(%dma_wait3A_735 : memref<512xi32, #tpu.memory_space<hbm>>) dst(%arg15 : memref<512xi32, #tpu.memory_space<vmem>>)
      tpu.yield
    }) : () -> ()
    %dma_start3A = arith.constant 0 : i32
    %dma_start3A_3 = tpu.memref_slice %arg20[%dma_start3A] : memref<512xf32, #tpu.memory_space<vmem>> -> memref<128xf32, #tpu.memory_space<vmem>>
    %dma_start3A_4 = arith.constant 0 : i32
    %dma_start3A_5 = tpu.memref_slice %arg15[%dma_start3A_4] : memref<512xi32, #tpu.memory_space<vmem>> -> memref<128xi32, #tpu.memory_space<vmem>>
    %dma_start3A_6 = arith.constant 0 : i32
    %dma_start3A_7 = tpu.memref_slice %arg6[%dma_start3A_6] : memref<1000000xf32, #tpu.memory_space<hbm>> -> memref<1000000xf32, #tpu.memory_space<hbm>>
    tpu.enqueue_indirect_dma source(%dma_start3A_7 : memref<1000000xf32, #tpu.memory_space<hbm>>) target(%dma_start3A_3 : memref<128xf32, #tpu.memory_space<vmem>>) offsets(%dma_start3A_5 : memref<128xi32, #tpu.memory_space<vmem>>) semaphore(%arg26 : memref<!tpu.dma_semaphore, #tpu.memory_space<semaphore_mem>>)
    %dma_start3A_8 = arith.constant 128 : i32
    %dma_start3A_9 = tpu.memref_slice %arg20[%dma_start3A_8] : memref<512xf32, #tpu.memory_space<vmem>> -> memref<128xf32, #tpu.memory_space<vmem>>
    %dma_start3A_10 = arith.constant 128 : i32
    %dma_start3A_11 = tpu.memref_slice %arg15[%dma_start3A_10] : memref<512xi32, #tpu.memory_space<vmem>> -> memref<128xi32, #tpu.memory_space<vmem>>
    %dma_start3A_12 = arith.constant 0 : i32
    %dma_start3A_13 = tpu.memref_slice %arg6[%dma_start3A_12] : memref<1000000xf32, #tpu.memory_space<hbm>> -> memref<1000000xf32, #tpu.memory_space<hbm>>
    tpu.enqueue_indirect_dma source(%dma_start3A_13 : memref<1000000xf32, #tpu.memory_space<hbm>>) target(%dma_start3A_9 : memref<128xf32, #tpu.memory_space<vmem>>) offsets(%dma_start3A_11 : memref<128xi32, #tpu.memory_space<vmem>>) semaphore(%arg26 : memref<!tpu.dma_semaphore, #tpu.memory_space<semaphore_mem>>)
    %dma_start3A_14 = arith.constant 256 : i32
    %dma_start3A_15 = tpu.memref_slice %arg20[%dma_start3A_14] : memref<512xf32, #tpu.memory_space<vmem>> -> memref<128xf32, #tpu.memory_space<vmem>>
    %dma_start3A_16 = arith.constant 256 : i32
    %dma_start3A_17 = tpu.memref_slice %arg15[%dma_start3A_16] : memref<512xi32, #tpu.memory_space<vmem>> -> memref<128xi32, #tpu.memory_space<vmem>>
    %dma_start3A_18 = arith.constant 0 : i32
    %dma_start3A_19 = tpu.memref_slice %arg6[%dma_start3A_18] : memref<1000000xf32, #tpu.memory_space<hbm>> -> memref<1000000xf32, #tpu.memory_space<hbm>>
    tpu.enqueue_indirect_dma source(%dma_start3A_19 : memref<1000000xf32, #tpu.memory_space<hbm>>) target(%dma_start3A_15 : memref<128xf32, #tpu.memory_space<vmem>>) offsets(%dma_start3A_17 : memref<128xi32, #tpu.memory_space<vmem>>) semaphore(%arg26 : memref<!tpu.dma_semaphore, #tpu.memory_space<semaphore_mem>>)
    %dma_start3A_20 = arith.constant 384 : i32
    %dma_start3A_21 = tpu.memref_slice %arg20[%dma_start3A_20] : memref<512xf32, #tpu.memory_space<vmem>> -> memref<128xf32, #tpu.memory_space<vmem>>
    %dma_start3A_22 = arith.constant 384 : i32
    %dma_start3A_23 = tpu.memref_slice %arg15[%dma_start3A_22] : memref<512xi32, #tpu.memory_space<vmem>> -> memref<128xi32, #tpu.memory_space<vmem>>
    %dma_start3A_24 = arith.constant 0 : i32
    %dma_start3A_25 = tpu.memref_slice %arg6[%dma_start3A_24] : memref<1000000xf32, #tpu.memory_space<hbm>> -> memref<1000000xf32, #tpu.memory_space<hbm>>
    tpu.enqueue_indirect_dma source(%dma_start3A_25 : memref<1000000xf32, #tpu.memory_space<hbm>>) target(%dma_start3A_21 : memref<128xf32, #tpu.memory_space<vmem>>) offsets(%dma_start3A_23 : memref<128xi32, #tpu.memory_space<vmem>>) semaphore(%arg26 : memref<!tpu.dma_semaphore, #tpu.memory_space<semaphore_mem>>)
    %iota3A = tpu.iota {dimensions = array<i32: 0>} : vector<16xi32>
    %get3A = arith.constant 0 : index
    %get3A_26 = tpu.vector_load %arg13[%get3A] {strides = array<i32>} : memref<512xi32, #tpu.memory_space<vmem>>, vector<16xi32>,
    %get3A_27 = arith.constant 0 : index
    %get3A_28 = tpu.vector_load %arg14[%get3A_27] {strides = array<i32>} : memref<512xi32, #tpu.memory_space<vmem>>, vector<16xi32>,
    %slice3A = vector.extract_strided_slice %get3A_26 {offsets = [0], sizes = [1], strides = [1]} : vector<16xi32> to vector<1xi32>
    %squeeze3A = vector.extract %slice3A[0] : i32 from vector<1xi32>
    %shift_right_arithmetic3A = arith.constant 7 : i32
    %shift_right_arithmetic3A_29 = arith.shrsi %squeeze3A, %shift_right_arithmetic3A : i32
    %mul3A_30 = arith.constant 128 : i32
    %mul3A_31 = arith.muli %shift_right_arithmetic3A_29, %mul3A_30 : i32
    %multiple_of3A = tpu.assume_multiple %mul3A_31, 128 : i32
    %slice3A_32 = vector.extract_strided_slice %get3A_28 {offsets = [0], sizes = [1], strides = [1]} : vector<16xi32> to vector<1xi32>
    %squeeze3A_33 = vector.extract %slice3A_32[0] : i32 from vector<1xi32>
    %shift_right_arithmetic3A_34 = arith.constant 7 : i32
    %shift_right_arithmetic3A_35 = arith.shrsi %squeeze3A_33, %shift_right_arithmetic3A_34 : i32
    %mul3A_36 = arith.constant 128 : i32
    %mul3A_37 = arith.muli %shift_right_arithmetic3A_35, %mul3A_36 : i32
    %multiple_of3A_38 = tpu.assume_multiple %mul3A_37, 128 : i32
    %dma_start3A_39 = arith.constant 0 : i32
    %dma_start3A_40 = arith.constant 0 : i32
    %dma_start3A_41 = arith.constant 0 : i32
    %dma_start3A_42 = arith.constant 0 : i32
    %dma_start3A_43 = tpu.memref_slice %arg16[%dma_start3A_39, %dma_start3A_40, %dma_start3A_41, %dma_start3A_42] : memref<2x8x16x128xf32, #tpu.memory_space<vmem>> -> memref<1x1x16x128xf32, #tpu.memory_space<vmem>>
    %dma_start3A_44 = tpu.memref_squeeze %dma_start3A_43 : memref<1x1x16x128xf32, #tpu.memory_space<vmem>> -> memref<16x128xf32, #tpu.memory_space<vmem>>
    %dma_start3A_45 = arith.constant 0 : i32
    %dma_start3A_46 = tpu.memref_slice %arg4[%dma_start3A_45, %multiple_of3A] : memref<16x1000000xf32, #tpu.memory_space<hbm>> -> memref<16x128xf32, #tpu.memory_space<hbm>>
    %dma_start3A_47 = arith.constant 0 : i32
    %dma_start3A_48 = arith.constant 0 : i32
    %dma_start3A_49 = tpu.memref_slice %arg16[%dma_start3A_39, %dma_start3A_40, %dma_start3A_47, %dma_start3A_48] : memref<2x8x16x128xf32, #tpu.memory_space<vmem>> -> memref<1x1x16x128xf32, #tpu.memory_space<vmem>>
    %dma_start3A_50 = tpu.memref_squeeze %dma_start3A_49 : memref<1x1x16x128xf32, #tpu.memory_space<vmem>> -> memref<16x128xf32, #tpu.memory_space<vmem>>
    %dma_start3A_51 = arith.constant 0 : i32
    %dma_start3A_52 = tpu.memref_slice %arg4[%dma_start3A_51, %multiple_of3A] : memref<16x1000000xf32, #tpu.memory_space<hbm>> -> memref<16x128xf32, #tpu.memory_space<hbm>>
    tpu.enqueue_dma source(%dma_start3A_52 : memref<16x128xf32, #tpu.memory_space<hbm>>) target(%dma_start3A_50 : memref<16x128xf32, #tpu.memory_space<vmem>>) target_semaphore(%arg25 : memref<!tpu.dma_semaphore, #tpu.memory_space<semaphore_mem>>)
    %dma_start3A_53 = arith.constant 0 : i32
    %dma_start3A_54 = arith.constant 0 : i32
    %dma_start3A_55 = arith.constant 0 : i32
    %dma_start3A_56 = arith.constant 0 : i32
    %dma_start3A_57 = tpu.memref_slice %arg17[%dma_start3A_53, %dma_start3A_54, %dma_start3A_55, %dma_start3A_56] : memref<2x8x16x128xf32, #tpu.memory_space<vmem>> -> memref<1x1x16x128xf32, #tpu.memory_space<vmem>>
    %dma_start3A_58 = tpu.memref_squeeze %dma_start3A_57 : memref<1x1x16x128xf32, #tpu.memory_space<vmem>> -> memref<16x128xf32, #tpu.memory_space<vmem>>
    %dma_start3A_59 = arith.constant 0 : i32
    %dma_start3A_60 = tpu.memref_slice %arg5[%dma_start3A_59, %multiple_of3A_38] : memref<16x1000000xf32, #tpu.memory_space<hbm>> -> memref<16x128xf32, #tpu.memory_space<hbm>>
    %dma_start3A_61 = arith.constant 0 : i32
    %dma_start3A_62 = arith.constant 0 : i32
    %dma_start3A_63 = tpu.memref_slice %arg17[%dma_start3A_53, %dma_start3A_54, %dma_start3A_61, %dma_start3A_62] : memref<2x8x16x128xf32, #tpu.memory_space<vmem>> -> memref<1x1x16x128xf32, #tpu.memory_space<vmem>>
    %dma_start3A_64 = tpu.memref_squeeze %dma_start3A_63 : memref<1x1x16x128xf32, #tpu.memory_space<vmem>> -> memref<16x128xf32, #tpu.memory_space<vmem>>
    %dma_start3A_65 = arith.constant 0 : i32
    %dma_start3A_66 = tpu.memref_slice %arg5[%dma_start3A_65, %multiple_of3A_38] : memref<16x1000000xf32, #tpu.memory_space<hbm>> -> memref<16x128xf32, #tpu.memory_space<hbm>>
    tpu.enqueue_dma source(%dma_start3A_66 : memref<16x128xf32, #tpu.memory_space<hbm>>) target(%dma_start3A_64 : memref<16x128xf32, #tpu.memory_space<vmem>>) target_semaphore(%arg25 : memref<!tpu.dma_semaphore, #tpu.memory_space<semaphore_mem>>)
    %slice3A_67 = vector.extract_strided_slice %get3A_26 {offsets = [1], sizes = [1], strides = [1]} : vector<16xi32> to vector<1xi32>
    %squeeze3A_68 = vector.extract %slice3A_67[0] : i32 from vector<1xi32>
    %shift_right_arithmetic3A_69 = arith.constant 7 : i32
    %shift_right_arithmetic3A_70 = arith.shrsi %squeeze3A_68, %shift_right_arithmetic3A_69 : i32
    %mul3A_71 = arith.constant 128 : i32
    %mul3A_72 = arith.muli %shift_right_arithmetic3A_70, %mul3A_71 : i32
    %multiple_of3A_73 = tpu.assume_multiple %mul3A_72, 128 : i32
    %slice3A_74 = vector.extract_strided_slice %get3A_28 {offsets = [1], sizes = [1], strides = [1]} : vector<16xi32> to vector<1xi32>
    %squeeze3A_75 = vector.extract %slice3A_74[0] : i32 from vector<1xi32>
    %shift_right_arithmetic3A_76 = arith.constant 7 : i32
    %shift_right_arithmetic3A_77 = arith.shrsi %squeeze3A_75, %shift_right_arithmetic3A_76 : i32
    %mul3A_78 = arith.constant 128 : i32
    %mul3A_79 = arith.muli %shift_right_arithmetic3A_77, %mul3A_78 : i32
    %multiple_of3A_80 = tpu.assume_multiple %mul3A_79, 128 : i32
    %dma_start3A_81 = arith.constant 0 : i32
    %dma_start3A_82 = arith.constant 1 : i32
    %dma_start3A_83 = arith.constant 0 : i32
    %dma_start3A_84 = arith.constant 0 : i32
    %dma_start3A_85 = tpu.memref_slice %arg16[%dma_start3A_81, %dma_start3A_82, %dma_start3A_83, %dma_start3A_84] : memref<2x8x16x128xf32, #tpu.memory_space<vmem>> -> memref<1x1x16x128xf32, #tpu.memory_space<vmem>>
    %dma_start3A_86 = tpu.memref_squeeze %dma_start3A_85 : memref<1x1x16x128xf32, #tpu.memory_space<vmem>> -> memref<16x128xf32, #tpu.memory_space<vmem>>
    %dma_start3A_87 = arith.constant 0 : i32
    %dma_start3A_88 = tpu.memref_slice %arg4[%dma_start3A_87, %multiple_of3A_73] : memref<16x1000000xf32, #tpu.memory_space<hbm>> -> memref<16x128xf32, #tpu.memory_space<hbm>>
    %dma_start3A_89 = arith.constant 0 : i32
    %dma_start3A_90 = arith.constant 0 : i32
    %dma_start3A_91 = tpu.memref_slice %arg16[%dma_start3A_81, %dma_start3A_82, %dma_start3A_89, %dma_start3A_90] : memref<2x8x16x128xf32, #tpu.memory_space<vmem>> -> memref<1x1x16x128xf32, #tpu.memory_space<vmem>>
    %dma_start3A_92 = tpu.memref_squeeze %dma_start3A_91 : memref<1x1x16x128xf32, #tpu.memory_space<vmem>> -> memref<16x128xf32, #tpu.memory_space<vmem>>
    %dma_start3A_93 = arith.constant 0 : i32
    %dma_start3A_94 = tpu.memref_slice %arg4[%dma_start3A_93, %multiple_of3A_73] : memref<16x1000000xf32, #tpu.memory_space<hbm>> -> memref<16x128xf32, #tpu.memory_space<hbm>>
    tpu.enqueue_dma source(%dma_start3A_94 : memref<16x128xf32, #tpu.memory_space<hbm>>) target(%dma_start3A_92 : memref<16x128xf32, #tpu.memory_space<vmem>>) target_semaphore(%arg25 : memref<!tpu.dma_semaphore, #tpu.memory_space<semaphore_mem>>)
    %dma_start3A_95 = arith.constant 0 : i32
    %dma_start3A_96 = arith.constant 1 : i32
    %dma_start3A_97 = arith.constant 0 : i32
    %dma_start3A_98 = arith.constant 0 : i32
    %dma_start3A_99 = tpu.memref_slice %arg17[%dma_start3A_95, %dma_start3A_96, %dma_start3A_97, %dma_start3A_98] : memref<2x8x16x128xf32, #tpu.memory_space<vmem>> -> memref<1x1x16x128xf32, #tpu.memory_space<vmem>>
    %dma_start3A_100 = tpu.memref_squeeze %dma_start3A_99 : memref<1x1x16x128xf32, #tpu.memory_space<vmem>> -> memref<16x128xf32, #tpu.memory_space<vmem>>
    %dma_start3A_101 = arith.constant 0 : i32
    %dma_start3A_102 = tpu.memref_slice %arg5[%dma_start3A_101, %multiple_of3A_80] : memref<16x1000000xf32, #tpu.memory_space<hbm>> -> memref<16x128xf32, #tpu.memory_space<hbm>>
    %dma_start3A_103 = arith.constant 0 : i32
    %dma_start3A_104 = arith.constant 0 : i32
    %dma_start3A_105 = tpu.memref_slice %arg17[%dma_start3A_95, %dma_start3A_96, %dma_start3A_103, %dma_start3A_104] : memref<2x8x16x128xf32, #tpu.memory_space<vmem>> -> memref<1x1x16x128xf32, #tpu.memory_space<vmem>>
    %dma_start3A_106 = tpu.memref_squeeze %dma_start3A_105 : memref<1x1x16x128xf32, #tpu.memory_space<vmem>> -> memref<16x128xf32, #tpu.memory_space<vmem>>
    %dma_start3A_107 = arith.constant 0 : i32
    %dma_start3A_108 = tpu.memref_slice %arg5[%dma_start3A_107, %multiple_of3A_80] : memref<16x1000000xf32, #tpu.memory_space<hbm>> -> memref<16x128xf32, #tpu.memory_space<hbm>>
    tpu.enqueue_dma source(%dma_start3A_108 : memref<16x128xf32, #tpu.memory_space<hbm>>) target(%dma_start3A_106 : memref<16x128xf32, #tpu.memory_space<vmem>>) target_semaphore(%arg25 : memref<!tpu.dma_semaphore, #tpu.memory_space<semaphore_mem>>)
    %slice3A_109 = vector.extract_strided_slice %get3A_26 {offsets = [2], sizes = [1], strides = [1]} : vector<16xi32> to vector<1xi32>
    %squeeze3A_110 = vector.extract %slice3A_109[0] : i32 from vector<1xi32>
    %shift_right_arithmetic3A_111 = arith.constant 7 : i32
    %shift_right_arithmetic3A_112 = arith.shrsi %squeeze3A_110, %shift_right_arithmetic3A_111 : i32
    %mul3A_113 = arith.constant 128 : i32
    %mul3A_114 = arith.muli %shift_right_arithmetic3A_112, %mul3A_113 : i32
    %multiple_of3A_115 = tpu.assume_multiple %mul3A_114, 128 : i32
    %slice3A_116 = vector.extract_strided_slice %get3A_28 {offsets = [2], sizes = [1], strides = [1]} : vector<16xi32> to vector<1xi32>
    %squeeze3A_117 = vector.extract %slice3A_116[0] : i32 from vector<1xi32>
    %shift_right_arithmetic3A_118 = arith.constant 7 : i32
    %shift_right_arithmetic3A_119 = arith.shrsi %squeeze3A_117, %shift_right_arithmetic3A_118 : i32
    %mul3A_120 = arith.constant 128 : i32
    %mul3A_121 = arith.muli %shift_right_arithmetic3A_119, %mul3A_120 : i32
    %multiple_of3A_122 = tpu.assume_multiple %mul3A_121, 128 : i32
    %dma_start3A_123 = arith.constant 0 : i32
    %dma_start3A_124 = arith.constant 2 : i32
    %dma_start3A_125 = arith.constant 0 : i32
    %dma_start3A_126 = arith.constant 0 : i32
    %dma_start3A_127 = tpu.memref_slice %arg16[%dma_start3A_123, %dma_start3A_124, %dma_start3A_125, %dma_start3A_126] : memref<2x8x16x128xf32, #tpu.memory_space<vmem>> -> memref<1x1x16x128xf32, #tpu.memory_space<vmem>>
    %dma_start3A_128 = tpu.memref_squeeze %dma_start3A_127 : memref<1x1x16x128xf32, #tpu.memory_space<vmem>> -> memref<16x128xf32, #tpu.memory_space<vmem>>
    %dma_start3A_129 = arith.constant 0 : i32
    %dma_start3A_130 = tpu.memref_slice %arg4[%dma_start3A_129, %multiple_of3A_115] : memref<16x1000000xf32, #tpu.memory_space<hbm>> -> memref<16x128xf32, #tpu.memory_space<hbm>>
    %dma_start3A_131 = arith.constant 0 : i32
    %dma_start3A_132 = arith.constant 0 : i32
    %dma_start3A_133 = tpu.memref_slice %arg16[%dma_start3A_123, %dma_start3A_124, %dma_start3A_131, %dma_start3A_132] : memref<2x8x16x128xf32, #tpu.memory_space<vmem>> -> memref<1x1x16x128xf32, #tpu.memory_space<vmem>>
    %dma_start3A_134 = tpu.memref_squeeze %dma_start3A_133 : memref<1x1x16x128xf32, #tpu.memory_space<vmem>> -> memref<16x128xf32, #tpu.memory_space<vmem>>
    %dma_start3A_135 = arith.constant 0 : i32
    %dma_start3A_136 = tpu.memref_slice %arg4[%dma_start3A_135, %multiple_of3A_115] : memref<16x1000000xf32, #tpu.memory_space<hbm>> -> memref<16x128xf32, #tpu.memory_space<hbm>>
    tpu.enqueue_dma source(%dma_start3A_136 : memref<16x128xf32, #tpu.memory_space<hbm>>) target(%dma_start3A_134 : memref<16x128xf32, #tpu.memory_space<vmem>>) target_semaphore(%arg25 : memref<!tpu.dma_semaphore, #tpu.memory_space<semaphore_mem>>)
    %dma_start3A_137 = arith.constant 0 : i32
    %dma_start3A_138 = arith.constant 2 : i32
    %dma_start3A_139 = arith.constant 0 : i32
    %dma_start3A_140 = arith.constant 0 : i32
    %dma_start3A_141 = tpu.memref_slice %arg17[%dma_start3A_137, %dma_start3A_138, %dma_start3A_139, %dma_start3A_140] : memref<2x8x16x128xf32, #tpu.memory_space<vmem>> -> memref<1x1x16x128xf32, #tpu.memory_space<vmem>>
    %dma_start3A_142 = tpu.memref_squeeze %dma_start3A_141 : memref<1x1x16x128xf32, #tpu.memory_space<vmem>> -> memref<16x128xf32, #tpu.memory_space<vmem>>
    %dma_start3A_143 = arith.constant 0 : i32
    %dma_start3A_144 = tpu.memref_slice %arg5[%dma_start3A_143, %multiple_of3A_122] : memref<16x1000000xf32, #tpu.memory_space<hbm>> -> memref<16x128xf32, #tpu.memory_space<hbm>>
    %dma_start3A_145 = arith.constant 0 : i32
    %dma_start3A_146 = arith.constant 0 : i32
    %dma_start3A_147 = tpu.memref_slice %arg17[%dma_start3A_137, %dma_start3A_138, %dma_start3A_145, %dma_start3A_146] : memref<2x8x16x128xf32, #tpu.memory_space<vmem>> -> memref<1x1x16x128xf32, #tpu.memory_space<vmem>>
    %dma_start3A_148 = tpu.memref_squeeze %dma_start3A_147 : memref<1x1x16x128xf32, #tpu.memory_space<vmem>> -> memref<16x128xf32, #tpu.memory_space<vmem>>
    %dma_start3A_149 = arith.constant 0 : i32
    %dma_start3A_150 = tpu.memref_slice %arg5[%dma_start3A_149, %multiple_of3A_122] : memref<16x1000000xf32, #tpu.memory_space<hbm>> -> memref<16x128xf32, #tpu.memory_space<hbm>>
    tpu.enqueue_dma source(%dma_start3A_150 : memref<16x128xf32, #tpu.memory_space<hbm>>) target(%dma_start3A_148 : memref<16x128xf32, #tpu.memory_space<vmem>>) target_semaphore(%arg25 : memref<!tpu.dma_semaphore, #tpu.memory_space<semaphore_mem>>)
    %slice3A_151 = vector.extract_strided_slice %get3A_26 {offsets = [3], sizes = [1], strides = [1]} : vector<16xi32> to vector<1xi32>
    %squeeze3A_152 = vector.extract %slice3A_151[0] : i32 from vector<1xi32>
    %shift_right_arithmetic3A_153 = arith.constant 7 : i32
    %shift_right_arithmetic3A_154 = arith.shrsi %squeeze3A_152, %shift_right_arithmetic3A_153 : i32
    %mul3A_155 = arith.constant 128 : i32
    %mul3A_156 = arith.muli %shift_right_arithmetic3A_154, %mul3A_155 : i32
    %multiple_of3A_157 = tpu.assume_multiple %mul3A_156, 128 : i32
    %slice3A_158 = vector.extract_strided_slice %get3A_28 {offsets = [3], sizes = [1], strides = [1]} : vector<16xi32> to vector<1xi32>
    %squeeze3A_159 = vector.extract %slice3A_158[0] : i32 from vector<1xi32>
    %shift_right_arithmetic3A_160 = arith.constant 7 : i32
    %shift_right_arithmetic3A_161 = arith.shrsi %squeeze3A_159, %shift_right_arithmetic3A_160 : i32
    %mul3A_162 = arith.constant 128 : i32
    %mul3A_163 = arith.muli %shift_right_arithmetic3A_161, %mul3A_162 : i32
    %multiple_of3A_164 = tpu.assume_multiple %mul3A_163, 128 : i32
    %dma_start3A_165 = arith.constant 0 : i32
    %dma_start3A_166 = arith.constant 3 : i32
    %dma_start3A_167 = arith.constant 0 : i32
    %dma_start3A_168 = arith.constant 0 : i32
    %dma_start3A_169 = tpu.memref_slice %arg16[%dma_start3A_165, %dma_start3A_166, %dma_start3A_167, %dma_start3A_168] : memref<2x8x16x128xf32, #tpu.memory_space<vmem>> -> memref<1x1x16x128xf32, #tpu.memory_space<vmem>>
    %dma_start3A_170 = tpu.memref_squeeze %dma_start3A_169 : memref<1x1x16x128xf32, #tpu.memory_space<vmem>> -> memref<16x128xf32, #tpu.memory_space<vmem>>
    %dma_start3A_171 = arith.constant 0 : i32
    %dma_start3A_172 = tpu.memref_slice %arg4[%dma_start3A_171, %multiple_of3A_157] : memref<16x1000000xf32, #tpu.memory_space<hbm>> -> memref<16x128xf32, #tpu.memory_space<hbm>>
    %dma_start3A_173 = arith.constant 0 : i32
    %dma_start3A_174 = arith.constant 0 : i32
    %dma_start3A_175 = tpu.memref_slice %arg16[%dma_start3A_165, %dma_start3A_166, %dma_start3A_173, %dma_start3A_174] : memref<2x8x16x128xf32, #tpu.memory_space<vmem>> -> memref<1x1x16x128xf32, #tpu.memory_space<vmem>>
    %dma_start3A_176 = tpu.memref_squeeze %dma_start3A_175 : memref<1x1x16x128xf32, #tpu.memory_space<vmem>> -> memref<16x128xf32, #tpu.memory_space<vmem>>
    %dma_start3A_177 = arith.constant 0 : i32
    %dma_start3A_178 = tpu.memref_slice %arg4[%dma_start3A_177, %multiple_of3A_157] : memref<16x1000000xf32, #tpu.memory_space<hbm>> -> memref<16x128xf32, #tpu.memory_space<hbm>>
    tpu.enqueue_dma source(%dma_start3A_178 : memref<16x128xf32, #tpu.memory_space<hbm>>) target(%dma_start3A_176 : memref<16x128xf32, #tpu.memory_space<vmem>>) target_semaphore(%arg25 : memref<!tpu.dma_semaphore, #tpu.memory_space<semaphore_mem>>)
    %dma_start3A_179 = arith.constant 0 : i32
    %dma_start3A_180 = arith.constant 3 : i32
    %dma_start3A_181 = arith.constant 0 : i32
    %dma_start3A_182 = arith.constant 0 : i32
    %dma_start3A_183 = tpu.memref_slice %arg17[%dma_start3A_179, %dma_start3A_180, %dma_start3A_181, %dma_start3A_182] : memref<2x8x16x128xf32, #tpu.memory_space<vmem>> -> memref<1x1x16x128xf32, #tpu.memory_space<vmem>>
    %dma_start3A_184 = tpu.memref_squeeze %dma_start3A_183 : memref<1x1x16x128xf32, #tpu.memory_space<vmem>> -> memref<16x128xf32, #tpu.memory_space<vmem>>
    %dma_start3A_185 = arith.constant 0 : i32
    %dma_start3A_186 = tpu.memref_slice %arg5[%dma_start3A_185, %multiple_of3A_164] : memref<16x1000000xf32, #tpu.memory_space<hbm>> -> memref<16x128xf32, #tpu.memory_space<hbm>>
    %dma_start3A_187 = arith.constant 0 : i32
    %dma_start3A_188 = arith.constant 0 : i32
    %dma_start3A_189 = tpu.memref_slice %arg17[%dma_start3A_179, %dma_start3A_180, %dma_start3A_187, %dma_start3A_188] : memref<2x8x16x128xf32, #tpu.memory_space<vmem>> -> memref<1x1x16x128xf32, #tpu.memory_space<vmem>>
    %dma_start3A_190 = tpu.memref_squeeze %dma_start3A_189 : memref<1x1x16x128xf32, #tpu.memory_space<vmem>> -> memref<16x128xf32, #tpu.memory_space<vmem>>
    %dma_start3A_191 = arith.constant 0 : i32
    %dma_start3A_192 = tpu.memref_slice %arg5[%dma_start3A_191, %multiple_of3A_164] : memref<16x1000000xf32, #tpu.memory_space<hbm>> -> memref<16x128xf32, #tpu.memory_space<hbm>>
    tpu.enqueue_dma source(%dma_start3A_192 : memref<16x128xf32, #tpu.memory_space<hbm>>) target(%dma_start3A_190 : memref<16x128xf32, #tpu.memory_space<vmem>>) target_semaphore(%arg25 : memref<!tpu.dma_semaphore, #tpu.memory_space<semaphore_mem>>)
    %slice3A_193 = vector.extract_strided_slice %get3A_26 {offsets = [4], sizes = [1], strides = [1]} : vector<16xi32> to vector<1xi32>
    %squeeze3A_194 = vector.extract %slice3A_193[0] : i32 from vector<1xi32>
    %shift_right_arithmetic3A_195 = arith.constant 7 : i32
    %shift_right_arithmetic3A_196 = arith.shrsi %squeeze3A_194, %shift_right_arithmetic3A_195 : i32
    %mul3A_197 = arith.constant 128 : i32
    %mul3A_198 = arith.muli %shift_right_arithmetic3A_196, %mul3A_197 : i32
    %multiple_of3A_199 = tpu.assume_multiple %mul3A_198, 128 : i32
    %slice3A_200 = vector.extract_strided_slice %get3A_28 {offsets = [4], sizes = [1], strides = [1]} : vector<16xi32> to vector<1xi32>
    %squeeze3A_201 = vector.extract %slice3A_200[0] : i32 from vector<1xi32>
    %shift_right_arithmetic3A_202 = arith.constant 7 : i32
    %shift_right_arithmetic3A_203 = arith.shrsi %squeeze3A_201, %shift_right_arithmetic3A_202 : i32
    %mul3A_204 = arith.constant 128 : i32
    %mul3A_205 = arith.muli %shift_right_arithmetic3A_203, %mul3A_204 : i32
    %multiple_of3A_206 = tpu.assume_multiple %mul3A_205, 128 : i32
    %dma_start3A_207 = arith.constant 0 : i32
    %dma_start3A_208 = arith.constant 4 : i32
    %dma_start3A_209 = arith.constant 0 : i32
    %dma_start3A_210 = arith.constant 0 : i32
    %dma_start3A_211 = tpu.memref_slice %arg16[%dma_start3A_207, %dma_start3A_208, %dma_start3A_209, %dma_start3A_210] : memref<2x8x16x128xf32, #tpu.memory_space<vmem>> -> memref<1x1x16x128xf32, #tpu.memory_space<vmem>>
    %dma_start3A_212 = tpu.memref_squeeze %dma_start3A_211 : memref<1x1x16x128xf32, #tpu.memory_space<vmem>> -> memref<16x128xf32, #tpu.memory_space<vmem>>
    %dma_start3A_213 = arith.constant 0 : i32
    %dma_start3A_214 = tpu.memref_slice %arg4[%dma_start3A_213, %multiple_of3A_199] : memref<16x1000000xf32, #tpu.memory_space<hbm>> -> memref<16x128xf32, #tpu.memory_space<hbm>>
    %dma_start3A_215 = arith.constant 0 : i32
    %dma_start3A_216 = arith.constant 0 : i32
    %dma_start3A_217 = tpu.memref_slice %arg16[%dma_start3A_207, %dma_start3A_208, %dma_start3A_215, %dma_start3A_216] : memref<2x8x16x128xf32, #tpu.memory_space<vmem>> -> memref<1x1x16x128xf32, #tpu.memory_space<vmem>>
    %dma_start3A_218 = tpu.memref_squeeze %dma_start3A_217 : memref<1x1x16x128xf32, #tpu.memory_space<vmem>> -> memref<16x128xf32, #tpu.memory_space<vmem>>
    %dma_start3A_219 = arith.constant 0 : i32
    %dma_start3A_220 = tpu.memref_slice %arg4[%dma_start3A_219, %multiple_of3A_199] : memref<16x1000000xf32, #tpu.memory_space<hbm>> -> memref<16x128xf32, #tpu.memory_space<hbm>>
    tpu.enqueue_dma source(%dma_start3A_220 : memref<16x128xf32, #tpu.memory_space<hbm>>) target(%dma_start3A_218 : memref<16x128xf32, #tpu.memory_space<vmem>>) target_semaphore(%arg25 : memref<!tpu.dma_semaphore, #tpu.memory_space<semaphore_mem>>)
    %dma_start3A_221 = arith.constant 0 : i32
    %dma_start3A_222 = arith.constant 4 : i32
    %dma_start3A_223 = arith.constant 0 : i32
    %dma_start3A_224 = arith.constant 0 : i32
    %dma_start3A_225 = tpu.memref_slice %arg17[%dma_start3A_221, %dma_start3A_222, %dma_start3A_223, %dma_start3A_224] : memref<2x8x16x128xf32, #tpu.memory_space<vmem>> -> memref<1x1x16x128xf32, #tpu.memory_space<vmem>>
    %dma_start3A_226 = tpu.memref_squeeze %dma_start3A_225 : memref<1x1x16x128xf32, #tpu.memory_space<vmem>> -> memref<16x128xf32, #tpu.memory_space<vmem>>
    %dma_start3A_227 = arith.constant 0 : i32
    %dma_start3A_228 = tpu.memref_slice %arg5[%dma_start3A_227, %multiple_of3A_206] : memref<16x1000000xf32, #tpu.memory_space<hbm>> -> memref<16x128xf32, #tpu.memory_space<hbm>>
    %dma_start3A_229 = arith.constant 0 : i32
    %dma_start3A_230 = arith.constant 0 : i32
    %dma_start3A_231 = tpu.memref_slice %arg17[%dma_start3A_221, %dma_start3A_222, %dma_start3A_229, %dma_start3A_230] : memref<2x8x16x128xf32, #tpu.memory_space<vmem>> -> memref<1x1x16x128xf32, #tpu.memory_space<vmem>>
    %dma_start3A_232 = tpu.memref_squeeze %dma_start3A_231 : memref<1x1x16x128xf32, #tpu.memory_space<vmem>> -> memref<16x128xf32, #tpu.memory_space<vmem>>
    %dma_start3A_233 = arith.constant 0 : i32
    %dma_start3A_234 = tpu.memref_slice %arg5[%dma_start3A_233, %multiple_of3A_206] : memref<16x1000000xf32, #tpu.memory_space<hbm>> -> memref<16x128xf32, #tpu.memory_space<hbm>>
    tpu.enqueue_dma source(%dma_start3A_234 : memref<16x128xf32, #tpu.memory_space<hbm>>) target(%dma_start3A_232 : memref<16x128xf32, #tpu.memory_space<vmem>>) target_semaphore(%arg25 : memref<!tpu.dma_semaphore, #tpu.memory_space<semaphore_mem>>)
    %slice3A_235 = vector.extract_strided_slice %get3A_26 {offsets = [5], sizes = [1], strides = [1]} : vector<16xi32> to vector<1xi32>
    %squeeze3A_236 = vector.extract %slice3A_235[0] : i32 from vector<1xi32>
    %shift_right_arithmetic3A_237 = arith.constant 7 : i32
    %shift_right_arithmetic3A_238 = arith.shrsi %squeeze3A_236, %shift_right_arithmetic3A_237 : i32
    %mul3A_239 = arith.constant 128 : i32
    %mul3A_240 = arith.muli %shift_right_arithmetic3A_238, %mul3A_239 : i32
    %multiple_of3A_241 = tpu.assume_multiple %mul3A_240, 128 : i32
    %slice3A_242 = vector.extract_strided_slice %get3A_28 {offsets = [5], sizes = [1], strides = [1]} : vector<16xi32> to vector<1xi32>
    %squeeze3A_243 = vector.extract %slice3A_242[0] : i32 from vector<1xi32>
    %shift_right_arithmetic3A_244 = arith.constant 7 : i32
    %shift_right_arithmetic3A_245 = arith.shrsi %squeeze3A_243, %shift_right_arithmetic3A_244 : i32
    %mul3A_246 = arith.constant 128 : i32
    %mul3A_247 = arith.muli %shift_right_arithmetic3A_245, %mul3A_246 : i32
    %multiple_of3A_248 = tpu.assume_multiple %mul3A_247, 128 : i32
    %dma_start3A_249 = arith.constant 0 : i32
    %dma_start3A_250 = arith.constant 5 : i32
    %dma_start3A_251 = arith.constant 0 : i32
    %dma_start3A_252 = arith.constant 0 : i32
    %dma_start3A_253 = tpu.memref_slice %arg16[%dma_start3A_249, %dma_start3A_250, %dma_start3A_251, %dma_start3A_252] : memref<2x8x16x128xf32, #tpu.memory_space<vmem>> -> memref<1x1x16x128xf32, #tpu.memory_space<vmem>>
    %dma_start3A_254 = tpu.memref_squeeze %dma_start3A_253 : memref<1x1x16x128xf32, #tpu.memory_space<vmem>> -> memref<16x128xf32, #tpu.memory_space<vmem>>
    %dma_start3A_255 = arith.constant 0 : i32
    %dma_start3A_256 = tpu.memref_slice %arg4[%dma_start3A_255, %multiple_of3A_241] : memref<16x1000000xf32, #tpu.memory_space<hbm>> -> memref<16x128xf32, #tpu.memory_space<hbm>>
    %dma_start3A_257 = arith.constant 0 : i32
    %dma_start3A_258 = arith.constant 0 : i32
    %dma_start3A_259 = tpu.memref_slice %arg16[%dma_start3A_249, %dma_start3A_250, %dma_start3A_257, %dma_start3A_258] : memref<2x8x16x128xf32, #tpu.memory_space<vmem>> -> memref<1x1x16x128xf32, #tpu.memory_space<vmem>>
    %dma_start3A_260 = tpu.memref_squeeze %dma_start3A_259 : memref<1x1x16x128xf32, #tpu.memory_space<vmem>> -> memref<16x128xf32, #tpu.memory_space<vmem>>
    %dma_start3A_261 = arith.constant 0 : i32
    %dma_start3A_262 = tpu.memref_slice %arg4[%dma_start3A_261, %multiple_of3A_241] : memref<16x1000000xf32, #tpu.memory_space<hbm>> -> memref<16x128xf32, #tpu.memory_space<hbm>>
    tpu.enqueue_dma source(%dma_start3A_262 : memref<16x128xf32, #tpu.memory_space<hbm>>) target(%dma_start3A_260 : memref<16x128xf32, #tpu.memory_space<vmem>>) target_semaphore(%arg25 : memref<!tpu.dma_semaphore, #tpu.memory_space<semaphore_mem>>)
    %dma_start3A_263 = arith.constant 0 : i32
    %dma_start3A_264 = arith.constant 5 : i32
    %dma_start3A_265 = arith.constant 0 : i32
    %dma_start3A_266 = arith.constant 0 : i32
    %dma_start3A_267 = tpu.memref_slice %arg17[%dma_start3A_263, %dma_start3A_264, %dma_start3A_265, %dma_start3A_266] : memref<2x8x16x128xf32, #tpu.memory_space<vmem>> -> memref<1x1x16x128xf32, #tpu.memory_space<vmem>>
    %dma_start3A_268 = tpu.memref_squeeze %dma_start3A_267 : memref<1x1x16x128xf32, #tpu.memory_space<vmem>> -> memref<16x128xf32, #tpu.memory_space<vmem>>
    %dma_start3A_269 = arith.constant 0 : i32
    %dma_start3A_270 = tpu.memref_slice %arg5[%dma_start3A_269, %multiple_of3A_248] : memref<16x1000000xf32, #tpu.memory_space<hbm>> -> memref<16x128xf32, #tpu.memory_space<hbm>>
    %dma_start3A_271 = arith.constant 0 : i32
    %dma_start3A_272 = arith.constant 0 : i32
    %dma_start3A_273 = tpu.memref_slice %arg17[%dma_start3A_263, %dma_start3A_264, %dma_start3A_271, %dma_start3A_272] : memref<2x8x16x128xf32, #tpu.memory_space<vmem>> -> memref<1x1x16x128xf32, #tpu.memory_space<vmem>>
    %dma_start3A_274 = tpu.memref_squeeze %dma_start3A_273 : memref<1x1x16x128xf32, #tpu.memory_space<vmem>> -> memref<16x128xf32, #tpu.memory_space<vmem>>
    %dma_start3A_275 = arith.constant 0 : i32
    %dma_start3A_276 = tpu.memref_slice %arg5[%dma_start3A_275, %multiple_of3A_248] : memref<16x1000000xf32, #tpu.memory_space<hbm>> -> memref<16x128xf32, #tpu.memory_space<hbm>>
    tpu.enqueue_dma source(%dma_start3A_276 : memref<16x128xf32, #tpu.memory_space<hbm>>) target(%dma_start3A_274 : memref<16x128xf32, #tpu.memory_space<vmem>>) target_semaphore(%arg25 : memref<!tpu.dma_semaphore, #tpu.memory_space<semaphore_mem>>)
    %slice3A_277 = vector.extract_strided_slice %get3A_26 {offsets = [6], sizes = [1], strides = [1]} : vector<16xi32> to vector<1xi32>
    %squeeze3A_278 = vector.extract %slice3A_277[0] : i32 from vector<1xi32>
    %shift_right_arithmetic3A_279 = arith.constant 7 : i32
    %shift_right_arithmetic3A_280 = arith.shrsi %squeeze3A_278, %shift_right_arithmetic3A_279 : i32
    %mul3A_281 = arith.constant 128 : i32
    %mul3A_282 = arith.muli %shift_right_arithmetic3A_280, %mul3A_281 : i32
    %multiple_of3A_283 = tpu.assume_multiple %mul3A_282, 128 : i32
    %slice3A_284 = vector.extract_strided_slice %get3A_28 {offsets = [6], sizes = [1], strides = [1]} : vector<16xi32> to vector<1xi32>
    %squeeze3A_285 = vector.extract %slice3A_284[0] : i32 from vector<1xi32>
    %shift_right_arithmetic3A_286 = arith.constant 7 : i32
    %shift_right_arithmetic3A_287 = arith.shrsi %squeeze3A_285, %shift_right_arithmetic3A_286 : i32
    %mul3A_288 = arith.constant 128 : i32
    %mul3A_289 = arith.muli %shift_right_arithmetic3A_287, %mul3A_288 : i32
    %multiple_of3A_290 = tpu.assume_multiple %mul3A_289, 128 : i32
    %dma_start3A_291 = arith.constant 0 : i32
    %dma_start3A_292 = arith.constant 6 : i32
    %dma_start3A_293 = arith.constant 0 : i32
    %dma_start3A_294 = arith.constant 0 : i32
    %dma_start3A_295 = tpu.memref_slice %arg16[%dma_start3A_291, %dma_start3A_292, %dma_start3A_293, %dma_start3A_294] : memref<2x8x16x128xf32, #tpu.memory_space<vmem>> -> memref<1x1x16x128xf32, #tpu.memory_space<vmem>>
    %dma_start3A_296 = tpu.memref_squeeze %dma_start3A_295 : memref<1x1x16x128xf32, #tpu.memory_space<vmem>> -> memref<16x128xf32, #tpu.memory_space<vmem>>
    %dma_start3A_297 = arith.constant 0 : i32
    %dma_start3A_298 = tpu.memref_slice %arg4[%dma_start3A_297, %multiple_of3A_283] : memref<16x1000000xf32, #tpu.memory_space<hbm>> -> memref<16x128xf32, #tpu.memory_space<hbm>>
    %dma_start3A_299 = arith.constant 0 : i32
    %dma_start3A_300 = arith.constant 0 : i32
    %dma_start3A_301 = tpu.memref_slice %arg16[%dma_start3A_291, %dma_start3A_292, %dma_start3A_299, %dma_start3A_300] : memref<2x8x16x128xf32, #tpu.memory_space<vmem>> -> memref<1x1x16x128xf32, #tpu.memory_space<vmem>>
    %dma_start3A_302 = tpu.memref_squeeze %dma_start3A_301 : memref<1x1x16x128xf32, #tpu.memory_space<vmem>> -> memref<16x128xf32, #tpu.memory_space<vmem>>
    %dma_start3A_303 = arith.constant 0 : i32
    %dma_start3A_304 = tpu.memref_slice %arg4[%dma_start3A_303, %multiple_of3A_283] : memref<16x1000000xf32, #tpu.memory_space<hbm>> -> memref<16x128xf32, #tpu.memory_space<hbm>>
    tpu.enqueue_dma source(%dma_start3A_304 : memref<16x128xf32, #tpu.memory_space<hbm>>) target(%dma_start3A_302 : memref<16x128xf32, #tpu.memory_space<vmem>>) target_semaphore(%arg25 : memref<!tpu.dma_semaphore, #tpu.memory_space<semaphore_mem>>)
    %dma_start3A_305 = arith.constant 0 : i32
    %dma_start3A_306 = arith.constant 6 : i32
    %dma_start3A_307 = arith.constant 0 : i32
    %dma_start3A_308 = arith.constant 0 : i32
    %dma_start3A_309 = tpu.memref_slice %arg17[%dma_start3A_305, %dma_start3A_306, %dma_start3A_307, %dma_start3A_308] : memref<2x8x16x128xf32, #tpu.memory_space<vmem>> -> memref<1x1x16x128xf32, #tpu.memory_space<vmem>>
    %dma_start3A_310 = tpu.memref_squeeze %dma_start3A_309 : memref<1x1x16x128xf32, #tpu.memory_space<vmem>> -> memref<16x128xf32, #tpu.memory_space<vmem>>
    %dma_start3A_311 = arith.constant 0 : i32
    %dma_start3A_312 = tpu.memref_slice %arg5[%dma_start3A_311, %multiple_of3A_290] : memref<16x1000000xf32, #tpu.memory_space<hbm>> -> memref<16x128xf32, #tpu.memory_space<hbm>>
    %dma_start3A_313 = arith.constant 0 : i32
    %dma_start3A_314 = arith.constant 0 : i32
    %dma_start3A_315 = tpu.memref_slice %arg17[%dma_start3A_305, %dma_start3A_306, %dma_start3A_313, %dma_start3A_314] : memref<2x8x16x128xf32, #tpu.memory_space<vmem>> -> memref<1x1x16x128xf32, #tpu.memory_space<vmem>>
    %dma_start3A_316 = tpu.memref_squeeze %dma_start3A_315 : memref<1x1x16x128xf32, #tpu.memory_space<vmem>> -> memref<16x128xf32, #tpu.memory_space<vmem>>
    %dma_start3A_317 = arith.constant 0 : i32
    %dma_start3A_318 = tpu.memref_slice %arg5[%dma_start3A_317, %multiple_of3A_290] : memref<16x1000000xf32, #tpu.memory_space<hbm>> -> memref<16x128xf32, #tpu.memory_space<hbm>>
    tpu.enqueue_dma source(%dma_start3A_318 : memref<16x128xf32, #tpu.memory_space<hbm>>) target(%dma_start3A_316 : memref<16x128xf32, #tpu.memory_space<vmem>>) target_semaphore(%arg25 : memref<!tpu.dma_semaphore, #tpu.memory_space<semaphore_mem>>)
    %slice3A_319 = vector.extract_strided_slice %get3A_26 {offsets = [7], sizes = [1], strides = [1]} : vector<16xi32> to vector<1xi32>
    %squeeze3A_320 = vector.extract %slice3A_319[0] : i32 from vector<1xi32>
    %shift_right_arithmetic3A_321 = arith.constant 7 : i32
    %shift_right_arithmetic3A_322 = arith.shrsi %squeeze3A_320, %shift_right_arithmetic3A_321 : i32
    %mul3A_323 = arith.constant 128 : i32
    %mul3A_324 = arith.muli %shift_right_arithmetic3A_322, %mul3A_323 : i32
    %multiple_of3A_325 = tpu.assume_multiple %mul3A_324, 128 : i32
    %slice3A_326 = vector.extract_strided_slice %get3A_28 {offsets = [7], sizes = [1], strides = [1]} : vector<16xi32> to vector<1xi32>
    %squeeze3A_327 = vector.extract %slice3A_326[0] : i32 from vector<1xi32>
    %shift_right_arithmetic3A_328 = arith.constant 7 : i32
    %shift_right_arithmetic3A_329 = arith.shrsi %squeeze3A_327, %shift_right_arithmetic3A_328 : i32
    %mul3A_330 = arith.constant 128 : i32
    %mul3A_331 = arith.muli %shift_right_arithmetic3A_329, %mul3A_330 : i32
    %multiple_of3A_332 = tpu.assume_multiple %mul3A_331, 128 : i32
    %dma_start3A_333 = arith.constant 0 : i32
    %dma_start3A_334 = arith.constant 7 : i32
    %dma_start3A_335 = arith.constant 0 : i32
    %dma_start3A_336 = arith.constant 0 : i32
    %dma_start3A_337 = tpu.memref_slice %arg16[%dma_start3A_333, %dma_start3A_334, %dma_start3A_335, %dma_start3A_336] : memref<2x8x16x128xf32, #tpu.memory_space<vmem>> -> memref<1x1x16x128xf32, #tpu.memory_space<vmem>>
    %dma_start3A_338 = tpu.memref_squeeze %dma_start3A_337 : memref<1x1x16x128xf32, #tpu.memory_space<vmem>> -> memref<16x128xf32, #tpu.memory_space<vmem>>
    %dma_start3A_339 = arith.constant 0 : i32
    %dma_start3A_340 = tpu.memref_slice %arg4[%dma_start3A_339, %multiple_of3A_325] : memref<16x1000000xf32, #tpu.memory_space<hbm>> -> memref<16x128xf32, #tpu.memory_space<hbm>>
    %dma_start3A_341 = arith.constant 0 : i32
    %dma_start3A_342 = arith.constant 0 : i32
    %dma_start3A_343 = tpu.memref_slice %arg16[%dma_start3A_333, %dma_start3A_334, %dma_start3A_341, %dma_start3A_342] : memref<2x8x16x128xf32, #tpu.memory_space<vmem>> -> memref<1x1x16x128xf32, #tpu.memory_space<vmem>>
    %dma_start3A_344 = tpu.memref_squeeze %dma_start3A_343 : memref<1x1x16x128xf32, #tpu.memory_space<vmem>> -> memref<16x128xf32, #tpu.memory_space<vmem>>
    %dma_start3A_345 = arith.constant 0 : i32
    %dma_start3A_346 = tpu.memref_slice %arg4[%dma_start3A_345, %multiple_of3A_325] : memref<16x1000000xf32, #tpu.memory_space<hbm>> -> memref<16x128xf32, #tpu.memory_space<hbm>>
    tpu.enqueue_dma source(%dma_start3A_346 : memref<16x128xf32, #tpu.memory_space<hbm>>) target(%dma_start3A_344 : memref<16x128xf32, #tpu.memory_space<vmem>>) target_semaphore(%arg25 : memref<!tpu.dma_semaphore, #tpu.memory_space<semaphore_mem>>)
    %dma_start3A_347 = arith.constant 0 : i32
    %dma_start3A_348 = arith.constant 7 : i32
    %dma_start3A_349 = arith.constant 0 : i32
    %dma_start3A_350 = arith.constant 0 : i32
    %dma_start3A_351 = tpu.memref_slice %arg17[%dma_start3A_347, %dma_start3A_348, %dma_start3A_349, %dma_start3A_350] : memref<2x8x16x128xf32, #tpu.memory_space<vmem>> -> memref<1x1x16x128xf32, #tpu.memory_space<vmem>>
    %dma_start3A_352 = tpu.memref_squeeze %dma_start3A_351 : memref<1x1x16x128xf32, #tpu.memory_space<vmem>> -> memref<16x128xf32, #tpu.memory_space<vmem>>
    %dma_start3A_353 = arith.constant 0 : i32
    %dma_start3A_354 = tpu.memref_slice %arg5[%dma_start3A_353, %multiple_of3A_332] : memref<16x1000000xf32, #tpu.memory_space<hbm>> -> memref<16x128xf32, #tpu.memory_space<hbm>>
    %dma_start3A_355 = arith.constant 0 : i32
    %dma_start3A_356 = arith.constant 0 : i32
    %dma_start3A_357 = tpu.memref_slice %arg17[%dma_start3A_347, %dma_start3A_348, %dma_start3A_355, %dma_start3A_356] : memref<2x8x16x128xf32, #tpu.memory_space<vmem>> -> memref<1x1x16x128xf32, #tpu.memory_space<vmem>>
    %dma_start3A_358 = tpu.memref_squeeze %dma_start3A_357 : memref<1x1x16x128xf32, #tpu.memory_space<vmem>> -> memref<16x128xf32, #tpu.memory_space<vmem>>
    %dma_start3A_359 = arith.constant 0 : i32
    %dma_start3A_360 = tpu.memref_slice %arg5[%dma_start3A_359, %multiple_of3A_332] : memref<16x1000000xf32, #tpu.memory_space<hbm>> -> memref<16x128xf32, #tpu.memory_space<hbm>>
    tpu.enqueue_dma source(%dma_start3A_360 : memref<16x128xf32, #tpu.memory_space<hbm>>) target(%dma_start3A_358 : memref<16x128xf32, #tpu.memory_space<vmem>>) target_semaphore(%arg25 : memref<!tpu.dma_semaphore, #tpu.memory_space<semaphore_mem>>)
    %get3A_361 = arith.constant 0 : index
    %get3A_362 = tpu.vector_load %arg13[%get3A_361] {strides = array<i32>} : memref<512xi32, #tpu.memory_space<vmem>>, vector<16xi32>,
    %get3A_363 = arith.constant 0 : index
    %get3A_364 = tpu.vector_load %arg14[%get3A_363] {strides = array<i32>} : memref<512xi32, #tpu.memory_space<vmem>>, vector<16xi32>,
    %slice3A_365 = vector.extract_strided_slice %get3A_362 {offsets = [8], sizes = [1], strides = [1]} : vector<16xi32> to vector<1xi32>
    %squeeze3A_366 = vector.extract %slice3A_365[0] : i32 from vector<1xi32>
    %shift_right_arithmetic3A_367 = arith.constant 7 : i32
    %shift_right_arithmetic3A_368 = arith.shrsi %squeeze3A_366, %shift_right_arithmetic3A_367 : i32
    %mul3A_369 = arith.constant 128 : i32
    %mul3A_370 = arith.muli %shift_right_arithmetic3A_368, %mul3A_369 : i32
    %multiple_of3A_371 = tpu.assume_multiple %mul3A_370, 128 : i32
    %slice3A_372 = vector.extract_strided_slice %get3A_364 {offsets = [8], sizes = [1], strides = [1]} : vector<16xi32> to vector<1xi32>
    %squeeze3A_373 = vector.extract %slice3A_372[0] : i32 from vector<1xi32>
    %shift_right_arithmetic3A_374 = arith.constant 7 : i32
    %shift_right_arithmetic3A_375 = arith.shrsi %squeeze3A_373, %shift_right_arithmetic3A_374 : i32
    %mul3A_376 = arith.constant 128 : i32
    %mul3A_377 = arith.muli %shift_right_arithmetic3A_375, %mul3A_376 : i32
    %multiple_of3A_378 = tpu.assume_multiple %mul3A_377, 128 : i32
    %dma_start3A_379 = arith.constant 1 : i32
    %dma_start3A_380 = arith.constant 0 : i32
    %dma_start3A_381 = arith.constant 0 : i32
    %dma_start3A_382 = arith.constant 0 : i32
    %dma_start3A_383 = tpu.memref_slice %arg16[%dma_start3A_379, %dma_start3A_380, %dma_start3A_381, %dma_start3A_382] : memref<2x8x16x128xf32, #tpu.memory_space<vmem>> -> memref<1x1x16x128xf32, #tpu.memory_space<vmem>>
    %dma_start3A_384 = tpu.memref_squeeze %dma_start3A_383 : memref<1x1x16x128xf32, #tpu.memory_space<vmem>> -> memref<16x128xf32, #tpu.memory_space<vmem>>
    %dma_start3A_385 = arith.constant 0 : i32
    %dma_start3A_386 = tpu.memref_slice %arg4[%dma_start3A_385, %multiple_of3A_371] : memref<16x1000000xf32, #tpu.memory_space<hbm>> -> memref<16x128xf32, #tpu.memory_space<hbm>>
    %dma_start3A_387 = arith.constant 0 : i32
    %dma_start3A_388 = arith.constant 0 : i32
    %dma_start3A_389 = tpu.memref_slice %arg16[%dma_start3A_379, %dma_start3A_380, %dma_start3A_387, %dma_start3A_388] : memref<2x8x16x128xf32, #tpu.memory_space<vmem>> -> memref<1x1x16x128xf32, #tpu.memory_space<vmem>>
    %dma_start3A_390 = tpu.memref_squeeze %dma_start3A_389 : memref<1x1x16x128xf32, #tpu.memory_space<vmem>> -> memref<16x128xf32, #tpu.memory_space<vmem>>
    %dma_start3A_391 = arith.constant 0 : i32
    %dma_start3A_392 = tpu.memref_slice %arg4[%dma_start3A_391, %multiple_of3A_371] : memref<16x1000000xf32, #tpu.memory_space<hbm>> -> memref<16x128xf32, #tpu.memory_space<hbm>>
    tpu.enqueue_dma source(%dma_start3A_392 : memref<16x128xf32, #tpu.memory_space<hbm>>) target(%dma_start3A_390 : memref<16x128xf32, #tpu.memory_space<vmem>>) target_semaphore(%arg27 : memref<!tpu.dma_semaphore, #tpu.memory_space<semaphore_mem>>)
    %dma_start3A_393 = arith.constant 1 : i32
    %dma_start3A_394 = arith.constant 0 : i32
    %dma_start3A_395 = arith.constant 0 : i32
    %dma_start3A_396 = arith.constant 0 : i32
    %dma_start3A_397 = tpu.memref_slice %arg17[%dma_start3A_393, %dma_start3A_394, %dma_start3A_395, %dma_start3A_396] : memref<2x8x16x128xf32, #tpu.memory_space<vmem>> -> memref<1x1x16x128xf32, #tpu.memory_space<vmem>>
    %dma_start3A_398 = tpu.memref_squeeze %dma_start3A_397 : memref<1x1x16x128xf32, #tpu.memory_space<vmem>> -> memref<16x128xf32, #tpu.memory_space<vmem>>
    %dma_start3A_399 = arith.constant 0 : i32
    %dma_start3A_400 = tpu.memref_slice %arg5[%dma_start3A_399, %multiple_of3A_378] : memref<16x1000000xf32, #tpu.memory_space<hbm>> -> memref<16x128xf32, #tpu.memory_space<hbm>>
    %dma_start3A_401 = arith.constant 0 : i32
    %dma_start3A_402 = arith.constant 0 : i32
    %dma_start3A_403 = tpu.memref_slice %arg17[%dma_start3A_393, %dma_start3A_394, %dma_start3A_401, %dma_start3A_402] : memref<2x8x16x128xf32, #tpu.memory_space<vmem>> -> memref<1x1x16x128xf32, #tpu.memory_space<vmem>>
    %dma_start3A_404 = tpu.memref_squeeze %dma_start3A_403 : memref<1x1x16x128xf32, #tpu.memory_space<vmem>> -> memref<16x128xf32, #tpu.memory_space<vmem>>
    %dma_start3A_405 = arith.constant 0 : i32
    %dma_start3A_406 = tpu.memref_slice %arg5[%dma_start3A_405, %multiple_of3A_378] : memref<16x1000000xf32, #tpu.memory_space<hbm>> -> memref<16x128xf32, #tpu.memory_space<hbm>>
    tpu.enqueue_dma source(%dma_start3A_406 : memref<16x128xf32, #tpu.memory_space<hbm>>) target(%dma_start3A_404 : memref<16x128xf32, #tpu.memory_space<vmem>>) target_semaphore(%arg27 : memref<!tpu.dma_semaphore, #tpu.memory_space<semaphore_mem>>)
    %slice3A_407 = vector.extract_strided_slice %get3A_362 {offsets = [9], sizes = [1], strides = [1]} : vector<16xi32> to vector<1xi32>
    %squeeze3A_408 = vector.extract %slice3A_407[0] : i32 from vector<1xi32>
    %shift_right_arithmetic3A_409 = arith.constant 7 : i32
    %shift_right_arithmetic3A_410 = arith.shrsi %squeeze3A_408, %shift_right_arithmetic3A_409 : i32
    %mul3A_411 = arith.constant 128 : i32
    %mul3A_412 = arith.muli %shift_right_arithmetic3A_410, %mul3A_411 : i32
    %multiple_of3A_413 = tpu.assume_multiple %mul3A_412, 128 : i32
    %slice3A_414 = vector.extract_strided_slice %get3A_364 {offsets = [9], sizes = [1], strides = [1]} : vector<16xi32> to vector<1xi32>
    %squeeze3A_415 = vector.extract %slice3A_414[0] : i32 from vector<1xi32>
    %shift_right_arithmetic3A_416 = arith.constant 7 : i32
    %shift_right_arithmetic3A_417 = arith.shrsi %squeeze3A_415, %shift_right_arithmetic3A_416 : i32
    %mul3A_418 = arith.constant 128 : i32
    %mul3A_419 = arith.muli %shift_right_arithmetic3A_417, %mul3A_418 : i32
    %multiple_of3A_420 = tpu.assume_multiple %mul3A_419, 128 : i32
    %dma_start3A_421 = arith.constant 1 : i32
    %dma_start3A_422 = arith.constant 1 : i32
    %dma_start3A_423 = arith.constant 0 : i32
    %dma_start3A_424 = arith.constant 0 : i32
    %dma_start3A_425 = tpu.memref_slice %arg16[%dma_start3A_421, %dma_start3A_422, %dma_start3A_423, %dma_start3A_424] : memref<2x8x16x128xf32, #tpu.memory_space<vmem>> -> memref<1x1x16x128xf32, #tpu.memory_space<vmem>>
    %dma_start3A_426 = tpu.memref_squeeze %dma_start3A_425 : memref<1x1x16x128xf32, #tpu.memory_space<vmem>> -> memref<16x128xf32, #tpu.memory_space<vmem>>
    %dma_start3A_427 = arith.constant 0 : i32
    %dma_start3A_428 = tpu.memref_slice %arg4[%dma_start3A_427, %multiple_of3A_413] : memref<16x1000000xf32, #tpu.memory_space<hbm>> -> memref<16x128xf32, #tpu.memory_space<hbm>>
    %dma_start3A_429 = arith.constant 0 : i32
    %dma_start3A_430 = arith.constant 0 : i32
    %dma_start3A_431 = tpu.memref_slice %arg16[%dma_start3A_421, %dma_start3A_422, %dma_start3A_429, %dma_start3A_430] : memref<2x8x16x128xf32, #tpu.memory_space<vmem>> -> memref<1x1x16x128xf32, #tpu.memory_space<vmem>>
    %dma_start3A_432 = tpu.memref_squeeze %dma_start3A_431 : memref<1x1x16x128xf32, #tpu.memory_space<vmem>> -> memref<16x128xf32, #tpu.memory_space<vmem>>
    %dma_start3A_433 = arith.constant 0 : i32
    %dma_start3A_434 = tpu.memref_slice %arg4[%dma_start3A_433, %multiple_of3A_413] : memref<16x1000000xf32, #tpu.memory_space<hbm>> -> memref<16x128xf32, #tpu.memory_space<hbm>>
    tpu.enqueue_dma source(%dma_start3A_434 : memref<16x128xf32, #tpu.memory_space<hbm>>) target(%dma_start3A_432 : memref<16x128xf32, #tpu.memory_space<vmem>>) target_semaphore(%arg27 : memref<!tpu.dma_semaphore, #tpu.memory_space<semaphore_mem>>)
    %dma_start3A_435 = arith.constant 1 : i32
    %dma_start3A_436 = arith.constant 1 : i32
    %dma_start3A_437 = arith.constant 0 : i32
    %dma_start3A_438 = arith.constant 0 : i32
    %dma_start3A_439 = tpu.memref_slice %arg17[%dma_start3A_435, %dma_start3A_436, %dma_start3A_437, %dma_start3A_438] : memref<2x8x16x128xf32, #tpu.memory_space<vmem>> -> memref<1x1x16x128xf32, #tpu.memory_space<vmem>>
    %dma_start3A_440 = tpu.memref_squeeze %dma_start3A_439 : memref<1x1x16x128xf32, #tpu.memory_space<vmem>> -> memref<16x128xf32, #tpu.memory_space<vmem>>
    %dma_start3A_441 = arith.constant 0 : i32
    %dma_start3A_442 = tpu.memref_slice %arg5[%dma_start3A_441, %multiple_of3A_420] : memref<16x1000000xf32, #tpu.memory_space<hbm>> -> memref<16x128xf32, #tpu.memory_space<hbm>>
    %dma_start3A_443 = arith.constant 0 : i32
    %dma_start3A_444 = arith.constant 0 : i32
    %dma_start3A_445 = tpu.memref_slice %arg17[%dma_start3A_435, %dma_start3A_436, %dma_start3A_443, %dma_start3A_444] : memref<2x8x16x128xf32, #tpu.memory_space<vmem>> -> memref<1x1x16x128xf32, #tpu.memory_space<vmem>>
    %dma_start3A_446 = tpu.memref_squeeze %dma_start3A_445 : memref<1x1x16x128xf32, #tpu.memory_space<vmem>> -> memref<16x128xf32, #tpu.memory_space<vmem>>
    %dma_start3A_447 = arith.constant 0 : i32
    %dma_start3A_448 = tpu.memref_slice %arg5[%dma_start3A_447, %multiple_of3A_420] : memref<16x1000000xf32, #tpu.memory_space<hbm>> -> memref<16x128xf32, #tpu.memory_space<hbm>>
    tpu.enqueue_dma source(%dma_start3A_448 : memref<16x128xf32, #tpu.memory_space<hbm>>) target(%dma_start3A_446 : memref<16x128xf32, #tpu.memory_space<vmem>>) target_semaphore(%arg27 : memref<!tpu.dma_semaphore, #tpu.memory_space<semaphore_mem>>)
    %slice3A_449 = vector.extract_strided_slice %get3A_362 {offsets = [10], sizes = [1], strides = [1]} : vector<16xi32> to vector<1xi32>
    %squeeze3A_450 = vector.extract %slice3A_449[0] : i32 from vector<1xi32>
    %shift_right_arithmetic3A_451 = arith.constant 7 : i32
    %shift_right_arithmetic3A_452 = arith.shrsi %squeeze3A_450, %shift_right_arithmetic3A_451 : i32
    %mul3A_453 = arith.constant 128 : i32
    %mul3A_454 = arith.muli %shift_right_arithmetic3A_452, %mul3A_453 : i32
    %multiple_of3A_455 = tpu.assume_multiple %mul3A_454, 128 : i32
    %slice3A_456 = vector.extract_strided_slice %get3A_364 {offsets = [10], sizes = [1], strides = [1]} : vector<16xi32> to vector<1xi32>
    %squeeze3A_457 = vector.extract %slice3A_456[0] : i32 from vector<1xi32>
    %shift_right_arithmetic3A_458 = arith.constant 7 : i32
    %shift_right_arithmetic3A_459 = arith.shrsi %squeeze3A_457, %shift_right_arithmetic3A_458 : i32
    %mul3A_460 = arith.constant 128 : i32
    %mul3A_461 = arith.muli %shift_right_arithmetic3A_459, %mul3A_460 : i32
    %multiple_of3A_462 = tpu.assume_multiple %mul3A_461, 128 : i32
    %dma_start3A_463 = arith.constant 1 : i32
    %dma_start3A_464 = arith.constant 2 : i32
    %dma_start3A_465 = arith.constant 0 : i32
    %dma_start3A_466 = arith.constant 0 : i32
    %dma_start3A_467 = tpu.memref_slice %arg16[%dma_start3A_463, %dma_start3A_464, %dma_start3A_465, %dma_start3A_466] : memref<2x8x16x128xf32, #tpu.memory_space<vmem>> -> memref<1x1x16x128xf32, #tpu.memory_space<vmem>>
    %dma_start3A_468 = tpu.memref_squeeze %dma_start3A_467 : memref<1x1x16x128xf32, #tpu.memory_space<vmem>> -> memref<16x128xf32, #tpu.memory_space<vmem>>
    %dma_start3A_469 = arith.constant 0 : i32
    %dma_start3A_470 = tpu.memref_slice %arg4[%dma_start3A_469, %multiple_of3A_455] : memref<16x1000000xf32, #tpu.memory_space<hbm>> -> memref<16x128xf32, #tpu.memory_space<hbm>>
    %dma_start3A_471 = arith.constant 0 : i32
    %dma_start3A_472 = arith.constant 0 : i32
    %dma_start3A_473 = tpu.memref_slice %arg16[%dma_start3A_463, %dma_start3A_464, %dma_start3A_471, %dma_start3A_472] : memref<2x8x16x128xf32, #tpu.memory_space<vmem>> -> memref<1x1x16x128xf32, #tpu.memory_space<vmem>>
    %dma_start3A_474 = tpu.memref_squeeze %dma_start3A_473 : memref<1x1x16x128xf32, #tpu.memory_space<vmem>> -> memref<16x128xf32, #tpu.memory_space<vmem>>
    %dma_start3A_475 = arith.constant 0 : i32
    %dma_start3A_476 = tpu.memref_slice %arg4[%dma_start3A_475, %multiple_of3A_455] : memref<16x1000000xf32, #tpu.memory_space<hbm>> -> memref<16x128xf32, #tpu.memory_space<hbm>>
    tpu.enqueue_dma source(%dma_start3A_476 : memref<16x128xf32, #tpu.memory_space<hbm>>) target(%dma_start3A_474 : memref<16x128xf32, #tpu.memory_space<vmem>>) target_semaphore(%arg27 : memref<!tpu.dma_semaphore, #tpu.memory_space<semaphore_mem>>)
    %dma_start3A_477 = arith.constant 1 : i32
    %dma_start3A_478 = arith.constant 2 : i32
    %dma_start3A_479 = arith.constant 0 : i32
    %dma_start3A_480 = arith.constant 0 : i32
    %dma_start3A_481 = tpu.memref_slice %arg17[%dma_start3A_477, %dma_start3A_478, %dma_start3A_479, %dma_start3A_480] : memref<2x8x16x128xf32, #tpu.memory_space<vmem>> -> memref<1x1x16x128xf32, #tpu.memory_space<vmem>>
    %dma_start3A_482 = tpu.memref_squeeze %dma_start3A_481 : memref<1x1x16x128xf32, #tpu.memory_space<vmem>> -> memref<16x128xf32, #tpu.memory_space<vmem>>
    %dma_start3A_483 = arith.constant 0 : i32
    %dma_start3A_484 = tpu.memref_slice %arg5[%dma_start3A_483, %multiple_of3A_462] : memref<16x1000000xf32, #tpu.memory_space<hbm>> -> memref<16x128xf32, #tpu.memory_space<hbm>>
    %dma_start3A_485 = arith.constant 0 : i32
    %dma_start3A_486 = arith.constant 0 : i32
    %dma_start3A_487 = tpu.memref_slice %arg17[%dma_start3A_477, %dma_start3A_478, %dma_start3A_485, %dma_start3A_486] : memref<2x8x16x128xf32, #tpu.memory_space<vmem>> -> memref<1x1x16x128xf32, #tpu.memory_space<vmem>>
    %dma_start3A_488 = tpu.memref_squeeze %dma_start3A_487 : memref<1x1x16x128xf32, #tpu.memory_space<vmem>> -> memref<16x128xf32, #tpu.memory_space<vmem>>
    %dma_start3A_489 = arith.constant 0 : i32
    %dma_start3A_490 = tpu.memref_slice %arg5[%dma_start3A_489, %multiple_of3A_462] : memref<16x1000000xf32, #tpu.memory_space<hbm>> -> memref<16x128xf32, #tpu.memory_space<hbm>>
    tpu.enqueue_dma source(%dma_start3A_490 : memref<16x128xf32, #tpu.memory_space<hbm>>) target(%dma_start3A_488 : memref<16x128xf32, #tpu.memory_space<vmem>>) target_semaphore(%arg27 : memref<!tpu.dma_semaphore, #tpu.memory_space<semaphore_mem>>)
    %slice3A_491 = vector.extract_strided_slice %get3A_362 {offsets = [11], sizes = [1], strides = [1]} : vector<16xi32> to vector<1xi32>
    %squeeze3A_492 = vector.extract %slice3A_491[0] : i32 from vector<1xi32>
    %shift_right_arithmetic3A_493 = arith.constant 7 : i32
    %shift_right_arithmetic3A_494 = arith.shrsi %squeeze3A_492, %shift_right_arithmetic3A_493 : i32
    %mul3A_495 = arith.constant 128 : i32
    %mul3A_496 = arith.muli %shift_right_arithmetic3A_494, %mul3A_495 : i32
    %multiple_of3A_497 = tpu.assume_multiple %mul3A_496, 128 : i32
    %slice3A_498 = vector.extract_strided_slice %get3A_364 {offsets = [11], sizes = [1], strides = [1]} : vector<16xi32> to vector<1xi32>
    %squeeze3A_499 = vector.extract %slice3A_498[0] : i32 from vector<1xi32>
    %shift_right_arithmetic3A_500 = arith.constant 7 : i32
    %shift_right_arithmetic3A_501 = arith.shrsi %squeeze3A_499, %shift_right_arithmetic3A_500 : i32
    %mul3A_502 = arith.constant 128 : i32
    %mul3A_503 = arith.muli %shift_right_arithmetic3A_501, %mul3A_502 : i32
    %multiple_of3A_504 = tpu.assume_multiple %mul3A_503, 128 : i32
    %dma_start3A_505 = arith.constant 1 : i32
    %dma_start3A_506 = arith.constant 3 : i32
    %dma_start3A_507 = arith.constant 0 : i32
    %dma_start3A_508 = arith.constant 0 : i32
    %dma_start3A_509 = tpu.memref_slice %arg16[%dma_start3A_505, %dma_start3A_506, %dma_start3A_507, %dma_start3A_508] : memref<2x8x16x128xf32, #tpu.memory_space<vmem>> -> memref<1x1x16x128xf32, #tpu.memory_space<vmem>>
    %dma_start3A_510 = tpu.memref_squeeze %dma_start3A_509 : memref<1x1x16x128xf32, #tpu.memory_space<vmem>> -> memref<16x128xf32, #tpu.memory_space<vmem>>
    %dma_start3A_511 = arith.constant 0 : i32
    %dma_start3A_512 = tpu.memref_slice %arg4[%dma_start3A_511, %multiple_of3A_497] : memref<16x1000000xf32, #tpu.memory_space<hbm>> -> memref<16x128xf32, #tpu.memory_space<hbm>>
    %dma_start3A_513 = arith.constant 0 : i32
    %dma_start3A_514 = arith.constant 0 : i32
    %dma_start3A_515 = tpu.memref_slice %arg16[%dma_start3A_505, %dma_start3A_506, %dma_start3A_513, %dma_start3A_514] : memref<2x8x16x128xf32, #tpu.memory_space<vmem>> -> memref<1x1x16x128xf32, #tpu.memory_space<vmem>>
    %dma_start3A_516 = tpu.memref_squeeze %dma_start3A_515 : memref<1x1x16x128xf32, #tpu.memory_space<vmem>> -> memref<16x128xf32, #tpu.memory_space<vmem>>
    %dma_start3A_517 = arith.constant 0 : i32
    %dma_start3A_518 = tpu.memref_slice %arg4[%dma_start3A_517, %multiple_of3A_497] : memref<16x1000000xf32, #tpu.memory_space<hbm>> -> memref<16x128xf32, #tpu.memory_space<hbm>>
    tpu.enqueue_dma source(%dma_start3A_518 : memref<16x128xf32, #tpu.memory_space<hbm>>) target(%dma_start3A_516 : memref<16x128xf32, #tpu.memory_space<vmem>>) target_semaphore(%arg27 : memref<!tpu.dma_semaphore, #tpu.memory_space<semaphore_mem>>)
    %dma_start3A_519 = arith.constant 1 : i32
    %dma_start3A_520 = arith.constant 3 : i32
    %dma_start3A_521 = arith.constant 0 : i32
    %dma_start3A_522 = arith.constant 0 : i32
    %dma_start3A_523 = tpu.memref_slice %arg17[%dma_start3A_519, %dma_start3A_520, %dma_start3A_521, %dma_start3A_522] : memref<2x8x16x128xf32, #tpu.memory_space<vmem>> -> memref<1x1x16x128xf32, #tpu.memory_space<vmem>>
    %dma_start3A_524 = tpu.memref_squeeze %dma_start3A_523 : memref<1x1x16x128xf32, #tpu.memory_space<vmem>> -> memref<16x128xf32, #tpu.memory_space<vmem>>
    %dma_start3A_525 = arith.constant 0 : i32
    %dma_start3A_526 = tpu.memref_slice %arg5[%dma_start3A_525, %multiple_of3A_504] : memref<16x1000000xf32, #tpu.memory_space<hbm>> -> memref<16x128xf32, #tpu.memory_space<hbm>>
    %dma_start3A_527 = arith.constant 0 : i32
    %dma_start3A_528 = arith.constant 0 : i32
    %dma_start3A_529 = tpu.memref_slice %arg17[%dma_start3A_519, %dma_start3A_520, %dma_start3A_527, %dma_start3A_528] : memref<2x8x16x128xf32, #tpu.memory_space<vmem>> -> memref<1x1x16x128xf32, #tpu.memory_space<vmem>>
    %dma_start3A_530 = tpu.memref_squeeze %dma_start3A_529 : memref<1x1x16x128xf32, #tpu.memory_space<vmem>> -> memref<16x128xf32, #tpu.memory_space<vmem>>
    %dma_start3A_531 = arith.constant 0 : i32
    %dma_start3A_532 = tpu.memref_slice %arg5[%dma_start3A_531, %multiple_of3A_504] : memref<16x1000000xf32, #tpu.memory_space<hbm>> -> memref<16x128xf32, #tpu.memory_space<hbm>>
    tpu.enqueue_dma source(%dma_start3A_532 : memref<16x128xf32, #tpu.memory_space<hbm>>) target(%dma_start3A_530 : memref<16x128xf32, #tpu.memory_space<vmem>>) target_semaphore(%arg27 : memref<!tpu.dma_semaphore, #tpu.memory_space<semaphore_mem>>)
    %slice3A_533 = vector.extract_strided_slice %get3A_362 {offsets = [12], sizes = [1], strides = [1]} : vector<16xi32> to vector<1xi32>
    %squeeze3A_534 = vector.extract %slice3A_533[0] : i32 from vector<1xi32>
    %shift_right_arithmetic3A_535 = arith.constant 7 : i32
    %shift_right_arithmetic3A_536 = arith.shrsi %squeeze3A_534, %shift_right_arithmetic3A_535 : i32
    %mul3A_537 = arith.constant 128 : i32
    %mul3A_538 = arith.muli %shift_right_arithmetic3A_536, %mul3A_537 : i32
    %multiple_of3A_539 = tpu.assume_multiple %mul3A_538, 128 : i32
    %slice3A_540 = vector.extract_strided_slice %get3A_364 {offsets = [12], sizes = [1], strides = [1]} : vector<16xi32> to vector<1xi32>
    %squeeze3A_541 = vector.extract %slice3A_540[0] : i32 from vector<1xi32>
    %shift_right_arithmetic3A_542 = arith.constant 7 : i32
    %shift_right_arithmetic3A_543 = arith.shrsi %squeeze3A_541, %shift_right_arithmetic3A_542 : i32
    %mul3A_544 = arith.constant 128 : i32
    %mul3A_545 = arith.muli %shift_right_arithmetic3A_543, %mul3A_544 : i32
    %multiple_of3A_546 = tpu.assume_multiple %mul3A_545, 128 : i32
    %dma_start3A_547 = arith.constant 1 : i32
    %dma_start3A_548 = arith.constant 4 : i32
    %dma_start3A_549 = arith.constant 0 : i32
    %dma_start3A_550 = arith.constant 0 : i32
    %dma_start3A_551 = tpu.memref_slice %arg16[%dma_start3A_547, %dma_start3A_548, %dma_start3A_549, %dma_start3A_550] : memref<2x8x16x128xf32, #tpu.memory_space<vmem>> -> memref<1x1x16x128xf32, #tpu.memory_space<vmem>>
    %dma_start3A_552 = tpu.memref_squeeze %dma_start3A_551 : memref<1x1x16x128xf32, #tpu.memory_space<vmem>> -> memref<16x128xf32, #tpu.memory_space<vmem>>
    %dma_start3A_553 = arith.constant 0 : i32
    %dma_start3A_554 = tpu.memref_slice %arg4[%dma_start3A_553, %multiple_of3A_539] : memref<16x1000000xf32, #tpu.memory_space<hbm>> -> memref<16x128xf32, #tpu.memory_space<hbm>>
    %dma_start3A_555 = arith.constant 0 : i32
    %dma_start3A_556 = arith.constant 0 : i32
    %dma_start3A_557 = tpu.memref_slice %arg16[%dma_start3A_547, %dma_start3A_548, %dma_start3A_555, %dma_start3A_556] : memref<2x8x16x128xf32, #tpu.memory_space<vmem>> -> memref<1x1x16x128xf32, #tpu.memory_space<vmem>>
    %dma_start3A_558 = tpu.memref_squeeze %dma_start3A_557 : memref<1x1x16x128xf32, #tpu.memory_space<vmem>> -> memref<16x128xf32, #tpu.memory_space<vmem>>
    %dma_start3A_559 = arith.constant 0 : i32
    %dma_start3A_560 = tpu.memref_slice %arg4[%dma_start3A_559, %multiple_of3A_539] : memref<16x1000000xf32, #tpu.memory_space<hbm>> -> memref<16x128xf32, #tpu.memory_space<hbm>>
    tpu.enqueue_dma source(%dma_start3A_560 : memref<16x128xf32, #tpu.memory_space<hbm>>) target(%dma_start3A_558 : memref<16x128xf32, #tpu.memory_space<vmem>>) target_semaphore(%arg27 : memref<!tpu.dma_semaphore, #tpu.memory_space<semaphore_mem>>)
    %dma_start3A_561 = arith.constant 1 : i32
    %dma_start3A_562 = arith.constant 4 : i32
    %dma_start3A_563 = arith.constant 0 : i32
    %dma_start3A_564 = arith.constant 0 : i32
    %dma_start3A_565 = tpu.memref_slice %arg17[%dma_start3A_561, %dma_start3A_562, %dma_start3A_563, %dma_start3A_564] : memref<2x8x16x128xf32, #tpu.memory_space<vmem>> -> memref<1x1x16x128xf32, #tpu.memory_space<vmem>>
    %dma_start3A_566 = tpu.memref_squeeze %dma_start3A_565 : memref<1x1x16x128xf32, #tpu.memory_space<vmem>> -> memref<16x128xf32, #tpu.memory_space<vmem>>
    %dma_start3A_567 = arith.constant 0 : i32
    %dma_start3A_568 = tpu.memref_slice %arg5[%dma_start3A_567, %multiple_of3A_546] : memref<16x1000000xf32, #tpu.memory_space<hbm>> -> memref<16x128xf32, #tpu.memory_space<hbm>>
    %dma_start3A_569 = arith.constant 0 : i32
    %dma_start3A_570 = arith.constant 0 : i32
    %dma_start3A_571 = tpu.memref_slice %arg17[%dma_start3A_561, %dma_start3A_562, %dma_start3A_569, %dma_start3A_570] : memref<2x8x16x128xf32, #tpu.memory_space<vmem>> -> memref<1x1x16x128xf32, #tpu.memory_space<vmem>>
    %dma_start3A_572 = tpu.memref_squeeze %dma_start3A_571 : memref<1x1x16x128xf32, #tpu.memory_space<vmem>> -> memref<16x128xf32, #tpu.memory_space<vmem>>
    %dma_start3A_573 = arith.constant 0 : i32
    %dma_start3A_574 = tpu.memref_slice %arg5[%dma_start3A_573, %multiple_of3A_546] : memref<16x1000000xf32, #tpu.memory_space<hbm>> -> memref<16x128xf32, #tpu.memory_space<hbm>>
    tpu.enqueue_dma source(%dma_start3A_574 : memref<16x128xf32, #tpu.memory_space<hbm>>) target(%dma_start3A_572 : memref<16x128xf32, #tpu.memory_space<vmem>>) target_semaphore(%arg27 : memref<!tpu.dma_semaphore, #tpu.memory_space<semaphore_mem>>)
    %slice3A_575 = vector.extract_strided_slice %get3A_362 {offsets = [13], sizes = [1], strides = [1]} : vector<16xi32> to vector<1xi32>
    %squeeze3A_576 = vector.extract %slice3A_575[0] : i32 from vector<1xi32>
    %shift_right_arithmetic3A_577 = arith.constant 7 : i32
    %shift_right_arithmetic3A_578 = arith.shrsi %squeeze3A_576, %shift_right_arithmetic3A_577 : i32
    %mul3A_579 = arith.constant 128 : i32
    %mul3A_580 = arith.muli %shift_right_arithmetic3A_578, %mul3A_579 : i32
    %multiple_of3A_581 = tpu.assume_multiple %mul3A_580, 128 : i32
    %slice3A_582 = vector.extract_strided_slice %get3A_364 {offsets = [13], sizes = [1], strides = [1]} : vector<16xi32> to vector<1xi32>
    %squeeze3A_583 = vector.extract %slice3A_582[0] : i32 from vector<1xi32>
    %shift_right_arithmetic3A_584 = arith.constant 7 : i32
    %shift_right_arithmetic3A_585 = arith.shrsi %squeeze3A_583, %shift_right_arithmetic3A_584 : i32
    %mul3A_586 = arith.constant 128 : i32
    %mul3A_587 = arith.muli %shift_right_arithmetic3A_585, %mul3A_586 : i32
    %multiple_of3A_588 = tpu.assume_multiple %mul3A_587, 128 : i32
    %dma_start3A_589 = arith.constant 1 : i32
    %dma_start3A_590 = arith.constant 5 : i32
    %dma_start3A_591 = arith.constant 0 : i32
    %dma_start3A_592 = arith.constant 0 : i32
    %dma_start3A_593 = tpu.memref_slice %arg16[%dma_start3A_589, %dma_start3A_590, %dma_start3A_591, %dma_start3A_592] : memref<2x8x16x128xf32, #tpu.memory_space<vmem>> -> memref<1x1x16x128xf32, #tpu.memory_space<vmem>>
    %dma_start3A_594 = tpu.memref_squeeze %dma_start3A_593 : memref<1x1x16x128xf32, #tpu.memory_space<vmem>> -> memref<16x128xf32, #tpu.memory_space<vmem>>
    %dma_start3A_595 = arith.constant 0 : i32
    %dma_start3A_596 = tpu.memref_slice %arg4[%dma_start3A_595, %multiple_of3A_581] : memref<16x1000000xf32, #tpu.memory_space<hbm>> -> memref<16x128xf32, #tpu.memory_space<hbm>>
    %dma_start3A_597 = arith.constant 0 : i32
    %dma_start3A_598 = arith.constant 0 : i32
    %dma_start3A_599 = tpu.memref_slice %arg16[%dma_start3A_589, %dma_start3A_590, %dma_start3A_597, %dma_start3A_598] : memref<2x8x16x128xf32, #tpu.memory_space<vmem>> -> memref<1x1x16x128xf32, #tpu.memory_space<vmem>>
    %dma_start3A_600 = tpu.memref_squeeze %dma_start3A_599 : memref<1x1x16x128xf32, #tpu.memory_space<vmem>> -> memref<16x128xf32, #tpu.memory_space<vmem>>
    %dma_start3A_601 = arith.constant 0 : i32
    %dma_start3A_602 = tpu.memref_slice %arg4[%dma_start3A_601, %multiple_of3A_581] : memref<16x1000000xf32, #tpu.memory_space<hbm>> -> memref<16x128xf32, #tpu.memory_space<hbm>>
    tpu.enqueue_dma source(%dma_start3A_602 : memref<16x128xf32, #tpu.memory_space<hbm>>) target(%dma_start3A_600 : memref<16x128xf32, #tpu.memory_space<vmem>>) target_semaphore(%arg27 : memref<!tpu.dma_semaphore, #tpu.memory_space<semaphore_mem>>)
    %dma_start3A_603 = arith.constant 1 : i32
    %dma_start3A_604 = arith.constant 5 : i32
    %dma_start3A_605 = arith.constant 0 : i32
    %dma_start3A_606 = arith.constant 0 : i32
    %dma_start3A_607 = tpu.memref_slice %arg17[%dma_start3A_603, %dma_start3A_604, %dma_start3A_605, %dma_start3A_606] : memref<2x8x16x128xf32, #tpu.memory_space<vmem>> -> memref<1x1x16x128xf32, #tpu.memory_space<vmem>>
    %dma_start3A_608 = tpu.memref_squeeze %dma_start3A_607 : memref<1x1x16x128xf32, #tpu.memory_space<vmem>> -> memref<16x128xf32, #tpu.memory_space<vmem>>
    %dma_start3A_609 = arith.constant 0 : i32
    %dma_start3A_610 = tpu.memref_slice %arg5[%dma_start3A_609, %multiple_of3A_588] : memref<16x1000000xf32, #tpu.memory_space<hbm>> -> memref<16x128xf32, #tpu.memory_space<hbm>>
    %dma_start3A_611 = arith.constant 0 : i32
    %dma_start3A_612 = arith.constant 0 : i32
    %dma_start3A_613 = tpu.memref_slice %arg17[%dma_start3A_603, %dma_start3A_604, %dma_start3A_611, %dma_start3A_612] : memref<2x8x16x128xf32, #tpu.memory_space<vmem>> -> memref<1x1x16x128xf32, #tpu.memory_space<vmem>>
    %dma_start3A_614 = tpu.memref_squeeze %dma_start3A_613 : memref<1x1x16x128xf32, #tpu.memory_space<vmem>> -> memref<16x128xf32, #tpu.memory_space<vmem>>
    %dma_start3A_615 = arith.constant 0 : i32
    %dma_start3A_616 = tpu.memref_slice %arg5[%dma_start3A_615, %multiple_of3A_588] : memref<16x1000000xf32, #tpu.memory_space<hbm>> -> memref<16x128xf32, #tpu.memory_space<hbm>>
    tpu.enqueue_dma source(%dma_start3A_616 : memref<16x128xf32, #tpu.memory_space<hbm>>) target(%dma_start3A_614 : memref<16x128xf32, #tpu.memory_space<vmem>>) target_semaphore(%arg27 : memref<!tpu.dma_semaphore, #tpu.memory_space<semaphore_mem>>)
    %slice3A_617 = vector.extract_strided_slice %get3A_362 {offsets = [14], sizes = [1], strides = [1]} : vector<16xi32> to vector<1xi32>
    %squeeze3A_618 = vector.extract %slice3A_617[0] : i32 from vector<1xi32>
    %shift_right_arithmetic3A_619 = arith.constant 7 : i32
    %shift_right_arithmetic3A_620 = arith.shrsi %squeeze3A_618, %shift_right_arithmetic3A_619 : i32
    %mul3A_621 = arith.constant 128 : i32
    %mul3A_622 = arith.muli %shift_right_arithmetic3A_620, %mul3A_621 : i32
    %multiple_of3A_623 = tpu.assume_multiple %mul3A_622, 128 : i32
    %slice3A_624 = vector.extract_strided_slice %get3A_364 {offsets = [14], sizes = [1], strides = [1]} : vector<16xi32> to vector<1xi32>
    %squeeze3A_625 = vector.extract %slice3A_624[0] : i32 from vector<1xi32>
    %shift_right_arithmetic3A_626 = arith.constant 7 : i32
    %shift_right_arithmetic3A_627 = arith.shrsi %squeeze3A_625, %shift_right_arithmetic3A_626 : i32
    %mul3A_628 = arith.constant 128 : i32
    %mul3A_629 = arith.muli %shift_right_arithmetic3A_627, %mul3A_628 : i32
    %multiple_of3A_630 = tpu.assume_multiple %mul3A_629, 128 : i32
    %dma_start3A_631 = arith.constant 1 : i32
    %dma_start3A_632 = arith.constant 6 : i32
    %dma_start3A_633 = arith.constant 0 : i32
    %dma_start3A_634 = arith.constant 0 : i32
    %dma_start3A_635 = tpu.memref_slice %arg16[%dma_start3A_631, %dma_start3A_632, %dma_start3A_633, %dma_start3A_634] : memref<2x8x16x128xf32, #tpu.memory_space<vmem>> -> memref<1x1x16x128xf32, #tpu.memory_space<vmem>>
    %dma_start3A_636 = tpu.memref_squeeze %dma_start3A_635 : memref<1x1x16x128xf32, #tpu.memory_space<vmem>> -> memref<16x128xf32, #tpu.memory_space<vmem>>
    %dma_start3A_637 = arith.constant 0 : i32
    %dma_start3A_638 = tpu.memref_slice %arg4[%dma_start3A_637, %multiple_of3A_623] : memref<16x1000000xf32, #tpu.memory_space<hbm>> -> memref<16x128xf32, #tpu.memory_space<hbm>>
    %dma_start3A_639 = arith.constant 0 : i32
    %dma_start3A_640 = arith.constant 0 : i32
    %dma_start3A_641 = tpu.memref_slice %arg16[%dma_start3A_631, %dma_start3A_632, %dma_start3A_639, %dma_start3A_640] : memref<2x8x16x128xf32, #tpu.memory_space<vmem>> -> memref<1x1x16x128xf32, #tpu.memory_space<vmem>>
    %dma_start3A_642 = tpu.memref_squeeze %dma_start3A_641 : memref<1x1x16x128xf32, #tpu.memory_space<vmem>> -> memref<16x128xf32, #tpu.memory_space<vmem>>
    %dma_start3A_643 = arith.constant 0 : i32
    %dma_start3A_644 = tpu.memref_slice %arg4[%dma_start3A_643, %multiple_of3A_623] : memref<16x1000000xf32, #tpu.memory_space<hbm>> -> memref<16x128xf32, #tpu.memory_space<hbm>>
    tpu.enqueue_dma source(%dma_start3A_644 : memref<16x128xf32, #tpu.memory_space<hbm>>) target(%dma_start3A_642 : memref<16x128xf32, #tpu.memory_space<vmem>>) target_semaphore(%arg27 : memref<!tpu.dma_semaphore, #tpu.memory_space<semaphore_mem>>)
    %dma_start3A_645 = arith.constant 1 : i32
    %dma_start3A_646 = arith.constant 6 : i32
    %dma_start3A_647 = arith.constant 0 : i32
    %dma_start3A_648 = arith.constant 0 : i32
    %dma_start3A_649 = tpu.memref_slice %arg17[%dma_start3A_645, %dma_start3A_646, %dma_start3A_647, %dma_start3A_648] : memref<2x8x16x128xf32, #tpu.memory_space<vmem>> -> memref<1x1x16x128xf32, #tpu.memory_space<vmem>>
    %dma_start3A_650 = tpu.memref_squeeze %dma_start3A_649 : memref<1x1x16x128xf32, #tpu.memory_space<vmem>> -> memref<16x128xf32, #tpu.memory_space<vmem>>
    %dma_start3A_651 = arith.constant 0 : i32
    %dma_start3A_652 = tpu.memref_slice %arg5[%dma_start3A_651, %multiple_of3A_630] : memref<16x1000000xf32, #tpu.memory_space<hbm>> -> memref<16x128xf32, #tpu.memory_space<hbm>>
    %dma_start3A_653 = arith.constant 0 : i32
    %dma_start3A_654 = arith.constant 0 : i32
    %dma_start3A_655 = tpu.memref_slice %arg17[%dma_start3A_645, %dma_start3A_646, %dma_start3A_653, %dma_start3A_654] : memref<2x8x16x128xf32, #tpu.memory_space<vmem>> -> memref<1x1x16x128xf32, #tpu.memory_space<vmem>>
    %dma_start3A_656 = tpu.memref_squeeze %dma_start3A_655 : memref<1x1x16x128xf32, #tpu.memory_space<vmem>> -> memref<16x128xf32, #tpu.memory_space<vmem>>
    %dma_start3A_657 = arith.constant 0 : i32
    %dma_start3A_658 = tpu.memref_slice %arg5[%dma_start3A_657, %multiple_of3A_630] : memref<16x1000000xf32, #tpu.memory_space<hbm>> -> memref<16x128xf32, #tpu.memory_space<hbm>>
    tpu.enqueue_dma source(%dma_start3A_658 : memref<16x128xf32, #tpu.memory_space<hbm>>) target(%dma_start3A_656 : memref<16x128xf32, #tpu.memory_space<vmem>>) target_semaphore(%arg27 : memref<!tpu.dma_semaphore, #tpu.memory_space<semaphore_mem>>)
    %slice3A_659 = vector.extract_strided_slice %get3A_362 {offsets = [15], sizes = [1], strides = [1]} : vector<16xi32> to vector<1xi32>
    %squeeze3A_660 = vector.extract %slice3A_659[0] : i32 from vector<1xi32>
    %shift_right_arithmetic3A_661 = arith.constant 7 : i32
    %shift_right_arithmetic3A_662 = arith.shrsi %squeeze3A_660, %shift_right_arithmetic3A_661 : i32
    %mul3A_663 = arith.constant 128 : i32
    %mul3A_664 = arith.muli %shift_right_arithmetic3A_662, %mul3A_663 : i32
    %multiple_of3A_665 = tpu.assume_multiple %mul3A_664, 128 : i32
    %slice3A_666 = vector.extract_strided_slice %get3A_364 {offsets = [15], sizes = [1], strides = [1]} : vector<16xi32> to vector<1xi32>
    %squeeze3A_667 = vector.extract %slice3A_666[0] : i32 from vector<1xi32>
    %shift_right_arithmetic3A_668 = arith.constant 7 : i32
    %shift_right_arithmetic3A_669 = arith.shrsi %squeeze3A_667, %shift_right_arithmetic3A_668 : i32
    %mul3A_670 = arith.constant 128 : i32
    %mul3A_671 = arith.muli %shift_right_arithmetic3A_669, %mul3A_670 : i32
    %multiple_of3A_672 = tpu.assume_multiple %mul3A_671, 128 : i32
    %dma_start3A_673 = arith.constant 1 : i32
    %dma_start3A_674 = arith.constant 7 : i32
    %dma_start3A_675 = arith.constant 0 : i32
    %dma_start3A_676 = arith.constant 0 : i32
    %dma_start3A_677 = tpu.memref_slice %arg16[%dma_start3A_673, %dma_start3A_674, %dma_start3A_675, %dma_start3A_676] : memref<2x8x16x128xf32, #tpu.memory_space<vmem>> -> memref<1x1x16x128xf32, #tpu.memory_space<vmem>>
    %dma_start3A_678 = tpu.memref_squeeze %dma_start3A_677 : memref<1x1x16x128xf32, #tpu.memory_space<vmem>> -> memref<16x128xf32, #tpu.memory_space<vmem>>
    %dma_start3A_679 = arith.constant 0 : i32
    %dma_start3A_680 = tpu.memref_slice %arg4[%dma_start3A_679, %multiple_of3A_665] : memref<16x1000000xf32, #tpu.memory_space<hbm>> -> memref<16x128xf32, #tpu.memory_space<hbm>>
    %dma_start3A_681 = arith.constant 0 : i32
    %dma_start3A_682 = arith.constant 0 : i32
    %dma_start3A_683 = tpu.memref_slice %arg16[%dma_start3A_673, %dma_start3A_674, %dma_start3A_681, %dma_start3A_682] : memref<2x8x16x128xf32, #tpu.memory_space<vmem>> -> memref<1x1x16x128xf32, #tpu.memory_space<vmem>>
    %dma_start3A_684 = tpu.memref_squeeze %dma_start3A_683 : memref<1x1x16x128xf32, #tpu.memory_space<vmem>> -> memref<16x128xf32, #tpu.memory_space<vmem>>
    %dma_start3A_685 = arith.constant 0 : i32
    %dma_start3A_686 = tpu.memref_slice %arg4[%dma_start3A_685, %multiple_of3A_665] : memref<16x1000000xf32, #tpu.memory_space<hbm>> -> memref<16x128xf32, #tpu.memory_space<hbm>>
    tpu.enqueue_dma source(%dma_start3A_686 : memref<16x128xf32, #tpu.memory_space<hbm>>) target(%dma_start3A_684 : memref<16x128xf32, #tpu.memory_space<vmem>>) target_semaphore(%arg27 : memref<!tpu.dma_semaphore, #tpu.memory_space<semaphore_mem>>)
    %dma_start3A_687 = arith.constant 1 : i32
    %dma_start3A_688 = arith.constant 7 : i32
    %dma_start3A_689 = arith.constant 0 : i32
    %dma_start3A_690 = arith.constant 0 : i32
    %dma_start3A_691 = tpu.memref_slice %arg17[%dma_start3A_687, %dma_start3A_688, %dma_start3A_689, %dma_start3A_690] : memref<2x8x16x128xf32, #tpu.memory_space<vmem>> -> memref<1x1x16x128xf32, #tpu.memory_space<vmem>>
    %dma_start3A_692 = tpu.memref_squeeze %dma_start3A_691 : memref<1x1x16x128xf32, #tpu.memory_space<vmem>> -> memref<16x128xf32, #tpu.memory_space<vmem>>
    %dma_start3A_693 = arith.constant 0 : i32
    %dma_start3A_694 = tpu.memref_slice %arg5[%dma_start3A_693, %multiple_of3A_672] : memref<16x1000000xf32, #tpu.memory_space<hbm>> -> memref<16x128xf32, #tpu.memory_space<hbm>>
    %dma_start3A_695 = arith.constant 0 : i32
    %dma_start3A_696 = arith.constant 0 : i32
    %dma_start3A_697 = tpu.memref_slice %arg17[%dma_start3A_687, %dma_start3A_688, %dma_start3A_695, %dma_start3A_696] : memref<2x8x16x128xf32, #tpu.memory_space<vmem>> -> memref<1x1x16x128xf32, #tpu.memory_space<vmem>>
    %dma_start3A_698 = tpu.memref_squeeze %dma_start3A_697 : memref<1x1x16x128xf32, #tpu.memory_space<vmem>> -> memref<16x128xf32, #tpu.memory_space<vmem>>
    %dma_start3A_699 = arith.constant 0 : i32
    %dma_start3A_700 = tpu.memref_slice %arg5[%dma_start3A_699, %multiple_of3A_672] : memref<16x1000000xf32, #tpu.memory_space<hbm>> -> memref<16x128xf32, #tpu.memory_space<hbm>>
    tpu.enqueue_dma source(%dma_start3A_700 : memref<16x128xf32, #tpu.memory_space<hbm>>) target(%dma_start3A_698 : memref<16x128xf32, #tpu.memory_space<vmem>>) target_semaphore(%arg27 : memref<!tpu.dma_semaphore, #tpu.memory_space<semaphore_mem>>)
    %scan3A = arith.constant 0 : i32
    %scan3A_701 = arith.constant 0 : i32
    %scan3A_702 = arith.constant 32 : i32
    %scan3A_703 = arith.addi %scan3A_701, %scan3A_702 : i32
    %scan3A_704 = arith.constant 1 : i32
    %scan3A_705 = scf.for %scan3A_732 = %scan3A_701 to %scan3A_703 step %scan3A_704 iter_args(%scan3A_733 = %scan3A) -> (i32)  : i32 {
      %dma_wait3A_734 = arith.constant 0 : i32
      %dma_wait3A_735 = arith.constant 0 : i32
      %dma_wait3A_736 = tpu.memref_slice %arg4[%dma_wait3A_734, %dma_wait3A_735] : memref<16x1000000xf32, #tpu.memory_space<hbm>> -> memref<16x512xf32, #tpu.memory_space<hbm>>
      %dma_wait3A_737 = arith.constant 0 : i32
      %dma_wait3A_738 = arith.constant 0 : i32
      %dma_wait3A_739 = tpu.memref_slice %arg4[%dma_wait3A_737, %dma_wait3A_738] : memref<16x1000000xf32, #tpu.memory_space<hbm>> -> memref<16x512xf32, #tpu.memory_space<hbm>>
      tpu.wait_dma2 semaphore(%arg25 : memref<!tpu.dma_semaphore, #tpu.memory_space<semaphore_mem>>) src(%dma_wait3A_739 : memref<16x512xf32, #tpu.memory_space<hbm>>) dst(%arg18 : memref<16x512xf32, #tpu.memory_space<vmem>>)
      %dma_wait3A_740 = arith.constant 0 : i32
      %dma_wait3A_741 = arith.constant 0 : i32
      %dma_wait3A_742 = tpu.memref_slice %arg4[%dma_wait3A_740, %dma_wait3A_741] : memref<16x1000000xf32, #tpu.memory_space<hbm>> -> memref<16x512xf32, #tpu.memory_space<hbm>>
      %dma_wait3A_743 = arith.constant 0 : i32
      %dma_wait3A_744 = arith.constant 0 : i32
      %dma_wait3A_745 = tpu.memref_slice %arg4[%dma_wait3A_743, %dma_wait3A_744] : memref<16x1000000xf32, #tpu.memory_space<hbm>> -> memref<16x512xf32, #tpu.memory_space<hbm>>
      tpu.wait_dma2 semaphore(%arg25 : memref<!tpu.dma_semaphore, #tpu.memory_space<semaphore_mem>>) src(%dma_wait3A_745 : memref<16x512xf32, #tpu.memory_space<hbm>>) dst(%arg18 : memref<16x512xf32, #tpu.memory_space<vmem>>)
      %dma_wait3A_746 = arith.constant 0 : i32
      %dma_wait3A_747 = arith.constant 0 : i32
      %dma_wait3A_748 = tpu.memref_slice %arg4[%dma_wait3A_746, %dma_wait3A_747] : memref<16x1000000xf32, #tpu.memory_space<hbm>> -> memref<16x512xf32, #tpu.memory_space<hbm>>
      %dma_wait3A_749 = arith.constant 0 : i32
      %dma_wait3A_750 = arith.constant 0 : i32
      %dma_wait3A_751 = tpu.memref_slice %arg4[%dma_wait3A_749, %dma_wait3A_750] : memref<16x1000000xf32, #tpu.memory_space<hbm>> -> memref<16x512xf32, #tpu.memory_space<hbm>>
      tpu.wait_dma2 semaphore(%arg25 : memref<!tpu.dma_semaphore, #tpu.memory_space<semaphore_mem>>) src(%dma_wait3A_751 : memref<16x512xf32, #tpu.memory_space<hbm>>) dst(%arg18 : memref<16x512xf32, #tpu.memory_space<vmem>>)
      %dma_wait3A_752 = arith.constant 0 : i32
      %dma_wait3A_753 = arith.constant 0 : i32
      %dma_wait3A_754 = tpu.memref_slice %arg4[%dma_wait3A_752, %dma_wait3A_753] : memref<16x1000000xf32, #tpu.memory_space<hbm>> -> memref<16x512xf32, #tpu.memory_space<hbm>>
      %dma_wait3A_755 = arith.constant 0 : i32
      %dma_wait3A_756 = arith.constant 0 : i32
      %dma_wait3A_757 = tpu.memref_slice %arg4[%dma_wait3A_755, %dma_wait3A_756] : memref<16x1000000xf32, #tpu.memory_space<hbm>> -> memref<16x512xf32, #tpu.memory_space<hbm>>
      tpu.wait_dma2 semaphore(%arg25 : memref<!tpu.dma_semaphore, #tpu.memory_space<semaphore_mem>>) src(%dma_wait3A_757 : memref<16x512xf32, #tpu.memory_space<hbm>>) dst(%arg18 : memref<16x512xf32, #tpu.memory_space<vmem>>)
      %mul3A_758 = arith.constant 16 : i32
      %mul3A_759 = arith.muli %scan3A_732, %mul3A_758 : i32
      %add3A_760 = arith.constant 0 : i32
      %add3A_761 = arith.addi %mul3A_759, %add3A_760 : i32
      %mul3A_762 = arith.constant 16 : i32
      %mul3A_763 = arith.muli %scan3A_732, %mul3A_762 : i32
      %get3A_764 = arith.index_cast %mul3A_763 : i32 to index
      %get3A_765 = tpu.vector_load %arg13[%get3A_764] {strides = array<i32>} : memref<512xi32, #tpu.memory_space<vmem>>, vector<16xi32>,
      %mul3A_766 = arith.constant 16 : i32
      %mul3A_767 = arith.muli %scan3A_732, %mul3A_766 : i32
      %get3A_768 = arith.index_cast %mul3A_767 : i32 to index
      %get3A_769 = tpu.vector_load %arg14[%get3A_768] {strides = array<i32>} : memref<512xi32, #tpu.memory_space<vmem>>, vector<16xi32>,
      %slice3A_770 = vector.extract_strided_slice %get3A_765 {offsets = [0], sizes = [1], strides = [1]} : vector<16xi32> to vector<1xi32>
      %squeeze3A_771 = vector.extract %slice3A_770[0] : i32 from vector<1xi32>
      %and3A = arith.constant 127 : i32
      %and3A_772 = arith.andi %squeeze3A_771, %and3A : i32
      %broadcast_in_dim3A = vector.broadcast %and3A_772 : i32 to vector<16xi32>
      %slice3A_773 = vector.extract_strided_slice %get3A_769 {offsets = [0], sizes = [1], strides = [1]} : vector<16xi32> to vector<1xi32>
      %squeeze3A_774 = vector.extract %slice3A_773[0] : i32 from vector<1xi32>
      %and3A_775 = arith.constant 127 : i32
      %and3A_776 = arith.andi %squeeze3A_774, %and3A_775 : i32
      %broadcast_in_dim3A_777 = vector.broadcast %and3A_776 : i32 to vector<16xi32>
      %add3A_778 = arith.constant 0 : i32
      %add3A_779 = arith.addi %add3A_761, %add3A_778 : i32
      %broadcast_in_dim3A_780 = arith.constant 0 : i32
      %broadcast_in_dim3A_781 = vector.broadcast %broadcast_in_dim3A_780 : i32 to vector<16xi32>
      %add3A_782 = vector.broadcast %add3A_779 : i32 to vector<16xi32>
      %add3A_783 = arith.addi %add3A_782, %broadcast_in_dim3A_781 : vector<16xi32>
      %gather3A = arith.constant 0 : i32
      %gather3A_784 = arith.constant 0 : i32
      %gather3A_785 = arith.constant 0 : i32
      %gather3A_786 = arith.constant 0 : i32
      %gather3A_787 = tpu.memref_slice %arg16[%gather3A, %gather3A_784, %gather3A_785, %gather3A_786] : memref<2x8x16x128xf32, #tpu.memory_space<vmem>> -> memref<1x1x16x128xf32, #tpu.memory_space<vmem>>
      %gather3A_788 = tpu.memref_squeeze %gather3A_787 : memref<1x1x16x128xf32, #tpu.memory_space<vmem>> -> memref<16x128xf32, #tpu.memory_space<vmem>>
      %gather3A_789 = tpu.vector_load_idx %gather3A_788[%iota3A, %broadcast_in_dim3A] : memref<16x128xf32, #tpu.memory_space<vmem>>[vector<16xi32>, vector<16xi32>], vector<16xf32>,
      %gather3A_790 = arith.constant 0 : i32
      %gather3A_791 = arith.constant 0 : i32
      %gather3A_792 = arith.constant 0 : i32
      %gather3A_793 = arith.constant 0 : i32
      %gather3A_794 = tpu.memref_slice %arg17[%gather3A_790, %gather3A_791, %gather3A_792, %gather3A_793] : memref<2x8x16x128xf32, #tpu.memory_space<vmem>> -> memref<1x1x16x128xf32, #tpu.memory_space<vmem>>
      %gather3A_795 = tpu.memref_squeeze %gather3A_794 : memref<1x1x16x128xf32, #tpu.memory_space<vmem>> -> memref<16x128xf32, #tpu.memory_space<vmem>>
      %gather3A_796 = tpu.vector_load_idx %gather3A_795[%iota3A, %broadcast_in_dim3A_777] : memref<16x128xf32, #tpu.memory_space<vmem>>[vector<16xi32>, vector<16xi32>], vector<16xf32>,
      tpu.vector_store_idx %arg18[%iota3A, %add3A_783], %gather3A_789 : memref<16x512xf32, #tpu.memory_space<vmem>>[vector<16xi32>, vector<16xi32>], vector<16xf32>,
      tpu.vector_store_idx %arg19[%iota3A, %add3A_783], %gather3A_796 : memref<16x512xf32, #tpu.memory_space<vmem>>[vector<16xi32>, vector<16xi32>], vector<16xf32>,
      %slice3A_797 = vector.extract_strided_slice %get3A_765 {offsets = [1], sizes = [1], strides = [1]} : vector<16xi32> to vector<1xi32>
      %squeeze3A_798 = vector.extract %slice3A_797[0] : i32 from vector<1xi32>
      %and3A_799 = arith.constant 127 : i32
      %and3A_800 = arith.andi %squeeze3A_798, %and3A_799 : i32
      %broadcast_in_dim3A_801 = vector.broadcast %and3A_800 : i32 to vector<16xi32>
      %slice3A_802 = vector.extract_strided_slice %get3A_769 {offsets = [1], sizes = [1], strides = [1]} : vector<16xi32> to vector<1xi32>
      %squeeze3A_803 = vector.extract %slice3A_802[0] : i32 from vector<1xi32>
      %and3A_804 = arith.constant 127 : i32
      %and3A_805 = arith.andi %squeeze3A_803, %and3A_804 : i32
      %broadcast_in_dim3A_806 = vector.broadcast %and3A_805 : i32 to vector<16xi32>
      %add3A_807 = arith.constant 1 : i32
      %add3A_808 = arith.addi %add3A_761, %add3A_807 : i32
      %broadcast_in_dim3A_809 = arith.constant 0 : i32
      %broadcast_in_dim3A_810 = vector.broadcast %broadcast_in_dim3A_809 : i32 to vector<16xi32>
      %add3A_811 = vector.broadcast %add3A_808 : i32 to vector<16xi32>
      %add3A_812 = arith.addi %add3A_811, %broadcast_in_dim3A_810 : vector<16xi32>
      %gather3A_813 = arith.constant 0 : i32
      %gather3A_814 = arith.constant 1 : i32
      %gather3A_815 = arith.constant 0 : i32
      %gather3A_816 = arith.constant 0 : i32
      %gather3A_817 = tpu.memref_slice %arg16[%gather3A_813, %gather3A_814, %gather3A_815, %gather3A_816] : memref<2x8x16x128xf32, #tpu.memory_space<vmem>> -> memref<1x1x16x128xf32, #tpu.memory_space<vmem>>
      %gather3A_818 = tpu.memref_squeeze %gather3A_817 : memref<1x1x16x128xf32, #tpu.memory_space<vmem>> -> memref<16x128xf32, #tpu.memory_space<vmem>>
      %gather3A_819 = tpu.vector_load_idx %gather3A_818[%iota3A, %broadcast_in_dim3A_801] : memref<16x128xf32, #tpu.memory_space<vmem>>[vector<16xi32>, vector<16xi32>], vector<16xf32>,
      %gather3A_820 = arith.constant 0 : i32
      %gather3A_821 = arith.constant 1 : i32
      %gather3A_822 = arith.constant 0 : i32
      %gather3A_823 = arith.constant 0 : i32
      %gather3A_824 = tpu.memref_slice %arg17[%gather3A_820, %gather3A_821, %gather3A_822, %gather3A_823] : memref<2x8x16x128xf32, #tpu.memory_space<vmem>> -> memref<1x1x16x128xf32, #tpu.memory_space<vmem>>
      %gather3A_825 = tpu.memref_squeeze %gather3A_824 : memref<1x1x16x128xf32, #tpu.memory_space<vmem>> -> memref<16x128xf32, #tpu.memory_space<vmem>>
      %gather3A_826 = tpu.vector_load_idx %gather3A_825[%iota3A, %broadcast_in_dim3A_806] : memref<16x128xf32, #tpu.memory_space<vmem>>[vector<16xi32>, vector<16xi32>], vector<16xf32>,
      tpu.vector_store_idx %arg18[%iota3A, %add3A_812], %gather3A_819 : memref<16x512xf32, #tpu.memory_space<vmem>>[vector<16xi32>, vector<16xi32>], vector<16xf32>,
      tpu.vector_store_idx %arg19[%iota3A, %add3A_812], %gather3A_826 : memref<16x512xf32, #tpu.memory_space<vmem>>[vector<16xi32>, vector<16xi32>], vector<16xf32>,
      %slice3A_827 = vector.extract_strided_slice %get3A_765 {offsets = [2], sizes = [1], strides = [1]} : vector<16xi32> to vector<1xi32>
      %squeeze3A_828 = vector.extract %slice3A_827[0] : i32 from vector<1xi32>
      %and3A_829 = arith.constant 127 : i32
      %and3A_830 = arith.andi %squeeze3A_828, %and3A_829 : i32
      %broadcast_in_dim3A_831 = vector.broadcast %and3A_830 : i32 to vector<16xi32>
      %slice3A_832 = vector.extract_strided_slice %get3A_769 {offsets = [2], sizes = [1], strides = [1]} : vector<16xi32> to vector<1xi32>
      %squeeze3A_833 = vector.extract %slice3A_832[0] : i32 from vector<1xi32>
      %and3A_834 = arith.constant 127 : i32
      %and3A_835 = arith.andi %squeeze3A_833, %and3A_834 : i32
      %broadcast_in_dim3A_836 = vector.broadcast %and3A_835 : i32 to vector<16xi32>
      %add3A_837 = arith.constant 2 : i32
      %add3A_838 = arith.addi %add3A_761, %add3A_837 : i32
      %broadcast_in_dim3A_839 = arith.constant 0 : i32
      %broadcast_in_dim3A_840 = vector.broadcast %broadcast_in_dim3A_839 : i32 to vector<16xi32>
      %add3A_841 = vector.broadcast %add3A_838 : i32 to vector<16xi32>
      %add3A_842 = arith.addi %add3A_841, %broadcast_in_dim3A_840 : vector<16xi32>
      %gather3A_843 = arith.constant 0 : i32
      %gather3A_844 = arith.constant 2 : i32
      %gather3A_845 = arith.constant 0 : i32
      %gather3A_846 = arith.constant 0 : i32
      %gather3A_847 = tpu.memref_slice %arg16[%gather3A_843, %gather3A_844, %gather3A_845, %gather3A_846] : memref<2x8x16x128xf32, #tpu.memory_space<vmem>> -> memref<1x1x16x128xf32, #tpu.memory_space<vmem>>
      %gather3A_848 = tpu.memref_squeeze %gather3A_847 : memref<1x1x16x128xf32, #tpu.memory_space<vmem>> -> memref<16x128xf32, #tpu.memory_space<vmem>>
      %gather3A_849 = tpu.vector_load_idx %gather3A_848[%iota3A, %broadcast_in_dim3A_831] : memref<16x128xf32, #tpu.memory_space<vmem>>[vector<16xi32>, vector<16xi32>], vector<16xf32>,
      %gather3A_850 = arith.constant 0 : i32
      %gather3A_851 = arith.constant 2 : i32
      %gather3A_852 = arith.constant 0 : i32
      %gather3A_853 = arith.constant 0 : i32
      %gather3A_854 = tpu.memref_slice %arg17[%gather3A_850, %gather3A_851, %gather3A_852, %gather3A_853] : memref<2x8x16x128xf32, #tpu.memory_space<vmem>> -> memref<1x1x16x128xf32, #tpu.memory_space<vmem>>
      %gather3A_855 = tpu.memref_squeeze %gather3A_854 : memref<1x1x16x128xf32, #tpu.memory_space<vmem>> -> memref<16x128xf32, #tpu.memory_space<vmem>>
      %gather3A_856 = tpu.vector_load_idx %gather3A_855[%iota3A, %broadcast_in_dim3A_836] : memref<16x128xf32, #tpu.memory_space<vmem>>[vector<16xi32>, vector<16xi32>], vector<16xf32>,
      tpu.vector_store_idx %arg18[%iota3A, %add3A_842], %gather3A_849 : memref<16x512xf32, #tpu.memory_space<vmem>>[vector<16xi32>, vector<16xi32>], vector<16xf32>,
      tpu.vector_store_idx %arg19[%iota3A, %add3A_842], %gather3A_856 : memref<16x512xf32, #tpu.memory_space<vmem>>[vector<16xi32>, vector<16xi32>], vector<16xf32>,
      %slice3A_857 = vector.extract_strided_slice %get3A_765 {offsets = [3], sizes = [1], strides = [1]} : vector<16xi32> to vector<1xi32>
      %squeeze3A_858 = vector.extract %slice3A_857[0] : i32 from vector<1xi32>
      %and3A_859 = arith.constant 127 : i32
      %and3A_860 = arith.andi %squeeze3A_858, %and3A_859 : i32
      %broadcast_in_dim3A_861 = vector.broadcast %and3A_860 : i32 to vector<16xi32>
      %slice3A_862 = vector.extract_strided_slice %get3A_769 {offsets = [3], sizes = [1], strides = [1]} : vector<16xi32> to vector<1xi32>
      %squeeze3A_863 = vector.extract %slice3A_862[0] : i32 from vector<1xi32>
      %and3A_864 = arith.constant 127 : i32
      %and3A_865 = arith.andi %squeeze3A_863, %and3A_864 : i32
      %broadcast_in_dim3A_866 = vector.broadcast %and3A_865 : i32 to vector<16xi32>
      %add3A_867 = arith.constant 3 : i32
      %add3A_868 = arith.addi %add3A_761, %add3A_867 : i32
      %broadcast_in_dim3A_869 = arith.constant 0 : i32
      %broadcast_in_dim3A_870 = vector.broadcast %broadcast_in_dim3A_869 : i32 to vector<16xi32>
      %add3A_871 = vector.broadcast %add3A_868 : i32 to vector<16xi32>
      %add3A_872 = arith.addi %add3A_871, %broadcast_in_dim3A_870 : vector<16xi32>
      %gather3A_873 = arith.constant 0 : i32
      %gather3A_874 = arith.constant 3 : i32
      %gather3A_875 = arith.constant 0 : i32
      %gather3A_876 = arith.constant 0 : i32
      %gather3A_877 = tpu.memref_slice %arg16[%gather3A_873, %gather3A_874, %gather3A_875, %gather3A_876] : memref<2x8x16x128xf32, #tpu.memory_space<vmem>> -> memref<1x1x16x128xf32, #tpu.memory_space<vmem>>
      %gather3A_878 = tpu.memref_squeeze %gather3A_877 : memref<1x1x16x128xf32, #tpu.memory_space<vmem>> -> memref<16x128xf32, #tpu.memory_space<vmem>>
      %gather3A_879 = tpu.vector_load_idx %gather3A_878[%iota3A, %broadcast_in_dim3A_861] : memref<16x128xf32, #tpu.memory_space<vmem>>[vector<16xi32>, vector<16xi32>], vector<16xf32>,
      %gather3A_880 = arith.constant 0 : i32
      %gather3A_881 = arith.constant 3 : i32
      %gather3A_882 = arith.constant 0 : i32
      %gather3A_883 = arith.constant 0 : i32
      %gather3A_884 = tpu.memref_slice %arg17[%gather3A_880, %gather3A_881, %gather3A_882, %gather3A_883] : memref<2x8x16x128xf32, #tpu.memory_space<vmem>> -> memref<1x1x16x128xf32, #tpu.memory_space<vmem>>
      %gather3A_885 = tpu.memref_squeeze %gather3A_884 : memref<1x1x16x128xf32, #tpu.memory_space<vmem>> -> memref<16x128xf32, #tpu.memory_space<vmem>>
      %gather3A_886 = tpu.vector_load_idx %gather3A_885[%iota3A, %broadcast_in_dim3A_866] : memref<16x128xf32, #tpu.memory_space<vmem>>[vector<16xi32>, vector<16xi32>], vector<16xf32>,
      tpu.vector_store_idx %arg18[%iota3A, %add3A_872], %gather3A_879 : memref<16x512xf32, #tpu.memory_space<vmem>>[vector<16xi32>, vector<16xi32>], vector<16xf32>,
      tpu.vector_store_idx %arg19[%iota3A, %add3A_872], %gather3A_886 : memref<16x512xf32, #tpu.memory_space<vmem>>[vector<16xi32>, vector<16xi32>], vector<16xf32>,
      %slice3A_887 = vector.extract_strided_slice %get3A_765 {offsets = [4], sizes = [1], strides = [1]} : vector<16xi32> to vector<1xi32>
      %squeeze3A_888 = vector.extract %slice3A_887[0] : i32 from vector<1xi32>
      %and3A_889 = arith.constant 127 : i32
      %and3A_890 = arith.andi %squeeze3A_888, %and3A_889 : i32
      %broadcast_in_dim3A_891 = vector.broadcast %and3A_890 : i32 to vector<16xi32>
      %slice3A_892 = vector.extract_strided_slice %get3A_769 {offsets = [4], sizes = [1], strides = [1]} : vector<16xi32> to vector<1xi32>
      %squeeze3A_893 = vector.extract %slice3A_892[0] : i32 from vector<1xi32>
      %and3A_894 = arith.constant 127 : i32
      %and3A_895 = arith.andi %squeeze3A_893, %and3A_894 : i32
      %broadcast_in_dim3A_896 = vector.broadcast %and3A_895 : i32 to vector<16xi32>
      %add3A_897 = arith.constant 4 : i32
      %add3A_898 = arith.addi %add3A_761, %add3A_897 : i32
      %broadcast_in_dim3A_899 = arith.constant 0 : i32
      %broadcast_in_dim3A_900 = vector.broadcast %broadcast_in_dim3A_899 : i32 to vector<16xi32>
      %add3A_901 = vector.broadcast %add3A_898 : i32 to vector<16xi32>
      %add3A_902 = arith.addi %add3A_901, %broadcast_in_dim3A_900 : vector<16xi32>
      %gather3A_903 = arith.constant 0 : i32
      %gather3A_904 = arith.constant 4 : i32
      %gather3A_905 = arith.constant 0 : i32
      %gather3A_906 = arith.constant 0 : i32
      %gather3A_907 = tpu.memref_slice %arg16[%gather3A_903, %gather3A_904, %gather3A_905, %gather3A_906] : memref<2x8x16x128xf32, #tpu.memory_space<vmem>> -> memref<1x1x16x128xf32, #tpu.memory_space<vmem>>
      %gather3A_908 = tpu.memref_squeeze %gather3A_907 : memref<1x1x16x128xf32, #tpu.memory_space<vmem>> -> memref<16x128xf32, #tpu.memory_space<vmem>>
      %gather3A_909 = tpu.vector_load_idx %gather3A_908[%iota3A, %broadcast_in_dim3A_891] : memref<16x128xf32, #tpu.memory_space<vmem>>[vector<16xi32>, vector<16xi32>], vector<16xf32>,
      %gather3A_910 = arith.constant 0 : i32
      %gather3A_911 = arith.constant 4 : i32
      %gather3A_912 = arith.constant 0 : i32
      %gather3A_913 = arith.constant 0 : i32
      %gather3A_914 = tpu.memref_slice %arg17[%gather3A_910, %gather3A_911, %gather3A_912, %gather3A_913] : memref<2x8x16x128xf32, #tpu.memory_space<vmem>> -> memref<1x1x16x128xf32, #tpu.memory_space<vmem>>
      %gather3A_915 = tpu.memref_squeeze %gather3A_914 : memref<1x1x16x128xf32, #tpu.memory_space<vmem>> -> memref<16x128xf32, #tpu.memory_space<vmem>>
      %gather3A_916 = tpu.vector_load_idx %gather3A_915[%iota3A, %broadcast_in_dim3A_896] : memref<16x128xf32, #tpu.memory_space<vmem>>[vector<16xi32>, vector<16xi32>], vector<16xf32>,
      tpu.vector_store_idx %arg18[%iota3A, %add3A_902], %gather3A_909 : memref<16x512xf32, #tpu.memory_space<vmem>>[vector<16xi32>, vector<16xi32>], vector<16xf32>,
      tpu.vector_store_idx %arg19[%iota3A, %add3A_902], %gather3A_916 : memref<16x512xf32, #tpu.memory_space<vmem>>[vector<16xi32>, vector<16xi32>], vector<16xf32>,
      %slice3A_917 = vector.extract_strided_slice %get3A_765 {offsets = [5], sizes = [1], strides = [1]} : vector<16xi32> to vector<1xi32>
      %squeeze3A_918 = vector.extract %slice3A_917[0] : i32 from vector<1xi32>
      %and3A_919 = arith.constant 127 : i32
      %and3A_920 = arith.andi %squeeze3A_918, %and3A_919 : i32
      %broadcast_in_dim3A_921 = vector.broadcast %and3A_920 : i32 to vector<16xi32>
      %slice3A_922 = vector.extract_strided_slice %get3A_769 {offsets = [5], sizes = [1], strides = [1]} : vector<16xi32> to vector<1xi32>
      %squeeze3A_923 = vector.extract %slice3A_922[0] : i32 from vector<1xi32>
      %and3A_924 = arith.constant 127 : i32
      %and3A_925 = arith.andi %squeeze3A_923, %and3A_924 : i32
      %broadcast_in_dim3A_926 = vector.broadcast %and3A_925 : i32 to vector<16xi32>
      %add3A_927 = arith.constant 5 : i32
      %add3A_928 = arith.addi %add3A_761, %add3A_927 : i32
      %broadcast_in_dim3A_929 = arith.constant 0 : i32
      %broadcast_in_dim3A_930 = vector.broadcast %broadcast_in_dim3A_929 : i32 to vector<16xi32>
      %add3A_931 = vector.broadcast %add3A_928 : i32 to vector<16xi32>
      %add3A_932 = arith.addi %add3A_931, %broadcast_in_dim3A_930 : vector<16xi32>
      %gather3A_933 = arith.constant 0 : i32
      %gather3A_934 = arith.constant 5 : i32
      %gather3A_935 = arith.constant 0 : i32
      %gather3A_936 = arith.constant 0 : i32
      %gather3A_937 = tpu.memref_slice %arg16[%gather3A_933, %gather3A_934, %gather3A_935, %gather3A_936] : memref<2x8x16x128xf32, #tpu.memory_space<vmem>> -> memref<1x1x16x128xf32, #tpu.memory_space<vmem>>
      %gather3A_938 = tpu.memref_squeeze %gather3A_937 : memref<1x1x16x128xf32, #tpu.memory_space<vmem>> -> memref<16x128xf32, #tpu.memory_space<vmem>>
      %gather3A_939 = tpu.vector_load_idx %gather3A_938[%iota3A, %broadcast_in_dim3A_921] : memref<16x128xf32, #tpu.memory_space<vmem>>[vector<16xi32>, vector<16xi32>], vector<16xf32>,
      %gather3A_940 = arith.constant 0 : i32
      %gather3A_941 = arith.constant 5 : i32
      %gather3A_942 = arith.constant 0 : i32
      %gather3A_943 = arith.constant 0 : i32
      %gather3A_944 = tpu.memref_slice %arg17[%gather3A_940, %gather3A_941, %gather3A_942, %gather3A_943] : memref<2x8x16x128xf32, #tpu.memory_space<vmem>> -> memref<1x1x16x128xf32, #tpu.memory_space<vmem>>
      %gather3A_945 = tpu.memref_squeeze %gather3A_944 : memref<1x1x16x128xf32, #tpu.memory_space<vmem>> -> memref<16x128xf32, #tpu.memory_space<vmem>>
      %gather3A_946 = tpu.vector_load_idx %gather3A_945[%iota3A, %broadcast_in_dim3A_926] : memref<16x128xf32, #tpu.memory_space<vmem>>[vector<16xi32>, vector<16xi32>], vector<16xf32>,
      tpu.vector_store_idx %arg18[%iota3A, %add3A_932], %gather3A_939 : memref<16x512xf32, #tpu.memory_space<vmem>>[vector<16xi32>, vector<16xi32>], vector<16xf32>,
      tpu.vector_store_idx %arg19[%iota3A, %add3A_932], %gather3A_946 : memref<16x512xf32, #tpu.memory_space<vmem>>[vector<16xi32>, vector<16xi32>], vector<16xf32>,
      %slice3A_947 = vector.extract_strided_slice %get3A_765 {offsets = [6], sizes = [1], strides = [1]} : vector<16xi32> to vector<1xi32>
      %squeeze3A_948 = vector.extract %slice3A_947[0] : i32 from vector<1xi32>
      %and3A_949 = arith.constant 127 : i32
      %and3A_950 = arith.andi %squeeze3A_948, %and3A_949 : i32
      %broadcast_in_dim3A_951 = vector.broadcast %and3A_950 : i32 to vector<16xi32>
      %slice3A_952 = vector.extract_strided_slice %get3A_769 {offsets = [6], sizes = [1], strides = [1]} : vector<16xi32> to vector<1xi32>
      %squeeze3A_953 = vector.extract %slice3A_952[0] : i32 from vector<1xi32>
      %and3A_954 = arith.constant 127 : i32
      %and3A_955 = arith.andi %squeeze3A_953, %and3A_954 : i32
      %broadcast_in_dim3A_956 = vector.broadcast %and3A_955 : i32 to vector<16xi32>
      %add3A_957 = arith.constant 6 : i32
      %add3A_958 = arith.addi %add3A_761, %add3A_957 : i32
      %broadcast_in_dim3A_959 = arith.constant 0 : i32
      %broadcast_in_dim3A_960 = vector.broadcast %broadcast_in_dim3A_959 : i32 to vector<16xi32>
      %add3A_961 = vector.broadcast %add3A_958 : i32 to vector<16xi32>
      %add3A_962 = arith.addi %add3A_961, %broadcast_in_dim3A_960 : vector<16xi32>
      %gather3A_963 = arith.constant 0 : i32
      %gather3A_964 = arith.constant 6 : i32
      %gather3A_965 = arith.constant 0 : i32
      %gather3A_966 = arith.constant 0 : i32
      %gather3A_967 = tpu.memref_slice %arg16[%gather3A_963, %gather3A_964, %gather3A_965, %gather3A_966] : memref<2x8x16x128xf32, #tpu.memory_space<vmem>> -> memref<1x1x16x128xf32, #tpu.memory_space<vmem>>
      %gather3A_968 = tpu.memref_squeeze %gather3A_967 : memref<1x1x16x128xf32, #tpu.memory_space<vmem>> -> memref<16x128xf32, #tpu.memory_space<vmem>>
      %gather3A_969 = tpu.vector_load_idx %gather3A_968[%iota3A, %broadcast_in_dim3A_951] : memref<16x128xf32, #tpu.memory_space<vmem>>[vector<16xi32>, vector<16xi32>], vector<16xf32>,
      %gather3A_970 = arith.constant 0 : i32
      %gather3A_971 = arith.constant 6 : i32
      %gather3A_972 = arith.constant 0 : i32
      %gather3A_973 = arith.constant 0 : i32
      %gather3A_974 = tpu.memref_slice %arg17[%gather3A_970, %gather3A_971, %gather3A_972, %gather3A_973] : memref<2x8x16x128xf32, #tpu.memory_space<vmem>> -> memref<1x1x16x128xf32, #tpu.memory_space<vmem>>
      %gather3A_975 = tpu.memref_squeeze %gather3A_974 : memref<1x1x16x128xf32, #tpu.memory_space<vmem>> -> memref<16x128xf32, #tpu.memory_space<vmem>>
      %gather3A_976 = tpu.vector_load_idx %gather3A_975[%iota3A, %broadcast_in_dim3A_956] : memref<16x128xf32, #tpu.memory_space<vmem>>[vector<16xi32>, vector<16xi32>], vector<16xf32>,
      tpu.vector_store_idx %arg18[%iota3A, %add3A_962], %gather3A_969 : memref<16x512xf32, #tpu.memory_space<vmem>>[vector<16xi32>, vector<16xi32>], vector<16xf32>,
      tpu.vector_store_idx %arg19[%iota3A, %add3A_962], %gather3A_976 : memref<16x512xf32, #tpu.memory_space<vmem>>[vector<16xi32>, vector<16xi32>], vector<16xf32>,
      %slice3A_977 = vector.extract_strided_slice %get3A_765 {offsets = [7], sizes = [1], strides = [1]} : vector<16xi32> to vector<1xi32>
      %squeeze3A_978 = vector.extract %slice3A_977[0] : i32 from vector<1xi32>
      %and3A_979 = arith.constant 127 : i32
      %and3A_980 = arith.andi %squeeze3A_978, %and3A_979 : i32
      %broadcast_in_dim3A_981 = vector.broadcast %and3A_980 : i32 to vector<16xi32>
      %slice3A_982 = vector.extract_strided_slice %get3A_769 {offsets = [7], sizes = [1], strides = [1]} : vector<16xi32> to vector<1xi32>
      %squeeze3A_983 = vector.extract %slice3A_982[0] : i32 from vector<1xi32>
      %and3A_984 = arith.constant 127 : i32
      %and3A_985 = arith.andi %squeeze3A_983, %and3A_984 : i32
      %broadcast_in_dim3A_986 = vector.broadcast %and3A_985 : i32 to vector<16xi32>
      %add3A_987 = arith.constant 7 : i32
      %add3A_988 = arith.addi %add3A_761, %add3A_987 : i32
      %broadcast_in_dim3A_989 = arith.constant 0 : i32
      %broadcast_in_dim3A_990 = vector.broadcast %broadcast_in_dim3A_989 : i32 to vector<16xi32>
      %add3A_991 = vector.broadcast %add3A_988 : i32 to vector<16xi32>
      %add3A_992 = arith.addi %add3A_991, %broadcast_in_dim3A_990 : vector<16xi32>
      %gather3A_993 = arith.constant 0 : i32
      %gather3A_994 = arith.constant 7 : i32
      %gather3A_995 = arith.constant 0 : i32
      %gather3A_996 = arith.constant 0 : i32
      %gather3A_997 = tpu.memref_slice %arg16[%gather3A_993, %gather3A_994, %gather3A_995, %gather3A_996] : memref<2x8x16x128xf32, #tpu.memory_space<vmem>> -> memref<1x1x16x128xf32, #tpu.memory_space<vmem>>
      %gather3A_998 = tpu.memref_squeeze %gather3A_997 : memref<1x1x16x128xf32, #tpu.memory_space<vmem>> -> memref<16x128xf32, #tpu.memory_space<vmem>>
      %gather3A_999 = tpu.vector_load_idx %gather3A_998[%iota3A, %broadcast_in_dim3A_981] : memref<16x128xf32, #tpu.memory_space<vmem>>[vector<16xi32>, vector<16xi32>], vector<16xf32>,
      %gather3A_1000 = arith.constant 0 : i32
      %gather3A_1001 = arith.constant 7 : i32
      %gather3A_1002 = arith.constant 0 : i32
      %gather3A_1003 = arith.constant 0 : i32
      %gather3A_1004 = tpu.memref_slice %arg17[%gather3A_1000, %gather3A_1001, %gather3A_1002, %gather3A_1003] : memref<2x8x16x128xf32, #tpu.memory_space<vmem>> -> memref<1x1x16x128xf32, #tpu.memory_space<vmem>>
      %gather3A_1005 = tpu.memref_squeeze %gather3A_1004 : memref<1x1x16x128xf32, #tpu.memory_space<vmem>> -> memref<16x128xf32, #tpu.memory_space<vmem>>
      %gather3A_1006 = tpu.vector_load_idx %gather3A_1005[%iota3A, %broadcast_in_dim3A_986] : memref<16x128xf32, #tpu.memory_space<vmem>>[vector<16xi32>, vector<16xi32>], vector<16xf32>,
      tpu.vector_store_idx %arg18[%iota3A, %add3A_992], %gather3A_999 : memref<16x512xf32, #tpu.memory_space<vmem>>[vector<16xi32>, vector<16xi32>], vector<16xf32>,
      tpu.vector_store_idx %arg19[%iota3A, %add3A_992], %gather3A_1006 : memref<16x512xf32, #tpu.memory_space<vmem>>[vector<16xi32>, vector<16xi32>], vector<16xf32>,
      %add3A_1007 = arith.constant 1 : i32
      %add3A_1008 = arith.addi %scan3A_732, %add3A_1007 : i32
      %lt3A = arith.constant 32 : i32
      %lt3A_1009 = arith.cmpi slt, %add3A_1008, %lt3A : i32
      %convert_element_type3A_1010 = arith.extui %lt3A_1009 : i1 to i32
      %cond3A_1011 = arith.constant 0 : i32
      %cond3A_1012 = arith.cmpi ne, %convert_element_type3A_1010, %cond3A_1011 : i32
      scf.if %cond3A_1012 {
        %add3A_1297 = arith.constant 1 : i32
        %add3A_1298 = arith.addi %scan3A_732, %add3A_1297 : i32
        %mul3A_1299 = arith.constant 16 : i32
        %mul3A_1300 = arith.muli %add3A_1298, %mul3A_1299 : i32
        %get3A_1301 = arith.index_cast %mul3A_1300 : i32 to index
        %get3A_1302 = tpu.vector_load %arg13[%get3A_1301] {strides = array<i32>} : memref<512xi32, #tpu.memory_space<vmem>>, vector<16xi32>,
        %mul3A_1303 = arith.constant 16 : i32
        %mul3A_1304 = arith.muli %add3A_1298, %mul3A_1303 : i32
        %get3A_1305 = arith.index_cast %mul3A_1304 : i32 to index
        %get3A_1306 = tpu.vector_load %arg14[%get3A_1305] {strides = array<i32>} : memref<512xi32, #tpu.memory_space<vmem>>, vector<16xi32>,
        %slice3A_1307 = vector.extract_strided_slice %get3A_1302 {offsets = [0], sizes = [1], strides = [1]} : vector<16xi32> to vector<1xi32>
        %squeeze3A_1308 = vector.extract %slice3A_1307[0] : i32 from vector<1xi32>
        %shift_right_arithmetic3A_1309 = arith.constant 7 : i32
        %shift_right_arithmetic3A_1310 = arith.shrsi %squeeze3A_1308, %shift_right_arithmetic3A_1309 : i32
        %mul3A_1311 = arith.constant 128 : i32
        %mul3A_1312 = arith.muli %shift_right_arithmetic3A_1310, %mul3A_1311 : i32
        %multiple_of3A_1313 = tpu.assume_multiple %mul3A_1312, 128 : i32
        %slice3A_1314 = vector.extract_strided_slice %get3A_1306 {offsets = [0], sizes = [1], strides = [1]} : vector<16xi32> to vector<1xi32>
        %squeeze3A_1315 = vector.extract %slice3A_1314[0] : i32 from vector<1xi32>
        %shift_right_arithmetic3A_1316 = arith.constant 7 : i32
        %shift_right_arithmetic3A_1317 = arith.shrsi %squeeze3A_1315, %shift_right_arithmetic3A_1316 : i32
        %mul3A_1318 = arith.constant 128 : i32
        %mul3A_1319 = arith.muli %shift_right_arithmetic3A_1317, %mul3A_1318 : i32
        %multiple_of3A_1320 = tpu.assume_multiple %mul3A_1319, 128 : i32
        %dma_start3A_1321 = arith.constant 0 : i32
        %dma_start3A_1322 = arith.constant 0 : i32
        %dma_start3A_1323 = arith.constant 0 : i32
        %dma_start3A_1324 = arith.constant 0 : i32
        %dma_start3A_1325 = tpu.memref_slice %arg16[%dma_start3A_1321, %dma_start3A_1322, %dma_start3A_1323, %dma_start3A_1324] : memref<2x8x16x128xf32, #tpu.memory_space<vmem>> -> memref<1x1x16x128xf32, #tpu.memory_space<vmem>>
        %dma_start3A_1326 = tpu.memref_squeeze %dma_start3A_1325 : memref<1x1x16x128xf32, #tpu.memory_space<vmem>> -> memref<16x128xf32, #tpu.memory_space<vmem>>
        %dma_start3A_1327 = arith.constant 0 : i32
        %dma_start3A_1328 = tpu.memref_slice %arg4[%dma_start3A_1327, %multiple_of3A_1313] : memref<16x1000000xf32, #tpu.memory_space<hbm>> -> memref<16x128xf32, #tpu.memory_space<hbm>>
        %dma_start3A_1329 = arith.constant 0 : i32
        %dma_start3A_1330 = arith.constant 0 : i32
        %dma_start3A_1331 = tpu.memref_slice %arg16[%dma_start3A_1321, %dma_start3A_1322, %dma_start3A_1329, %dma_start3A_1330] : memref<2x8x16x128xf32, #tpu.memory_space<vmem>> -> memref<1x1x16x128xf32, #tpu.memory_space<vmem>>
        %dma_start3A_1332 = tpu.memref_squeeze %dma_start3A_1331 : memref<1x1x16x128xf32, #tpu.memory_space<vmem>> -> memref<16x128xf32, #tpu.memory_space<vmem>>
        %dma_start3A_1333 = arith.constant 0 : i32
        %dma_start3A_1334 = tpu.memref_slice %arg4[%dma_start3A_1333, %multiple_of3A_1313] : memref<16x1000000xf32, #tpu.memory_space<hbm>> -> memref<16x128xf32, #tpu.memory_space<hbm>>
        tpu.enqueue_dma source(%dma_start3A_1334 : memref<16x128xf32, #tpu.memory_space<hbm>>) target(%dma_start3A_1332 : memref<16x128xf32, #tpu.memory_space<vmem>>) target_semaphore(%arg25 : memref<!tpu.dma_semaphore, #tpu.memory_space<semaphore_mem>>)
        %dma_start3A_1335 = arith.constant 0 : i32
        %dma_start3A_1336 = arith.constant 0 : i32
        %dma_start3A_1337 = arith.constant 0 : i32
        %dma_start3A_1338 = arith.constant 0 : i32
        %dma_start3A_1339 = tpu.memref_slice %arg17[%dma_start3A_1335, %dma_start3A_1336, %dma_start3A_1337, %dma_start3A_1338] : memref<2x8x16x128xf32, #tpu.memory_space<vmem>> -> memref<1x1x16x128xf32, #tpu.memory_space<vmem>>
        %dma_start3A_1340 = tpu.memref_squeeze %dma_start3A_1339 : memref<1x1x16x128xf32, #tpu.memory_space<vmem>> -> memref<16x128xf32, #tpu.memory_space<vmem>>
        %dma_start3A_1341 = arith.constant 0 : i32
        %dma_start3A_1342 = tpu.memref_slice %arg5[%dma_start3A_1341, %multiple_of3A_1320] : memref<16x1000000xf32, #tpu.memory_space<hbm>> -> memref<16x128xf32, #tpu.memory_space<hbm>>
        %dma_start3A_1343 = arith.constant 0 : i32
        %dma_start3A_1344 = arith.constant 0 : i32
        %dma_start3A_1345 = tpu.memref_slice %arg17[%dma_start3A_1335, %dma_start3A_1336, %dma_start3A_1343, %dma_start3A_1344] : memref<2x8x16x128xf32, #tpu.memory_space<vmem>> -> memref<1x1x16x128xf32, #tpu.memory_space<vmem>>
        %dma_start3A_1346 = tpu.memref_squeeze %dma_start3A_1345 : memref<1x1x16x128xf32, #tpu.memory_space<vmem>> -> memref<16x128xf32, #tpu.memory_space<vmem>>
        %dma_start3A_1347 = arith.constant 0 : i32
        %dma_start3A_1348 = tpu.memref_slice %arg5[%dma_start3A_1347, %multiple_of3A_1320] : memref<16x1000000xf32, #tpu.memory_space<hbm>> -> memref<16x128xf32, #tpu.memory_space<hbm>>
        tpu.enqueue_dma source(%dma_start3A_1348 : memref<16x128xf32, #tpu.memory_space<hbm>>) target(%dma_start3A_1346 : memref<16x128xf32, #tpu.memory_space<vmem>>) target_semaphore(%arg25 : memref<!tpu.dma_semaphore, #tpu.memory_space<semaphore_mem>>)
        %slice3A_1349 = vector.extract_strided_slice %get3A_1302 {offsets = [1], sizes = [1], strides = [1]} : vector<16xi32> to vector<1xi32>
        %squeeze3A_1350 = vector.extract %slice3A_1349[0] : i32 from vector<1xi32>
        %shift_right_arithmetic3A_1351 = arith.constant 7 : i32
        %shift_right_arithmetic3A_1352 = arith.shrsi %squeeze3A_1350, %shift_right_arithmetic3A_1351 : i32
        %mul3A_1353 = arith.constant 128 : i32
        %mul3A_1354 = arith.muli %shift_right_arithmetic3A_1352, %mul3A_1353 : i32
        %multiple_of3A_1355 = tpu.assume_multiple %mul3A_1354, 128 : i32
        %slice3A_1356 = vector.extract_strided_slice %get3A_1306 {offsets = [1], sizes = [1], strides = [1]} : vector<16xi32> to vector<1xi32>
        %squeeze3A_1357 = vector.extract %slice3A_1356[0] : i32 from vector<1xi32>
        %shift_right_arithmetic3A_1358 = arith.constant 7 : i32
        %shift_right_arithmetic3A_1359 = arith.shrsi %squeeze3A_1357, %shift_right_arithmetic3A_1358 : i32
        %mul3A_1360 = arith.constant 128 : i32
        %mul3A_1361 = arith.muli %shift_right_arithmetic3A_1359, %mul3A_1360 : i32
        %multiple_of3A_1362 = tpu.assume_multiple %mul3A_1361, 128 : i32
        %dma_start3A_1363 = arith.constant 0 : i32
        %dma_start3A_1364 = arith.constant 1 : i32
        %dma_start3A_1365 = arith.constant 0 : i32
        %dma_start3A_1366 = arith.constant 0 : i32
        %dma_start3A_1367 = tpu.memref_slice %arg16[%dma_start3A_1363, %dma_start3A_1364, %dma_start3A_1365, %dma_start3A_1366] : memref<2x8x16x128xf32, #tpu.memory_space<vmem>> -> memref<1x1x16x128xf32, #tpu.memory_space<vmem>>
        %dma_start3A_1368 = tpu.memref_squeeze %dma_start3A_1367 : memref<1x1x16x128xf32, #tpu.memory_space<vmem>> -> memref<16x128xf32, #tpu.memory_space<vmem>>
        %dma_start3A_1369 = arith.constant 0 : i32
        %dma_start3A_1370 = tpu.memref_slice %arg4[%dma_start3A_1369, %multiple_of3A_1355] : memref<16x1000000xf32, #tpu.memory_space<hbm>> -> memref<16x128xf32, #tpu.memory_space<hbm>>
        %dma_start3A_1371 = arith.constant 0 : i32
        %dma_start3A_1372 = arith.constant 0 : i32
        %dma_start3A_1373 = tpu.memref_slice %arg16[%dma_start3A_1363, %dma_start3A_1364, %dma_start3A_1371, %dma_start3A_1372] : memref<2x8x16x128xf32, #tpu.memory_space<vmem>> -> memref<1x1x16x128xf32, #tpu.memory_space<vmem>>
        %dma_start3A_1374 = tpu.memref_squeeze %dma_start3A_1373 : memref<1x1x16x128xf32, #tpu.memory_space<vmem>> -> memref<16x128xf32, #tpu.memory_space<vmem>>
        %dma_start3A_1375 = arith.constant 0 : i32
        %dma_start3A_1376 = tpu.memref_slice %arg4[%dma_start3A_1375, %multiple_of3A_1355] : memref<16x1000000xf32, #tpu.memory_space<hbm>> -> memref<16x128xf32, #tpu.memory_space<hbm>>
        tpu.enqueue_dma source(%dma_start3A_1376 : memref<16x128xf32, #tpu.memory_space<hbm>>) target(%dma_start3A_1374 : memref<16x128xf32, #tpu.memory_space<vmem>>) target_semaphore(%arg25 : memref<!tpu.dma_semaphore, #tpu.memory_space<semaphore_mem>>)
        %dma_start3A_1377 = arith.constant 0 : i32
        %dma_start3A_1378 = arith.constant 1 : i32
        %dma_start3A_1379 = arith.constant 0 : i32
        %dma_start3A_1380 = arith.constant 0 : i32
        %dma_start3A_1381 = tpu.memref_slice %arg17[%dma_start3A_1377, %dma_start3A_1378, %dma_start3A_1379, %dma_start3A_1380] : memref<2x8x16x128xf32, #tpu.memory_space<vmem>> -> memref<1x1x16x128xf32, #tpu.memory_space<vmem>>
        %dma_start3A_1382 = tpu.memref_squeeze %dma_start3A_1381 : memref<1x1x16x128xf32, #tpu.memory_space<vmem>> -> memref<16x128xf32, #tpu.memory_space<vmem>>
        %dma_start3A_1383 = arith.constant 0 : i32
        %dma_start3A_1384 = tpu.memref_slice %arg5[%dma_start3A_1383, %multiple_of3A_1362] : memref<16x1000000xf32, #tpu.memory_space<hbm>> -> memref<16x128xf32, #tpu.memory_space<hbm>>
        %dma_start3A_1385 = arith.constant 0 : i32
        %dma_start3A_1386 = arith.constant 0 : i32
        %dma_start3A_1387 = tpu.memref_slice %arg17[%dma_start3A_1377, %dma_start3A_1378, %dma_start3A_1385, %dma_start3A_1386] : memref<2x8x16x128xf32, #tpu.memory_space<vmem>> -> memref<1x1x16x128xf32, #tpu.memory_space<vmem>>
        %dma_start3A_1388 = tpu.memref_squeeze %dma_start3A_1387 : memref<1x1x16x128xf32, #tpu.memory_space<vmem>> -> memref<16x128xf32, #tpu.memory_space<vmem>>
        %dma_start3A_1389 = arith.constant 0 : i32
        %dma_start3A_1390 = tpu.memref_slice %arg5[%dma_start3A_1389, %multiple_of3A_1362] : memref<16x1000000xf32, #tpu.memory_space<hbm>> -> memref<16x128xf32, #tpu.memory_space<hbm>>
        tpu.enqueue_dma source(%dma_start3A_1390 : memref<16x128xf32, #tpu.memory_space<hbm>>) target(%dma_start3A_1388 : memref<16x128xf32, #tpu.memory_space<vmem>>) target_semaphore(%arg25 : memref<!tpu.dma_semaphore, #tpu.memory_space<semaphore_mem>>)
        %slice3A_1391 = vector.extract_strided_slice %get3A_1302 {offsets = [2], sizes = [1], strides = [1]} : vector<16xi32> to vector<1xi32>
        %squeeze3A_1392 = vector.extract %slice3A_1391[0] : i32 from vector<1xi32>
        %shift_right_arithmetic3A_1393 = arith.constant 7 : i32
        %shift_right_arithmetic3A_1394 = arith.shrsi %squeeze3A_1392, %shift_right_arithmetic3A_1393 : i32
        %mul3A_1395 = arith.constant 128 : i32
        %mul3A_1396 = arith.muli %shift_right_arithmetic3A_1394, %mul3A_1395 : i32
        %multiple_of3A_1397 = tpu.assume_multiple %mul3A_1396, 128 : i32
        %slice3A_1398 = vector.extract_strided_slice %get3A_1306 {offsets = [2], sizes = [1], strides = [1]} : vector<16xi32> to vector<1xi32>
        %squeeze3A_1399 = vector.extract %slice3A_1398[0] : i32 from vector<1xi32>
        %shift_right_arithmetic3A_1400 = arith.constant 7 : i32
        %shift_right_arithmetic3A_1401 = arith.shrsi %squeeze3A_1399, %shift_right_arithmetic3A_1400 : i32
        %mul3A_1402 = arith.constant 128 : i32
        %mul3A_1403 = arith.muli %shift_right_arithmetic3A_1401, %mul3A_1402 : i32
        %multiple_of3A_1404 = tpu.assume_multiple %mul3A_1403, 128 : i32
        %dma_start3A_1405 = arith.constant 0 : i32
        %dma_start3A_1406 = arith.constant 2 : i32
        %dma_start3A_1407 = arith.constant 0 : i32
        %dma_start3A_1408 = arith.constant 0 : i32
        %dma_start3A_1409 = tpu.memref_slice %arg16[%dma_start3A_1405, %dma_start3A_1406, %dma_start3A_1407, %dma_start3A_1408] : memref<2x8x16x128xf32, #tpu.memory_space<vmem>> -> memref<1x1x16x128xf32, #tpu.memory_space<vmem>>
        %dma_start3A_1410 = tpu.memref_squeeze %dma_start3A_1409 : memref<1x1x16x128xf32, #tpu.memory_space<vmem>> -> memref<16x128xf32, #tpu.memory_space<vmem>>
        %dma_start3A_1411 = arith.constant 0 : i32
        %dma_start3A_1412 = tpu.memref_slice %arg4[%dma_start3A_1411, %multiple_of3A_1397] : memref<16x1000000xf32, #tpu.memory_space<hbm>> -> memref<16x128xf32, #tpu.memory_space<hbm>>
        %dma_start3A_1413 = arith.constant 0 : i32
        %dma_start3A_1414 = arith.constant 0 : i32
        %dma_start3A_1415 = tpu.memref_slice %arg16[%dma_start3A_1405, %dma_start3A_1406, %dma_start3A_1413, %dma_start3A_1414] : memref<2x8x16x128xf32, #tpu.memory_space<vmem>> -> memref<1x1x16x128xf32, #tpu.memory_space<vmem>>
        %dma_start3A_1416 = tpu.memref_squeeze %dma_start3A_1415 : memref<1x1x16x128xf32, #tpu.memory_space<vmem>> -> memref<16x128xf32, #tpu.memory_space<vmem>>
        %dma_start3A_1417 = arith.constant 0 : i32
        %dma_start3A_1418 = tpu.memref_slice %arg4[%dma_start3A_1417, %multiple_of3A_1397] : memref<16x1000000xf32, #tpu.memory_space<hbm>> -> memref<16x128xf32, #tpu.memory_space<hbm>>
        tpu.enqueue_dma source(%dma_start3A_1418 : memref<16x128xf32, #tpu.memory_space<hbm>>) target(%dma_start3A_1416 : memref<16x128xf32, #tpu.memory_space<vmem>>) target_semaphore(%arg25 : memref<!tpu.dma_semaphore, #tpu.memory_space<semaphore_mem>>)
        %dma_start3A_1419 = arith.constant 0 : i32
        %dma_start3A_1420 = arith.constant 2 : i32
        %dma_start3A_1421 = arith.constant 0 : i32
        %dma_start3A_1422 = arith.constant 0 : i32
        %dma_start3A_1423 = tpu.memref_slice %arg17[%dma_start3A_1419, %dma_start3A_1420, %dma_start3A_1421, %dma_start3A_1422] : memref<2x8x16x128xf32, #tpu.memory_space<vmem>> -> memref<1x1x16x128xf32, #tpu.memory_space<vmem>>
        %dma_start3A_1424 = tpu.memref_squeeze %dma_start3A_1423 : memref<1x1x16x128xf32, #tpu.memory_space<vmem>> -> memref<16x128xf32, #tpu.memory_space<vmem>>
        %dma_start3A_1425 = arith.constant 0 : i32
        %dma_start3A_1426 = tpu.memref_slice %arg5[%dma_start3A_1425, %multiple_of3A_1404] : memref<16x1000000xf32, #tpu.memory_space<hbm>> -> memref<16x128xf32, #tpu.memory_space<hbm>>
        %dma_start3A_1427 = arith.constant 0 : i32
        %dma_start3A_1428 = arith.constant 0 : i32
        %dma_start3A_1429 = tpu.memref_slice %arg17[%dma_start3A_1419, %dma_start3A_1420, %dma_start3A_1427, %dma_start3A_1428] : memref<2x8x16x128xf32, #tpu.memory_space<vmem>> -> memref<1x1x16x128xf32, #tpu.memory_space<vmem>>
        %dma_start3A_1430 = tpu.memref_squeeze %dma_start3A_1429 : memref<1x1x16x128xf32, #tpu.memory_space<vmem>> -> memref<16x128xf32, #tpu.memory_space<vmem>>
        %dma_start3A_1431 = arith.constant 0 : i32
        %dma_start3A_1432 = tpu.memref_slice %arg5[%dma_start3A_1431, %multiple_of3A_1404] : memref<16x1000000xf32, #tpu.memory_space<hbm>> -> memref<16x128xf32, #tpu.memory_space<hbm>>
        tpu.enqueue_dma source(%dma_start3A_1432 : memref<16x128xf32, #tpu.memory_space<hbm>>) target(%dma_start3A_1430 : memref<16x128xf32, #tpu.memory_space<vmem>>) target_semaphore(%arg25 : memref<!tpu.dma_semaphore, #tpu.memory_space<semaphore_mem>>)
        %slice3A_1433 = vector.extract_strided_slice %get3A_1302 {offsets = [3], sizes = [1], strides = [1]} : vector<16xi32> to vector<1xi32>
        %squeeze3A_1434 = vector.extract %slice3A_1433[0] : i32 from vector<1xi32>
        %shift_right_arithmetic3A_1435 = arith.constant 7 : i32
        %shift_right_arithmetic3A_1436 = arith.shrsi %squeeze3A_1434, %shift_right_arithmetic3A_1435 : i32
        %mul3A_1437 = arith.constant 128 : i32
        %mul3A_1438 = arith.muli %shift_right_arithmetic3A_1436, %mul3A_1437 : i32
        %multiple_of3A_1439 = tpu.assume_multiple %mul3A_1438, 128 : i32
        %slice3A_1440 = vector.extract_strided_slice %get3A_1306 {offsets = [3], sizes = [1], strides = [1]} : vector<16xi32> to vector<1xi32>
        %squeeze3A_1441 = vector.extract %slice3A_1440[0] : i32 from vector<1xi32>
        %shift_right_arithmetic3A_1442 = arith.constant 7 : i32
        %shift_right_arithmetic3A_1443 = arith.shrsi %squeeze3A_1441, %shift_right_arithmetic3A_1442 : i32
        %mul3A_1444 = arith.constant 128 : i32
        %mul3A_1445 = arith.muli %shift_right_arithmetic3A_1443, %mul3A_1444 : i32
        %multiple_of3A_1446 = tpu.assume_multiple %mul3A_1445, 128 : i32
        %dma_start3A_1447 = arith.constant 0 : i32
        %dma_start3A_1448 = arith.constant 3 : i32
        %dma_start3A_1449 = arith.constant 0 : i32
        %dma_start3A_1450 = arith.constant 0 : i32
        %dma_start3A_1451 = tpu.memref_slice %arg16[%dma_start3A_1447, %dma_start3A_1448, %dma_start3A_1449, %dma_start3A_1450] : memref<2x8x16x128xf32, #tpu.memory_space<vmem>> -> memref<1x1x16x128xf32, #tpu.memory_space<vmem>>
        %dma_start3A_1452 = tpu.memref_squeeze %dma_start3A_1451 : memref<1x1x16x128xf32, #tpu.memory_space<vmem>> -> memref<16x128xf32, #tpu.memory_space<vmem>>
        %dma_start3A_1453 = arith.constant 0 : i32
        %dma_start3A_1454 = tpu.memref_slice %arg4[%dma_start3A_1453, %multiple_of3A_1439] : memref<16x1000000xf32, #tpu.memory_space<hbm>> -> memref<16x128xf32, #tpu.memory_space<hbm>>
        %dma_start3A_1455 = arith.constant 0 : i32
        %dma_start3A_1456 = arith.constant 0 : i32
        %dma_start3A_1457 = tpu.memref_slice %arg16[%dma_start3A_1447, %dma_start3A_1448, %dma_start3A_1455, %dma_start3A_1456] : memref<2x8x16x128xf32, #tpu.memory_space<vmem>> -> memref<1x1x16x128xf32, #tpu.memory_space<vmem>>
        %dma_start3A_1458 = tpu.memref_squeeze %dma_start3A_1457 : memref<1x1x16x128xf32, #tpu.memory_space<vmem>> -> memref<16x128xf32, #tpu.memory_space<vmem>>
        %dma_start3A_1459 = arith.constant 0 : i32
        %dma_start3A_1460 = tpu.memref_slice %arg4[%dma_start3A_1459, %multiple_of3A_1439] : memref<16x1000000xf32, #tpu.memory_space<hbm>> -> memref<16x128xf32, #tpu.memory_space<hbm>>
        tpu.enqueue_dma source(%dma_start3A_1460 : memref<16x128xf32, #tpu.memory_space<hbm>>) target(%dma_start3A_1458 : memref<16x128xf32, #tpu.memory_space<vmem>>) target_semaphore(%arg25 : memref<!tpu.dma_semaphore, #tpu.memory_space<semaphore_mem>>)
        %dma_start3A_1461 = arith.constant 0 : i32
        %dma_start3A_1462 = arith.constant 3 : i32
        %dma_start3A_1463 = arith.constant 0 : i32
        %dma_start3A_1464 = arith.constant 0 : i32
        %dma_start3A_1465 = tpu.memref_slice %arg17[%dma_start3A_1461, %dma_start3A_1462, %dma_start3A_1463, %dma_start3A_1464] : memref<2x8x16x128xf32, #tpu.memory_space<vmem>> -> memref<1x1x16x128xf32, #tpu.memory_space<vmem>>
        %dma_start3A_1466 = tpu.memref_squeeze %dma_start3A_1465 : memref<1x1x16x128xf32, #tpu.memory_space<vmem>> -> memref<16x128xf32, #tpu.memory_space<vmem>>
        %dma_start3A_1467 = arith.constant 0 : i32
        %dma_start3A_1468 = tpu.memref_slice %arg5[%dma_start3A_1467, %multiple_of3A_1446] : memref<16x1000000xf32, #tpu.memory_space<hbm>> -> memref<16x128xf32, #tpu.memory_space<hbm>>
        %dma_start3A_1469 = arith.constant 0 : i32
        %dma_start3A_1470 = arith.constant 0 : i32
        %dma_start3A_1471 = tpu.memref_slice %arg17[%dma_start3A_1461, %dma_start3A_1462, %dma_start3A_1469, %dma_start3A_1470] : memref<2x8x16x128xf32, #tpu.memory_space<vmem>> -> memref<1x1x16x128xf32, #tpu.memory_space<vmem>>
        %dma_start3A_1472 = tpu.memref_squeeze %dma_start3A_1471 : memref<1x1x16x128xf32, #tpu.memory_space<vmem>> -> memref<16x128xf32, #tpu.memory_space<vmem>>
        %dma_start3A_1473 = arith.constant 0 : i32
        %dma_start3A_1474 = tpu.memref_slice %arg5[%dma_start3A_1473, %multiple_of3A_1446] : memref<16x1000000xf32, #tpu.memory_space<hbm>> -> memref<16x128xf32, #tpu.memory_space<hbm>>
        tpu.enqueue_dma source(%dma_start3A_1474 : memref<16x128xf32, #tpu.memory_space<hbm>>) target(%dma_start3A_1472 : memref<16x128xf32, #tpu.memory_space<vmem>>) target_semaphore(%arg25 : memref<!tpu.dma_semaphore, #tpu.memory_space<semaphore_mem>>)
        %slice3A_1475 = vector.extract_strided_slice %get3A_1302 {offsets = [4], sizes = [1], strides = [1]} : vector<16xi32> to vector<1xi32>
        %squeeze3A_1476 = vector.extract %slice3A_1475[0] : i32 from vector<1xi32>
        %shift_right_arithmetic3A_1477 = arith.constant 7 : i32
        %shift_right_arithmetic3A_1478 = arith.shrsi %squeeze3A_1476, %shift_right_arithmetic3A_1477 : i32
        %mul3A_1479 = arith.constant 128 : i32
        %mul3A_1480 = arith.muli %shift_right_arithmetic3A_1478, %mul3A_1479 : i32
        %multiple_of3A_1481 = tpu.assume_multiple %mul3A_1480, 128 : i32
        %slice3A_1482 = vector.extract_strided_slice %get3A_1306 {offsets = [4], sizes = [1], strides = [1]} : vector<16xi32> to vector<1xi32>
        %squeeze3A_1483 = vector.extract %slice3A_1482[0] : i32 from vector<1xi32>
        %shift_right_arithmetic3A_1484 = arith.constant 7 : i32
        %shift_right_arithmetic3A_1485 = arith.shrsi %squeeze3A_1483, %shift_right_arithmetic3A_1484 : i32
        %mul3A_1486 = arith.constant 128 : i32
        %mul3A_1487 = arith.muli %shift_right_arithmetic3A_1485, %mul3A_1486 : i32
        %multiple_of3A_1488 = tpu.assume_multiple %mul3A_1487, 128 : i32
        %dma_start3A_1489 = arith.constant 0 : i32
        %dma_start3A_1490 = arith.constant 4 : i32
        %dma_start3A_1491 = arith.constant 0 : i32
        %dma_start3A_1492 = arith.constant 0 : i32
        %dma_start3A_1493 = tpu.memref_slice %arg16[%dma_start3A_1489, %dma_start3A_1490, %dma_start3A_1491, %dma_start3A_1492] : memref<2x8x16x128xf32, #tpu.memory_space<vmem>> -> memref<1x1x16x128xf32, #tpu.memory_space<vmem>>
        %dma_start3A_1494 = tpu.memref_squeeze %dma_start3A_1493 : memref<1x1x16x128xf32, #tpu.memory_space<vmem>> -> memref<16x128xf32, #tpu.memory_space<vmem>>
        %dma_start3A_1495 = arith.constant 0 : i32
        %dma_start3A_1496 = tpu.memref_slice %arg4[%dma_start3A_1495, %multiple_of3A_1481] : memref<16x1000000xf32, #tpu.memory_space<hbm>> -> memref<16x128xf32, #tpu.memory_space<hbm>>
        %dma_start3A_1497 = arith.constant 0 : i32
        %dma_start3A_1498 = arith.constant 0 : i32
        %dma_start3A_1499 = tpu.memref_slice %arg16[%dma_start3A_1489, %dma_start3A_1490, %dma_start3A_1497, %dma_start3A_1498] : memref<2x8x16x128xf32, #tpu.memory_space<vmem>> -> memref<1x1x16x128xf32, #tpu.memory_space<vmem>>
        %dma_start3A_1500 = tpu.memref_squeeze %dma_start3A_1499 : memref<1x1x16x128xf32, #tpu.memory_space<vmem>> -> memref<16x128xf32, #tpu.memory_space<vmem>>
        %dma_start3A_1501 = arith.constant 0 : i32
        %dma_start3A_1502 = tpu.memref_slice %arg4[%dma_start3A_1501, %multiple_of3A_1481] : memref<16x1000000xf32, #tpu.memory_space<hbm>> -> memref<16x128xf32, #tpu.memory_space<hbm>>
        tpu.enqueue_dma source(%dma_start3A_1502 : memref<16x128xf32, #tpu.memory_space<hbm>>) target(%dma_start3A_1500 : memref<16x128xf32, #tpu.memory_space<vmem>>) target_semaphore(%arg25 : memref<!tpu.dma_semaphore, #tpu.memory_space<semaphore_mem>>)
        %dma_start3A_1503 = arith.constant 0 : i32
        %dma_start3A_1504 = arith.constant 4 : i32
        %dma_start3A_1505 = arith.constant 0 : i32
        %dma_start3A_1506 = arith.constant 0 : i32
        %dma_start3A_1507 = tpu.memref_slice %arg17[%dma_start3A_1503, %dma_start3A_1504, %dma_start3A_1505, %dma_start3A_1506] : memref<2x8x16x128xf32, #tpu.memory_space<vmem>> -> memref<1x1x16x128xf32, #tpu.memory_space<vmem>>
        %dma_start3A_1508 = tpu.memref_squeeze %dma_start3A_1507 : memref<1x1x16x128xf32, #tpu.memory_space<vmem>> -> memref<16x128xf32, #tpu.memory_space<vmem>>
        %dma_start3A_1509 = arith.constant 0 : i32
        %dma_start3A_1510 = tpu.memref_slice %arg5[%dma_start3A_1509, %multiple_of3A_1488] : memref<16x1000000xf32, #tpu.memory_space<hbm>> -> memref<16x128xf32, #tpu.memory_space<hbm>>
        %dma_start3A_1511 = arith.constant 0 : i32
        %dma_start3A_1512 = arith.constant 0 : i32
        %dma_start3A_1513 = tpu.memref_slice %arg17[%dma_start3A_1503, %dma_start3A_1504, %dma_start3A_1511, %dma_start3A_1512] : memref<2x8x16x128xf32, #tpu.memory_space<vmem>> -> memref<1x1x16x128xf32, #tpu.memory_space<vmem>>
        %dma_start3A_1514 = tpu.memref_squeeze %dma_start3A_1513 : memref<1x1x16x128xf32, #tpu.memory_space<vmem>> -> memref<16x128xf32, #tpu.memory_space<vmem>>
        %dma_start3A_1515 = arith.constant 0 : i32
        %dma_start3A_1516 = tpu.memref_slice %arg5[%dma_start3A_1515, %multiple_of3A_1488] : memref<16x1000000xf32, #tpu.memory_space<hbm>> -> memref<16x128xf32, #tpu.memory_space<hbm>>
        tpu.enqueue_dma source(%dma_start3A_1516 : memref<16x128xf32, #tpu.memory_space<hbm>>) target(%dma_start3A_1514 : memref<16x128xf32, #tpu.memory_space<vmem>>) target_semaphore(%arg25 : memref<!tpu.dma_semaphore, #tpu.memory_space<semaphore_mem>>)
        %slice3A_1517 = vector.extract_strided_slice %get3A_1302 {offsets = [5], sizes = [1], strides = [1]} : vector<16xi32> to vector<1xi32>
        %squeeze3A_1518 = vector.extract %slice3A_1517[0] : i32 from vector<1xi32>
        %shift_right_arithmetic3A_1519 = arith.constant 7 : i32
        %shift_right_arithmetic3A_1520 = arith.shrsi %squeeze3A_1518, %shift_right_arithmetic3A_1519 : i32
        %mul3A_1521 = arith.constant 128 : i32
        %mul3A_1522 = arith.muli %shift_right_arithmetic3A_1520, %mul3A_1521 : i32
        %multiple_of3A_1523 = tpu.assume_multiple %mul3A_1522, 128 : i32
        %slice3A_1524 = vector.extract_strided_slice %get3A_1306 {offsets = [5], sizes = [1], strides = [1]} : vector<16xi32> to vector<1xi32>
        %squeeze3A_1525 = vector.extract %slice3A_1524[0] : i32 from vector<1xi32>
        %shift_right_arithmetic3A_1526 = arith.constant 7 : i32
        %shift_right_arithmetic3A_1527 = arith.shrsi %squeeze3A_1525, %shift_right_arithmetic3A_1526 : i32
        %mul3A_1528 = arith.constant 128 : i32
        %mul3A_1529 = arith.muli %shift_right_arithmetic3A_1527, %mul3A_1528 : i32
        %multiple_of3A_1530 = tpu.assume_multiple %mul3A_1529, 128 : i32
        %dma_start3A_1531 = arith.constant 0 : i32
        %dma_start3A_1532 = arith.constant 5 : i32
        %dma_start3A_1533 = arith.constant 0 : i32
        %dma_start3A_1534 = arith.constant 0 : i32
        %dma_start3A_1535 = tpu.memref_slice %arg16[%dma_start3A_1531, %dma_start3A_1532, %dma_start3A_1533, %dma_start3A_1534] : memref<2x8x16x128xf32, #tpu.memory_space<vmem>> -> memref<1x1x16x128xf32, #tpu.memory_space<vmem>>
        %dma_start3A_1536 = tpu.memref_squeeze %dma_start3A_1535 : memref<1x1x16x128xf32, #tpu.memory_space<vmem>> -> memref<16x128xf32, #tpu.memory_space<vmem>>
        %dma_start3A_1537 = arith.constant 0 : i32
        %dma_start3A_1538 = tpu.memref_slice %arg4[%dma_start3A_1537, %multiple_of3A_1523] : memref<16x1000000xf32, #tpu.memory_space<hbm>> -> memref<16x128xf32, #tpu.memory_space<hbm>>
        %dma_start3A_1539 = arith.constant 0 : i32
        %dma_start3A_1540 = arith.constant 0 : i32
        %dma_start3A_1541 = tpu.memref_slice %arg16[%dma_start3A_1531, %dma_start3A_1532, %dma_start3A_1539, %dma_start3A_1540] : memref<2x8x16x128xf32, #tpu.memory_space<vmem>> -> memref<1x1x16x128xf32, #tpu.memory_space<vmem>>
        %dma_start3A_1542 = tpu.memref_squeeze %dma_start3A_1541 : memref<1x1x16x128xf32, #tpu.memory_space<vmem>> -> memref<16x128xf32, #tpu.memory_space<vmem>>
        %dma_start3A_1543 = arith.constant 0 : i32
        %dma_start3A_1544 = tpu.memref_slice %arg4[%dma_start3A_1543, %multiple_of3A_1523] : memref<16x1000000xf32, #tpu.memory_space<hbm>> -> memref<16x128xf32, #tpu.memory_space<hbm>>
        tpu.enqueue_dma source(%dma_start3A_1544 : memref<16x128xf32, #tpu.memory_space<hbm>>) target(%dma_start3A_1542 : memref<16x128xf32, #tpu.memory_space<vmem>>) target_semaphore(%arg25 : memref<!tpu.dma_semaphore, #tpu.memory_space<semaphore_mem>>)
        %dma_start3A_1545 = arith.constant 0 : i32
        %dma_start3A_1546 = arith.constant 5 : i32
        %dma_start3A_1547 = arith.constant 0 : i32
        %dma_start3A_1548 = arith.constant 0 : i32
        %dma_start3A_1549 = tpu.memref_slice %arg17[%dma_start3A_1545, %dma_start3A_1546, %dma_start3A_1547, %dma_start3A_1548] : memref<2x8x16x128xf32, #tpu.memory_space<vmem>> -> memref<1x1x16x128xf32, #tpu.memory_space<vmem>>
        %dma_start3A_1550 = tpu.memref_squeeze %dma_start3A_1549 : memref<1x1x16x128xf32, #tpu.memory_space<vmem>> -> memref<16x128xf32, #tpu.memory_space<vmem>>
        %dma_start3A_1551 = arith.constant 0 : i32
        %dma_start3A_1552 = tpu.memref_slice %arg5[%dma_start3A_1551, %multiple_of3A_1530] : memref<16x1000000xf32, #tpu.memory_space<hbm>> -> memref<16x128xf32, #tpu.memory_space<hbm>>
        %dma_start3A_1553 = arith.constant 0 : i32
        %dma_start3A_1554 = arith.constant 0 : i32
        %dma_start3A_1555 = tpu.memref_slice %arg17[%dma_start3A_1545, %dma_start3A_1546, %dma_start3A_1553, %dma_start3A_1554] : memref<2x8x16x128xf32, #tpu.memory_space<vmem>> -> memref<1x1x16x128xf32, #tpu.memory_space<vmem>>
        %dma_start3A_1556 = tpu.memref_squeeze %dma_start3A_1555 : memref<1x1x16x128xf32, #tpu.memory_space<vmem>> -> memref<16x128xf32, #tpu.memory_space<vmem>>
        %dma_start3A_1557 = arith.constant 0 : i32
        %dma_start3A_1558 = tpu.memref_slice %arg5[%dma_start3A_1557, %multiple_of3A_1530] : memref<16x1000000xf32, #tpu.memory_space<hbm>> -> memref<16x128xf32, #tpu.memory_space<hbm>>
        tpu.enqueue_dma source(%dma_start3A_1558 : memref<16x128xf32, #tpu.memory_space<hbm>>) target(%dma_start3A_1556 : memref<16x128xf32, #tpu.memory_space<vmem>>) target_semaphore(%arg25 : memref<!tpu.dma_semaphore, #tpu.memory_space<semaphore_mem>>)
        %slice3A_1559 = vector.extract_strided_slice %get3A_1302 {offsets = [6], sizes = [1], strides = [1]} : vector<16xi32> to vector<1xi32>
        %squeeze3A_1560 = vector.extract %slice3A_1559[0] : i32 from vector<1xi32>
        %shift_right_arithmetic3A_1561 = arith.constant 7 : i32
        %shift_right_arithmetic3A_1562 = arith.shrsi %squeeze3A_1560, %shift_right_arithmetic3A_1561 : i32
        %mul3A_1563 = arith.constant 128 : i32
        %mul3A_1564 = arith.muli %shift_right_arithmetic3A_1562, %mul3A_1563 : i32
        %multiple_of3A_1565 = tpu.assume_multiple %mul3A_1564, 128 : i32
        %slice3A_1566 = vector.extract_strided_slice %get3A_1306 {offsets = [6], sizes = [1], strides = [1]} : vector<16xi32> to vector<1xi32>
        %squeeze3A_1567 = vector.extract %slice3A_1566[0] : i32 from vector<1xi32>
        %shift_right_arithmetic3A_1568 = arith.constant 7 : i32
        %shift_right_arithmetic3A_1569 = arith.shrsi %squeeze3A_1567, %shift_right_arithmetic3A_1568 : i32
        %mul3A_1570 = arith.constant 128 : i32
        %mul3A_1571 = arith.muli %shift_right_arithmetic3A_1569, %mul3A_1570 : i32
        %multiple_of3A_1572 = tpu.assume_multiple %mul3A_1571, 128 : i32
        %dma_start3A_1573 = arith.constant 0 : i32
        %dma_start3A_1574 = arith.constant 6 : i32
        %dma_start3A_1575 = arith.constant 0 : i32
        %dma_start3A_1576 = arith.constant 0 : i32
        %dma_start3A_1577 = tpu.memref_slice %arg16[%dma_start3A_1573, %dma_start3A_1574, %dma_start3A_1575, %dma_start3A_1576] : memref<2x8x16x128xf32, #tpu.memory_space<vmem>> -> memref<1x1x16x128xf32, #tpu.memory_space<vmem>>
        %dma_start3A_1578 = tpu.memref_squeeze %dma_start3A_1577 : memref<1x1x16x128xf32, #tpu.memory_space<vmem>> -> memref<16x128xf32, #tpu.memory_space<vmem>>
        %dma_start3A_1579 = arith.constant 0 : i32
        %dma_start3A_1580 = tpu.memref_slice %arg4[%dma_start3A_1579, %multiple_of3A_1565] : memref<16x1000000xf32, #tpu.memory_space<hbm>> -> memref<16x128xf32, #tpu.memory_space<hbm>>
        %dma_start3A_1581 = arith.constant 0 : i32
        %dma_start3A_1582 = arith.constant 0 : i32
        %dma_start3A_1583 = tpu.memref_slice %arg16[%dma_start3A_1573, %dma_start3A_1574, %dma_start3A_1581, %dma_start3A_1582] : memref<2x8x16x128xf32, #tpu.memory_space<vmem>> -> memref<1x1x16x128xf32, #tpu.memory_space<vmem>>
        %dma_start3A_1584 = tpu.memref_squeeze %dma_start3A_1583 : memref<1x1x16x128xf32, #tpu.memory_space<vmem>> -> memref<16x128xf32, #tpu.memory_space<vmem>>
        %dma_start3A_1585 = arith.constant 0 : i32
        %dma_start3A_1586 = tpu.memref_slice %arg4[%dma_start3A_1585, %multiple_of3A_1565] : memref<16x1000000xf32, #tpu.memory_space<hbm>> -> memref<16x128xf32, #tpu.memory_space<hbm>>
        tpu.enqueue_dma source(%dma_start3A_1586 : memref<16x128xf32, #tpu.memory_space<hbm>>) target(%dma_start3A_1584 : memref<16x128xf32, #tpu.memory_space<vmem>>) target_semaphore(%arg25 : memref<!tpu.dma_semaphore, #tpu.memory_space<semaphore_mem>>)
        %dma_start3A_1587 = arith.constant 0 : i32
        %dma_start3A_1588 = arith.constant 6 : i32
        %dma_start3A_1589 = arith.constant 0 : i32
        %dma_start3A_1590 = arith.constant 0 : i32
        %dma_start3A_1591 = tpu.memref_slice %arg17[%dma_start3A_1587, %dma_start3A_1588, %dma_start3A_1589, %dma_start3A_1590] : memref<2x8x16x128xf32, #tpu.memory_space<vmem>> -> memref<1x1x16x128xf32, #tpu.memory_space<vmem>>
        %dma_start3A_1592 = tpu.memref_squeeze %dma_start3A_1591 : memref<1x1x16x128xf32, #tpu.memory_space<vmem>> -> memref<16x128xf32, #tpu.memory_space<vmem>>
        %dma_start3A_1593 = arith.constant 0 : i32
        %dma_start3A_1594 = tpu.memref_slice %arg5[%dma_start3A_1593, %multiple_of3A_1572] : memref<16x1000000xf32, #tpu.memory_space<hbm>> -> memref<16x128xf32, #tpu.memory_space<hbm>>
        %dma_start3A_1595 = arith.constant 0 : i32
        %dma_start3A_1596 = arith.constant 0 : i32
        %dma_start3A_1597 = tpu.memref_slice %arg17[%dma_start3A_1587, %dma_start3A_1588, %dma_start3A_1595, %dma_start3A_1596] : memref<2x8x16x128xf32, #tpu.memory_space<vmem>> -> memref<1x1x16x128xf32, #tpu.memory_space<vmem>>
        %dma_start3A_1598 = tpu.memref_squeeze %dma_start3A_1597 : memref<1x1x16x128xf32, #tpu.memory_space<vmem>> -> memref<16x128xf32, #tpu.memory_space<vmem>>
        %dma_start3A_1599 = arith.constant 0 : i32
        %dma_start3A_1600 = tpu.memref_slice %arg5[%dma_start3A_1599, %multiple_of3A_1572] : memref<16x1000000xf32, #tpu.memory_space<hbm>> -> memref<16x128xf32, #tpu.memory_space<hbm>>
        tpu.enqueue_dma source(%dma_start3A_1600 : memref<16x128xf32, #tpu.memory_space<hbm>>) target(%dma_start3A_1598 : memref<16x128xf32, #tpu.memory_space<vmem>>) target_semaphore(%arg25 : memref<!tpu.dma_semaphore, #tpu.memory_space<semaphore_mem>>)
        %slice3A_1601 = vector.extract_strided_slice %get3A_1302 {offsets = [7], sizes = [1], strides = [1]} : vector<16xi32> to vector<1xi32>
        %squeeze3A_1602 = vector.extract %slice3A_1601[0] : i32 from vector<1xi32>
        %shift_right_arithmetic3A_1603 = arith.constant 7 : i32
        %shift_right_arithmetic3A_1604 = arith.shrsi %squeeze3A_1602, %shift_right_arithmetic3A_1603 : i32
        %mul3A_1605 = arith.constant 128 : i32
        %mul3A_1606 = arith.muli %shift_right_arithmetic3A_1604, %mul3A_1605 : i32
        %multiple_of3A_1607 = tpu.assume_multiple %mul3A_1606, 128 : i32
        %slice3A_1608 = vector.extract_strided_slice %get3A_1306 {offsets = [7], sizes = [1], strides = [1]} : vector<16xi32> to vector<1xi32>
        %squeeze3A_1609 = vector.extract %slice3A_1608[0] : i32 from vector<1xi32>
        %shift_right_arithmetic3A_1610 = arith.constant 7 : i32
        %shift_right_arithmetic3A_1611 = arith.shrsi %squeeze3A_1609, %shift_right_arithmetic3A_1610 : i32
        %mul3A_1612 = arith.constant 128 : i32
        %mul3A_1613 = arith.muli %shift_right_arithmetic3A_1611, %mul3A_1612 : i32
        %multiple_of3A_1614 = tpu.assume_multiple %mul3A_1613, 128 : i32
        %dma_start3A_1615 = arith.constant 0 : i32
        %dma_start3A_1616 = arith.constant 7 : i32
        %dma_start3A_1617 = arith.constant 0 : i32
        %dma_start3A_1618 = arith.constant 0 : i32
        %dma_start3A_1619 = tpu.memref_slice %arg16[%dma_start3A_1615, %dma_start3A_1616, %dma_start3A_1617, %dma_start3A_1618] : memref<2x8x16x128xf32, #tpu.memory_space<vmem>> -> memref<1x1x16x128xf32, #tpu.memory_space<vmem>>
        %dma_start3A_1620 = tpu.memref_squeeze %dma_start3A_1619 : memref<1x1x16x128xf32, #tpu.memory_space<vmem>> -> memref<16x128xf32, #tpu.memory_space<vmem>>
        %dma_start3A_1621 = arith.constant 0 : i32
        %dma_start3A_1622 = tpu.memref_slice %arg4[%dma_start3A_1621, %multiple_of3A_1607] : memref<16x1000000xf32, #tpu.memory_space<hbm>> -> memref<16x128xf32, #tpu.memory_space<hbm>>
        %dma_start3A_1623 = arith.constant 0 : i32
        %dma_start3A_1624 = arith.constant 0 : i32
        %dma_start3A_1625 = tpu.memref_slice %arg16[%dma_start3A_1615, %dma_start3A_1616, %dma_start3A_1623, %dma_start3A_1624] : memref<2x8x16x128xf32, #tpu.memory_space<vmem>> -> memref<1x1x16x128xf32, #tpu.memory_space<vmem>>
        %dma_start3A_1626 = tpu.memref_squeeze %dma_start3A_1625 : memref<1x1x16x128xf32, #tpu.memory_space<vmem>> -> memref<16x128xf32, #tpu.memory_space<vmem>>
        %dma_start3A_1627 = arith.constant 0 : i32
        %dma_start3A_1628 = tpu.memref_slice %arg4[%dma_start3A_1627, %multiple_of3A_1607] : memref<16x1000000xf32, #tpu.memory_space<hbm>> -> memref<16x128xf32, #tpu.memory_space<hbm>>
        tpu.enqueue_dma source(%dma_start3A_1628 : memref<16x128xf32, #tpu.memory_space<hbm>>) target(%dma_start3A_1626 : memref<16x128xf32, #tpu.memory_space<vmem>>) target_semaphore(%arg25 : memref<!tpu.dma_semaphore, #tpu.memory_space<semaphore_mem>>)
        %dma_start3A_1629 = arith.constant 0 : i32
        %dma_start3A_1630 = arith.constant 7 : i32
        %dma_start3A_1631 = arith.constant 0 : i32
        %dma_start3A_1632 = arith.constant 0 : i32
        %dma_start3A_1633 = tpu.memref_slice %arg17[%dma_start3A_1629, %dma_start3A_1630, %dma_start3A_1631, %dma_start3A_1632] : memref<2x8x16x128xf32, #tpu.memory_space<vmem>> -> memref<1x1x16x128xf32, #tpu.memory_space<vmem>>
        %dma_start3A_1634 = tpu.memref_squeeze %dma_start3A_1633 : memref<1x1x16x128xf32, #tpu.memory_space<vmem>> -> memref<16x128xf32, #tpu.memory_space<vmem>>
        %dma_start3A_1635 = arith.constant 0 : i32
        %dma_start3A_1636 = tpu.memref_slice %arg5[%dma_start3A_1635, %multiple_of3A_1614] : memref<16x1000000xf32, #tpu.memory_space<hbm>> -> memref<16x128xf32, #tpu.memory_space<hbm>>
        %dma_start3A_1637 = arith.constant 0 : i32
        %dma_start3A_1638 = arith.constant 0 : i32
        %dma_start3A_1639 = tpu.memref_slice %arg17[%dma_start3A_1629, %dma_start3A_1630, %dma_start3A_1637, %dma_start3A_1638] : memref<2x8x16x128xf32, #tpu.memory_space<vmem>> -> memref<1x1x16x128xf32, #tpu.memory_space<vmem>>
        %dma_start3A_1640 = tpu.memref_squeeze %dma_start3A_1639 : memref<1x1x16x128xf32, #tpu.memory_space<vmem>> -> memref<16x128xf32, #tpu.memory_space<vmem>>
        %dma_start3A_1641 = arith.constant 0 : i32
        %dma_start3A_1642 = tpu.memref_slice %arg5[%dma_start3A_1641, %multiple_of3A_1614] : memref<16x1000000xf32, #tpu.memory_space<hbm>> -> memref<16x128xf32, #tpu.memory_space<hbm>>
        tpu.enqueue_dma source(%dma_start3A_1642 : memref<16x128xf32, #tpu.memory_space<hbm>>) target(%dma_start3A_1640 : memref<16x128xf32, #tpu.memory_space<vmem>>) target_semaphore(%arg25 : memref<!tpu.dma_semaphore, #tpu.memory_space<semaphore_mem>>)
      } else {
      }
      %dma_wait3A_1013 = arith.constant 0 : i32
      %dma_wait3A_1014 = arith.constant 0 : i32
      %dma_wait3A_1015 = tpu.memref_slice %arg4[%dma_wait3A_1013, %dma_wait3A_1014] : memref<16x1000000xf32, #tpu.memory_space<hbm>> -> memref<16x512xf32, #tpu.memory_space<hbm>>
      %dma_wait3A_1016 = arith.constant 0 : i32
      %dma_wait3A_1017 = arith.constant 0 : i32
      %dma_wait3A_1018 = tpu.memref_slice %arg4[%dma_wait3A_1016, %dma_wait3A_1017] : memref<16x1000000xf32, #tpu.memory_space<hbm>> -> memref<16x512xf32, #tpu.memory_space<hbm>>
      tpu.wait_dma2 semaphore(%arg27 : memref<!tpu.dma_semaphore, #tpu.memory_space<semaphore_mem>>) src(%dma_wait3A_1018 : memref<16x512xf32, #tpu.memory_space<hbm>>) dst(%arg18 : memref<16x512xf32, #tpu.memory_space<vmem>>)
      %dma_wait3A_1019 = arith.constant 0 : i32
      %dma_wait3A_1020 = arith.constant 0 : i32
      %dma_wait3A_1021 = tpu.memref_slice %arg4[%dma_wait3A_1019, %dma_wait3A_1020] : memref<16x1000000xf32, #tpu.memory_space<hbm>> -> memref<16x512xf32, #tpu.memory_space<hbm>>
      %dma_wait3A_1022 = arith.constant 0 : i32
      %dma_wait3A_1023 = arith.constant 0 : i32
      %dma_wait3A_1024 = tpu.memref_slice %arg4[%dma_wait3A_1022, %dma_wait3A_1023] : memref<16x1000000xf32, #tpu.memory_space<hbm>> -> memref<16x512xf32, #tpu.memory_space<hbm>>
      tpu.wait_dma2 semaphore(%arg27 : memref<!tpu.dma_semaphore, #tpu.memory_space<semaphore_mem>>) src(%dma_wait3A_1024 : memref<16x512xf32, #tpu.memory_space<hbm>>) dst(%arg18 : memref<16x512xf32, #tpu.memory_space<vmem>>)
      %dma_wait3A_1025 = arith.constant 0 : i32
      %dma_wait3A_1026 = arith.constant 0 : i32
      %dma_wait3A_1027 = tpu.memref_slice %arg4[%dma_wait3A_1025, %dma_wait3A_1026] : memref<16x1000000xf32, #tpu.memory_space<hbm>> -> memref<16x512xf32, #tpu.memory_space<hbm>>
      %dma_wait3A_1028 = arith.constant 0 : i32
      %dma_wait3A_1029 = arith.constant 0 : i32
      %dma_wait3A_1030 = tpu.memref_slice %arg4[%dma_wait3A_1028, %dma_wait3A_1029] : memref<16x1000000xf32, #tpu.memory_space<hbm>> -> memref<16x512xf32, #tpu.memory_space<hbm>>
      tpu.wait_dma2 semaphore(%arg27 : memref<!tpu.dma_semaphore, #tpu.memory_space<semaphore_mem>>) src(%dma_wait3A_1030 : memref<16x512xf32, #tpu.memory_space<hbm>>) dst(%arg18 : memref<16x512xf32, #tpu.memory_space<vmem>>)
      %dma_wait3A_1031 = arith.constant 0 : i32
      %dma_wait3A_1032 = arith.constant 0 : i32
      %dma_wait3A_1033 = tpu.memref_slice %arg4[%dma_wait3A_1031, %dma_wait3A_1032] : memref<16x1000000xf32, #tpu.memory_space<hbm>> -> memref<16x512xf32, #tpu.memory_space<hbm>>
      %dma_wait3A_1034 = arith.constant 0 : i32
      %dma_wait3A_1035 = arith.constant 0 : i32
      %dma_wait3A_1036 = tpu.memref_slice %arg4[%dma_wait3A_1034, %dma_wait3A_1035] : memref<16x1000000xf32, #tpu.memory_space<hbm>> -> memref<16x512xf32, #tpu.memory_space<hbm>>
      tpu.wait_dma2 semaphore(%arg27 : memref<!tpu.dma_semaphore, #tpu.memory_space<semaphore_mem>>) src(%dma_wait3A_1036 : memref<16x512xf32, #tpu.memory_space<hbm>>) dst(%arg18 : memref<16x512xf32, #tpu.memory_space<vmem>>)
      %mul3A_1037 = arith.constant 16 : i32
      %mul3A_1038 = arith.muli %scan3A_732, %mul3A_1037 : i32
      %add3A_1039 = arith.constant 8 : i32
      %add3A_1040 = arith.addi %mul3A_1038, %add3A_1039 : i32
      %mul3A_1041 = arith.constant 16 : i32
      %mul3A_1042 = arith.muli %scan3A_732, %mul3A_1041 : i32
      %get3A_1043 = arith.index_cast %mul3A_1042 : i32 to index
      %get3A_1044 = tpu.vector_load %arg13[%get3A_1043] {strides = array<i32>} : memref<512xi32, #tpu.memory_space<vmem>>, vector<16xi32>,
      %mul3A_1045 = arith.constant 16 : i32
      %mul3A_1046 = arith.muli %scan3A_732, %mul3A_1045 : i32
      %get3A_1047 = arith.index_cast %mul3A_1046 : i32 to index
      %get3A_1048 = tpu.vector_load %arg14[%get3A_1047] {strides = array<i32>} : memref<512xi32, #tpu.memory_space<vmem>>, vector<16xi32>,
      %slice3A_1049 = vector.extract_strided_slice %get3A_1044 {offsets = [8], sizes = [1], strides = [1]} : vector<16xi32> to vector<1xi32>
      %squeeze3A_1050 = vector.extract %slice3A_1049[0] : i32 from vector<1xi32>
      %and3A_1051 = arith.constant 127 : i32
      %and3A_1052 = arith.andi %squeeze3A_1050, %and3A_1051 : i32
      %broadcast_in_dim3A_1053 = vector.broadcast %and3A_1052 : i32 to vector<16xi32>
      %slice3A_1054 = vector.extract_strided_slice %get3A_1048 {offsets = [8], sizes = [1], strides = [1]} : vector<16xi32> to vector<1xi32>
      %squeeze3A_1055 = vector.extract %slice3A_1054[0] : i32 from vector<1xi32>
      %and3A_1056 = arith.constant 127 : i32
      %and3A_1057 = arith.andi %squeeze3A_1055, %and3A_1056 : i32
      %broadcast_in_dim3A_1058 = vector.broadcast %and3A_1057 : i32 to vector<16xi32>
      %add3A_1059 = arith.constant 0 : i32
      %add3A_1060 = arith.addi %add3A_1040, %add3A_1059 : i32
      %broadcast_in_dim3A_1061 = arith.constant 0 : i32
      %broadcast_in_dim3A_1062 = vector.broadcast %broadcast_in_dim3A_1061 : i32 to vector<16xi32>
      %add3A_1063 = vector.broadcast %add3A_1060 : i32 to vector<16xi32>
      %add3A_1064 = arith.addi %add3A_1063, %broadcast_in_dim3A_1062 : vector<16xi32>
      %gather3A_1065 = arith.constant 1 : i32
      %gather3A_1066 = arith.constant 0 : i32
      %gather3A_1067 = arith.constant 0 : i32
      %gather3A_1068 = arith.constant 0 : i32
      %gather3A_1069 = tpu.memref_slice %arg16[%gather3A_1065, %gather3A_1066, %gather3A_1067, %gather3A_1068] : memref<2x8x16x128xf32, #tpu.memory_space<vmem>> -> memref<1x1x16x128xf32, #tpu.memory_space<vmem>>
      %gather3A_1070 = tpu.memref_squeeze %gather3A_1069 : memref<1x1x16x128xf32, #tpu.memory_space<vmem>> -> memref<16x128xf32, #tpu.memory_space<vmem>>
      %gather3A_1071 = tpu.vector_load_idx %gather3A_1070[%iota3A, %broadcast_in_dim3A_1053] : memref<16x128xf32, #tpu.memory_space<vmem>>[vector<16xi32>, vector<16xi32>], vector<16xf32>,
      %gather3A_1072 = arith.constant 1 : i32
      %gather3A_1073 = arith.constant 0 : i32
      %gather3A_1074 = arith.constant 0 : i32
      %gather3A_1075 = arith.constant 0 : i32
      %gather3A_1076 = tpu.memref_slice %arg17[%gather3A_1072, %gather3A_1073, %gather3A_1074, %gather3A_1075] : memref<2x8x16x128xf32, #tpu.memory_space<vmem>> -> memref<1x1x16x128xf32, #tpu.memory_space<vmem>>
      %gather3A_1077 = tpu.memref_squeeze %gather3A_1076 : memref<1x1x16x128xf32, #tpu.memory_space<vmem>> -> memref<16x128xf32, #tpu.memory_space<vmem>>
      %gather3A_1078 = tpu.vector_load_idx %gather3A_1077[%iota3A, %broadcast_in_dim3A_1058] : memref<16x128xf32, #tpu.memory_space<vmem>>[vector<16xi32>, vector<16xi32>], vector<16xf32>,
      tpu.vector_store_idx %arg18[%iota3A, %add3A_1064], %gather3A_1071 : memref<16x512xf32, #tpu.memory_space<vmem>>[vector<16xi32>, vector<16xi32>], vector<16xf32>,
      tpu.vector_store_idx %arg19[%iota3A, %add3A_1064], %gather3A_1078 : memref<16x512xf32, #tpu.memory_space<vmem>>[vector<16xi32>, vector<16xi32>], vector<16xf32>,
      %slice3A_1079 = vector.extract_strided_slice %get3A_1044 {offsets = [9], sizes = [1], strides = [1]} : vector<16xi32> to vector<1xi32>
      %squeeze3A_1080 = vector.extract %slice3A_1079[0] : i32 from vector<1xi32>
      %and3A_1081 = arith.constant 127 : i32
      %and3A_1082 = arith.andi %squeeze3A_1080, %and3A_1081 : i32
      %broadcast_in_dim3A_1083 = vector.broadcast %and3A_1082 : i32 to vector<16xi32>
      %slice3A_1084 = vector.extract_strided_slice %get3A_1048 {offsets = [9], sizes = [1], strides = [1]} : vector<16xi32> to vector<1xi32>
      %squeeze3A_1085 = vector.extract %slice3A_1084[0] : i32 from vector<1xi32>
      %and3A_1086 = arith.constant 127 : i32
      %and3A_1087 = arith.andi %squeeze3A_1085, %and3A_1086 : i32
      %broadcast_in_dim3A_1088 = vector.broadcast %and3A_1087 : i32 to vector<16xi32>
      %add3A_1089 = arith.constant 1 : i32
      %add3A_1090 = arith.addi %add3A_1040, %add3A_1089 : i32
      %broadcast_in_dim3A_1091 = arith.constant 0 : i32
      %broadcast_in_dim3A_1092 = vector.broadcast %broadcast_in_dim3A_1091 : i32 to vector<16xi32>
      %add3A_1093 = vector.broadcast %add3A_1090 : i32 to vector<16xi32>
      %add3A_1094 = arith.addi %add3A_1093, %broadcast_in_dim3A_1092 : vector<16xi32>
      %gather3A_1095 = arith.constant 1 : i32
      %gather3A_1096 = arith.constant 1 : i32
      %gather3A_1097 = arith.constant 0 : i32
      %gather3A_1098 = arith.constant 0 : i32
      %gather3A_1099 = tpu.memref_slice %arg16[%gather3A_1095, %gather3A_1096, %gather3A_1097, %gather3A_1098] : memref<2x8x16x128xf32, #tpu.memory_space<vmem>> -> memref<1x1x16x128xf32, #tpu.memory_space<vmem>>
      %gather3A_1100 = tpu.memref_squeeze %gather3A_1099 : memref<1x1x16x128xf32, #tpu.memory_space<vmem>> -> memref<16x128xf32, #tpu.memory_space<vmem>>
      %gather3A_1101 = tpu.vector_load_idx %gather3A_1100[%iota3A, %broadcast_in_dim3A_1083] : memref<16x128xf32, #tpu.memory_space<vmem>>[vector<16xi32>, vector<16xi32>], vector<16xf32>,
      %gather3A_1102 = arith.constant 1 : i32
      %gather3A_1103 = arith.constant 1 : i32
      %gather3A_1104 = arith.constant 0 : i32
      %gather3A_1105 = arith.constant 0 : i32
      %gather3A_1106 = tpu.memref_slice %arg17[%gather3A_1102, %gather3A_1103, %gather3A_1104, %gather3A_1105] : memref<2x8x16x128xf32, #tpu.memory_space<vmem>> -> memref<1x1x16x128xf32, #tpu.memory_space<vmem>>
      %gather3A_1107 = tpu.memref_squeeze %gather3A_1106 : memref<1x1x16x128xf32, #tpu.memory_space<vmem>> -> memref<16x128xf32, #tpu.memory_space<vmem>>
      %gather3A_1108 = tpu.vector_load_idx %gather3A_1107[%iota3A, %broadcast_in_dim3A_1088] : memref<16x128xf32, #tpu.memory_space<vmem>>[vector<16xi32>, vector<16xi32>], vector<16xf32>,
      tpu.vector_store_idx %arg18[%iota3A, %add3A_1094], %gather3A_1101 : memref<16x512xf32, #tpu.memory_space<vmem>>[vector<16xi32>, vector<16xi32>], vector<16xf32>,
      tpu.vector_store_idx %arg19[%iota3A, %add3A_1094], %gather3A_1108 : memref<16x512xf32, #tpu.memory_space<vmem>>[vector<16xi32>, vector<16xi32>], vector<16xf32>,
      %slice3A_1109 = vector.extract_strided_slice %get3A_1044 {offsets = [10], sizes = [1], strides = [1]} : vector<16xi32> to vector<1xi32>
      %squeeze3A_1110 = vector.extract %slice3A_1109[0] : i32 from vector<1xi32>
      %and3A_1111 = arith.constant 127 : i32
      %and3A_1112 = arith.andi %squeeze3A_1110, %and3A_1111 : i32
      %broadcast_in_dim3A_1113 = vector.broadcast %and3A_1112 : i32 to vector<16xi32>
      %slice3A_1114 = vector.extract_strided_slice %get3A_1048 {offsets = [10], sizes = [1], strides = [1]} : vector<16xi32> to vector<1xi32>
      %squeeze3A_1115 = vector.extract %slice3A_1114[0] : i32 from vector<1xi32>
      %and3A_1116 = arith.constant 127 : i32
      %and3A_1117 = arith.andi %squeeze3A_1115, %and3A_1116 : i32
      %broadcast_in_dim3A_1118 = vector.broadcast %and3A_1117 : i32 to vector<16xi32>
      %add3A_1119 = arith.constant 2 : i32
      %add3A_1120 = arith.addi %add3A_1040, %add3A_1119 : i32
      %broadcast_in_dim3A_1121 = arith.constant 0 : i32
      %broadcast_in_dim3A_1122 = vector.broadcast %broadcast_in_dim3A_1121 : i32 to vector<16xi32>
      %add3A_1123 = vector.broadcast %add3A_1120 : i32 to vector<16xi32>
      %add3A_1124 = arith.addi %add3A_1123, %broadcast_in_dim3A_1122 : vector<16xi32>
      %gather3A_1125 = arith.constant 1 : i32
      %gather3A_1126 = arith.constant 2 : i32
      %gather3A_1127 = arith.constant 0 : i32
      %gather3A_1128 = arith.constant 0 : i32
      %gather3A_1129 = tpu.memref_slice %arg16[%gather3A_1125, %gather3A_1126, %gather3A_1127, %gather3A_1128] : memref<2x8x16x128xf32, #tpu.memory_space<vmem>> -> memref<1x1x16x128xf32, #tpu.memory_space<vmem>>
      %gather3A_1130 = tpu.memref_squeeze %gather3A_1129 : memref<1x1x16x128xf32, #tpu.memory_space<vmem>> -> memref<16x128xf32, #tpu.memory_space<vmem>>
      %gather3A_1131 = tpu.vector_load_idx %gather3A_1130[%iota3A, %broadcast_in_dim3A_1113] : memref<16x128xf32, #tpu.memory_space<vmem>>[vector<16xi32>, vector<16xi32>], vector<16xf32>,
      %gather3A_1132 = arith.constant 1 : i32
      %gather3A_1133 = arith.constant 2 : i32
      %gather3A_1134 = arith.constant 0 : i32
      %gather3A_1135 = arith.constant 0 : i32
      %gather3A_1136 = tpu.memref_slice %arg17[%gather3A_1132, %gather3A_1133, %gather3A_1134, %gather3A_1135] : memref<2x8x16x128xf32, #tpu.memory_space<vmem>> -> memref<1x1x16x128xf32, #tpu.memory_space<vmem>>
      %gather3A_1137 = tpu.memref_squeeze %gather3A_1136 : memref<1x1x16x128xf32, #tpu.memory_space<vmem>> -> memref<16x128xf32, #tpu.memory_space<vmem>>
      %gather3A_1138 = tpu.vector_load_idx %gather3A_1137[%iota3A, %broadcast_in_dim3A_1118] : memref<16x128xf32, #tpu.memory_space<vmem>>[vector<16xi32>, vector<16xi32>], vector<16xf32>,
      tpu.vector_store_idx %arg18[%iota3A, %add3A_1124], %gather3A_1131 : memref<16x512xf32, #tpu.memory_space<vmem>>[vector<16xi32>, vector<16xi32>], vector<16xf32>,
      tpu.vector_store_idx %arg19[%iota3A, %add3A_1124], %gather3A_1138 : memref<16x512xf32, #tpu.memory_space<vmem>>[vector<16xi32>, vector<16xi32>], vector<16xf32>,
      %slice3A_1139 = vector.extract_strided_slice %get3A_1044 {offsets = [11], sizes = [1], strides = [1]} : vector<16xi32> to vector<1xi32>
      %squeeze3A_1140 = vector.extract %slice3A_1139[0] : i32 from vector<1xi32>
      %and3A_1141 = arith.constant 127 : i32
      %and3A_1142 = arith.andi %squeeze3A_1140, %and3A_1141 : i32
      %broadcast_in_dim3A_1143 = vector.broadcast %and3A_1142 : i32 to vector<16xi32>
      %slice3A_1144 = vector.extract_strided_slice %get3A_1048 {offsets = [11], sizes = [1], strides = [1]} : vector<16xi32> to vector<1xi32>
      %squeeze3A_1145 = vector.extract %slice3A_1144[0] : i32 from vector<1xi32>
      %and3A_1146 = arith.constant 127 : i32
      %and3A_1147 = arith.andi %squeeze3A_1145, %and3A_1146 : i32
      %broadcast_in_dim3A_1148 = vector.broadcast %and3A_1147 : i32 to vector<16xi32>
      %add3A_1149 = arith.constant 3 : i32
      %add3A_1150 = arith.addi %add3A_1040, %add3A_1149 : i32
      %broadcast_in_dim3A_1151 = arith.constant 0 : i32
      %broadcast_in_dim3A_1152 = vector.broadcast %broadcast_in_dim3A_1151 : i32 to vector<16xi32>
      %add3A_1153 = vector.broadcast %add3A_1150 : i32 to vector<16xi32>
      %add3A_1154 = arith.addi %add3A_1153, %broadcast_in_dim3A_1152 : vector<16xi32>
      %gather3A_1155 = arith.constant 1 : i32
      %gather3A_1156 = arith.constant 3 : i32
      %gather3A_1157 = arith.constant 0 : i32
      %gather3A_1158 = arith.constant 0 : i32
      %gather3A_1159 = tpu.memref_slice %arg16[%gather3A_1155, %gather3A_1156, %gather3A_1157, %gather3A_1158] : memref<2x8x16x128xf32, #tpu.memory_space<vmem>> -> memref<1x1x16x128xf32, #tpu.memory_space<vmem>>
      %gather3A_1160 = tpu.memref_squeeze %gather3A_1159 : memref<1x1x16x128xf32, #tpu.memory_space<vmem>> -> memref<16x128xf32, #tpu.memory_space<vmem>>
      %gather3A_1161 = tpu.vector_load_idx %gather3A_1160[%iota3A, %broadcast_in_dim3A_1143] : memref<16x128xf32, #tpu.memory_space<vmem>>[vector<16xi32>, vector<16xi32>], vector<16xf32>,
      %gather3A_1162 = arith.constant 1 : i32
      %gather3A_1163 = arith.constant 3 : i32
      %gather3A_1164 = arith.constant 0 : i32
      %gather3A_1165 = arith.constant 0 : i32
      %gather3A_1166 = tpu.memref_slice %arg17[%gather3A_1162, %gather3A_1163, %gather3A_1164, %gather3A_1165] : memref<2x8x16x128xf32, #tpu.memory_space<vmem>> -> memref<1x1x16x128xf32, #tpu.memory_space<vmem>>
      %gather3A_1167 = tpu.memref_squeeze %gather3A_1166 : memref<1x1x16x128xf32, #tpu.memory_space<vmem>> -> memref<16x128xf32, #tpu.memory_space<vmem>>
      %gather3A_1168 = tpu.vector_load_idx %gather3A_1167[%iota3A, %broadcast_in_dim3A_1148] : memref<16x128xf32, #tpu.memory_space<vmem>>[vector<16xi32>, vector<16xi32>], vector<16xf32>,
      tpu.vector_store_idx %arg18[%iota3A, %add3A_1154], %gather3A_1161 : memref<16x512xf32, #tpu.memory_space<vmem>>[vector<16xi32>, vector<16xi32>], vector<16xf32>,
      tpu.vector_store_idx %arg19[%iota3A, %add3A_1154], %gather3A_1168 : memref<16x512xf32, #tpu.memory_space<vmem>>[vector<16xi32>, vector<16xi32>], vector<16xf32>,
      %slice3A_1169 = vector.extract_strided_slice %get3A_1044 {offsets = [12], sizes = [1], strides = [1]} : vector<16xi32> to vector<1xi32>
      %squeeze3A_1170 = vector.extract %slice3A_1169[0] : i32 from vector<1xi32>
      %and3A_1171 = arith.constant 127 : i32
      %and3A_1172 = arith.andi %squeeze3A_1170, %and3A_1171 : i32
      %broadcast_in_dim3A_1173 = vector.broadcast %and3A_1172 : i32 to vector<16xi32>
      %slice3A_1174 = vector.extract_strided_slice %get3A_1048 {offsets = [12], sizes = [1], strides = [1]} : vector<16xi32> to vector<1xi32>
      %squeeze3A_1175 = vector.extract %slice3A_1174[0] : i32 from vector<1xi32>
      %and3A_1176 = arith.constant 127 : i32
      %and3A_1177 = arith.andi %squeeze3A_1175, %and3A_1176 : i32
      %broadcast_in_dim3A_1178 = vector.broadcast %and3A_1177 : i32 to vector<16xi32>
      %add3A_1179 = arith.constant 4 : i32
      %add3A_1180 = arith.addi %add3A_1040, %add3A_1179 : i32
      %broadcast_in_dim3A_1181 = arith.constant 0 : i32
      %broadcast_in_dim3A_1182 = vector.broadcast %broadcast_in_dim3A_1181 : i32 to vector<16xi32>
      %add3A_1183 = vector.broadcast %add3A_1180 : i32 to vector<16xi32>
      %add3A_1184 = arith.addi %add3A_1183, %broadcast_in_dim3A_1182 : vector<16xi32>
      %gather3A_1185 = arith.constant 1 : i32
      %gather3A_1186 = arith.constant 4 : i32
      %gather3A_1187 = arith.constant 0 : i32
      %gather3A_1188 = arith.constant 0 : i32
      %gather3A_1189 = tpu.memref_slice %arg16[%gather3A_1185, %gather3A_1186, %gather3A_1187, %gather3A_1188] : memref<2x8x16x128xf32, #tpu.memory_space<vmem>> -> memref<1x1x16x128xf32, #tpu.memory_space<vmem>>
      %gather3A_1190 = tpu.memref_squeeze %gather3A_1189 : memref<1x1x16x128xf32, #tpu.memory_space<vmem>> -> memref<16x128xf32, #tpu.memory_space<vmem>>
      %gather3A_1191 = tpu.vector_load_idx %gather3A_1190[%iota3A, %broadcast_in_dim3A_1173] : memref<16x128xf32, #tpu.memory_space<vmem>>[vector<16xi32>, vector<16xi32>], vector<16xf32>,
      %gather3A_1192 = arith.constant 1 : i32
      %gather3A_1193 = arith.constant 4 : i32
      %gather3A_1194 = arith.constant 0 : i32
      %gather3A_1195 = arith.constant 0 : i32
      %gather3A_1196 = tpu.memref_slice %arg17[%gather3A_1192, %gather3A_1193, %gather3A_1194, %gather3A_1195] : memref<2x8x16x128xf32, #tpu.memory_space<vmem>> -> memref<1x1x16x128xf32, #tpu.memory_space<vmem>>
      %gather3A_1197 = tpu.memref_squeeze %gather3A_1196 : memref<1x1x16x128xf32, #tpu.memory_space<vmem>> -> memref<16x128xf32, #tpu.memory_space<vmem>>
      %gather3A_1198 = tpu.vector_load_idx %gather3A_1197[%iota3A, %broadcast_in_dim3A_1178] : memref<16x128xf32, #tpu.memory_space<vmem>>[vector<16xi32>, vector<16xi32>], vector<16xf32>,
      tpu.vector_store_idx %arg18[%iota3A, %add3A_1184], %gather3A_1191 : memref<16x512xf32, #tpu.memory_space<vmem>>[vector<16xi32>, vector<16xi32>], vector<16xf32>,
      tpu.vector_store_idx %arg19[%iota3A, %add3A_1184], %gather3A_1198 : memref<16x512xf32, #tpu.memory_space<vmem>>[vector<16xi32>, vector<16xi32>], vector<16xf32>,
      %slice3A_1199 = vector.extract_strided_slice %get3A_1044 {offsets = [13], sizes = [1], strides = [1]} : vector<16xi32> to vector<1xi32>
      %squeeze3A_1200 = vector.extract %slice3A_1199[0] : i32 from vector<1xi32>
      %and3A_1201 = arith.constant 127 : i32
      %and3A_1202 = arith.andi %squeeze3A_1200, %and3A_1201 : i32
      %broadcast_in_dim3A_1203 = vector.broadcast %and3A_1202 : i32 to vector<16xi32>
      %slice3A_1204 = vector.extract_strided_slice %get3A_1048 {offsets = [13], sizes = [1], strides = [1]} : vector<16xi32> to vector<1xi32>
      %squeeze3A_1205 = vector.extract %slice3A_1204[0] : i32 from vector<1xi32>
      %and3A_1206 = arith.constant 127 : i32
      %and3A_1207 = arith.andi %squeeze3A_1205, %and3A_1206 : i32
      %broadcast_in_dim3A_1208 = vector.broadcast %and3A_1207 : i32 to vector<16xi32>
      %add3A_1209 = arith.constant 5 : i32
      %add3A_1210 = arith.addi %add3A_1040, %add3A_1209 : i32
      %broadcast_in_dim3A_1211 = arith.constant 0 : i32
      %broadcast_in_dim3A_1212 = vector.broadcast %broadcast_in_dim3A_1211 : i32 to vector<16xi32>
      %add3A_1213 = vector.broadcast %add3A_1210 : i32 to vector<16xi32>
      %add3A_1214 = arith.addi %add3A_1213, %broadcast_in_dim3A_1212 : vector<16xi32>
      %gather3A_1215 = arith.constant 1 : i32
      %gather3A_1216 = arith.constant 5 : i32
      %gather3A_1217 = arith.constant 0 : i32
      %gather3A_1218 = arith.constant 0 : i32
      %gather3A_1219 = tpu.memref_slice %arg16[%gather3A_1215, %gather3A_1216, %gather3A_1217, %gather3A_1218] : memref<2x8x16x128xf32, #tpu.memory_space<vmem>> -> memref<1x1x16x128xf32, #tpu.memory_space<vmem>>
      %gather3A_1220 = tpu.memref_squeeze %gather3A_1219 : memref<1x1x16x128xf32, #tpu.memory_space<vmem>> -> memref<16x128xf32, #tpu.memory_space<vmem>>
      %gather3A_1221 = tpu.vector_load_idx %gather3A_1220[%iota3A, %broadcast_in_dim3A_1203] : memref<16x128xf32, #tpu.memory_space<vmem>>[vector<16xi32>, vector<16xi32>], vector<16xf32>,
      %gather3A_1222 = arith.constant 1 : i32
      %gather3A_1223 = arith.constant 5 : i32
      %gather3A_1224 = arith.constant 0 : i32
      %gather3A_1225 = arith.constant 0 : i32
      %gather3A_1226 = tpu.memref_slice %arg17[%gather3A_1222, %gather3A_1223, %gather3A_1224, %gather3A_1225] : memref<2x8x16x128xf32, #tpu.memory_space<vmem>> -> memref<1x1x16x128xf32, #tpu.memory_space<vmem>>
      %gather3A_1227 = tpu.memref_squeeze %gather3A_1226 : memref<1x1x16x128xf32, #tpu.memory_space<vmem>> -> memref<16x128xf32, #tpu.memory_space<vmem>>
      %gather3A_1228 = tpu.vector_load_idx %gather3A_1227[%iota3A, %broadcast_in_dim3A_1208] : memref<16x128xf32, #tpu.memory_space<vmem>>[vector<16xi32>, vector<16xi32>], vector<16xf32>,
      tpu.vector_store_idx %arg18[%iota3A, %add3A_1214], %gather3A_1221 : memref<16x512xf32, #tpu.memory_space<vmem>>[vector<16xi32>, vector<16xi32>], vector<16xf32>,
      tpu.vector_store_idx %arg19[%iota3A, %add3A_1214], %gather3A_1228 : memref<16x512xf32, #tpu.memory_space<vmem>>[vector<16xi32>, vector<16xi32>], vector<16xf32>,
      %slice3A_1229 = vector.extract_strided_slice %get3A_1044 {offsets = [14], sizes = [1], strides = [1]} : vector<16xi32> to vector<1xi32>
      %squeeze3A_1230 = vector.extract %slice3A_1229[0] : i32 from vector<1xi32>
      %and3A_1231 = arith.constant 127 : i32
      %and3A_1232 = arith.andi %squeeze3A_1230, %and3A_1231 : i32
      %broadcast_in_dim3A_1233 = vector.broadcast %and3A_1232 : i32 to vector<16xi32>
      %slice3A_1234 = vector.extract_strided_slice %get3A_1048 {offsets = [14], sizes = [1], strides = [1]} : vector<16xi32> to vector<1xi32>
      %squeeze3A_1235 = vector.extract %slice3A_1234[0] : i32 from vector<1xi32>
      %and3A_1236 = arith.constant 127 : i32
      %and3A_1237 = arith.andi %squeeze3A_1235, %and3A_1236 : i32
      %broadcast_in_dim3A_1238 = vector.broadcast %and3A_1237 : i32 to vector<16xi32>
      %add3A_1239 = arith.constant 6 : i32
      %add3A_1240 = arith.addi %add3A_1040, %add3A_1239 : i32
      %broadcast_in_dim3A_1241 = arith.constant 0 : i32
      %broadcast_in_dim3A_1242 = vector.broadcast %broadcast_in_dim3A_1241 : i32 to vector<16xi32>
      %add3A_1243 = vector.broadcast %add3A_1240 : i32 to vector<16xi32>
      %add3A_1244 = arith.addi %add3A_1243, %broadcast_in_dim3A_1242 : vector<16xi32>
      %gather3A_1245 = arith.constant 1 : i32
      %gather3A_1246 = arith.constant 6 : i32
      %gather3A_1247 = arith.constant 0 : i32
      %gather3A_1248 = arith.constant 0 : i32
      %gather3A_1249 = tpu.memref_slice %arg16[%gather3A_1245, %gather3A_1246, %gather3A_1247, %gather3A_1248] : memref<2x8x16x128xf32, #tpu.memory_space<vmem>> -> memref<1x1x16x128xf32, #tpu.memory_space<vmem>>
      %gather3A_1250 = tpu.memref_squeeze %gather3A_1249 : memref<1x1x16x128xf32, #tpu.memory_space<vmem>> -> memref<16x128xf32, #tpu.memory_space<vmem>>
      %gather3A_1251 = tpu.vector_load_idx %gather3A_1250[%iota3A, %broadcast_in_dim3A_1233] : memref<16x128xf32, #tpu.memory_space<vmem>>[vector<16xi32>, vector<16xi32>], vector<16xf32>,
      %gather3A_1252 = arith.constant 1 : i32
      %gather3A_1253 = arith.constant 6 : i32
      %gather3A_1254 = arith.constant 0 : i32
      %gather3A_1255 = arith.constant 0 : i32
      %gather3A_1256 = tpu.memref_slice %arg17[%gather3A_1252, %gather3A_1253, %gather3A_1254, %gather3A_1255] : memref<2x8x16x128xf32, #tpu.memory_space<vmem>> -> memref<1x1x16x128xf32, #tpu.memory_space<vmem>>
      %gather3A_1257 = tpu.memref_squeeze %gather3A_1256 : memref<1x1x16x128xf32, #tpu.memory_space<vmem>> -> memref<16x128xf32, #tpu.memory_space<vmem>>
      %gather3A_1258 = tpu.vector_load_idx %gather3A_1257[%iota3A, %broadcast_in_dim3A_1238] : memref<16x128xf32, #tpu.memory_space<vmem>>[vector<16xi32>, vector<16xi32>], vector<16xf32>,
      tpu.vector_store_idx %arg18[%iota3A, %add3A_1244], %gather3A_1251 : memref<16x512xf32, #tpu.memory_space<vmem>>[vector<16xi32>, vector<16xi32>], vector<16xf32>,
      tpu.vector_store_idx %arg19[%iota3A, %add3A_1244], %gather3A_1258 : memref<16x512xf32, #tpu.memory_space<vmem>>[vector<16xi32>, vector<16xi32>], vector<16xf32>,
      %slice3A_1259 = vector.extract_strided_slice %get3A_1044 {offsets = [15], sizes = [1], strides = [1]} : vector<16xi32> to vector<1xi32>
      %squeeze3A_1260 = vector.extract %slice3A_1259[0] : i32 from vector<1xi32>
      %and3A_1261 = arith.constant 127 : i32
      %and3A_1262 = arith.andi %squeeze3A_1260, %and3A_1261 : i32
      %broadcast_in_dim3A_1263 = vector.broadcast %and3A_1262 : i32 to vector<16xi32>
      %slice3A_1264 = vector.extract_strided_slice %get3A_1048 {offsets = [15], sizes = [1], strides = [1]} : vector<16xi32> to vector<1xi32>
      %squeeze3A_1265 = vector.extract %slice3A_1264[0] : i32 from vector<1xi32>
      %and3A_1266 = arith.constant 127 : i32
      %and3A_1267 = arith.andi %squeeze3A_1265, %and3A_1266 : i32
      %broadcast_in_dim3A_1268 = vector.broadcast %and3A_1267 : i32 to vector<16xi32>
      %add3A_1269 = arith.constant 7 : i32
      %add3A_1270 = arith.addi %add3A_1040, %add3A_1269 : i32
      %broadcast_in_dim3A_1271 = arith.constant 0 : i32
      %broadcast_in_dim3A_1272 = vector.broadcast %broadcast_in_dim3A_1271 : i32 to vector<16xi32>
      %add3A_1273 = vector.broadcast %add3A_1270 : i32 to vector<16xi32>
      %add3A_1274 = arith.addi %add3A_1273, %broadcast_in_dim3A_1272 : vector<16xi32>
      %gather3A_1275 = arith.constant 1 : i32
      %gather3A_1276 = arith.constant 7 : i32
      %gather3A_1277 = arith.constant 0 : i32
      %gather3A_1278 = arith.constant 0 : i32
      %gather3A_1279 = tpu.memref_slice %arg16[%gather3A_1275, %gather3A_1276, %gather3A_1277, %gather3A_1278] : memref<2x8x16x128xf32, #tpu.memory_space<vmem>> -> memref<1x1x16x128xf32, #tpu.memory_space<vmem>>
      %gather3A_1280 = tpu.memref_squeeze %gather3A_1279 : memref<1x1x16x128xf32, #tpu.memory_space<vmem>> -> memref<16x128xf32, #tpu.memory_space<vmem>>
      %gather3A_1281 = tpu.vector_load_idx %gather3A_1280[%iota3A, %broadcast_in_dim3A_1263] : memref<16x128xf32, #tpu.memory_space<vmem>>[vector<16xi32>, vector<16xi32>], vector<16xf32>,
      %gather3A_1282 = arith.constant 1 : i32
      %gather3A_1283 = arith.constant 7 : i32
      %gather3A_1284 = arith.constant 0 : i32
      %gather3A_1285 = arith.constant 0 : i32
      %gather3A_1286 = tpu.memref_slice %arg17[%gather3A_1282, %gather3A_1283, %gather3A_1284, %gather3A_1285] : memref<2x8x16x128xf32, #tpu.memory_space<vmem>> -> memref<1x1x16x128xf32, #tpu.memory_space<vmem>>
      %gather3A_1287 = tpu.memref_squeeze %gather3A_1286 : memref<1x1x16x128xf32, #tpu.memory_space<vmem>> -> memref<16x128xf32, #tpu.memory_space<vmem>>
      %gather3A_1288 = tpu.vector_load_idx %gather3A_1287[%iota3A, %broadcast_in_dim3A_1268] : memref<16x128xf32, #tpu.memory_space<vmem>>[vector<16xi32>, vector<16xi32>], vector<16xf32>,
      tpu.vector_store_idx %arg18[%iota3A, %add3A_1274], %gather3A_1281 : memref<16x512xf32, #tpu.memory_space<vmem>>[vector<16xi32>, vector<16xi32>], vector<16xf32>,
      tpu.vector_store_idx %arg19[%iota3A, %add3A_1274], %gather3A_1288 : memref<16x512xf32, #tpu.memory_space<vmem>>[vector<16xi32>, vector<16xi32>], vector<16xf32>,
      %add3A_1289 = arith.constant 1 : i32
      %add3A_1290 = arith.addi %scan3A_732, %add3A_1289 : i32
      %lt3A_1291 = arith.constant 32 : i32
      %lt3A_1292 = arith.cmpi slt, %add3A_1290, %lt3A_1291 : i32
      %convert_element_type3A_1293 = arith.extui %lt3A_1292 : i1 to i32
      %cond3A_1294 = arith.constant 0 : i32
      %cond3A_1295 = arith.cmpi ne, %convert_element_type3A_1293, %cond3A_1294 : i32
      scf.if %cond3A_1295 {
        %add3A_1297 = arith.constant 1 : i32
        %add3A_1298 = arith.addi %scan3A_732, %add3A_1297 : i32
        %mul3A_1299 = arith.constant 16 : i32
        %mul3A_1300 = arith.muli %add3A_1298, %mul3A_1299 : i32
        %get3A_1301 = arith.index_cast %mul3A_1300 : i32 to index
        %get3A_1302 = tpu.vector_load %arg13[%get3A_1301] {strides = array<i32>} : memref<512xi32, #tpu.memory_space<vmem>>, vector<16xi32>,
        %mul3A_1303 = arith.constant 16 : i32
        %mul3A_1304 = arith.muli %add3A_1298, %mul3A_1303 : i32
        %get3A_1305 = arith.index_cast %mul3A_1304 : i32 to index
        %get3A_1306 = tpu.vector_load %arg14[%get3A_1305] {strides = array<i32>} : memref<512xi32, #tpu.memory_space<vmem>>, vector<16xi32>,
        %slice3A_1307 = vector.extract_strided_slice %get3A_1302 {offsets = [8], sizes = [1], strides = [1]} : vector<16xi32> to vector<1xi32>
        %squeeze3A_1308 = vector.extract %slice3A_1307[0] : i32 from vector<1xi32>
        %shift_right_arithmetic3A_1309 = arith.constant 7 : i32
        %shift_right_arithmetic3A_1310 = arith.shrsi %squeeze3A_1308, %shift_right_arithmetic3A_1309 : i32
        %mul3A_1311 = arith.constant 128 : i32
        %mul3A_1312 = arith.muli %shift_right_arithmetic3A_1310, %mul3A_1311 : i32
        %multiple_of3A_1313 = tpu.assume_multiple %mul3A_1312, 128 : i32
        %slice3A_1314 = vector.extract_strided_slice %get3A_1306 {offsets = [8], sizes = [1], strides = [1]} : vector<16xi32> to vector<1xi32>
        %squeeze3A_1315 = vector.extract %slice3A_1314[0] : i32 from vector<1xi32>
        %shift_right_arithmetic3A_1316 = arith.constant 7 : i32
        %shift_right_arithmetic3A_1317 = arith.shrsi %squeeze3A_1315, %shift_right_arithmetic3A_1316 : i32
        %mul3A_1318 = arith.constant 128 : i32
        %mul3A_1319 = arith.muli %shift_right_arithmetic3A_1317, %mul3A_1318 : i32
        %multiple_of3A_1320 = tpu.assume_multiple %mul3A_1319, 128 : i32
        %dma_start3A_1321 = arith.constant 1 : i32
        %dma_start3A_1322 = arith.constant 0 : i32
        %dma_start3A_1323 = arith.constant 0 : i32
        %dma_start3A_1324 = arith.constant 0 : i32
        %dma_start3A_1325 = tpu.memref_slice %arg16[%dma_start3A_1321, %dma_start3A_1322, %dma_start3A_1323, %dma_start3A_1324] : memref<2x8x16x128xf32, #tpu.memory_space<vmem>> -> memref<1x1x16x128xf32, #tpu.memory_space<vmem>>
        %dma_start3A_1326 = tpu.memref_squeeze %dma_start3A_1325 : memref<1x1x16x128xf32, #tpu.memory_space<vmem>> -> memref<16x128xf32, #tpu.memory_space<vmem>>
        %dma_start3A_1327 = arith.constant 0 : i32
        %dma_start3A_1328 = tpu.memref_slice %arg4[%dma_start3A_1327, %multiple_of3A_1313] : memref<16x1000000xf32, #tpu.memory_space<hbm>> -> memref<16x128xf32, #tpu.memory_space<hbm>>
        %dma_start3A_1329 = arith.constant 0 : i32
        %dma_start3A_1330 = arith.constant 0 : i32
        %dma_start3A_1331 = tpu.memref_slice %arg16[%dma_start3A_1321, %dma_start3A_1322, %dma_start3A_1329, %dma_start3A_1330] : memref<2x8x16x128xf32, #tpu.memory_space<vmem>> -> memref<1x1x16x128xf32, #tpu.memory_space<vmem>>
        %dma_start3A_1332 = tpu.memref_squeeze %dma_start3A_1331 : memref<1x1x16x128xf32, #tpu.memory_space<vmem>> -> memref<16x128xf32, #tpu.memory_space<vmem>>
        %dma_start3A_1333 = arith.constant 0 : i32
        %dma_start3A_1334 = tpu.memref_slice %arg4[%dma_start3A_1333, %multiple_of3A_1313] : memref<16x1000000xf32, #tpu.memory_space<hbm>> -> memref<16x128xf32, #tpu.memory_space<hbm>>
        tpu.enqueue_dma source(%dma_start3A_1334 : memref<16x128xf32, #tpu.memory_space<hbm>>) target(%dma_start3A_1332 : memref<16x128xf32, #tpu.memory_space<vmem>>) target_semaphore(%arg27 : memref<!tpu.dma_semaphore, #tpu.memory_space<semaphore_mem>>)
        %dma_start3A_1335 = arith.constant 1 : i32
        %dma_start3A_1336 = arith.constant 0 : i32
        %dma_start3A_1337 = arith.constant 0 : i32
        %dma_start3A_1338 = arith.constant 0 : i32
        %dma_start3A_1339 = tpu.memref_slice %arg17[%dma_start3A_1335, %dma_start3A_1336, %dma_start3A_1337, %dma_start3A_1338] : memref<2x8x16x128xf32, #tpu.memory_space<vmem>> -> memref<1x1x16x128xf32, #tpu.memory_space<vmem>>
        %dma_start3A_1340 = tpu.memref_squeeze %dma_start3A_1339 : memref<1x1x16x128xf32, #tpu.memory_space<vmem>> -> memref<16x128xf32, #tpu.memory_space<vmem>>
        %dma_start3A_1341 = arith.constant 0 : i32
        %dma_start3A_1342 = tpu.memref_slice %arg5[%dma_start3A_1341, %multiple_of3A_1320] : memref<16x1000000xf32, #tpu.memory_space<hbm>> -> memref<16x128xf32, #tpu.memory_space<hbm>>
        %dma_start3A_1343 = arith.constant 0 : i32
        %dma_start3A_1344 = arith.constant 0 : i32
        %dma_start3A_1345 = tpu.memref_slice %arg17[%dma_start3A_1335, %dma_start3A_1336, %dma_start3A_1343, %dma_start3A_1344] : memref<2x8x16x128xf32, #tpu.memory_space<vmem>> -> memref<1x1x16x128xf32, #tpu.memory_space<vmem>>
        %dma_start3A_1346 = tpu.memref_squeeze %dma_start3A_1345 : memref<1x1x16x128xf32, #tpu.memory_space<vmem>> -> memref<16x128xf32, #tpu.memory_space<vmem>>
        %dma_start3A_1347 = arith.constant 0 : i32
        %dma_start3A_1348 = tpu.memref_slice %arg5[%dma_start3A_1347, %multiple_of3A_1320] : memref<16x1000000xf32, #tpu.memory_space<hbm>> -> memref<16x128xf32, #tpu.memory_space<hbm>>
        tpu.enqueue_dma source(%dma_start3A_1348 : memref<16x128xf32, #tpu.memory_space<hbm>>) target(%dma_start3A_1346 : memref<16x128xf32, #tpu.memory_space<vmem>>) target_semaphore(%arg27 : memref<!tpu.dma_semaphore, #tpu.memory_space<semaphore_mem>>)
        %slice3A_1349 = vector.extract_strided_slice %get3A_1302 {offsets = [9], sizes = [1], strides = [1]} : vector<16xi32> to vector<1xi32>
        %squeeze3A_1350 = vector.extract %slice3A_1349[0] : i32 from vector<1xi32>
        %shift_right_arithmetic3A_1351 = arith.constant 7 : i32
        %shift_right_arithmetic3A_1352 = arith.shrsi %squeeze3A_1350, %shift_right_arithmetic3A_1351 : i32
        %mul3A_1353 = arith.constant 128 : i32
        %mul3A_1354 = arith.muli %shift_right_arithmetic3A_1352, %mul3A_1353 : i32
        %multiple_of3A_1355 = tpu.assume_multiple %mul3A_1354, 128 : i32
        %slice3A_1356 = vector.extract_strided_slice %get3A_1306 {offsets = [9], sizes = [1], strides = [1]} : vector<16xi32> to vector<1xi32>
        %squeeze3A_1357 = vector.extract %slice3A_1356[0] : i32 from vector<1xi32>
        %shift_right_arithmetic3A_1358 = arith.constant 7 : i32
        %shift_right_arithmetic3A_1359 = arith.shrsi %squeeze3A_1357, %shift_right_arithmetic3A_1358 : i32
        %mul3A_1360 = arith.constant 128 : i32
        %mul3A_1361 = arith.muli %shift_right_arithmetic3A_1359, %mul3A_1360 : i32
        %multiple_of3A_1362 = tpu.assume_multiple %mul3A_1361, 128 : i32
        %dma_start3A_1363 = arith.constant 1 : i32
        %dma_start3A_1364 = arith.constant 1 : i32
        %dma_start3A_1365 = arith.constant 0 : i32
        %dma_start3A_1366 = arith.constant 0 : i32
        %dma_start3A_1367 = tpu.memref_slice %arg16[%dma_start3A_1363, %dma_start3A_1364, %dma_start3A_1365, %dma_start3A_1366] : memref<2x8x16x128xf32, #tpu.memory_space<vmem>> -> memref<1x1x16x128xf32, #tpu.memory_space<vmem>>
        %dma_start3A_1368 = tpu.memref_squeeze %dma_start3A_1367 : memref<1x1x16x128xf32, #tpu.memory_space<vmem>> -> memref<16x128xf32, #tpu.memory_space<vmem>>
        %dma_start3A_1369 = arith.constant 0 : i32
        %dma_start3A_1370 = tpu.memref_slice %arg4[%dma_start3A_1369, %multiple_of3A_1355] : memref<16x1000000xf32, #tpu.memory_space<hbm>> -> memref<16x128xf32, #tpu.memory_space<hbm>>
        %dma_start3A_1371 = arith.constant 0 : i32
        %dma_start3A_1372 = arith.constant 0 : i32
        %dma_start3A_1373 = tpu.memref_slice %arg16[%dma_start3A_1363, %dma_start3A_1364, %dma_start3A_1371, %dma_start3A_1372] : memref<2x8x16x128xf32, #tpu.memory_space<vmem>> -> memref<1x1x16x128xf32, #tpu.memory_space<vmem>>
        %dma_start3A_1374 = tpu.memref_squeeze %dma_start3A_1373 : memref<1x1x16x128xf32, #tpu.memory_space<vmem>> -> memref<16x128xf32, #tpu.memory_space<vmem>>
        %dma_start3A_1375 = arith.constant 0 : i32
        %dma_start3A_1376 = tpu.memref_slice %arg4[%dma_start3A_1375, %multiple_of3A_1355] : memref<16x1000000xf32, #tpu.memory_space<hbm>> -> memref<16x128xf32, #tpu.memory_space<hbm>>
        tpu.enqueue_dma source(%dma_start3A_1376 : memref<16x128xf32, #tpu.memory_space<hbm>>) target(%dma_start3A_1374 : memref<16x128xf32, #tpu.memory_space<vmem>>) target_semaphore(%arg27 : memref<!tpu.dma_semaphore, #tpu.memory_space<semaphore_mem>>)
        %dma_start3A_1377 = arith.constant 1 : i32
        %dma_start3A_1378 = arith.constant 1 : i32
        %dma_start3A_1379 = arith.constant 0 : i32
        %dma_start3A_1380 = arith.constant 0 : i32
        %dma_start3A_1381 = tpu.memref_slice %arg17[%dma_start3A_1377, %dma_start3A_1378, %dma_start3A_1379, %dma_start3A_1380] : memref<2x8x16x128xf32, #tpu.memory_space<vmem>> -> memref<1x1x16x128xf32, #tpu.memory_space<vmem>>
        %dma_start3A_1382 = tpu.memref_squeeze %dma_start3A_1381 : memref<1x1x16x128xf32, #tpu.memory_space<vmem>> -> memref<16x128xf32, #tpu.memory_space<vmem>>
        %dma_start3A_1383 = arith.constant 0 : i32
        %dma_start3A_1384 = tpu.memref_slice %arg5[%dma_start3A_1383, %multiple_of3A_1362] : memref<16x1000000xf32, #tpu.memory_space<hbm>> -> memref<16x128xf32, #tpu.memory_space<hbm>>
        %dma_start3A_1385 = arith.constant 0 : i32
        %dma_start3A_1386 = arith.constant 0 : i32
        %dma_start3A_1387 = tpu.memref_slice %arg17[%dma_start3A_1377, %dma_start3A_1378, %dma_start3A_1385, %dma_start3A_1386] : memref<2x8x16x128xf32, #tpu.memory_space<vmem>> -> memref<1x1x16x128xf32, #tpu.memory_space<vmem>>
        %dma_start3A_1388 = tpu.memref_squeeze %dma_start3A_1387 : memref<1x1x16x128xf32, #tpu.memory_space<vmem>> -> memref<16x128xf32, #tpu.memory_space<vmem>>
        %dma_start3A_1389 = arith.constant 0 : i32
        %dma_start3A_1390 = tpu.memref_slice %arg5[%dma_start3A_1389, %multiple_of3A_1362] : memref<16x1000000xf32, #tpu.memory_space<hbm>> -> memref<16x128xf32, #tpu.memory_space<hbm>>
        tpu.enqueue_dma source(%dma_start3A_1390 : memref<16x128xf32, #tpu.memory_space<hbm>>) target(%dma_start3A_1388 : memref<16x128xf32, #tpu.memory_space<vmem>>) target_semaphore(%arg27 : memref<!tpu.dma_semaphore, #tpu.memory_space<semaphore_mem>>)
        %slice3A_1391 = vector.extract_strided_slice %get3A_1302 {offsets = [10], sizes = [1], strides = [1]} : vector<16xi32> to vector<1xi32>
        %squeeze3A_1392 = vector.extract %slice3A_1391[0] : i32 from vector<1xi32>
        %shift_right_arithmetic3A_1393 = arith.constant 7 : i32
        %shift_right_arithmetic3A_1394 = arith.shrsi %squeeze3A_1392, %shift_right_arithmetic3A_1393 : i32
        %mul3A_1395 = arith.constant 128 : i32
        %mul3A_1396 = arith.muli %shift_right_arithmetic3A_1394, %mul3A_1395 : i32
        %multiple_of3A_1397 = tpu.assume_multiple %mul3A_1396, 128 : i32
        %slice3A_1398 = vector.extract_strided_slice %get3A_1306 {offsets = [10], sizes = [1], strides = [1]} : vector<16xi32> to vector<1xi32>
        %squeeze3A_1399 = vector.extract %slice3A_1398[0] : i32 from vector<1xi32>
        %shift_right_arithmetic3A_1400 = arith.constant 7 : i32
        %shift_right_arithmetic3A_1401 = arith.shrsi %squeeze3A_1399, %shift_right_arithmetic3A_1400 : i32
        %mul3A_1402 = arith.constant 128 : i32
        %mul3A_1403 = arith.muli %shift_right_arithmetic3A_1401, %mul3A_1402 : i32
        %multiple_of3A_1404 = tpu.assume_multiple %mul3A_1403, 128 : i32
        %dma_start3A_1405 = arith.constant 1 : i32
        %dma_start3A_1406 = arith.constant 2 : i32
        %dma_start3A_1407 = arith.constant 0 : i32
        %dma_start3A_1408 = arith.constant 0 : i32
        %dma_start3A_1409 = tpu.memref_slice %arg16[%dma_start3A_1405, %dma_start3A_1406, %dma_start3A_1407, %dma_start3A_1408] : memref<2x8x16x128xf32, #tpu.memory_space<vmem>> -> memref<1x1x16x128xf32, #tpu.memory_space<vmem>>
        %dma_start3A_1410 = tpu.memref_squeeze %dma_start3A_1409 : memref<1x1x16x128xf32, #tpu.memory_space<vmem>> -> memref<16x128xf32, #tpu.memory_space<vmem>>
        %dma_start3A_1411 = arith.constant 0 : i32
        %dma_start3A_1412 = tpu.memref_slice %arg4[%dma_start3A_1411, %multiple_of3A_1397] : memref<16x1000000xf32, #tpu.memory_space<hbm>> -> memref<16x128xf32, #tpu.memory_space<hbm>>
        %dma_start3A_1413 = arith.constant 0 : i32
        %dma_start3A_1414 = arith.constant 0 : i32
        %dma_start3A_1415 = tpu.memref_slice %arg16[%dma_start3A_1405, %dma_start3A_1406, %dma_start3A_1413, %dma_start3A_1414] : memref<2x8x16x128xf32, #tpu.memory_space<vmem>> -> memref<1x1x16x128xf32, #tpu.memory_space<vmem>>
        %dma_start3A_1416 = tpu.memref_squeeze %dma_start3A_1415 : memref<1x1x16x128xf32, #tpu.memory_space<vmem>> -> memref<16x128xf32, #tpu.memory_space<vmem>>
        %dma_start3A_1417 = arith.constant 0 : i32
        %dma_start3A_1418 = tpu.memref_slice %arg4[%dma_start3A_1417, %multiple_of3A_1397] : memref<16x1000000xf32, #tpu.memory_space<hbm>> -> memref<16x128xf32, #tpu.memory_space<hbm>>
        tpu.enqueue_dma source(%dma_start3A_1418 : memref<16x128xf32, #tpu.memory_space<hbm>>) target(%dma_start3A_1416 : memref<16x128xf32, #tpu.memory_space<vmem>>) target_semaphore(%arg27 : memref<!tpu.dma_semaphore, #tpu.memory_space<semaphore_mem>>)
        %dma_start3A_1419 = arith.constant 1 : i32
        %dma_start3A_1420 = arith.constant 2 : i32
        %dma_start3A_1421 = arith.constant 0 : i32
        %dma_start3A_1422 = arith.constant 0 : i32
        %dma_start3A_1423 = tpu.memref_slice %arg17[%dma_start3A_1419, %dma_start3A_1420, %dma_start3A_1421, %dma_start3A_1422] : memref<2x8x16x128xf32, #tpu.memory_space<vmem>> -> memref<1x1x16x128xf32, #tpu.memory_space<vmem>>
        %dma_start3A_1424 = tpu.memref_squeeze %dma_start3A_1423 : memref<1x1x16x128xf32, #tpu.memory_space<vmem>> -> memref<16x128xf32, #tpu.memory_space<vmem>>
        %dma_start3A_1425 = arith.constant 0 : i32
        %dma_start3A_1426 = tpu.memref_slice %arg5[%dma_start3A_1425, %multiple_of3A_1404] : memref<16x1000000xf32, #tpu.memory_space<hbm>> -> memref<16x128xf32, #tpu.memory_space<hbm>>
        %dma_start3A_1427 = arith.constant 0 : i32
        %dma_start3A_1428 = arith.constant 0 : i32
        %dma_start3A_1429 = tpu.memref_slice %arg17[%dma_start3A_1419, %dma_start3A_1420, %dma_start3A_1427, %dma_start3A_1428] : memref<2x8x16x128xf32, #tpu.memory_space<vmem>> -> memref<1x1x16x128xf32, #tpu.memory_space<vmem>>
        %dma_start3A_1430 = tpu.memref_squeeze %dma_start3A_1429 : memref<1x1x16x128xf32, #tpu.memory_space<vmem>> -> memref<16x128xf32, #tpu.memory_space<vmem>>
        %dma_start3A_1431 = arith.constant 0 : i32
        %dma_start3A_1432 = tpu.memref_slice %arg5[%dma_start3A_1431, %multiple_of3A_1404] : memref<16x1000000xf32, #tpu.memory_space<hbm>> -> memref<16x128xf32, #tpu.memory_space<hbm>>
        tpu.enqueue_dma source(%dma_start3A_1432 : memref<16x128xf32, #tpu.memory_space<hbm>>) target(%dma_start3A_1430 : memref<16x128xf32, #tpu.memory_space<vmem>>) target_semaphore(%arg27 : memref<!tpu.dma_semaphore, #tpu.memory_space<semaphore_mem>>)
        %slice3A_1433 = vector.extract_strided_slice %get3A_1302 {offsets = [11], sizes = [1], strides = [1]} : vector<16xi32> to vector<1xi32>
        %squeeze3A_1434 = vector.extract %slice3A_1433[0] : i32 from vector<1xi32>
        %shift_right_arithmetic3A_1435 = arith.constant 7 : i32
        %shift_right_arithmetic3A_1436 = arith.shrsi %squeeze3A_1434, %shift_right_arithmetic3A_1435 : i32
        %mul3A_1437 = arith.constant 128 : i32
        %mul3A_1438 = arith.muli %shift_right_arithmetic3A_1436, %mul3A_1437 : i32
        %multiple_of3A_1439 = tpu.assume_multiple %mul3A_1438, 128 : i32
        %slice3A_1440 = vector.extract_strided_slice %get3A_1306 {offsets = [11], sizes = [1], strides = [1]} : vector<16xi32> to vector<1xi32>
        %squeeze3A_1441 = vector.extract %slice3A_1440[0] : i32 from vector<1xi32>
        %shift_right_arithmetic3A_1442 = arith.constant 7 : i32
        %shift_right_arithmetic3A_1443 = arith.shrsi %squeeze3A_1441, %shift_right_arithmetic3A_1442 : i32
        %mul3A_1444 = arith.constant 128 : i32
        %mul3A_1445 = arith.muli %shift_right_arithmetic3A_1443, %mul3A_1444 : i32
        %multiple_of3A_1446 = tpu.assume_multiple %mul3A_1445, 128 : i32
        %dma_start3A_1447 = arith.constant 1 : i32
        %dma_start3A_1448 = arith.constant 3 : i32
        %dma_start3A_1449 = arith.constant 0 : i32
        %dma_start3A_1450 = arith.constant 0 : i32
        %dma_start3A_1451 = tpu.memref_slice %arg16[%dma_start3A_1447, %dma_start3A_1448, %dma_start3A_1449, %dma_start3A_1450] : memref<2x8x16x128xf32, #tpu.memory_space<vmem>> -> memref<1x1x16x128xf32, #tpu.memory_space<vmem>>
        %dma_start3A_1452 = tpu.memref_squeeze %dma_start3A_1451 : memref<1x1x16x128xf32, #tpu.memory_space<vmem>> -> memref<16x128xf32, #tpu.memory_space<vmem>>
        %dma_start3A_1453 = arith.constant 0 : i32
        %dma_start3A_1454 = tpu.memref_slice %arg4[%dma_start3A_1453, %multiple_of3A_1439] : memref<16x1000000xf32, #tpu.memory_space<hbm>> -> memref<16x128xf32, #tpu.memory_space<hbm>>
        %dma_start3A_1455 = arith.constant 0 : i32
        %dma_start3A_1456 = arith.constant 0 : i32
        %dma_start3A_1457 = tpu.memref_slice %arg16[%dma_start3A_1447, %dma_start3A_1448, %dma_start3A_1455, %dma_start3A_1456] : memref<2x8x16x128xf32, #tpu.memory_space<vmem>> -> memref<1x1x16x128xf32, #tpu.memory_space<vmem>>
        %dma_start3A_1458 = tpu.memref_squeeze %dma_start3A_1457 : memref<1x1x16x128xf32, #tpu.memory_space<vmem>> -> memref<16x128xf32, #tpu.memory_space<vmem>>
        %dma_start3A_1459 = arith.constant 0 : i32
        %dma_start3A_1460 = tpu.memref_slice %arg4[%dma_start3A_1459, %multiple_of3A_1439] : memref<16x1000000xf32, #tpu.memory_space<hbm>> -> memref<16x128xf32, #tpu.memory_space<hbm>>
        tpu.enqueue_dma source(%dma_start3A_1460 : memref<16x128xf32, #tpu.memory_space<hbm>>) target(%dma_start3A_1458 : memref<16x128xf32, #tpu.memory_space<vmem>>) target_semaphore(%arg27 : memref<!tpu.dma_semaphore, #tpu.memory_space<semaphore_mem>>)
        %dma_start3A_1461 = arith.constant 1 : i32
        %dma_start3A_1462 = arith.constant 3 : i32
        %dma_start3A_1463 = arith.constant 0 : i32
        %dma_start3A_1464 = arith.constant 0 : i32
        %dma_start3A_1465 = tpu.memref_slice %arg17[%dma_start3A_1461, %dma_start3A_1462, %dma_start3A_1463, %dma_start3A_1464] : memref<2x8x16x128xf32, #tpu.memory_space<vmem>> -> memref<1x1x16x128xf32, #tpu.memory_space<vmem>>
        %dma_start3A_1466 = tpu.memref_squeeze %dma_start3A_1465 : memref<1x1x16x128xf32, #tpu.memory_space<vmem>> -> memref<16x128xf32, #tpu.memory_space<vmem>>
        %dma_start3A_1467 = arith.constant 0 : i32
        %dma_start3A_1468 = tpu.memref_slice %arg5[%dma_start3A_1467, %multiple_of3A_1446] : memref<16x1000000xf32, #tpu.memory_space<hbm>> -> memref<16x128xf32, #tpu.memory_space<hbm>>
        %dma_start3A_1469 = arith.constant 0 : i32
        %dma_start3A_1470 = arith.constant 0 : i32
        %dma_start3A_1471 = tpu.memref_slice %arg17[%dma_start3A_1461, %dma_start3A_1462, %dma_start3A_1469, %dma_start3A_1470] : memref<2x8x16x128xf32, #tpu.memory_space<vmem>> -> memref<1x1x16x128xf32, #tpu.memory_space<vmem>>
        %dma_start3A_1472 = tpu.memref_squeeze %dma_start3A_1471 : memref<1x1x16x128xf32, #tpu.memory_space<vmem>> -> memref<16x128xf32, #tpu.memory_space<vmem>>
        %dma_start3A_1473 = arith.constant 0 : i32
        %dma_start3A_1474 = tpu.memref_slice %arg5[%dma_start3A_1473, %multiple_of3A_1446] : memref<16x1000000xf32, #tpu.memory_space<hbm>> -> memref<16x128xf32, #tpu.memory_space<hbm>>
        tpu.enqueue_dma source(%dma_start3A_1474 : memref<16x128xf32, #tpu.memory_space<hbm>>) target(%dma_start3A_1472 : memref<16x128xf32, #tpu.memory_space<vmem>>) target_semaphore(%arg27 : memref<!tpu.dma_semaphore, #tpu.memory_space<semaphore_mem>>)
        %slice3A_1475 = vector.extract_strided_slice %get3A_1302 {offsets = [12], sizes = [1], strides = [1]} : vector<16xi32> to vector<1xi32>
        %squeeze3A_1476 = vector.extract %slice3A_1475[0] : i32 from vector<1xi32>
        %shift_right_arithmetic3A_1477 = arith.constant 7 : i32
        %shift_right_arithmetic3A_1478 = arith.shrsi %squeeze3A_1476, %shift_right_arithmetic3A_1477 : i32
        %mul3A_1479 = arith.constant 128 : i32
        %mul3A_1480 = arith.muli %shift_right_arithmetic3A_1478, %mul3A_1479 : i32
        %multiple_of3A_1481 = tpu.assume_multiple %mul3A_1480, 128 : i32
        %slice3A_1482 = vector.extract_strided_slice %get3A_1306 {offsets = [12], sizes = [1], strides = [1]} : vector<16xi32> to vector<1xi32>
        %squeeze3A_1483 = vector.extract %slice3A_1482[0] : i32 from vector<1xi32>
        %shift_right_arithmetic3A_1484 = arith.constant 7 : i32
        %shift_right_arithmetic3A_1485 = arith.shrsi %squeeze3A_1483, %shift_right_arithmetic3A_1484 : i32
        %mul3A_1486 = arith.constant 128 : i32
        %mul3A_1487 = arith.muli %shift_right_arithmetic3A_1485, %mul3A_1486 : i32
        %multiple_of3A_1488 = tpu.assume_multiple %mul3A_1487, 128 : i32
        %dma_start3A_1489 = arith.constant 1 : i32
        %dma_start3A_1490 = arith.constant 4 : i32
        %dma_start3A_1491 = arith.constant 0 : i32
        %dma_start3A_1492 = arith.constant 0 : i32
        %dma_start3A_1493 = tpu.memref_slice %arg16[%dma_start3A_1489, %dma_start3A_1490, %dma_start3A_1491, %dma_start3A_1492] : memref<2x8x16x128xf32, #tpu.memory_space<vmem>> -> memref<1x1x16x128xf32, #tpu.memory_space<vmem>>
        %dma_start3A_1494 = tpu.memref_squeeze %dma_start3A_1493 : memref<1x1x16x128xf32, #tpu.memory_space<vmem>> -> memref<16x128xf32, #tpu.memory_space<vmem>>
        %dma_start3A_1495 = arith.constant 0 : i32
        %dma_start3A_1496 = tpu.memref_slice %arg4[%dma_start3A_1495, %multiple_of3A_1481] : memref<16x1000000xf32, #tpu.memory_space<hbm>> -> memref<16x128xf32, #tpu.memory_space<hbm>>
        %dma_start3A_1497 = arith.constant 0 : i32
        %dma_start3A_1498 = arith.constant 0 : i32
        %dma_start3A_1499 = tpu.memref_slice %arg16[%dma_start3A_1489, %dma_start3A_1490, %dma_start3A_1497, %dma_start3A_1498] : memref<2x8x16x128xf32, #tpu.memory_space<vmem>> -> memref<1x1x16x128xf32, #tpu.memory_space<vmem>>
        %dma_start3A_1500 = tpu.memref_squeeze %dma_start3A_1499 : memref<1x1x16x128xf32, #tpu.memory_space<vmem>> -> memref<16x128xf32, #tpu.memory_space<vmem>>
        %dma_start3A_1501 = arith.constant 0 : i32
        %dma_start3A_1502 = tpu.memref_slice %arg4[%dma_start3A_1501, %multiple_of3A_1481] : memref<16x1000000xf32, #tpu.memory_space<hbm>> -> memref<16x128xf32, #tpu.memory_space<hbm>>
        tpu.enqueue_dma source(%dma_start3A_1502 : memref<16x128xf32, #tpu.memory_space<hbm>>) target(%dma_start3A_1500 : memref<16x128xf32, #tpu.memory_space<vmem>>) target_semaphore(%arg27 : memref<!tpu.dma_semaphore, #tpu.memory_space<semaphore_mem>>)
        %dma_start3A_1503 = arith.constant 1 : i32
        %dma_start3A_1504 = arith.constant 4 : i32
        %dma_start3A_1505 = arith.constant 0 : i32
        %dma_start3A_1506 = arith.constant 0 : i32
        %dma_start3A_1507 = tpu.memref_slice %arg17[%dma_start3A_1503, %dma_start3A_1504, %dma_start3A_1505, %dma_start3A_1506] : memref<2x8x16x128xf32, #tpu.memory_space<vmem>> -> memref<1x1x16x128xf32, #tpu.memory_space<vmem>>
        %dma_start3A_1508 = tpu.memref_squeeze %dma_start3A_1507 : memref<1x1x16x128xf32, #tpu.memory_space<vmem>> -> memref<16x128xf32, #tpu.memory_space<vmem>>
        %dma_start3A_1509 = arith.constant 0 : i32
        %dma_start3A_1510 = tpu.memref_slice %arg5[%dma_start3A_1509, %multiple_of3A_1488] : memref<16x1000000xf32, #tpu.memory_space<hbm>> -> memref<16x128xf32, #tpu.memory_space<hbm>>
        %dma_start3A_1511 = arith.constant 0 : i32
        %dma_start3A_1512 = arith.constant 0 : i32
        %dma_start3A_1513 = tpu.memref_slice %arg17[%dma_start3A_1503, %dma_start3A_1504, %dma_start3A_1511, %dma_start3A_1512] : memref<2x8x16x128xf32, #tpu.memory_space<vmem>> -> memref<1x1x16x128xf32, #tpu.memory_space<vmem>>
        %dma_start3A_1514 = tpu.memref_squeeze %dma_start3A_1513 : memref<1x1x16x128xf32, #tpu.memory_space<vmem>> -> memref<16x128xf32, #tpu.memory_space<vmem>>
        %dma_start3A_1515 = arith.constant 0 : i32
        %dma_start3A_1516 = tpu.memref_slice %arg5[%dma_start3A_1515, %multiple_of3A_1488] : memref<16x1000000xf32, #tpu.memory_space<hbm>> -> memref<16x128xf32, #tpu.memory_space<hbm>>
        tpu.enqueue_dma source(%dma_start3A_1516 : memref<16x128xf32, #tpu.memory_space<hbm>>) target(%dma_start3A_1514 : memref<16x128xf32, #tpu.memory_space<vmem>>) target_semaphore(%arg27 : memref<!tpu.dma_semaphore, #tpu.memory_space<semaphore_mem>>)
        %slice3A_1517 = vector.extract_strided_slice %get3A_1302 {offsets = [13], sizes = [1], strides = [1]} : vector<16xi32> to vector<1xi32>
        %squeeze3A_1518 = vector.extract %slice3A_1517[0] : i32 from vector<1xi32>
        %shift_right_arithmetic3A_1519 = arith.constant 7 : i32
        %shift_right_arithmetic3A_1520 = arith.shrsi %squeeze3A_1518, %shift_right_arithmetic3A_1519 : i32
        %mul3A_1521 = arith.constant 128 : i32
        %mul3A_1522 = arith.muli %shift_right_arithmetic3A_1520, %mul3A_1521 : i32
        %multiple_of3A_1523 = tpu.assume_multiple %mul3A_1522, 128 : i32
        %slice3A_1524 = vector.extract_strided_slice %get3A_1306 {offsets = [13], sizes = [1], strides = [1]} : vector<16xi32> to vector<1xi32>
        %squeeze3A_1525 = vector.extract %slice3A_1524[0] : i32 from vector<1xi32>
        %shift_right_arithmetic3A_1526 = arith.constant 7 : i32
        %shift_right_arithmetic3A_1527 = arith.shrsi %squeeze3A_1525, %shift_right_arithmetic3A_1526 : i32
        %mul3A_1528 = arith.constant 128 : i32
        %mul3A_1529 = arith.muli %shift_right_arithmetic3A_1527, %mul3A_1528 : i32
        %multiple_of3A_1530 = tpu.assume_multiple %mul3A_1529, 128 : i32
        %dma_start3A_1531 = arith.constant 1 : i32
        %dma_start3A_1532 = arith.constant 5 : i32
        %dma_start3A_1533 = arith.constant 0 : i32
        %dma_start3A_1534 = arith.constant 0 : i32
        %dma_start3A_1535 = tpu.memref_slice %arg16[%dma_start3A_1531, %dma_start3A_1532, %dma_start3A_1533, %dma_start3A_1534] : memref<2x8x16x128xf32, #tpu.memory_space<vmem>> -> memref<1x1x16x128xf32, #tpu.memory_space<vmem>>
        %dma_start3A_1536 = tpu.memref_squeeze %dma_start3A_1535 : memref<1x1x16x128xf32, #tpu.memory_space<vmem>> -> memref<16x128xf32, #tpu.memory_space<vmem>>
        %dma_start3A_1537 = arith.constant 0 : i32
        %dma_start3A_1538 = tpu.memref_slice %arg4[%dma_start3A_1537, %multiple_of3A_1523] : memref<16x1000000xf32, #tpu.memory_space<hbm>> -> memref<16x128xf32, #tpu.memory_space<hbm>>
        %dma_start3A_1539 = arith.constant 0 : i32
        %dma_start3A_1540 = arith.constant 0 : i32
        %dma_start3A_1541 = tpu.memref_slice %arg16[%dma_start3A_1531, %dma_start3A_1532, %dma_start3A_1539, %dma_start3A_1540] : memref<2x8x16x128xf32, #tpu.memory_space<vmem>> -> memref<1x1x16x128xf32, #tpu.memory_space<vmem>>
        %dma_start3A_1542 = tpu.memref_squeeze %dma_start3A_1541 : memref<1x1x16x128xf32, #tpu.memory_space<vmem>> -> memref<16x128xf32, #tpu.memory_space<vmem>>
        %dma_start3A_1543 = arith.constant 0 : i32
        %dma_start3A_1544 = tpu.memref_slice %arg4[%dma_start3A_1543, %multiple_of3A_1523] : memref<16x1000000xf32, #tpu.memory_space<hbm>> -> memref<16x128xf32, #tpu.memory_space<hbm>>
        tpu.enqueue_dma source(%dma_start3A_1544 : memref<16x128xf32, #tpu.memory_space<hbm>>) target(%dma_start3A_1542 : memref<16x128xf32, #tpu.memory_space<vmem>>) target_semaphore(%arg27 : memref<!tpu.dma_semaphore, #tpu.memory_space<semaphore_mem>>)
        %dma_start3A_1545 = arith.constant 1 : i32
        %dma_start3A_1546 = arith.constant 5 : i32
        %dma_start3A_1547 = arith.constant 0 : i32
        %dma_start3A_1548 = arith.constant 0 : i32
        %dma_start3A_1549 = tpu.memref_slice %arg17[%dma_start3A_1545, %dma_start3A_1546, %dma_start3A_1547, %dma_start3A_1548] : memref<2x8x16x128xf32, #tpu.memory_space<vmem>> -> memref<1x1x16x128xf32, #tpu.memory_space<vmem>>
        %dma_start3A_1550 = tpu.memref_squeeze %dma_start3A_1549 : memref<1x1x16x128xf32, #tpu.memory_space<vmem>> -> memref<16x128xf32, #tpu.memory_space<vmem>>
        %dma_start3A_1551 = arith.constant 0 : i32
        %dma_start3A_1552 = tpu.memref_slice %arg5[%dma_start3A_1551, %multiple_of3A_1530] : memref<16x1000000xf32, #tpu.memory_space<hbm>> -> memref<16x128xf32, #tpu.memory_space<hbm>>
        %dma_start3A_1553 = arith.constant 0 : i32
        %dma_start3A_1554 = arith.constant 0 : i32
        %dma_start3A_1555 = tpu.memref_slice %arg17[%dma_start3A_1545, %dma_start3A_1546, %dma_start3A_1553, %dma_start3A_1554] : memref<2x8x16x128xf32, #tpu.memory_space<vmem>> -> memref<1x1x16x128xf32, #tpu.memory_space<vmem>>
        %dma_start3A_1556 = tpu.memref_squeeze %dma_start3A_1555 : memref<1x1x16x128xf32, #tpu.memory_space<vmem>> -> memref<16x128xf32, #tpu.memory_space<vmem>>
        %dma_start3A_1557 = arith.constant 0 : i32
        %dma_start3A_1558 = tpu.memref_slice %arg5[%dma_start3A_1557, %multiple_of3A_1530] : memref<16x1000000xf32, #tpu.memory_space<hbm>> -> memref<16x128xf32, #tpu.memory_space<hbm>>
        tpu.enqueue_dma source(%dma_start3A_1558 : memref<16x128xf32, #tpu.memory_space<hbm>>) target(%dma_start3A_1556 : memref<16x128xf32, #tpu.memory_space<vmem>>) target_semaphore(%arg27 : memref<!tpu.dma_semaphore, #tpu.memory_space<semaphore_mem>>)
        %slice3A_1559 = vector.extract_strided_slice %get3A_1302 {offsets = [14], sizes = [1], strides = [1]} : vector<16xi32> to vector<1xi32>
        %squeeze3A_1560 = vector.extract %slice3A_1559[0] : i32 from vector<1xi32>
        %shift_right_arithmetic3A_1561 = arith.constant 7 : i32
        %shift_right_arithmetic3A_1562 = arith.shrsi %squeeze3A_1560, %shift_right_arithmetic3A_1561 : i32
        %mul3A_1563 = arith.constant 128 : i32
        %mul3A_1564 = arith.muli %shift_right_arithmetic3A_1562, %mul3A_1563 : i32
        %multiple_of3A_1565 = tpu.assume_multiple %mul3A_1564, 128 : i32
        %slice3A_1566 = vector.extract_strided_slice %get3A_1306 {offsets = [14], sizes = [1], strides = [1]} : vector<16xi32> to vector<1xi32>
        %squeeze3A_1567 = vector.extract %slice3A_1566[0] : i32 from vector<1xi32>
        %shift_right_arithmetic3A_1568 = arith.constant 7 : i32
        %shift_right_arithmetic3A_1569 = arith.shrsi %squeeze3A_1567, %shift_right_arithmetic3A_1568 : i32
        %mul3A_1570 = arith.constant 128 : i32
        %mul3A_1571 = arith.muli %shift_right_arithmetic3A_1569, %mul3A_1570 : i32
        %multiple_of3A_1572 = tpu.assume_multiple %mul3A_1571, 128 : i32
        %dma_start3A_1573 = arith.constant 1 : i32
        %dma_start3A_1574 = arith.constant 6 : i32
        %dma_start3A_1575 = arith.constant 0 : i32
        %dma_start3A_1576 = arith.constant 0 : i32
        %dma_start3A_1577 = tpu.memref_slice %arg16[%dma_start3A_1573, %dma_start3A_1574, %dma_start3A_1575, %dma_start3A_1576] : memref<2x8x16x128xf32, #tpu.memory_space<vmem>> -> memref<1x1x16x128xf32, #tpu.memory_space<vmem>>
        %dma_start3A_1578 = tpu.memref_squeeze %dma_start3A_1577 : memref<1x1x16x128xf32, #tpu.memory_space<vmem>> -> memref<16x128xf32, #tpu.memory_space<vmem>>
        %dma_start3A_1579 = arith.constant 0 : i32
        %dma_start3A_1580 = tpu.memref_slice %arg4[%dma_start3A_1579, %multiple_of3A_1565] : memref<16x1000000xf32, #tpu.memory_space<hbm>> -> memref<16x128xf32, #tpu.memory_space<hbm>>
        %dma_start3A_1581 = arith.constant 0 : i32
        %dma_start3A_1582 = arith.constant 0 : i32
        %dma_start3A_1583 = tpu.memref_slice %arg16[%dma_start3A_1573, %dma_start3A_1574, %dma_start3A_1581, %dma_start3A_1582] : memref<2x8x16x128xf32, #tpu.memory_space<vmem>> -> memref<1x1x16x128xf32, #tpu.memory_space<vmem>>
        %dma_start3A_1584 = tpu.memref_squeeze %dma_start3A_1583 : memref<1x1x16x128xf32, #tpu.memory_space<vmem>> -> memref<16x128xf32, #tpu.memory_space<vmem>>
        %dma_start3A_1585 = arith.constant 0 : i32
        %dma_start3A_1586 = tpu.memref_slice %arg4[%dma_start3A_1585, %multiple_of3A_1565] : memref<16x1000000xf32, #tpu.memory_space<hbm>> -> memref<16x128xf32, #tpu.memory_space<hbm>>
        tpu.enqueue_dma source(%dma_start3A_1586 : memref<16x128xf32, #tpu.memory_space<hbm>>) target(%dma_start3A_1584 : memref<16x128xf32, #tpu.memory_space<vmem>>) target_semaphore(%arg27 : memref<!tpu.dma_semaphore, #tpu.memory_space<semaphore_mem>>)
        %dma_start3A_1587 = arith.constant 1 : i32
        %dma_start3A_1588 = arith.constant 6 : i32
        %dma_start3A_1589 = arith.constant 0 : i32
        %dma_start3A_1590 = arith.constant 0 : i32
        %dma_start3A_1591 = tpu.memref_slice %arg17[%dma_start3A_1587, %dma_start3A_1588, %dma_start3A_1589, %dma_start3A_1590] : memref<2x8x16x128xf32, #tpu.memory_space<vmem>> -> memref<1x1x16x128xf32, #tpu.memory_space<vmem>>
        %dma_start3A_1592 = tpu.memref_squeeze %dma_start3A_1591 : memref<1x1x16x128xf32, #tpu.memory_space<vmem>> -> memref<16x128xf32, #tpu.memory_space<vmem>>
        %dma_start3A_1593 = arith.constant 0 : i32
        %dma_start3A_1594 = tpu.memref_slice %arg5[%dma_start3A_1593, %multiple_of3A_1572] : memref<16x1000000xf32, #tpu.memory_space<hbm>> -> memref<16x128xf32, #tpu.memory_space<hbm>>
        %dma_start3A_1595 = arith.constant 0 : i32
        %dma_start3A_1596 = arith.constant 0 : i32
        %dma_start3A_1597 = tpu.memref_slice %arg17[%dma_start3A_1587, %dma_start3A_1588, %dma_start3A_1595, %dma_start3A_1596] : memref<2x8x16x128xf32, #tpu.memory_space<vmem>> -> memref<1x1x16x128xf32, #tpu.memory_space<vmem>>
        %dma_start3A_1598 = tpu.memref_squeeze %dma_start3A_1597 : memref<1x1x16x128xf32, #tpu.memory_space<vmem>> -> memref<16x128xf32, #tpu.memory_space<vmem>>
        %dma_start3A_1599 = arith.constant 0 : i32
        %dma_start3A_1600 = tpu.memref_slice %arg5[%dma_start3A_1599, %multiple_of3A_1572] : memref<16x1000000xf32, #tpu.memory_space<hbm>> -> memref<16x128xf32, #tpu.memory_space<hbm>>
        tpu.enqueue_dma source(%dma_start3A_1600 : memref<16x128xf32, #tpu.memory_space<hbm>>) target(%dma_start3A_1598 : memref<16x128xf32, #tpu.memory_space<vmem>>) target_semaphore(%arg27 : memref<!tpu.dma_semaphore, #tpu.memory_space<semaphore_mem>>)
        %slice3A_1601 = vector.extract_strided_slice %get3A_1302 {offsets = [15], sizes = [1], strides = [1]} : vector<16xi32> to vector<1xi32>
        %squeeze3A_1602 = vector.extract %slice3A_1601[0] : i32 from vector<1xi32>
        %shift_right_arithmetic3A_1603 = arith.constant 7 : i32
        %shift_right_arithmetic3A_1604 = arith.shrsi %squeeze3A_1602, %shift_right_arithmetic3A_1603 : i32
        %mul3A_1605 = arith.constant 128 : i32
        %mul3A_1606 = arith.muli %shift_right_arithmetic3A_1604, %mul3A_1605 : i32
        %multiple_of3A_1607 = tpu.assume_multiple %mul3A_1606, 128 : i32
        %slice3A_1608 = vector.extract_strided_slice %get3A_1306 {offsets = [15], sizes = [1], strides = [1]} : vector<16xi32> to vector<1xi32>
        %squeeze3A_1609 = vector.extract %slice3A_1608[0] : i32 from vector<1xi32>
        %shift_right_arithmetic3A_1610 = arith.constant 7 : i32
        %shift_right_arithmetic3A_1611 = arith.shrsi %squeeze3A_1609, %shift_right_arithmetic3A_1610 : i32
        %mul3A_1612 = arith.constant 128 : i32
        %mul3A_1613 = arith.muli %shift_right_arithmetic3A_1611, %mul3A_1612 : i32
        %multiple_of3A_1614 = tpu.assume_multiple %mul3A_1613, 128 : i32
        %dma_start3A_1615 = arith.constant 1 : i32
        %dma_start3A_1616 = arith.constant 7 : i32
        %dma_start3A_1617 = arith.constant 0 : i32
        %dma_start3A_1618 = arith.constant 0 : i32
        %dma_start3A_1619 = tpu.memref_slice %arg16[%dma_start3A_1615, %dma_start3A_1616, %dma_start3A_1617, %dma_start3A_1618] : memref<2x8x16x128xf32, #tpu.memory_space<vmem>> -> memref<1x1x16x128xf32, #tpu.memory_space<vmem>>
        %dma_start3A_1620 = tpu.memref_squeeze %dma_start3A_1619 : memref<1x1x16x128xf32, #tpu.memory_space<vmem>> -> memref<16x128xf32, #tpu.memory_space<vmem>>
        %dma_start3A_1621 = arith.constant 0 : i32
        %dma_start3A_1622 = tpu.memref_slice %arg4[%dma_start3A_1621, %multiple_of3A_1607] : memref<16x1000000xf32, #tpu.memory_space<hbm>> -> memref<16x128xf32, #tpu.memory_space<hbm>>
        %dma_start3A_1623 = arith.constant 0 : i32
        %dma_start3A_1624 = arith.constant 0 : i32
        %dma_start3A_1625 = tpu.memref_slice %arg16[%dma_start3A_1615, %dma_start3A_1616, %dma_start3A_1623, %dma_start3A_1624] : memref<2x8x16x128xf32, #tpu.memory_space<vmem>> -> memref<1x1x16x128xf32, #tpu.memory_space<vmem>>
        %dma_start3A_1626 = tpu.memref_squeeze %dma_start3A_1625 : memref<1x1x16x128xf32, #tpu.memory_space<vmem>> -> memref<16x128xf32, #tpu.memory_space<vmem>>
        %dma_start3A_1627 = arith.constant 0 : i32
        %dma_start3A_1628 = tpu.memref_slice %arg4[%dma_start3A_1627, %multiple_of3A_1607] : memref<16x1000000xf32, #tpu.memory_space<hbm>> -> memref<16x128xf32, #tpu.memory_space<hbm>>
        tpu.enqueue_dma source(%dma_start3A_1628 : memref<16x128xf32, #tpu.memory_space<hbm>>) target(%dma_start3A_1626 : memref<16x128xf32, #tpu.memory_space<vmem>>) target_semaphore(%arg27 : memref<!tpu.dma_semaphore, #tpu.memory_space<semaphore_mem>>)
        %dma_start3A_1629 = arith.constant 1 : i32
        %dma_start3A_1630 = arith.constant 7 : i32
        %dma_start3A_1631 = arith.constant 0 : i32
        %dma_start3A_1632 = arith.constant 0 : i32
        %dma_start3A_1633 = tpu.memref_slice %arg17[%dma_start3A_1629, %dma_start3A_1630, %dma_start3A_1631, %dma_start3A_1632] : memref<2x8x16x128xf32, #tpu.memory_space<vmem>> -> memref<1x1x16x128xf32, #tpu.memory_space<vmem>>
        %dma_start3A_1634 = tpu.memref_squeeze %dma_start3A_1633 : memref<1x1x16x128xf32, #tpu.memory_space<vmem>> -> memref<16x128xf32, #tpu.memory_space<vmem>>
        %dma_start3A_1635 = arith.constant 0 : i32
        %dma_start3A_1636 = tpu.memref_slice %arg5[%dma_start3A_1635, %multiple_of3A_1614] : memref<16x1000000xf32, #tpu.memory_space<hbm>> -> memref<16x128xf32, #tpu.memory_space<hbm>>
        %dma_start3A_1637 = arith.constant 0 : i32
        %dma_start3A_1638 = arith.constant 0 : i32
        %dma_start3A_1639 = tpu.memref_slice %arg17[%dma_start3A_1629, %dma_start3A_1630, %dma_start3A_1637, %dma_start3A_1638] : memref<2x8x16x128xf32, #tpu.memory_space<vmem>> -> memref<1x1x16x128xf32, #tpu.memory_space<vmem>>
        %dma_start3A_1640 = tpu.memref_squeeze %dma_start3A_1639 : memref<1x1x16x128xf32, #tpu.memory_space<vmem>> -> memref<16x128xf32, #tpu.memory_space<vmem>>
        %dma_start3A_1641 = arith.constant 0 : i32
        %dma_start3A_1642 = tpu.memref_slice %arg5[%dma_start3A_1641, %multiple_of3A_1614] : memref<16x1000000xf32, #tpu.memory_space<hbm>> -> memref<16x128xf32, #tpu.memory_space<hbm>>
        tpu.enqueue_dma source(%dma_start3A_1642 : memref<16x128xf32, #tpu.memory_space<hbm>>) target(%dma_start3A_1640 : memref<16x128xf32, #tpu.memory_space<vmem>>) target_semaphore(%arg27 : memref<!tpu.dma_semaphore, #tpu.memory_space<semaphore_mem>>)
      } else {
      }
      %scan3A_1296 = arith.constant 0 : i32
      scf.yield %scan3A_1296 : i32
    }
    %scan3A_706 = arith.constant 32 : i32
    %dma_wait3A = arith.constant 0 : i32
    %dma_wait3A_707 = tpu.memref_slice %arg20[%dma_wait3A] : memref<512xf32, #tpu.memory_space<vmem>> -> memref<128xf32, #tpu.memory_space<vmem>>
    %dma_wait3A_708 = arith.constant 0 : i32
    %dma_wait3A_709 = tpu.memref_slice %arg15[%dma_wait3A_708] : memref<512xi32, #tpu.memory_space<vmem>> -> memref<128xi32, #tpu.memory_space<vmem>>
    %dma_wait3A_710 = arith.constant 0 : i32
    %dma_wait3A_711 = tpu.memref_slice %arg6[%dma_wait3A_710] : memref<1000000xf32, #tpu.memory_space<hbm>> -> memref<1000000xf32, #tpu.memory_space<hbm>>
    tpu.wait_indirect_dma semaphore(%arg26 : memref<!tpu.dma_semaphore, #tpu.memory_space<semaphore_mem>>) src(%dma_wait3A_711 : memref<1000000xf32, #tpu.memory_space<hbm>>) dst(%dma_wait3A_707 : memref<128xf32, #tpu.memory_space<vmem>>)
    %dma_wait3A_712 = arith.constant 128 : i32
    %dma_wait3A_713 = tpu.memref_slice %arg20[%dma_wait3A_712] : memref<512xf32, #tpu.memory_space<vmem>> -> memref<128xf32, #tpu.memory_space<vmem>>
    %dma_wait3A_714 = arith.constant 128 : i32
    %dma_wait3A_715 = tpu.memref_slice %arg15[%dma_wait3A_714] : memref<512xi32, #tpu.memory_space<vmem>> -> memref<128xi32, #tpu.memory_space<vmem>>
    %dma_wait3A_716 = arith.constant 0 : i32
    %dma_wait3A_717 = tpu.memref_slice %arg6[%dma_wait3A_716] : memref<1000000xf32, #tpu.memory_space<hbm>> -> memref<1000000xf32, #tpu.memory_space<hbm>>
    tpu.wait_indirect_dma semaphore(%arg26 : memref<!tpu.dma_semaphore, #tpu.memory_space<semaphore_mem>>) src(%dma_wait3A_717 : memref<1000000xf32, #tpu.memory_space<hbm>>) dst(%dma_wait3A_713 : memref<128xf32, #tpu.memory_space<vmem>>)
    %dma_wait3A_718 = arith.constant 256 : i32
    %dma_wait3A_719 = tpu.memref_slice %arg20[%dma_wait3A_718] : memref<512xf32, #tpu.memory_space<vmem>> -> memref<128xf32, #tpu.memory_space<vmem>>
    %dma_wait3A_720 = arith.constant 256 : i32
    %dma_wait3A_721 = tpu.memref_slice %arg15[%dma_wait3A_720] : memref<512xi32, #tpu.memory_space<vmem>> -> memref<128xi32, #tpu.memory_space<vmem>>
    %dma_wait3A_722 = arith.constant 0 : i32
    %dma_wait3A_723 = tpu.memref_slice %arg6[%dma_wait3A_722] : memref<1000000xf32, #tpu.memory_space<hbm>> -> memref<1000000xf32, #tpu.memory_space<hbm>>
    tpu.wait_indirect_dma semaphore(%arg26 : memref<!tpu.dma_semaphore, #tpu.memory_space<semaphore_mem>>) src(%dma_wait3A_723 : memref<1000000xf32, #tpu.memory_space<hbm>>) dst(%dma_wait3A_719 : memref<128xf32, #tpu.memory_space<vmem>>)
    %dma_wait3A_724 = arith.constant 384 : i32
    %dma_wait3A_725 = tpu.memref_slice %arg20[%dma_wait3A_724] : memref<512xf32, #tpu.memory_space<vmem>> -> memref<128xf32, #tpu.memory_space<vmem>>
    %dma_wait3A_726 = arith.constant 384 : i32
    %dma_wait3A_727 = tpu.memref_slice %arg15[%dma_wait3A_726] : memref<512xi32, #tpu.memory_space<vmem>> -> memref<128xi32, #tpu.memory_space<vmem>>
    %dma_wait3A_728 = arith.constant 0 : i32
    %dma_wait3A_729 = tpu.memref_slice %arg6[%dma_wait3A_728] : memref<1000000xf32, #tpu.memory_space<hbm>> -> memref<1000000xf32, #tpu.memory_space<hbm>>
    tpu.wait_indirect_dma semaphore(%arg26 : memref<!tpu.dma_semaphore, #tpu.memory_space<semaphore_mem>>) src(%dma_wait3A_729 : memref<1000000xf32, #tpu.memory_space<hbm>>) dst(%dma_wait3A_725 : memref<128xf32, #tpu.memory_space<vmem>>)
    "tpu.region"() ({
      %run_scoped3A = tpu.sem_alloc : memref<!tpu.dma_semaphore, #tpu.memory_space<semaphore_mem>>
      %dma_start3A_732 = arith.constant 0 : i32
      %dma_start3A_733 = tpu.memref_slice %arg8[%dma_start3A_732, %mul3A_2] : memref<16x16384xf32, #tpu.memory_space<hbm>> -> memref<16x512xf32, #tpu.memory_space<hbm>>
      %dma_start3A_734 = arith.constant 0 : i32
      %dma_start3A_735 = tpu.memref_slice %arg8[%dma_start3A_734, %mul3A_2] : memref<16x16384xf32, #tpu.memory_space<hbm>> -> memref<16x512xf32, #tpu.memory_space<hbm>>
      tpu.enqueue_dma source(%arg18 : memref<16x512xf32, #tpu.memory_space<vmem>>) target(%dma_start3A_735 : memref<16x512xf32, #tpu.memory_space<hbm>>) target_semaphore(%run_scoped3A : memref<!tpu.dma_semaphore, #tpu.memory_space<semaphore_mem>>)
      %dma_wait3A_736 = arith.constant 0 : i32
      %dma_wait3A_737 = tpu.memref_slice %arg8[%dma_wait3A_736, %mul3A_2] : memref<16x16384xf32, #tpu.memory_space<hbm>> -> memref<16x512xf32, #tpu.memory_space<hbm>>
      %dma_wait3A_738 = arith.constant 0 : i32
      %dma_wait3A_739 = tpu.memref_slice %arg8[%dma_wait3A_738, %mul3A_2] : memref<16x16384xf32, #tpu.memory_space<hbm>> -> memref<16x512xf32, #tpu.memory_space<hbm>>
      tpu.wait_dma2 semaphore(%run_scoped3A : memref<!tpu.dma_semaphore, #tpu.memory_space<semaphore_mem>>) src(%arg18 : memref<16x512xf32, #tpu.memory_space<vmem>>) dst(%dma_wait3A_739 : memref<16x512xf32, #tpu.memory_space<hbm>>)
      tpu.yield
    }) : () -> ()
    "tpu.region"() ({
      %run_scoped3A = tpu.sem_alloc : memref<!tpu.dma_semaphore, #tpu.memory_space<semaphore_mem>>
      %dma_start3A_732 = arith.constant 0 : i32
      %dma_start3A_733 = tpu.memref_slice %arg9[%dma_start3A_732, %mul3A_2] : memref<16x16384xf32, #tpu.memory_space<hbm>> -> memref<16x512xf32, #tpu.memory_space<hbm>>
      %dma_start3A_734 = arith.constant 0 : i32
      %dma_start3A_735 = tpu.memref_slice %arg9[%dma_start3A_734, %mul3A_2] : memref<16x16384xf32, #tpu.memory_space<hbm>> -> memref<16x512xf32, #tpu.memory_space<hbm>>
      tpu.enqueue_dma source(%arg19 : memref<16x512xf32, #tpu.memory_space<vmem>>) target(%dma_start3A_735 : memref<16x512xf32, #tpu.memory_space<hbm>>) target_semaphore(%run_scoped3A : memref<!tpu.dma_semaphore, #tpu.memory_space<semaphore_mem>>)
      %dma_wait3A_736 = arith.constant 0 : i32
      %dma_wait3A_737 = tpu.memref_slice %arg9[%dma_wait3A_736, %mul3A_2] : memref<16x16384xf32, #tpu.memory_space<hbm>> -> memref<16x512xf32, #tpu.memory_space<hbm>>
      %dma_wait3A_738 = arith.constant 0 : i32
      %dma_wait3A_739 = tpu.memref_slice %arg9[%dma_wait3A_738, %mul3A_2] : memref<16x16384xf32, #tpu.memory_space<hbm>> -> memref<16x512xf32, #tpu.memory_space<hbm>>
      tpu.wait_dma2 semaphore(%run_scoped3A : memref<!tpu.dma_semaphore, #tpu.memory_space<semaphore_mem>>) src(%arg19 : memref<16x512xf32, #tpu.memory_space<vmem>>) dst(%dma_wait3A_739 : memref<16x512xf32, #tpu.memory_space<hbm>>)
      tpu.yield
    }) : () -> ()
    "tpu.region"() ({
      %run_scoped3A = tpu.sem_alloc : memref<!tpu.dma_semaphore, #tpu.memory_space<semaphore_mem>>
      %dma_start3A_732 = tpu.memref_slice %arg10[%mul3A_2] : memref<16384xf32, #tpu.memory_space<hbm>> -> memref<512xf32, #tpu.memory_space<hbm>>
      %dma_start3A_733 = tpu.memref_slice %arg10[%mul3A_2] : memref<16384xf32, #tpu.memory_space<hbm>> -> memref<512xf32, #tpu.memory_space<hbm>>
      tpu.enqueue_dma source(%arg20 : memref<512xf32, #tpu.memory_space<vmem>>) target(%dma_start3A_733 : memref<512xf32, #tpu.memory_space<hbm>>) target_semaphore(%run_scoped3A : memref<!tpu.dma_semaphore, #tpu.memory_space<semaphore_mem>>)
      %dma_wait3A_734 = tpu.memref_slice %arg10[%mul3A_2] : memref<16384xf32, #tpu.memory_space<hbm>> -> memref<512xf32, #tpu.memory_space<hbm>>
      %dma_wait3A_735 = tpu.memref_slice %arg10[%mul3A_2] : memref<16384xf32, #tpu.memory_space<hbm>> -> memref<512xf32, #tpu.memory_space<hbm>>
      tpu.wait_dma2 semaphore(%run_scoped3A : memref<!tpu.dma_semaphore, #tpu.memory_space<semaphore_mem>>) src(%arg20 : memref<512xf32, #tpu.memory_space<vmem>>) dst(%dma_wait3A_735 : memref<512xf32, #tpu.memory_space<hbm>>)
      tpu.yield
    }) : () -> ()
    %eq3A = arith.constant 0 : i32
    %eq3A_730 = arith.cmpi eq, %add3A, %eq3A : i32
    %convert_element_type3A = arith.extui %eq3A_730 : i1 to i32
    %cond3A = arith.constant 0 : i32
    %cond3A_731 = arith.cmpi ne, %convert_element_type3A, %cond3A : i32
    scf.if %cond3A_731 {
      "tpu.region"() ({
        %run_scoped3A = tpu.sem_alloc : memref<!tpu.dma_semaphore, #tpu.memory_space<semaphore_mem>>
        tpu.enqueue_dma source(%arg7 : memref<32xi32, #tpu.memory_space<hbm>>) target(%arg21 : memref<32xi32, #tpu.memory_space<vmem>>) target_semaphore(%run_scoped3A : memref<!tpu.dma_semaphore, #tpu.memory_space<semaphore_mem>>)
        tpu.wait_dma2 semaphore(%run_scoped3A : memref<!tpu.dma_semaphore, #tpu.memory_space<semaphore_mem>>) src(%arg7 : memref<32xi32, #tpu.memory_space<hbm>>) dst(%arg21 : memref<32xi32, #tpu.memory_space<vmem>>)
        tpu.yield
      }) : () -> ()
      "tpu.region"() ({
        %run_scoped3A = tpu.sem_alloc : memref<!tpu.dma_semaphore, #tpu.memory_space<semaphore_mem>>
        tpu.enqueue_dma source(%arg7 : memref<32xi32, #tpu.memory_space<hbm>>) target(%arg22 : memref<32xi32, #tpu.memory_space<vmem>>) target_semaphore(%run_scoped3A : memref<!tpu.dma_semaphore, #tpu.memory_space<semaphore_mem>>)
        tpu.wait_dma2 semaphore(%run_scoped3A : memref<!tpu.dma_semaphore, #tpu.memory_space<semaphore_mem>>) src(%arg7 : memref<32xi32, #tpu.memory_space<hbm>>) dst(%arg22 : memref<32xi32, #tpu.memory_space<vmem>>)
        tpu.yield
      }) : () -> ()
      %dma_start3A_732 = arith.constant 0 : i32
      %dma_start3A_733 = tpu.memref_slice %arg6[%dma_start3A_732] : memref<1000000xf32, #tpu.memory_space<hbm>> -> memref<1000000xf32, #tpu.memory_space<hbm>>
      tpu.enqueue_indirect_dma source(%dma_start3A_733 : memref<1000000xf32, #tpu.memory_space<hbm>>) target(%arg24 : memref<32xf32, #tpu.memory_space<vmem>>) offsets(%arg22 : memref<32xi32, #tpu.memory_space<vmem>>) semaphore(%arg26 : memref<!tpu.dma_semaphore, #tpu.memory_space<semaphore_mem>>)
      %get3A_734 = arith.constant 0 : index
      %get3A_735 = tpu.vector_load %arg21[%get3A_734] {strides = array<i32>} : memref<32xi32, #tpu.memory_space<vmem>>, vector<16xi32>,
      %get3A_736 = arith.constant 16 : index
      %get3A_737 = tpu.vector_load %arg21[%get3A_736] {strides = array<i32>} : memref<32xi32, #tpu.memory_space<vmem>>, vector<16xi32>,
      %slice3A_738 = vector.extract_strided_slice %get3A_735 {offsets = [0], sizes = [1], strides = [1]} : vector<16xi32> to vector<1xi32>
      %squeeze3A_739 = vector.extract %slice3A_738[0] : i32 from vector<1xi32>
      %shift_right_arithmetic3A_740 = arith.constant 7 : i32
      %shift_right_arithmetic3A_741 = arith.shrsi %squeeze3A_739, %shift_right_arithmetic3A_740 : i32
      %mul3A_742 = arith.constant 128 : i32
      %mul3A_743 = arith.muli %shift_right_arithmetic3A_741, %mul3A_742 : i32
      %multiple_of3A_744 = tpu.assume_multiple %mul3A_743, 128 : i32
      %dma_start3A_745 = arith.constant 0 : i32
      %dma_start3A_746 = arith.constant 0 : i32
      %dma_start3A_747 = arith.constant 0 : i32
      %dma_start3A_748 = arith.constant 0 : i32
      %dma_start3A_749 = tpu.memref_slice %arg16[%dma_start3A_745, %dma_start3A_746, %dma_start3A_747, %dma_start3A_748] : memref<2x8x16x128xf32, #tpu.memory_space<vmem>> -> memref<1x1x16x128xf32, #tpu.memory_space<vmem>>
      %dma_start3A_750 = tpu.memref_squeeze %dma_start3A_749 : memref<1x1x16x128xf32, #tpu.memory_space<vmem>> -> memref<16x128xf32, #tpu.memory_space<vmem>>
      %dma_start3A_751 = arith.constant 0 : i32
      %dma_start3A_752 = tpu.memref_slice %arg5[%dma_start3A_751, %multiple_of3A_744] : memref<16x1000000xf32, #tpu.memory_space<hbm>> -> memref<16x128xf32, #tpu.memory_space<hbm>>
      %dma_start3A_753 = arith.constant 0 : i32
      %dma_start3A_754 = arith.constant 0 : i32
      %dma_start3A_755 = tpu.memref_slice %arg16[%dma_start3A_745, %dma_start3A_746, %dma_start3A_753, %dma_start3A_754] : memref<2x8x16x128xf32, #tpu.memory_space<vmem>> -> memref<1x1x16x128xf32, #tpu.memory_space<vmem>>
      %dma_start3A_756 = tpu.memref_squeeze %dma_start3A_755 : memref<1x1x16x128xf32, #tpu.memory_space<vmem>> -> memref<16x128xf32, #tpu.memory_space<vmem>>
      %dma_start3A_757 = arith.constant 0 : i32
      %dma_start3A_758 = tpu.memref_slice %arg5[%dma_start3A_757, %multiple_of3A_744] : memref<16x1000000xf32, #tpu.memory_space<hbm>> -> memref<16x128xf32, #tpu.memory_space<hbm>>
      tpu.enqueue_dma source(%dma_start3A_758 : memref<16x128xf32, #tpu.memory_space<hbm>>) target(%dma_start3A_756 : memref<16x128xf32, #tpu.memory_space<vmem>>) target_semaphore(%arg25 : memref<!tpu.dma_semaphore, #tpu.memory_space<semaphore_mem>>)
      %slice3A_759 = vector.extract_strided_slice %get3A_735 {offsets = [1], sizes = [1], strides = [1]} : vector<16xi32> to vector<1xi32>
      %squeeze3A_760 = vector.extract %slice3A_759[0] : i32 from vector<1xi32>
      %shift_right_arithmetic3A_761 = arith.constant 7 : i32
      %shift_right_arithmetic3A_762 = arith.shrsi %squeeze3A_760, %shift_right_arithmetic3A_761 : i32
      %mul3A_763 = arith.constant 128 : i32
      %mul3A_764 = arith.muli %shift_right_arithmetic3A_762, %mul3A_763 : i32
      %multiple_of3A_765 = tpu.assume_multiple %mul3A_764, 128 : i32
      %dma_start3A_766 = arith.constant 0 : i32
      %dma_start3A_767 = arith.constant 1 : i32
      %dma_start3A_768 = arith.constant 0 : i32
      %dma_start3A_769 = arith.constant 0 : i32
      %dma_start3A_770 = tpu.memref_slice %arg16[%dma_start3A_766, %dma_start3A_767, %dma_start3A_768, %dma_start3A_769] : memref<2x8x16x128xf32, #tpu.memory_space<vmem>> -> memref<1x1x16x128xf32, #tpu.memory_space<vmem>>
      %dma_start3A_771 = tpu.memref_squeeze %dma_start3A_770 : memref<1x1x16x128xf32, #tpu.memory_space<vmem>> -> memref<16x128xf32, #tpu.memory_space<vmem>>
      %dma_start3A_772 = arith.constant 0 : i32
      %dma_start3A_773 = tpu.memref_slice %arg5[%dma_start3A_772, %multiple_of3A_765] : memref<16x1000000xf32, #tpu.memory_space<hbm>> -> memref<16x128xf32, #tpu.memory_space<hbm>>
      %dma_start3A_774 = arith.constant 0 : i32
      %dma_start3A_775 = arith.constant 0 : i32
      %dma_start3A_776 = tpu.memref_slice %arg16[%dma_start3A_766, %dma_start3A_767, %dma_start3A_774, %dma_start3A_775] : memref<2x8x16x128xf32, #tpu.memory_space<vmem>> -> memref<1x1x16x128xf32, #tpu.memory_space<vmem>>
      %dma_start3A_777 = tpu.memref_squeeze %dma_start3A_776 : memref<1x1x16x128xf32, #tpu.memory_space<vmem>> -> memref<16x128xf32, #tpu.memory_space<vmem>>
      %dma_start3A_778 = arith.constant 0 : i32
      %dma_start3A_779 = tpu.memref_slice %arg5[%dma_start3A_778, %multiple_of3A_765] : memref<16x1000000xf32, #tpu.memory_space<hbm>> -> memref<16x128xf32, #tpu.memory_space<hbm>>
      tpu.enqueue_dma source(%dma_start3A_779 : memref<16x128xf32, #tpu.memory_space<hbm>>) target(%dma_start3A_777 : memref<16x128xf32, #tpu.memory_space<vmem>>) target_semaphore(%arg25 : memref<!tpu.dma_semaphore, #tpu.memory_space<semaphore_mem>>)
      %slice3A_780 = vector.extract_strided_slice %get3A_735 {offsets = [2], sizes = [1], strides = [1]} : vector<16xi32> to vector<1xi32>
      %squeeze3A_781 = vector.extract %slice3A_780[0] : i32 from vector<1xi32>
      %shift_right_arithmetic3A_782 = arith.constant 7 : i32
      %shift_right_arithmetic3A_783 = arith.shrsi %squeeze3A_781, %shift_right_arithmetic3A_782 : i32
      %mul3A_784 = arith.constant 128 : i32
      %mul3A_785 = arith.muli %shift_right_arithmetic3A_783, %mul3A_784 : i32
      %multiple_of3A_786 = tpu.assume_multiple %mul3A_785, 128 : i32
      %dma_start3A_787 = arith.constant 0 : i32
      %dma_start3A_788 = arith.constant 2 : i32
      %dma_start3A_789 = arith.constant 0 : i32
      %dma_start3A_790 = arith.constant 0 : i32
      %dma_start3A_791 = tpu.memref_slice %arg16[%dma_start3A_787, %dma_start3A_788, %dma_start3A_789, %dma_start3A_790] : memref<2x8x16x128xf32, #tpu.memory_space<vmem>> -> memref<1x1x16x128xf32, #tpu.memory_space<vmem>>
      %dma_start3A_792 = tpu.memref_squeeze %dma_start3A_791 : memref<1x1x16x128xf32, #tpu.memory_space<vmem>> -> memref<16x128xf32, #tpu.memory_space<vmem>>
      %dma_start3A_793 = arith.constant 0 : i32
      %dma_start3A_794 = tpu.memref_slice %arg5[%dma_start3A_793, %multiple_of3A_786] : memref<16x1000000xf32, #tpu.memory_space<hbm>> -> memref<16x128xf32, #tpu.memory_space<hbm>>
      %dma_start3A_795 = arith.constant 0 : i32
      %dma_start3A_796 = arith.constant 0 : i32
      %dma_start3A_797 = tpu.memref_slice %arg16[%dma_start3A_787, %dma_start3A_788, %dma_start3A_795, %dma_start3A_796] : memref<2x8x16x128xf32, #tpu.memory_space<vmem>> -> memref<1x1x16x128xf32, #tpu.memory_space<vmem>>
      %dma_start3A_798 = tpu.memref_squeeze %dma_start3A_797 : memref<1x1x16x128xf32, #tpu.memory_space<vmem>> -> memref<16x128xf32, #tpu.memory_space<vmem>>
      %dma_start3A_799 = arith.constant 0 : i32
      %dma_start3A_800 = tpu.memref_slice %arg5[%dma_start3A_799, %multiple_of3A_786] : memref<16x1000000xf32, #tpu.memory_space<hbm>> -> memref<16x128xf32, #tpu.memory_space<hbm>>
      tpu.enqueue_dma source(%dma_start3A_800 : memref<16x128xf32, #tpu.memory_space<hbm>>) target(%dma_start3A_798 : memref<16x128xf32, #tpu.memory_space<vmem>>) target_semaphore(%arg25 : memref<!tpu.dma_semaphore, #tpu.memory_space<semaphore_mem>>)
      %slice3A_801 = vector.extract_strided_slice %get3A_735 {offsets = [3], sizes = [1], strides = [1]} : vector<16xi32> to vector<1xi32>
      %squeeze3A_802 = vector.extract %slice3A_801[0] : i32 from vector<1xi32>
      %shift_right_arithmetic3A_803 = arith.constant 7 : i32
      %shift_right_arithmetic3A_804 = arith.shrsi %squeeze3A_802, %shift_right_arithmetic3A_803 : i32
      %mul3A_805 = arith.constant 128 : i32
      %mul3A_806 = arith.muli %shift_right_arithmetic3A_804, %mul3A_805 : i32
      %multiple_of3A_807 = tpu.assume_multiple %mul3A_806, 128 : i32
      %dma_start3A_808 = arith.constant 0 : i32
      %dma_start3A_809 = arith.constant 3 : i32
      %dma_start3A_810 = arith.constant 0 : i32
      %dma_start3A_811 = arith.constant 0 : i32
      %dma_start3A_812 = tpu.memref_slice %arg16[%dma_start3A_808, %dma_start3A_809, %dma_start3A_810, %dma_start3A_811] : memref<2x8x16x128xf32, #tpu.memory_space<vmem>> -> memref<1x1x16x128xf32, #tpu.memory_space<vmem>>
      %dma_start3A_813 = tpu.memref_squeeze %dma_start3A_812 : memref<1x1x16x128xf32, #tpu.memory_space<vmem>> -> memref<16x128xf32, #tpu.memory_space<vmem>>
      %dma_start3A_814 = arith.constant 0 : i32
      %dma_start3A_815 = tpu.memref_slice %arg5[%dma_start3A_814, %multiple_of3A_807] : memref<16x1000000xf32, #tpu.memory_space<hbm>> -> memref<16x128xf32, #tpu.memory_space<hbm>>
      %dma_start3A_816 = arith.constant 0 : i32
      %dma_start3A_817 = arith.constant 0 : i32
      %dma_start3A_818 = tpu.memref_slice %arg16[%dma_start3A_808, %dma_start3A_809, %dma_start3A_816, %dma_start3A_817] : memref<2x8x16x128xf32, #tpu.memory_space<vmem>> -> memref<1x1x16x128xf32, #tpu.memory_space<vmem>>
      %dma_start3A_819 = tpu.memref_squeeze %dma_start3A_818 : memref<1x1x16x128xf32, #tpu.memory_space<vmem>> -> memref<16x128xf32, #tpu.memory_space<vmem>>
      %dma_start3A_820 = arith.constant 0 : i32
      %dma_start3A_821 = tpu.memref_slice %arg5[%dma_start3A_820, %multiple_of3A_807] : memref<16x1000000xf32, #tpu.memory_space<hbm>> -> memref<16x128xf32, #tpu.memory_space<hbm>>
      tpu.enqueue_dma source(%dma_start3A_821 : memref<16x128xf32, #tpu.memory_space<hbm>>) target(%dma_start3A_819 : memref<16x128xf32, #tpu.memory_space<vmem>>) target_semaphore(%arg25 : memref<!tpu.dma_semaphore, #tpu.memory_space<semaphore_mem>>)
      %slice3A_822 = vector.extract_strided_slice %get3A_735 {offsets = [4], sizes = [1], strides = [1]} : vector<16xi32> to vector<1xi32>
      %squeeze3A_823 = vector.extract %slice3A_822[0] : i32 from vector<1xi32>
      %shift_right_arithmetic3A_824 = arith.constant 7 : i32
      %shift_right_arithmetic3A_825 = arith.shrsi %squeeze3A_823, %shift_right_arithmetic3A_824 : i32
      %mul3A_826 = arith.constant 128 : i32
      %mul3A_827 = arith.muli %shift_right_arithmetic3A_825, %mul3A_826 : i32
      %multiple_of3A_828 = tpu.assume_multiple %mul3A_827, 128 : i32
      %dma_start3A_829 = arith.constant 0 : i32
      %dma_start3A_830 = arith.constant 4 : i32
      %dma_start3A_831 = arith.constant 0 : i32
      %dma_start3A_832 = arith.constant 0 : i32
      %dma_start3A_833 = tpu.memref_slice %arg16[%dma_start3A_829, %dma_start3A_830, %dma_start3A_831, %dma_start3A_832] : memref<2x8x16x128xf32, #tpu.memory_space<vmem>> -> memref<1x1x16x128xf32, #tpu.memory_space<vmem>>
      %dma_start3A_834 = tpu.memref_squeeze %dma_start3A_833 : memref<1x1x16x128xf32, #tpu.memory_space<vmem>> -> memref<16x128xf32, #tpu.memory_space<vmem>>
      %dma_start3A_835 = arith.constant 0 : i32
      %dma_start3A_836 = tpu.memref_slice %arg5[%dma_start3A_835, %multiple_of3A_828] : memref<16x1000000xf32, #tpu.memory_space<hbm>> -> memref<16x128xf32, #tpu.memory_space<hbm>>
      %dma_start3A_837 = arith.constant 0 : i32
      %dma_start3A_838 = arith.constant 0 : i32
      %dma_start3A_839 = tpu.memref_slice %arg16[%dma_start3A_829, %dma_start3A_830, %dma_start3A_837, %dma_start3A_838] : memref<2x8x16x128xf32, #tpu.memory_space<vmem>> -> memref<1x1x16x128xf32, #tpu.memory_space<vmem>>
      %dma_start3A_840 = tpu.memref_squeeze %dma_start3A_839 : memref<1x1x16x128xf32, #tpu.memory_space<vmem>> -> memref<16x128xf32, #tpu.memory_space<vmem>>
      %dma_start3A_841 = arith.constant 0 : i32
      %dma_start3A_842 = tpu.memref_slice %arg5[%dma_start3A_841, %multiple_of3A_828] : memref<16x1000000xf32, #tpu.memory_space<hbm>> -> memref<16x128xf32, #tpu.memory_space<hbm>>
      tpu.enqueue_dma source(%dma_start3A_842 : memref<16x128xf32, #tpu.memory_space<hbm>>) target(%dma_start3A_840 : memref<16x128xf32, #tpu.memory_space<vmem>>) target_semaphore(%arg25 : memref<!tpu.dma_semaphore, #tpu.memory_space<semaphore_mem>>)
      %slice3A_843 = vector.extract_strided_slice %get3A_735 {offsets = [5], sizes = [1], strides = [1]} : vector<16xi32> to vector<1xi32>
      %squeeze3A_844 = vector.extract %slice3A_843[0] : i32 from vector<1xi32>
      %shift_right_arithmetic3A_845 = arith.constant 7 : i32
      %shift_right_arithmetic3A_846 = arith.shrsi %squeeze3A_844, %shift_right_arithmetic3A_845 : i32
      %mul3A_847 = arith.constant 128 : i32
      %mul3A_848 = arith.muli %shift_right_arithmetic3A_846, %mul3A_847 : i32
      %multiple_of3A_849 = tpu.assume_multiple %mul3A_848, 128 : i32
      %dma_start3A_850 = arith.constant 0 : i32
      %dma_start3A_851 = arith.constant 5 : i32
      %dma_start3A_852 = arith.constant 0 : i32
      %dma_start3A_853 = arith.constant 0 : i32
      %dma_start3A_854 = tpu.memref_slice %arg16[%dma_start3A_850, %dma_start3A_851, %dma_start3A_852, %dma_start3A_853] : memref<2x8x16x128xf32, #tpu.memory_space<vmem>> -> memref<1x1x16x128xf32, #tpu.memory_space<vmem>>
      %dma_start3A_855 = tpu.memref_squeeze %dma_start3A_854 : memref<1x1x16x128xf32, #tpu.memory_space<vmem>> -> memref<16x128xf32, #tpu.memory_space<vmem>>
      %dma_start3A_856 = arith.constant 0 : i32
      %dma_start3A_857 = tpu.memref_slice %arg5[%dma_start3A_856, %multiple_of3A_849] : memref<16x1000000xf32, #tpu.memory_space<hbm>> -> memref<16x128xf32, #tpu.memory_space<hbm>>
      %dma_start3A_858 = arith.constant 0 : i32
      %dma_start3A_859 = arith.constant 0 : i32
      %dma_start3A_860 = tpu.memref_slice %arg16[%dma_start3A_850, %dma_start3A_851, %dma_start3A_858, %dma_start3A_859] : memref<2x8x16x128xf32, #tpu.memory_space<vmem>> -> memref<1x1x16x128xf32, #tpu.memory_space<vmem>>
      %dma_start3A_861 = tpu.memref_squeeze %dma_start3A_860 : memref<1x1x16x128xf32, #tpu.memory_space<vmem>> -> memref<16x128xf32, #tpu.memory_space<vmem>>
      %dma_start3A_862 = arith.constant 0 : i32
      %dma_start3A_863 = tpu.memref_slice %arg5[%dma_start3A_862, %multiple_of3A_849] : memref<16x1000000xf32, #tpu.memory_space<hbm>> -> memref<16x128xf32, #tpu.memory_space<hbm>>
      tpu.enqueue_dma source(%dma_start3A_863 : memref<16x128xf32, #tpu.memory_space<hbm>>) target(%dma_start3A_861 : memref<16x128xf32, #tpu.memory_space<vmem>>) target_semaphore(%arg25 : memref<!tpu.dma_semaphore, #tpu.memory_space<semaphore_mem>>)
      %slice3A_864 = vector.extract_strided_slice %get3A_735 {offsets = [6], sizes = [1], strides = [1]} : vector<16xi32> to vector<1xi32>
      %squeeze3A_865 = vector.extract %slice3A_864[0] : i32 from vector<1xi32>
      %shift_right_arithmetic3A_866 = arith.constant 7 : i32
      %shift_right_arithmetic3A_867 = arith.shrsi %squeeze3A_865, %shift_right_arithmetic3A_866 : i32
      %mul3A_868 = arith.constant 128 : i32
      %mul3A_869 = arith.muli %shift_right_arithmetic3A_867, %mul3A_868 : i32
      %multiple_of3A_870 = tpu.assume_multiple %mul3A_869, 128 : i32
      %dma_start3A_871 = arith.constant 0 : i32
      %dma_start3A_872 = arith.constant 6 : i32
      %dma_start3A_873 = arith.constant 0 : i32
      %dma_start3A_874 = arith.constant 0 : i32
      %dma_start3A_875 = tpu.memref_slice %arg16[%dma_start3A_871, %dma_start3A_872, %dma_start3A_873, %dma_start3A_874] : memref<2x8x16x128xf32, #tpu.memory_space<vmem>> -> memref<1x1x16x128xf32, #tpu.memory_space<vmem>>
      %dma_start3A_876 = tpu.memref_squeeze %dma_start3A_875 : memref<1x1x16x128xf32, #tpu.memory_space<vmem>> -> memref<16x128xf32, #tpu.memory_space<vmem>>
      %dma_start3A_877 = arith.constant 0 : i32
      %dma_start3A_878 = tpu.memref_slice %arg5[%dma_start3A_877, %multiple_of3A_870] : memref<16x1000000xf32, #tpu.memory_space<hbm>> -> memref<16x128xf32, #tpu.memory_space<hbm>>
      %dma_start3A_879 = arith.constant 0 : i32
      %dma_start3A_880 = arith.constant 0 : i32
      %dma_start3A_881 = tpu.memref_slice %arg16[%dma_start3A_871, %dma_start3A_872, %dma_start3A_879, %dma_start3A_880] : memref<2x8x16x128xf32, #tpu.memory_space<vmem>> -> memref<1x1x16x128xf32, #tpu.memory_space<vmem>>
      %dma_start3A_882 = tpu.memref_squeeze %dma_start3A_881 : memref<1x1x16x128xf32, #tpu.memory_space<vmem>> -> memref<16x128xf32, #tpu.memory_space<vmem>>
      %dma_start3A_883 = arith.constant 0 : i32
      %dma_start3A_884 = tpu.memref_slice %arg5[%dma_start3A_883, %multiple_of3A_870] : memref<16x1000000xf32, #tpu.memory_space<hbm>> -> memref<16x128xf32, #tpu.memory_space<hbm>>
      tpu.enqueue_dma source(%dma_start3A_884 : memref<16x128xf32, #tpu.memory_space<hbm>>) target(%dma_start3A_882 : memref<16x128xf32, #tpu.memory_space<vmem>>) target_semaphore(%arg25 : memref<!tpu.dma_semaphore, #tpu.memory_space<semaphore_mem>>)
      %slice3A_885 = vector.extract_strided_slice %get3A_735 {offsets = [7], sizes = [1], strides = [1]} : vector<16xi32> to vector<1xi32>
      %squeeze3A_886 = vector.extract %slice3A_885[0] : i32 from vector<1xi32>
      %shift_right_arithmetic3A_887 = arith.constant 7 : i32
      %shift_right_arithmetic3A_888 = arith.shrsi %squeeze3A_886, %shift_right_arithmetic3A_887 : i32
      %mul3A_889 = arith.constant 128 : i32
      %mul3A_890 = arith.muli %shift_right_arithmetic3A_888, %mul3A_889 : i32
      %multiple_of3A_891 = tpu.assume_multiple %mul3A_890, 128 : i32
      %dma_start3A_892 = arith.constant 0 : i32
      %dma_start3A_893 = arith.constant 7 : i32
      %dma_start3A_894 = arith.constant 0 : i32
      %dma_start3A_895 = arith.constant 0 : i32
      %dma_start3A_896 = tpu.memref_slice %arg16[%dma_start3A_892, %dma_start3A_893, %dma_start3A_894, %dma_start3A_895] : memref<2x8x16x128xf32, #tpu.memory_space<vmem>> -> memref<1x1x16x128xf32, #tpu.memory_space<vmem>>
      %dma_start3A_897 = tpu.memref_squeeze %dma_start3A_896 : memref<1x1x16x128xf32, #tpu.memory_space<vmem>> -> memref<16x128xf32, #tpu.memory_space<vmem>>
      %dma_start3A_898 = arith.constant 0 : i32
      %dma_start3A_899 = tpu.memref_slice %arg5[%dma_start3A_898, %multiple_of3A_891] : memref<16x1000000xf32, #tpu.memory_space<hbm>> -> memref<16x128xf32, #tpu.memory_space<hbm>>
      %dma_start3A_900 = arith.constant 0 : i32
      %dma_start3A_901 = arith.constant 0 : i32
      %dma_start3A_902 = tpu.memref_slice %arg16[%dma_start3A_892, %dma_start3A_893, %dma_start3A_900, %dma_start3A_901] : memref<2x8x16x128xf32, #tpu.memory_space<vmem>> -> memref<1x1x16x128xf32, #tpu.memory_space<vmem>>
      %dma_start3A_903 = tpu.memref_squeeze %dma_start3A_902 : memref<1x1x16x128xf32, #tpu.memory_space<vmem>> -> memref<16x128xf32, #tpu.memory_space<vmem>>
      %dma_start3A_904 = arith.constant 0 : i32
      %dma_start3A_905 = tpu.memref_slice %arg5[%dma_start3A_904, %multiple_of3A_891] : memref<16x1000000xf32, #tpu.memory_space<hbm>> -> memref<16x128xf32, #tpu.memory_space<hbm>>
      tpu.enqueue_dma source(%dma_start3A_905 : memref<16x128xf32, #tpu.memory_space<hbm>>) target(%dma_start3A_903 : memref<16x128xf32, #tpu.memory_space<vmem>>) target_semaphore(%arg25 : memref<!tpu.dma_semaphore, #tpu.memory_space<semaphore_mem>>)
      %slice3A_906 = vector.extract_strided_slice %get3A_735 {offsets = [8], sizes = [1], strides = [1]} : vector<16xi32> to vector<1xi32>
      %squeeze3A_907 = vector.extract %slice3A_906[0] : i32 from vector<1xi32>
      %shift_right_arithmetic3A_908 = arith.constant 7 : i32
      %shift_right_arithmetic3A_909 = arith.shrsi %squeeze3A_907, %shift_right_arithmetic3A_908 : i32
      %mul3A_910 = arith.constant 128 : i32
      %mul3A_911 = arith.muli %shift_right_arithmetic3A_909, %mul3A_910 : i32
      %multiple_of3A_912 = tpu.assume_multiple %mul3A_911, 128 : i32
      %dma_start3A_913 = arith.constant 1 : i32
      %dma_start3A_914 = arith.constant 0 : i32
      %dma_start3A_915 = arith.constant 0 : i32
      %dma_start3A_916 = arith.constant 0 : i32
      %dma_start3A_917 = tpu.memref_slice %arg16[%dma_start3A_913, %dma_start3A_914, %dma_start3A_915, %dma_start3A_916] : memref<2x8x16x128xf32, #tpu.memory_space<vmem>> -> memref<1x1x16x128xf32, #tpu.memory_space<vmem>>
      %dma_start3A_918 = tpu.memref_squeeze %dma_start3A_917 : memref<1x1x16x128xf32, #tpu.memory_space<vmem>> -> memref<16x128xf32, #tpu.memory_space<vmem>>
      %dma_start3A_919 = arith.constant 0 : i32
      %dma_start3A_920 = tpu.memref_slice %arg5[%dma_start3A_919, %multiple_of3A_912] : memref<16x1000000xf32, #tpu.memory_space<hbm>> -> memref<16x128xf32, #tpu.memory_space<hbm>>
      %dma_start3A_921 = arith.constant 0 : i32
      %dma_start3A_922 = arith.constant 0 : i32
      %dma_start3A_923 = tpu.memref_slice %arg16[%dma_start3A_913, %dma_start3A_914, %dma_start3A_921, %dma_start3A_922] : memref<2x8x16x128xf32, #tpu.memory_space<vmem>> -> memref<1x1x16x128xf32, #tpu.memory_space<vmem>>
      %dma_start3A_924 = tpu.memref_squeeze %dma_start3A_923 : memref<1x1x16x128xf32, #tpu.memory_space<vmem>> -> memref<16x128xf32, #tpu.memory_space<vmem>>
      %dma_start3A_925 = arith.constant 0 : i32
      %dma_start3A_926 = tpu.memref_slice %arg5[%dma_start3A_925, %multiple_of3A_912] : memref<16x1000000xf32, #tpu.memory_space<hbm>> -> memref<16x128xf32, #tpu.memory_space<hbm>>
      tpu.enqueue_dma source(%dma_start3A_926 : memref<16x128xf32, #tpu.memory_space<hbm>>) target(%dma_start3A_924 : memref<16x128xf32, #tpu.memory_space<vmem>>) target_semaphore(%arg25 : memref<!tpu.dma_semaphore, #tpu.memory_space<semaphore_mem>>)
      %slice3A_927 = vector.extract_strided_slice %get3A_735 {offsets = [9], sizes = [1], strides = [1]} : vector<16xi32> to vector<1xi32>
      %squeeze3A_928 = vector.extract %slice3A_927[0] : i32 from vector<1xi32>
      %shift_right_arithmetic3A_929 = arith.constant 7 : i32
      %shift_right_arithmetic3A_930 = arith.shrsi %squeeze3A_928, %shift_right_arithmetic3A_929 : i32
      %mul3A_931 = arith.constant 128 : i32
      %mul3A_932 = arith.muli %shift_right_arithmetic3A_930, %mul3A_931 : i32
      %multiple_of3A_933 = tpu.assume_multiple %mul3A_932, 128 : i32
      %dma_start3A_934 = arith.constant 1 : i32
      %dma_start3A_935 = arith.constant 1 : i32
      %dma_start3A_936 = arith.constant 0 : i32
      %dma_start3A_937 = arith.constant 0 : i32
      %dma_start3A_938 = tpu.memref_slice %arg16[%dma_start3A_934, %dma_start3A_935, %dma_start3A_936, %dma_start3A_937] : memref<2x8x16x128xf32, #tpu.memory_space<vmem>> -> memref<1x1x16x128xf32, #tpu.memory_space<vmem>>
      %dma_start3A_939 = tpu.memref_squeeze %dma_start3A_938 : memref<1x1x16x128xf32, #tpu.memory_space<vmem>> -> memref<16x128xf32, #tpu.memory_space<vmem>>
      %dma_start3A_940 = arith.constant 0 : i32
      %dma_start3A_941 = tpu.memref_slice %arg5[%dma_start3A_940, %multiple_of3A_933] : memref<16x1000000xf32, #tpu.memory_space<hbm>> -> memref<16x128xf32, #tpu.memory_space<hbm>>
      %dma_start3A_942 = arith.constant 0 : i32
      %dma_start3A_943 = arith.constant 0 : i32
      %dma_start3A_944 = tpu.memref_slice %arg16[%dma_start3A_934, %dma_start3A_935, %dma_start3A_942, %dma_start3A_943] : memref<2x8x16x128xf32, #tpu.memory_space<vmem>> -> memref<1x1x16x128xf32, #tpu.memory_space<vmem>>
      %dma_start3A_945 = tpu.memref_squeeze %dma_start3A_944 : memref<1x1x16x128xf32, #tpu.memory_space<vmem>> -> memref<16x128xf32, #tpu.memory_space<vmem>>
      %dma_start3A_946 = arith.constant 0 : i32
      %dma_start3A_947 = tpu.memref_slice %arg5[%dma_start3A_946, %multiple_of3A_933] : memref<16x1000000xf32, #tpu.memory_space<hbm>> -> memref<16x128xf32, #tpu.memory_space<hbm>>
      tpu.enqueue_dma source(%dma_start3A_947 : memref<16x128xf32, #tpu.memory_space<hbm>>) target(%dma_start3A_945 : memref<16x128xf32, #tpu.memory_space<vmem>>) target_semaphore(%arg25 : memref<!tpu.dma_semaphore, #tpu.memory_space<semaphore_mem>>)
      %slice3A_948 = vector.extract_strided_slice %get3A_735 {offsets = [10], sizes = [1], strides = [1]} : vector<16xi32> to vector<1xi32>
      %squeeze3A_949 = vector.extract %slice3A_948[0] : i32 from vector<1xi32>
      %shift_right_arithmetic3A_950 = arith.constant 7 : i32
      %shift_right_arithmetic3A_951 = arith.shrsi %squeeze3A_949, %shift_right_arithmetic3A_950 : i32
      %mul3A_952 = arith.constant 128 : i32
      %mul3A_953 = arith.muli %shift_right_arithmetic3A_951, %mul3A_952 : i32
      %multiple_of3A_954 = tpu.assume_multiple %mul3A_953, 128 : i32
      %dma_start3A_955 = arith.constant 1 : i32
      %dma_start3A_956 = arith.constant 2 : i32
      %dma_start3A_957 = arith.constant 0 : i32
      %dma_start3A_958 = arith.constant 0 : i32
      %dma_start3A_959 = tpu.memref_slice %arg16[%dma_start3A_955, %dma_start3A_956, %dma_start3A_957, %dma_start3A_958] : memref<2x8x16x128xf32, #tpu.memory_space<vmem>> -> memref<1x1x16x128xf32, #tpu.memory_space<vmem>>
      %dma_start3A_960 = tpu.memref_squeeze %dma_start3A_959 : memref<1x1x16x128xf32, #tpu.memory_space<vmem>> -> memref<16x128xf32, #tpu.memory_space<vmem>>
      %dma_start3A_961 = arith.constant 0 : i32
      %dma_start3A_962 = tpu.memref_slice %arg5[%dma_start3A_961, %multiple_of3A_954] : memref<16x1000000xf32, #tpu.memory_space<hbm>> -> memref<16x128xf32, #tpu.memory_space<hbm>>
      %dma_start3A_963 = arith.constant 0 : i32
      %dma_start3A_964 = arith.constant 0 : i32
      %dma_start3A_965 = tpu.memref_slice %arg16[%dma_start3A_955, %dma_start3A_956, %dma_start3A_963, %dma_start3A_964] : memref<2x8x16x128xf32, #tpu.memory_space<vmem>> -> memref<1x1x16x128xf32, #tpu.memory_space<vmem>>
      %dma_start3A_966 = tpu.memref_squeeze %dma_start3A_965 : memref<1x1x16x128xf32, #tpu.memory_space<vmem>> -> memref<16x128xf32, #tpu.memory_space<vmem>>
      %dma_start3A_967 = arith.constant 0 : i32
      %dma_start3A_968 = tpu.memref_slice %arg5[%dma_start3A_967, %multiple_of3A_954] : memref<16x1000000xf32, #tpu.memory_space<hbm>> -> memref<16x128xf32, #tpu.memory_space<hbm>>
      tpu.enqueue_dma source(%dma_start3A_968 : memref<16x128xf32, #tpu.memory_space<hbm>>) target(%dma_start3A_966 : memref<16x128xf32, #tpu.memory_space<vmem>>) target_semaphore(%arg25 : memref<!tpu.dma_semaphore, #tpu.memory_space<semaphore_mem>>)
      %slice3A_969 = vector.extract_strided_slice %get3A_735 {offsets = [11], sizes = [1], strides = [1]} : vector<16xi32> to vector<1xi32>
      %squeeze3A_970 = vector.extract %slice3A_969[0] : i32 from vector<1xi32>
      %shift_right_arithmetic3A_971 = arith.constant 7 : i32
      %shift_right_arithmetic3A_972 = arith.shrsi %squeeze3A_970, %shift_right_arithmetic3A_971 : i32
      %mul3A_973 = arith.constant 128 : i32
      %mul3A_974 = arith.muli %shift_right_arithmetic3A_972, %mul3A_973 : i32
      %multiple_of3A_975 = tpu.assume_multiple %mul3A_974, 128 : i32
      %dma_start3A_976 = arith.constant 1 : i32
      %dma_start3A_977 = arith.constant 3 : i32
      %dma_start3A_978 = arith.constant 0 : i32
      %dma_start3A_979 = arith.constant 0 : i32
      %dma_start3A_980 = tpu.memref_slice %arg16[%dma_start3A_976, %dma_start3A_977, %dma_start3A_978, %dma_start3A_979] : memref<2x8x16x128xf32, #tpu.memory_space<vmem>> -> memref<1x1x16x128xf32, #tpu.memory_space<vmem>>
      %dma_start3A_981 = tpu.memref_squeeze %dma_start3A_980 : memref<1x1x16x128xf32, #tpu.memory_space<vmem>> -> memref<16x128xf32, #tpu.memory_space<vmem>>
      %dma_start3A_982 = arith.constant 0 : i32
      %dma_start3A_983 = tpu.memref_slice %arg5[%dma_start3A_982, %multiple_of3A_975] : memref<16x1000000xf32, #tpu.memory_space<hbm>> -> memref<16x128xf32, #tpu.memory_space<hbm>>
      %dma_start3A_984 = arith.constant 0 : i32
      %dma_start3A_985 = arith.constant 0 : i32
      %dma_start3A_986 = tpu.memref_slice %arg16[%dma_start3A_976, %dma_start3A_977, %dma_start3A_984, %dma_start3A_985] : memref<2x8x16x128xf32, #tpu.memory_space<vmem>> -> memref<1x1x16x128xf32, #tpu.memory_space<vmem>>
      %dma_start3A_987 = tpu.memref_squeeze %dma_start3A_986 : memref<1x1x16x128xf32, #tpu.memory_space<vmem>> -> memref<16x128xf32, #tpu.memory_space<vmem>>
      %dma_start3A_988 = arith.constant 0 : i32
      %dma_start3A_989 = tpu.memref_slice %arg5[%dma_start3A_988, %multiple_of3A_975] : memref<16x1000000xf32, #tpu.memory_space<hbm>> -> memref<16x128xf32, #tpu.memory_space<hbm>>
      tpu.enqueue_dma source(%dma_start3A_989 : memref<16x128xf32, #tpu.memory_space<hbm>>) target(%dma_start3A_987 : memref<16x128xf32, #tpu.memory_space<vmem>>) target_semaphore(%arg25 : memref<!tpu.dma_semaphore, #tpu.memory_space<semaphore_mem>>)
      %slice3A_990 = vector.extract_strided_slice %get3A_735 {offsets = [12], sizes = [1], strides = [1]} : vector<16xi32> to vector<1xi32>
      %squeeze3A_991 = vector.extract %slice3A_990[0] : i32 from vector<1xi32>
      %shift_right_arithmetic3A_992 = arith.constant 7 : i32
      %shift_right_arithmetic3A_993 = arith.shrsi %squeeze3A_991, %shift_right_arithmetic3A_992 : i32
      %mul3A_994 = arith.constant 128 : i32
      %mul3A_995 = arith.muli %shift_right_arithmetic3A_993, %mul3A_994 : i32
      %multiple_of3A_996 = tpu.assume_multiple %mul3A_995, 128 : i32
      %dma_start3A_997 = arith.constant 1 : i32
      %dma_start3A_998 = arith.constant 4 : i32
      %dma_start3A_999 = arith.constant 0 : i32
      %dma_start3A_1000 = arith.constant 0 : i32
      %dma_start3A_1001 = tpu.memref_slice %arg16[%dma_start3A_997, %dma_start3A_998, %dma_start3A_999, %dma_start3A_1000] : memref<2x8x16x128xf32, #tpu.memory_space<vmem>> -> memref<1x1x16x128xf32, #tpu.memory_space<vmem>>
      %dma_start3A_1002 = tpu.memref_squeeze %dma_start3A_1001 : memref<1x1x16x128xf32, #tpu.memory_space<vmem>> -> memref<16x128xf32, #tpu.memory_space<vmem>>
      %dma_start3A_1003 = arith.constant 0 : i32
      %dma_start3A_1004 = tpu.memref_slice %arg5[%dma_start3A_1003, %multiple_of3A_996] : memref<16x1000000xf32, #tpu.memory_space<hbm>> -> memref<16x128xf32, #tpu.memory_space<hbm>>
      %dma_start3A_1005 = arith.constant 0 : i32
      %dma_start3A_1006 = arith.constant 0 : i32
      %dma_start3A_1007 = tpu.memref_slice %arg16[%dma_start3A_997, %dma_start3A_998, %dma_start3A_1005, %dma_start3A_1006] : memref<2x8x16x128xf32, #tpu.memory_space<vmem>> -> memref<1x1x16x128xf32, #tpu.memory_space<vmem>>
      %dma_start3A_1008 = tpu.memref_squeeze %dma_start3A_1007 : memref<1x1x16x128xf32, #tpu.memory_space<vmem>> -> memref<16x128xf32, #tpu.memory_space<vmem>>
      %dma_start3A_1009 = arith.constant 0 : i32
      %dma_start3A_1010 = tpu.memref_slice %arg5[%dma_start3A_1009, %multiple_of3A_996] : memref<16x1000000xf32, #tpu.memory_space<hbm>> -> memref<16x128xf32, #tpu.memory_space<hbm>>
      tpu.enqueue_dma source(%dma_start3A_1010 : memref<16x128xf32, #tpu.memory_space<hbm>>) target(%dma_start3A_1008 : memref<16x128xf32, #tpu.memory_space<vmem>>) target_semaphore(%arg25 : memref<!tpu.dma_semaphore, #tpu.memory_space<semaphore_mem>>)
      %slice3A_1011 = vector.extract_strided_slice %get3A_735 {offsets = [13], sizes = [1], strides = [1]} : vector<16xi32> to vector<1xi32>
      %squeeze3A_1012 = vector.extract %slice3A_1011[0] : i32 from vector<1xi32>
      %shift_right_arithmetic3A_1013 = arith.constant 7 : i32
      %shift_right_arithmetic3A_1014 = arith.shrsi %squeeze3A_1012, %shift_right_arithmetic3A_1013 : i32
      %mul3A_1015 = arith.constant 128 : i32
      %mul3A_1016 = arith.muli %shift_right_arithmetic3A_1014, %mul3A_1015 : i32
      %multiple_of3A_1017 = tpu.assume_multiple %mul3A_1016, 128 : i32
      %dma_start3A_1018 = arith.constant 1 : i32
      %dma_start3A_1019 = arith.constant 5 : i32
      %dma_start3A_1020 = arith.constant 0 : i32
      %dma_start3A_1021 = arith.constant 0 : i32
      %dma_start3A_1022 = tpu.memref_slice %arg16[%dma_start3A_1018, %dma_start3A_1019, %dma_start3A_1020, %dma_start3A_1021] : memref<2x8x16x128xf32, #tpu.memory_space<vmem>> -> memref<1x1x16x128xf32, #tpu.memory_space<vmem>>
      %dma_start3A_1023 = tpu.memref_squeeze %dma_start3A_1022 : memref<1x1x16x128xf32, #tpu.memory_space<vmem>> -> memref<16x128xf32, #tpu.memory_space<vmem>>
      %dma_start3A_1024 = arith.constant 0 : i32
      %dma_start3A_1025 = tpu.memref_slice %arg5[%dma_start3A_1024, %multiple_of3A_1017] : memref<16x1000000xf32, #tpu.memory_space<hbm>> -> memref<16x128xf32, #tpu.memory_space<hbm>>
      %dma_start3A_1026 = arith.constant 0 : i32
      %dma_start3A_1027 = arith.constant 0 : i32
      %dma_start3A_1028 = tpu.memref_slice %arg16[%dma_start3A_1018, %dma_start3A_1019, %dma_start3A_1026, %dma_start3A_1027] : memref<2x8x16x128xf32, #tpu.memory_space<vmem>> -> memref<1x1x16x128xf32, #tpu.memory_space<vmem>>
      %dma_start3A_1029 = tpu.memref_squeeze %dma_start3A_1028 : memref<1x1x16x128xf32, #tpu.memory_space<vmem>> -> memref<16x128xf32, #tpu.memory_space<vmem>>
      %dma_start3A_1030 = arith.constant 0 : i32
      %dma_start3A_1031 = tpu.memref_slice %arg5[%dma_start3A_1030, %multiple_of3A_1017] : memref<16x1000000xf32, #tpu.memory_space<hbm>> -> memref<16x128xf32, #tpu.memory_space<hbm>>
      tpu.enqueue_dma source(%dma_start3A_1031 : memref<16x128xf32, #tpu.memory_space<hbm>>) target(%dma_start3A_1029 : memref<16x128xf32, #tpu.memory_space<vmem>>) target_semaphore(%arg25 : memref<!tpu.dma_semaphore, #tpu.memory_space<semaphore_mem>>)
      %slice3A_1032 = vector.extract_strided_slice %get3A_735 {offsets = [14], sizes = [1], strides = [1]} : vector<16xi32> to vector<1xi32>
      %squeeze3A_1033 = vector.extract %slice3A_1032[0] : i32 from vector<1xi32>
      %shift_right_arithmetic3A_1034 = arith.constant 7 : i32
      %shift_right_arithmetic3A_1035 = arith.shrsi %squeeze3A_1033, %shift_right_arithmetic3A_1034 : i32
      %mul3A_1036 = arith.constant 128 : i32
      %mul3A_1037 = arith.muli %shift_right_arithmetic3A_1035, %mul3A_1036 : i32
      %multiple_of3A_1038 = tpu.assume_multiple %mul3A_1037, 128 : i32
      %dma_start3A_1039 = arith.constant 1 : i32
      %dma_start3A_1040 = arith.constant 6 : i32
      %dma_start3A_1041 = arith.constant 0 : i32
      %dma_start3A_1042 = arith.constant 0 : i32
      %dma_start3A_1043 = tpu.memref_slice %arg16[%dma_start3A_1039, %dma_start3A_1040, %dma_start3A_1041, %dma_start3A_1042] : memref<2x8x16x128xf32, #tpu.memory_space<vmem>> -> memref<1x1x16x128xf32, #tpu.memory_space<vmem>>
      %dma_start3A_1044 = tpu.memref_squeeze %dma_start3A_1043 : memref<1x1x16x128xf32, #tpu.memory_space<vmem>> -> memref<16x128xf32, #tpu.memory_space<vmem>>
      %dma_start3A_1045 = arith.constant 0 : i32
      %dma_start3A_1046 = tpu.memref_slice %arg5[%dma_start3A_1045, %multiple_of3A_1038] : memref<16x1000000xf32, #tpu.memory_space<hbm>> -> memref<16x128xf32, #tpu.memory_space<hbm>>
      %dma_start3A_1047 = arith.constant 0 : i32
      %dma_start3A_1048 = arith.constant 0 : i32
      %dma_start3A_1049 = tpu.memref_slice %arg16[%dma_start3A_1039, %dma_start3A_1040, %dma_start3A_1047, %dma_start3A_1048] : memref<2x8x16x128xf32, #tpu.memory_space<vmem>> -> memref<1x1x16x128xf32, #tpu.memory_space<vmem>>
      %dma_start3A_1050 = tpu.memref_squeeze %dma_start3A_1049 : memref<1x1x16x128xf32, #tpu.memory_space<vmem>> -> memref<16x128xf32, #tpu.memory_space<vmem>>
      %dma_start3A_1051 = arith.constant 0 : i32
      %dma_start3A_1052 = tpu.memref_slice %arg5[%dma_start3A_1051, %multiple_of3A_1038] : memref<16x1000000xf32, #tpu.memory_space<hbm>> -> memref<16x128xf32, #tpu.memory_space<hbm>>
      tpu.enqueue_dma source(%dma_start3A_1052 : memref<16x128xf32, #tpu.memory_space<hbm>>) target(%dma_start3A_1050 : memref<16x128xf32, #tpu.memory_space<vmem>>) target_semaphore(%arg25 : memref<!tpu.dma_semaphore, #tpu.memory_space<semaphore_mem>>)
      %slice3A_1053 = vector.extract_strided_slice %get3A_735 {offsets = [15], sizes = [1], strides = [1]} : vector<16xi32> to vector<1xi32>
      %squeeze3A_1054 = vector.extract %slice3A_1053[0] : i32 from vector<1xi32>
      %shift_right_arithmetic3A_1055 = arith.constant 7 : i32
      %shift_right_arithmetic3A_1056 = arith.shrsi %squeeze3A_1054, %shift_right_arithmetic3A_1055 : i32
      %mul3A_1057 = arith.constant 128 : i32
      %mul3A_1058 = arith.muli %shift_right_arithmetic3A_1056, %mul3A_1057 : i32
      %multiple_of3A_1059 = tpu.assume_multiple %mul3A_1058, 128 : i32
      %dma_start3A_1060 = arith.constant 1 : i32
      %dma_start3A_1061 = arith.constant 7 : i32
      %dma_start3A_1062 = arith.constant 0 : i32
      %dma_start3A_1063 = arith.constant 0 : i32
      %dma_start3A_1064 = tpu.memref_slice %arg16[%dma_start3A_1060, %dma_start3A_1061, %dma_start3A_1062, %dma_start3A_1063] : memref<2x8x16x128xf32, #tpu.memory_space<vmem>> -> memref<1x1x16x128xf32, #tpu.memory_space<vmem>>
      %dma_start3A_1065 = tpu.memref_squeeze %dma_start3A_1064 : memref<1x1x16x128xf32, #tpu.memory_space<vmem>> -> memref<16x128xf32, #tpu.memory_space<vmem>>
      %dma_start3A_1066 = arith.constant 0 : i32
      %dma_start3A_1067 = tpu.memref_slice %arg5[%dma_start3A_1066, %multiple_of3A_1059] : memref<16x1000000xf32, #tpu.memory_space<hbm>> -> memref<16x128xf32, #tpu.memory_space<hbm>>
      %dma_start3A_1068 = arith.constant 0 : i32
      %dma_start3A_1069 = arith.constant 0 : i32
      %dma_start3A_1070 = tpu.memref_slice %arg16[%dma_start3A_1060, %dma_start3A_1061, %dma_start3A_1068, %dma_start3A_1069] : memref<2x8x16x128xf32, #tpu.memory_space<vmem>> -> memref<1x1x16x128xf32, #tpu.memory_space<vmem>>
      %dma_start3A_1071 = tpu.memref_squeeze %dma_start3A_1070 : memref<1x1x16x128xf32, #tpu.memory_space<vmem>> -> memref<16x128xf32, #tpu.memory_space<vmem>>
      %dma_start3A_1072 = arith.constant 0 : i32
      %dma_start3A_1073 = tpu.memref_slice %arg5[%dma_start3A_1072, %multiple_of3A_1059] : memref<16x1000000xf32, #tpu.memory_space<hbm>> -> memref<16x128xf32, #tpu.memory_space<hbm>>
      tpu.enqueue_dma source(%dma_start3A_1073 : memref<16x128xf32, #tpu.memory_space<hbm>>) target(%dma_start3A_1071 : memref<16x128xf32, #tpu.memory_space<vmem>>) target_semaphore(%arg25 : memref<!tpu.dma_semaphore, #tpu.memory_space<semaphore_mem>>)
      %slice3A_1074 = vector.extract_strided_slice %get3A_737 {offsets = [0], sizes = [1], strides = [1]} : vector<16xi32> to vector<1xi32>
      %squeeze3A_1075 = vector.extract %slice3A_1074[0] : i32 from vector<1xi32>
      %shift_right_arithmetic3A_1076 = arith.constant 7 : i32
      %shift_right_arithmetic3A_1077 = arith.shrsi %squeeze3A_1075, %shift_right_arithmetic3A_1076 : i32
      %mul3A_1078 = arith.constant 128 : i32
      %mul3A_1079 = arith.muli %shift_right_arithmetic3A_1077, %mul3A_1078 : i32
      %multiple_of3A_1080 = tpu.assume_multiple %mul3A_1079, 128 : i32
      %dma_start3A_1081 = arith.constant 0 : i32
      %dma_start3A_1082 = arith.constant 0 : i32
      %dma_start3A_1083 = arith.constant 0 : i32
      %dma_start3A_1084 = arith.constant 0 : i32
      %dma_start3A_1085 = tpu.memref_slice %arg17[%dma_start3A_1081, %dma_start3A_1082, %dma_start3A_1083, %dma_start3A_1084] : memref<2x8x16x128xf32, #tpu.memory_space<vmem>> -> memref<1x1x16x128xf32, #tpu.memory_space<vmem>>
      %dma_start3A_1086 = tpu.memref_squeeze %dma_start3A_1085 : memref<1x1x16x128xf32, #tpu.memory_space<vmem>> -> memref<16x128xf32, #tpu.memory_space<vmem>>
      %dma_start3A_1087 = arith.constant 0 : i32
      %dma_start3A_1088 = tpu.memref_slice %arg5[%dma_start3A_1087, %multiple_of3A_1080] : memref<16x1000000xf32, #tpu.memory_space<hbm>> -> memref<16x128xf32, #tpu.memory_space<hbm>>
      %dma_start3A_1089 = arith.constant 0 : i32
      %dma_start3A_1090 = arith.constant 0 : i32
      %dma_start3A_1091 = tpu.memref_slice %arg17[%dma_start3A_1081, %dma_start3A_1082, %dma_start3A_1089, %dma_start3A_1090] : memref<2x8x16x128xf32, #tpu.memory_space<vmem>> -> memref<1x1x16x128xf32, #tpu.memory_space<vmem>>
      %dma_start3A_1092 = tpu.memref_squeeze %dma_start3A_1091 : memref<1x1x16x128xf32, #tpu.memory_space<vmem>> -> memref<16x128xf32, #tpu.memory_space<vmem>>
      %dma_start3A_1093 = arith.constant 0 : i32
      %dma_start3A_1094 = tpu.memref_slice %arg5[%dma_start3A_1093, %multiple_of3A_1080] : memref<16x1000000xf32, #tpu.memory_space<hbm>> -> memref<16x128xf32, #tpu.memory_space<hbm>>
      tpu.enqueue_dma source(%dma_start3A_1094 : memref<16x128xf32, #tpu.memory_space<hbm>>) target(%dma_start3A_1092 : memref<16x128xf32, #tpu.memory_space<vmem>>) target_semaphore(%arg25 : memref<!tpu.dma_semaphore, #tpu.memory_space<semaphore_mem>>)
      %slice3A_1095 = vector.extract_strided_slice %get3A_737 {offsets = [1], sizes = [1], strides = [1]} : vector<16xi32> to vector<1xi32>
      %squeeze3A_1096 = vector.extract %slice3A_1095[0] : i32 from vector<1xi32>
      %shift_right_arithmetic3A_1097 = arith.constant 7 : i32
      %shift_right_arithmetic3A_1098 = arith.shrsi %squeeze3A_1096, %shift_right_arithmetic3A_1097 : i32
      %mul3A_1099 = arith.constant 128 : i32
      %mul3A_1100 = arith.muli %shift_right_arithmetic3A_1098, %mul3A_1099 : i32
      %multiple_of3A_1101 = tpu.assume_multiple %mul3A_1100, 128 : i32
      %dma_start3A_1102 = arith.constant 0 : i32
      %dma_start3A_1103 = arith.constant 1 : i32
      %dma_start3A_1104 = arith.constant 0 : i32
      %dma_start3A_1105 = arith.constant 0 : i32
      %dma_start3A_1106 = tpu.memref_slice %arg17[%dma_start3A_1102, %dma_start3A_1103, %dma_start3A_1104, %dma_start3A_1105] : memref<2x8x16x128xf32, #tpu.memory_space<vmem>> -> memref<1x1x16x128xf32, #tpu.memory_space<vmem>>
      %dma_start3A_1107 = tpu.memref_squeeze %dma_start3A_1106 : memref<1x1x16x128xf32, #tpu.memory_space<vmem>> -> memref<16x128xf32, #tpu.memory_space<vmem>>
      %dma_start3A_1108 = arith.constant 0 : i32
      %dma_start3A_1109 = tpu.memref_slice %arg5[%dma_start3A_1108, %multiple_of3A_1101] : memref<16x1000000xf32, #tpu.memory_space<hbm>> -> memref<16x128xf32, #tpu.memory_space<hbm>>
      %dma_start3A_1110 = arith.constant 0 : i32
      %dma_start3A_1111 = arith.constant 0 : i32
      %dma_start3A_1112 = tpu.memref_slice %arg17[%dma_start3A_1102, %dma_start3A_1103, %dma_start3A_1110, %dma_start3A_1111] : memref<2x8x16x128xf32, #tpu.memory_space<vmem>> -> memref<1x1x16x128xf32, #tpu.memory_space<vmem>>
      %dma_start3A_1113 = tpu.memref_squeeze %dma_start3A_1112 : memref<1x1x16x128xf32, #tpu.memory_space<vmem>> -> memref<16x128xf32, #tpu.memory_space<vmem>>
      %dma_start3A_1114 = arith.constant 0 : i32
      %dma_start3A_1115 = tpu.memref_slice %arg5[%dma_start3A_1114, %multiple_of3A_1101] : memref<16x1000000xf32, #tpu.memory_space<hbm>> -> memref<16x128xf32, #tpu.memory_space<hbm>>
      tpu.enqueue_dma source(%dma_start3A_1115 : memref<16x128xf32, #tpu.memory_space<hbm>>) target(%dma_start3A_1113 : memref<16x128xf32, #tpu.memory_space<vmem>>) target_semaphore(%arg25 : memref<!tpu.dma_semaphore, #tpu.memory_space<semaphore_mem>>)
      %slice3A_1116 = vector.extract_strided_slice %get3A_737 {offsets = [2], sizes = [1], strides = [1]} : vector<16xi32> to vector<1xi32>
      %squeeze3A_1117 = vector.extract %slice3A_1116[0] : i32 from vector<1xi32>
      %shift_right_arithmetic3A_1118 = arith.constant 7 : i32
      %shift_right_arithmetic3A_1119 = arith.shrsi %squeeze3A_1117, %shift_right_arithmetic3A_1118 : i32
      %mul3A_1120 = arith.constant 128 : i32
      %mul3A_1121 = arith.muli %shift_right_arithmetic3A_1119, %mul3A_1120 : i32
      %multiple_of3A_1122 = tpu.assume_multiple %mul3A_1121, 128 : i32
      %dma_start3A_1123 = arith.constant 0 : i32
      %dma_start3A_1124 = arith.constant 2 : i32
      %dma_start3A_1125 = arith.constant 0 : i32
      %dma_start3A_1126 = arith.constant 0 : i32
      %dma_start3A_1127 = tpu.memref_slice %arg17[%dma_start3A_1123, %dma_start3A_1124, %dma_start3A_1125, %dma_start3A_1126] : memref<2x8x16x128xf32, #tpu.memory_space<vmem>> -> memref<1x1x16x128xf32, #tpu.memory_space<vmem>>
      %dma_start3A_1128 = tpu.memref_squeeze %dma_start3A_1127 : memref<1x1x16x128xf32, #tpu.memory_space<vmem>> -> memref<16x128xf32, #tpu.memory_space<vmem>>
      %dma_start3A_1129 = arith.constant 0 : i32
      %dma_start3A_1130 = tpu.memref_slice %arg5[%dma_start3A_1129, %multiple_of3A_1122] : memref<16x1000000xf32, #tpu.memory_space<hbm>> -> memref<16x128xf32, #tpu.memory_space<hbm>>
      %dma_start3A_1131 = arith.constant 0 : i32
      %dma_start3A_1132 = arith.constant 0 : i32
      %dma_start3A_1133 = tpu.memref_slice %arg17[%dma_start3A_1123, %dma_start3A_1124, %dma_start3A_1131, %dma_start3A_1132] : memref<2x8x16x128xf32, #tpu.memory_space<vmem>> -> memref<1x1x16x128xf32, #tpu.memory_space<vmem>>
      %dma_start3A_1134 = tpu.memref_squeeze %dma_start3A_1133 : memref<1x1x16x128xf32, #tpu.memory_space<vmem>> -> memref<16x128xf32, #tpu.memory_space<vmem>>
      %dma_start3A_1135 = arith.constant 0 : i32
      %dma_start3A_1136 = tpu.memref_slice %arg5[%dma_start3A_1135, %multiple_of3A_1122] : memref<16x1000000xf32, #tpu.memory_space<hbm>> -> memref<16x128xf32, #tpu.memory_space<hbm>>
      tpu.enqueue_dma source(%dma_start3A_1136 : memref<16x128xf32, #tpu.memory_space<hbm>>) target(%dma_start3A_1134 : memref<16x128xf32, #tpu.memory_space<vmem>>) target_semaphore(%arg25 : memref<!tpu.dma_semaphore, #tpu.memory_space<semaphore_mem>>)
      %slice3A_1137 = vector.extract_strided_slice %get3A_737 {offsets = [3], sizes = [1], strides = [1]} : vector<16xi32> to vector<1xi32>
      %squeeze3A_1138 = vector.extract %slice3A_1137[0] : i32 from vector<1xi32>
      %shift_right_arithmetic3A_1139 = arith.constant 7 : i32
      %shift_right_arithmetic3A_1140 = arith.shrsi %squeeze3A_1138, %shift_right_arithmetic3A_1139 : i32
      %mul3A_1141 = arith.constant 128 : i32
      %mul3A_1142 = arith.muli %shift_right_arithmetic3A_1140, %mul3A_1141 : i32
      %multiple_of3A_1143 = tpu.assume_multiple %mul3A_1142, 128 : i32
      %dma_start3A_1144 = arith.constant 0 : i32
      %dma_start3A_1145 = arith.constant 3 : i32
      %dma_start3A_1146 = arith.constant 0 : i32
      %dma_start3A_1147 = arith.constant 0 : i32
      %dma_start3A_1148 = tpu.memref_slice %arg17[%dma_start3A_1144, %dma_start3A_1145, %dma_start3A_1146, %dma_start3A_1147] : memref<2x8x16x128xf32, #tpu.memory_space<vmem>> -> memref<1x1x16x128xf32, #tpu.memory_space<vmem>>
      %dma_start3A_1149 = tpu.memref_squeeze %dma_start3A_1148 : memref<1x1x16x128xf32, #tpu.memory_space<vmem>> -> memref<16x128xf32, #tpu.memory_space<vmem>>
      %dma_start3A_1150 = arith.constant 0 : i32
      %dma_start3A_1151 = tpu.memref_slice %arg5[%dma_start3A_1150, %multiple_of3A_1143] : memref<16x1000000xf32, #tpu.memory_space<hbm>> -> memref<16x128xf32, #tpu.memory_space<hbm>>
      %dma_start3A_1152 = arith.constant 0 : i32
      %dma_start3A_1153 = arith.constant 0 : i32
      %dma_start3A_1154 = tpu.memref_slice %arg17[%dma_start3A_1144, %dma_start3A_1145, %dma_start3A_1152, %dma_start3A_1153] : memref<2x8x16x128xf32, #tpu.memory_space<vmem>> -> memref<1x1x16x128xf32, #tpu.memory_space<vmem>>
      %dma_start3A_1155 = tpu.memref_squeeze %dma_start3A_1154 : memref<1x1x16x128xf32, #tpu.memory_space<vmem>> -> memref<16x128xf32, #tpu.memory_space<vmem>>
      %dma_start3A_1156 = arith.constant 0 : i32
      %dma_start3A_1157 = tpu.memref_slice %arg5[%dma_start3A_1156, %multiple_of3A_1143] : memref<16x1000000xf32, #tpu.memory_space<hbm>> -> memref<16x128xf32, #tpu.memory_space<hbm>>
      tpu.enqueue_dma source(%dma_start3A_1157 : memref<16x128xf32, #tpu.memory_space<hbm>>) target(%dma_start3A_1155 : memref<16x128xf32, #tpu.memory_space<vmem>>) target_semaphore(%arg25 : memref<!tpu.dma_semaphore, #tpu.memory_space<semaphore_mem>>)
      %slice3A_1158 = vector.extract_strided_slice %get3A_737 {offsets = [4], sizes = [1], strides = [1]} : vector<16xi32> to vector<1xi32>
      %squeeze3A_1159 = vector.extract %slice3A_1158[0] : i32 from vector<1xi32>
      %shift_right_arithmetic3A_1160 = arith.constant 7 : i32
      %shift_right_arithmetic3A_1161 = arith.shrsi %squeeze3A_1159, %shift_right_arithmetic3A_1160 : i32
      %mul3A_1162 = arith.constant 128 : i32
      %mul3A_1163 = arith.muli %shift_right_arithmetic3A_1161, %mul3A_1162 : i32
      %multiple_of3A_1164 = tpu.assume_multiple %mul3A_1163, 128 : i32
      %dma_start3A_1165 = arith.constant 0 : i32
      %dma_start3A_1166 = arith.constant 4 : i32
      %dma_start3A_1167 = arith.constant 0 : i32
      %dma_start3A_1168 = arith.constant 0 : i32
      %dma_start3A_1169 = tpu.memref_slice %arg17[%dma_start3A_1165, %dma_start3A_1166, %dma_start3A_1167, %dma_start3A_1168] : memref<2x8x16x128xf32, #tpu.memory_space<vmem>> -> memref<1x1x16x128xf32, #tpu.memory_space<vmem>>
      %dma_start3A_1170 = tpu.memref_squeeze %dma_start3A_1169 : memref<1x1x16x128xf32, #tpu.memory_space<vmem>> -> memref<16x128xf32, #tpu.memory_space<vmem>>
      %dma_start3A_1171 = arith.constant 0 : i32
      %dma_start3A_1172 = tpu.memref_slice %arg5[%dma_start3A_1171, %multiple_of3A_1164] : memref<16x1000000xf32, #tpu.memory_space<hbm>> -> memref<16x128xf32, #tpu.memory_space<hbm>>
      %dma_start3A_1173 = arith.constant 0 : i32
      %dma_start3A_1174 = arith.constant 0 : i32
      %dma_start3A_1175 = tpu.memref_slice %arg17[%dma_start3A_1165, %dma_start3A_1166, %dma_start3A_1173, %dma_start3A_1174] : memref<2x8x16x128xf32, #tpu.memory_space<vmem>> -> memref<1x1x16x128xf32, #tpu.memory_space<vmem>>
      %dma_start3A_1176 = tpu.memref_squeeze %dma_start3A_1175 : memref<1x1x16x128xf32, #tpu.memory_space<vmem>> -> memref<16x128xf32, #tpu.memory_space<vmem>>
      %dma_start3A_1177 = arith.constant 0 : i32
      %dma_start3A_1178 = tpu.memref_slice %arg5[%dma_start3A_1177, %multiple_of3A_1164] : memref<16x1000000xf32, #tpu.memory_space<hbm>> -> memref<16x128xf32, #tpu.memory_space<hbm>>
      tpu.enqueue_dma source(%dma_start3A_1178 : memref<16x128xf32, #tpu.memory_space<hbm>>) target(%dma_start3A_1176 : memref<16x128xf32, #tpu.memory_space<vmem>>) target_semaphore(%arg25 : memref<!tpu.dma_semaphore, #tpu.memory_space<semaphore_mem>>)
      %slice3A_1179 = vector.extract_strided_slice %get3A_737 {offsets = [5], sizes = [1], strides = [1]} : vector<16xi32> to vector<1xi32>
      %squeeze3A_1180 = vector.extract %slice3A_1179[0] : i32 from vector<1xi32>
      %shift_right_arithmetic3A_1181 = arith.constant 7 : i32
      %shift_right_arithmetic3A_1182 = arith.shrsi %squeeze3A_1180, %shift_right_arithmetic3A_1181 : i32
      %mul3A_1183 = arith.constant 128 : i32
      %mul3A_1184 = arith.muli %shift_right_arithmetic3A_1182, %mul3A_1183 : i32
      %multiple_of3A_1185 = tpu.assume_multiple %mul3A_1184, 128 : i32
      %dma_start3A_1186 = arith.constant 0 : i32
      %dma_start3A_1187 = arith.constant 5 : i32
      %dma_start3A_1188 = arith.constant 0 : i32
      %dma_start3A_1189 = arith.constant 0 : i32
      %dma_start3A_1190 = tpu.memref_slice %arg17[%dma_start3A_1186, %dma_start3A_1187, %dma_start3A_1188, %dma_start3A_1189] : memref<2x8x16x128xf32, #tpu.memory_space<vmem>> -> memref<1x1x16x128xf32, #tpu.memory_space<vmem>>
      %dma_start3A_1191 = tpu.memref_squeeze %dma_start3A_1190 : memref<1x1x16x128xf32, #tpu.memory_space<vmem>> -> memref<16x128xf32, #tpu.memory_space<vmem>>
      %dma_start3A_1192 = arith.constant 0 : i32
      %dma_start3A_1193 = tpu.memref_slice %arg5[%dma_start3A_1192, %multiple_of3A_1185] : memref<16x1000000xf32, #tpu.memory_space<hbm>> -> memref<16x128xf32, #tpu.memory_space<hbm>>
      %dma_start3A_1194 = arith.constant 0 : i32
      %dma_start3A_1195 = arith.constant 0 : i32
      %dma_start3A_1196 = tpu.memref_slice %arg17[%dma_start3A_1186, %dma_start3A_1187, %dma_start3A_1194, %dma_start3A_1195] : memref<2x8x16x128xf32, #tpu.memory_space<vmem>> -> memref<1x1x16x128xf32, #tpu.memory_space<vmem>>
      %dma_start3A_1197 = tpu.memref_squeeze %dma_start3A_1196 : memref<1x1x16x128xf32, #tpu.memory_space<vmem>> -> memref<16x128xf32, #tpu.memory_space<vmem>>
      %dma_start3A_1198 = arith.constant 0 : i32
      %dma_start3A_1199 = tpu.memref_slice %arg5[%dma_start3A_1198, %multiple_of3A_1185] : memref<16x1000000xf32, #tpu.memory_space<hbm>> -> memref<16x128xf32, #tpu.memory_space<hbm>>
      tpu.enqueue_dma source(%dma_start3A_1199 : memref<16x128xf32, #tpu.memory_space<hbm>>) target(%dma_start3A_1197 : memref<16x128xf32, #tpu.memory_space<vmem>>) target_semaphore(%arg25 : memref<!tpu.dma_semaphore, #tpu.memory_space<semaphore_mem>>)
      %slice3A_1200 = vector.extract_strided_slice %get3A_737 {offsets = [6], sizes = [1], strides = [1]} : vector<16xi32> to vector<1xi32>
      %squeeze3A_1201 = vector.extract %slice3A_1200[0] : i32 from vector<1xi32>
      %shift_right_arithmetic3A_1202 = arith.constant 7 : i32
      %shift_right_arithmetic3A_1203 = arith.shrsi %squeeze3A_1201, %shift_right_arithmetic3A_1202 : i32
      %mul3A_1204 = arith.constant 128 : i32
      %mul3A_1205 = arith.muli %shift_right_arithmetic3A_1203, %mul3A_1204 : i32
      %multiple_of3A_1206 = tpu.assume_multiple %mul3A_1205, 128 : i32
      %dma_start3A_1207 = arith.constant 0 : i32
      %dma_start3A_1208 = arith.constant 6 : i32
      %dma_start3A_1209 = arith.constant 0 : i32
      %dma_start3A_1210 = arith.constant 0 : i32
      %dma_start3A_1211 = tpu.memref_slice %arg17[%dma_start3A_1207, %dma_start3A_1208, %dma_start3A_1209, %dma_start3A_1210] : memref<2x8x16x128xf32, #tpu.memory_space<vmem>> -> memref<1x1x16x128xf32, #tpu.memory_space<vmem>>
      %dma_start3A_1212 = tpu.memref_squeeze %dma_start3A_1211 : memref<1x1x16x128xf32, #tpu.memory_space<vmem>> -> memref<16x128xf32, #tpu.memory_space<vmem>>
      %dma_start3A_1213 = arith.constant 0 : i32
      %dma_start3A_1214 = tpu.memref_slice %arg5[%dma_start3A_1213, %multiple_of3A_1206] : memref<16x1000000xf32, #tpu.memory_space<hbm>> -> memref<16x128xf32, #tpu.memory_space<hbm>>
      %dma_start3A_1215 = arith.constant 0 : i32
      %dma_start3A_1216 = arith.constant 0 : i32
      %dma_start3A_1217 = tpu.memref_slice %arg17[%dma_start3A_1207, %dma_start3A_1208, %dma_start3A_1215, %dma_start3A_1216] : memref<2x8x16x128xf32, #tpu.memory_space<vmem>> -> memref<1x1x16x128xf32, #tpu.memory_space<vmem>>
      %dma_start3A_1218 = tpu.memref_squeeze %dma_start3A_1217 : memref<1x1x16x128xf32, #tpu.memory_space<vmem>> -> memref<16x128xf32, #tpu.memory_space<vmem>>
      %dma_start3A_1219 = arith.constant 0 : i32
      %dma_start3A_1220 = tpu.memref_slice %arg5[%dma_start3A_1219, %multiple_of3A_1206] : memref<16x1000000xf32, #tpu.memory_space<hbm>> -> memref<16x128xf32, #tpu.memory_space<hbm>>
      tpu.enqueue_dma source(%dma_start3A_1220 : memref<16x128xf32, #tpu.memory_space<hbm>>) target(%dma_start3A_1218 : memref<16x128xf32, #tpu.memory_space<vmem>>) target_semaphore(%arg25 : memref<!tpu.dma_semaphore, #tpu.memory_space<semaphore_mem>>)
      %slice3A_1221 = vector.extract_strided_slice %get3A_737 {offsets = [7], sizes = [1], strides = [1]} : vector<16xi32> to vector<1xi32>
      %squeeze3A_1222 = vector.extract %slice3A_1221[0] : i32 from vector<1xi32>
      %shift_right_arithmetic3A_1223 = arith.constant 7 : i32
      %shift_right_arithmetic3A_1224 = arith.shrsi %squeeze3A_1222, %shift_right_arithmetic3A_1223 : i32
      %mul3A_1225 = arith.constant 128 : i32
      %mul3A_1226 = arith.muli %shift_right_arithmetic3A_1224, %mul3A_1225 : i32
      %multiple_of3A_1227 = tpu.assume_multiple %mul3A_1226, 128 : i32
      %dma_start3A_1228 = arith.constant 0 : i32
      %dma_start3A_1229 = arith.constant 7 : i32
      %dma_start3A_1230 = arith.constant 0 : i32
      %dma_start3A_1231 = arith.constant 0 : i32
      %dma_start3A_1232 = tpu.memref_slice %arg17[%dma_start3A_1228, %dma_start3A_1229, %dma_start3A_1230, %dma_start3A_1231] : memref<2x8x16x128xf32, #tpu.memory_space<vmem>> -> memref<1x1x16x128xf32, #tpu.memory_space<vmem>>
      %dma_start3A_1233 = tpu.memref_squeeze %dma_start3A_1232 : memref<1x1x16x128xf32, #tpu.memory_space<vmem>> -> memref<16x128xf32, #tpu.memory_space<vmem>>
      %dma_start3A_1234 = arith.constant 0 : i32
      %dma_start3A_1235 = tpu.memref_slice %arg5[%dma_start3A_1234, %multiple_of3A_1227] : memref<16x1000000xf32, #tpu.memory_space<hbm>> -> memref<16x128xf32, #tpu.memory_space<hbm>>
      %dma_start3A_1236 = arith.constant 0 : i32
      %dma_start3A_1237 = arith.constant 0 : i32
      %dma_start3A_1238 = tpu.memref_slice %arg17[%dma_start3A_1228, %dma_start3A_1229, %dma_start3A_1236, %dma_start3A_1237] : memref<2x8x16x128xf32, #tpu.memory_space<vmem>> -> memref<1x1x16x128xf32, #tpu.memory_space<vmem>>
      %dma_start3A_1239 = tpu.memref_squeeze %dma_start3A_1238 : memref<1x1x16x128xf32, #tpu.memory_space<vmem>> -> memref<16x128xf32, #tpu.memory_space<vmem>>
      %dma_start3A_1240 = arith.constant 0 : i32
      %dma_start3A_1241 = tpu.memref_slice %arg5[%dma_start3A_1240, %multiple_of3A_1227] : memref<16x1000000xf32, #tpu.memory_space<hbm>> -> memref<16x128xf32, #tpu.memory_space<hbm>>
      tpu.enqueue_dma source(%dma_start3A_1241 : memref<16x128xf32, #tpu.memory_space<hbm>>) target(%dma_start3A_1239 : memref<16x128xf32, #tpu.memory_space<vmem>>) target_semaphore(%arg25 : memref<!tpu.dma_semaphore, #tpu.memory_space<semaphore_mem>>)
      %slice3A_1242 = vector.extract_strided_slice %get3A_737 {offsets = [8], sizes = [1], strides = [1]} : vector<16xi32> to vector<1xi32>
      %squeeze3A_1243 = vector.extract %slice3A_1242[0] : i32 from vector<1xi32>
      %shift_right_arithmetic3A_1244 = arith.constant 7 : i32
      %shift_right_arithmetic3A_1245 = arith.shrsi %squeeze3A_1243, %shift_right_arithmetic3A_1244 : i32
      %mul3A_1246 = arith.constant 128 : i32
      %mul3A_1247 = arith.muli %shift_right_arithmetic3A_1245, %mul3A_1246 : i32
      %multiple_of3A_1248 = tpu.assume_multiple %mul3A_1247, 128 : i32
      %dma_start3A_1249 = arith.constant 1 : i32
      %dma_start3A_1250 = arith.constant 0 : i32
      %dma_start3A_1251 = arith.constant 0 : i32
      %dma_start3A_1252 = arith.constant 0 : i32
      %dma_start3A_1253 = tpu.memref_slice %arg17[%dma_start3A_1249, %dma_start3A_1250, %dma_start3A_1251, %dma_start3A_1252] : memref<2x8x16x128xf32, #tpu.memory_space<vmem>> -> memref<1x1x16x128xf32, #tpu.memory_space<vmem>>
      %dma_start3A_1254 = tpu.memref_squeeze %dma_start3A_1253 : memref<1x1x16x128xf32, #tpu.memory_space<vmem>> -> memref<16x128xf32, #tpu.memory_space<vmem>>
      %dma_start3A_1255 = arith.constant 0 : i32
      %dma_start3A_1256 = tpu.memref_slice %arg5[%dma_start3A_1255, %multiple_of3A_1248] : memref<16x1000000xf32, #tpu.memory_space<hbm>> -> memref<16x128xf32, #tpu.memory_space<hbm>>
      %dma_start3A_1257 = arith.constant 0 : i32
      %dma_start3A_1258 = arith.constant 0 : i32
      %dma_start3A_1259 = tpu.memref_slice %arg17[%dma_start3A_1249, %dma_start3A_1250, %dma_start3A_1257, %dma_start3A_1258] : memref<2x8x16x128xf32, #tpu.memory_space<vmem>> -> memref<1x1x16x128xf32, #tpu.memory_space<vmem>>
      %dma_start3A_1260 = tpu.memref_squeeze %dma_start3A_1259 : memref<1x1x16x128xf32, #tpu.memory_space<vmem>> -> memref<16x128xf32, #tpu.memory_space<vmem>>
      %dma_start3A_1261 = arith.constant 0 : i32
      %dma_start3A_1262 = tpu.memref_slice %arg5[%dma_start3A_1261, %multiple_of3A_1248] : memref<16x1000000xf32, #tpu.memory_space<hbm>> -> memref<16x128xf32, #tpu.memory_space<hbm>>
      tpu.enqueue_dma source(%dma_start3A_1262 : memref<16x128xf32, #tpu.memory_space<hbm>>) target(%dma_start3A_1260 : memref<16x128xf32, #tpu.memory_space<vmem>>) target_semaphore(%arg25 : memref<!tpu.dma_semaphore, #tpu.memory_space<semaphore_mem>>)
      %slice3A_1263 = vector.extract_strided_slice %get3A_737 {offsets = [9], sizes = [1], strides = [1]} : vector<16xi32> to vector<1xi32>
      %squeeze3A_1264 = vector.extract %slice3A_1263[0] : i32 from vector<1xi32>
      %shift_right_arithmetic3A_1265 = arith.constant 7 : i32
      %shift_right_arithmetic3A_1266 = arith.shrsi %squeeze3A_1264, %shift_right_arithmetic3A_1265 : i32
      %mul3A_1267 = arith.constant 128 : i32
      %mul3A_1268 = arith.muli %shift_right_arithmetic3A_1266, %mul3A_1267 : i32
      %multiple_of3A_1269 = tpu.assume_multiple %mul3A_1268, 128 : i32
      %dma_start3A_1270 = arith.constant 1 : i32
      %dma_start3A_1271 = arith.constant 1 : i32
      %dma_start3A_1272 = arith.constant 0 : i32
      %dma_start3A_1273 = arith.constant 0 : i32
      %dma_start3A_1274 = tpu.memref_slice %arg17[%dma_start3A_1270, %dma_start3A_1271, %dma_start3A_1272, %dma_start3A_1273] : memref<2x8x16x128xf32, #tpu.memory_space<vmem>> -> memref<1x1x16x128xf32, #tpu.memory_space<vmem>>
      %dma_start3A_1275 = tpu.memref_squeeze %dma_start3A_1274 : memref<1x1x16x128xf32, #tpu.memory_space<vmem>> -> memref<16x128xf32, #tpu.memory_space<vmem>>
      %dma_start3A_1276 = arith.constant 0 : i32
      %dma_start3A_1277 = tpu.memref_slice %arg5[%dma_start3A_1276, %multiple_of3A_1269] : memref<16x1000000xf32, #tpu.memory_space<hbm>> -> memref<16x128xf32, #tpu.memory_space<hbm>>
      %dma_start3A_1278 = arith.constant 0 : i32
      %dma_start3A_1279 = arith.constant 0 : i32
      %dma_start3A_1280 = tpu.memref_slice %arg17[%dma_start3A_1270, %dma_start3A_1271, %dma_start3A_1278, %dma_start3A_1279] : memref<2x8x16x128xf32, #tpu.memory_space<vmem>> -> memref<1x1x16x128xf32, #tpu.memory_space<vmem>>
      %dma_start3A_1281 = tpu.memref_squeeze %dma_start3A_1280 : memref<1x1x16x128xf32, #tpu.memory_space<vmem>> -> memref<16x128xf32, #tpu.memory_space<vmem>>
      %dma_start3A_1282 = arith.constant 0 : i32
      %dma_start3A_1283 = tpu.memref_slice %arg5[%dma_start3A_1282, %multiple_of3A_1269] : memref<16x1000000xf32, #tpu.memory_space<hbm>> -> memref<16x128xf32, #tpu.memory_space<hbm>>
      tpu.enqueue_dma source(%dma_start3A_1283 : memref<16x128xf32, #tpu.memory_space<hbm>>) target(%dma_start3A_1281 : memref<16x128xf32, #tpu.memory_space<vmem>>) target_semaphore(%arg25 : memref<!tpu.dma_semaphore, #tpu.memory_space<semaphore_mem>>)
      %slice3A_1284 = vector.extract_strided_slice %get3A_737 {offsets = [10], sizes = [1], strides = [1]} : vector<16xi32> to vector<1xi32>
      %squeeze3A_1285 = vector.extract %slice3A_1284[0] : i32 from vector<1xi32>
      %shift_right_arithmetic3A_1286 = arith.constant 7 : i32
      %shift_right_arithmetic3A_1287 = arith.shrsi %squeeze3A_1285, %shift_right_arithmetic3A_1286 : i32
      %mul3A_1288 = arith.constant 128 : i32
      %mul3A_1289 = arith.muli %shift_right_arithmetic3A_1287, %mul3A_1288 : i32
      %multiple_of3A_1290 = tpu.assume_multiple %mul3A_1289, 128 : i32
      %dma_start3A_1291 = arith.constant 1 : i32
      %dma_start3A_1292 = arith.constant 2 : i32
      %dma_start3A_1293 = arith.constant 0 : i32
      %dma_start3A_1294 = arith.constant 0 : i32
      %dma_start3A_1295 = tpu.memref_slice %arg17[%dma_start3A_1291, %dma_start3A_1292, %dma_start3A_1293, %dma_start3A_1294] : memref<2x8x16x128xf32, #tpu.memory_space<vmem>> -> memref<1x1x16x128xf32, #tpu.memory_space<vmem>>
      %dma_start3A_1296 = tpu.memref_squeeze %dma_start3A_1295 : memref<1x1x16x128xf32, #tpu.memory_space<vmem>> -> memref<16x128xf32, #tpu.memory_space<vmem>>
      %dma_start3A_1297 = arith.constant 0 : i32
      %dma_start3A_1298 = tpu.memref_slice %arg5[%dma_start3A_1297, %multiple_of3A_1290] : memref<16x1000000xf32, #tpu.memory_space<hbm>> -> memref<16x128xf32, #tpu.memory_space<hbm>>
      %dma_start3A_1299 = arith.constant 0 : i32
      %dma_start3A_1300 = arith.constant 0 : i32
      %dma_start3A_1301 = tpu.memref_slice %arg17[%dma_start3A_1291, %dma_start3A_1292, %dma_start3A_1299, %dma_start3A_1300] : memref<2x8x16x128xf32, #tpu.memory_space<vmem>> -> memref<1x1x16x128xf32, #tpu.memory_space<vmem>>
      %dma_start3A_1302 = tpu.memref_squeeze %dma_start3A_1301 : memref<1x1x16x128xf32, #tpu.memory_space<vmem>> -> memref<16x128xf32, #tpu.memory_space<vmem>>
      %dma_start3A_1303 = arith.constant 0 : i32
      %dma_start3A_1304 = tpu.memref_slice %arg5[%dma_start3A_1303, %multiple_of3A_1290] : memref<16x1000000xf32, #tpu.memory_space<hbm>> -> memref<16x128xf32, #tpu.memory_space<hbm>>
      tpu.enqueue_dma source(%dma_start3A_1304 : memref<16x128xf32, #tpu.memory_space<hbm>>) target(%dma_start3A_1302 : memref<16x128xf32, #tpu.memory_space<vmem>>) target_semaphore(%arg25 : memref<!tpu.dma_semaphore, #tpu.memory_space<semaphore_mem>>)
      %slice3A_1305 = vector.extract_strided_slice %get3A_737 {offsets = [11], sizes = [1], strides = [1]} : vector<16xi32> to vector<1xi32>
      %squeeze3A_1306 = vector.extract %slice3A_1305[0] : i32 from vector<1xi32>
      %shift_right_arithmetic3A_1307 = arith.constant 7 : i32
      %shift_right_arithmetic3A_1308 = arith.shrsi %squeeze3A_1306, %shift_right_arithmetic3A_1307 : i32
      %mul3A_1309 = arith.constant 128 : i32
      %mul3A_1310 = arith.muli %shift_right_arithmetic3A_1308, %mul3A_1309 : i32
      %multiple_of3A_1311 = tpu.assume_multiple %mul3A_1310, 128 : i32
      %dma_start3A_1312 = arith.constant 1 : i32
      %dma_start3A_1313 = arith.constant 3 : i32
      %dma_start3A_1314 = arith.constant 0 : i32
      %dma_start3A_1315 = arith.constant 0 : i32
      %dma_start3A_1316 = tpu.memref_slice %arg17[%dma_start3A_1312, %dma_start3A_1313, %dma_start3A_1314, %dma_start3A_1315] : memref<2x8x16x128xf32, #tpu.memory_space<vmem>> -> memref<1x1x16x128xf32, #tpu.memory_space<vmem>>
      %dma_start3A_1317 = tpu.memref_squeeze %dma_start3A_1316 : memref<1x1x16x128xf32, #tpu.memory_space<vmem>> -> memref<16x128xf32, #tpu.memory_space<vmem>>
      %dma_start3A_1318 = arith.constant 0 : i32
      %dma_start3A_1319 = tpu.memref_slice %arg5[%dma_start3A_1318, %multiple_of3A_1311] : memref<16x1000000xf32, #tpu.memory_space<hbm>> -> memref<16x128xf32, #tpu.memory_space<hbm>>
      %dma_start3A_1320 = arith.constant 0 : i32
      %dma_start3A_1321 = arith.constant 0 : i32
      %dma_start3A_1322 = tpu.memref_slice %arg17[%dma_start3A_1312, %dma_start3A_1313, %dma_start3A_1320, %dma_start3A_1321] : memref<2x8x16x128xf32, #tpu.memory_space<vmem>> -> memref<1x1x16x128xf32, #tpu.memory_space<vmem>>
      %dma_start3A_1323 = tpu.memref_squeeze %dma_start3A_1322 : memref<1x1x16x128xf32, #tpu.memory_space<vmem>> -> memref<16x128xf32, #tpu.memory_space<vmem>>
      %dma_start3A_1324 = arith.constant 0 : i32
      %dma_start3A_1325 = tpu.memref_slice %arg5[%dma_start3A_1324, %multiple_of3A_1311] : memref<16x1000000xf32, #tpu.memory_space<hbm>> -> memref<16x128xf32, #tpu.memory_space<hbm>>
      tpu.enqueue_dma source(%dma_start3A_1325 : memref<16x128xf32, #tpu.memory_space<hbm>>) target(%dma_start3A_1323 : memref<16x128xf32, #tpu.memory_space<vmem>>) target_semaphore(%arg25 : memref<!tpu.dma_semaphore, #tpu.memory_space<semaphore_mem>>)
      %slice3A_1326 = vector.extract_strided_slice %get3A_737 {offsets = [12], sizes = [1], strides = [1]} : vector<16xi32> to vector<1xi32>
      %squeeze3A_1327 = vector.extract %slice3A_1326[0] : i32 from vector<1xi32>
      %shift_right_arithmetic3A_1328 = arith.constant 7 : i32
      %shift_right_arithmetic3A_1329 = arith.shrsi %squeeze3A_1327, %shift_right_arithmetic3A_1328 : i32
      %mul3A_1330 = arith.constant 128 : i32
      %mul3A_1331 = arith.muli %shift_right_arithmetic3A_1329, %mul3A_1330 : i32
      %multiple_of3A_1332 = tpu.assume_multiple %mul3A_1331, 128 : i32
      %dma_start3A_1333 = arith.constant 1 : i32
      %dma_start3A_1334 = arith.constant 4 : i32
      %dma_start3A_1335 = arith.constant 0 : i32
      %dma_start3A_1336 = arith.constant 0 : i32
      %dma_start3A_1337 = tpu.memref_slice %arg17[%dma_start3A_1333, %dma_start3A_1334, %dma_start3A_1335, %dma_start3A_1336] : memref<2x8x16x128xf32, #tpu.memory_space<vmem>> -> memref<1x1x16x128xf32, #tpu.memory_space<vmem>>
      %dma_start3A_1338 = tpu.memref_squeeze %dma_start3A_1337 : memref<1x1x16x128xf32, #tpu.memory_space<vmem>> -> memref<16x128xf32, #tpu.memory_space<vmem>>
      %dma_start3A_1339 = arith.constant 0 : i32
      %dma_start3A_1340 = tpu.memref_slice %arg5[%dma_start3A_1339, %multiple_of3A_1332] : memref<16x1000000xf32, #tpu.memory_space<hbm>> -> memref<16x128xf32, #tpu.memory_space<hbm>>
      %dma_start3A_1341 = arith.constant 0 : i32
      %dma_start3A_1342 = arith.constant 0 : i32
      %dma_start3A_1343 = tpu.memref_slice %arg17[%dma_start3A_1333, %dma_start3A_1334, %dma_start3A_1341, %dma_start3A_1342] : memref<2x8x16x128xf32, #tpu.memory_space<vmem>> -> memref<1x1x16x128xf32, #tpu.memory_space<vmem>>
      %dma_start3A_1344 = tpu.memref_squeeze %dma_start3A_1343 : memref<1x1x16x128xf32, #tpu.memory_space<vmem>> -> memref<16x128xf32, #tpu.memory_space<vmem>>
      %dma_start3A_1345 = arith.constant 0 : i32
      %dma_start3A_1346 = tpu.memref_slice %arg5[%dma_start3A_1345, %multiple_of3A_1332] : memref<16x1000000xf32, #tpu.memory_space<hbm>> -> memref<16x128xf32, #tpu.memory_space<hbm>>
      tpu.enqueue_dma source(%dma_start3A_1346 : memref<16x128xf32, #tpu.memory_space<hbm>>) target(%dma_start3A_1344 : memref<16x128xf32, #tpu.memory_space<vmem>>) target_semaphore(%arg25 : memref<!tpu.dma_semaphore, #tpu.memory_space<semaphore_mem>>)
      %slice3A_1347 = vector.extract_strided_slice %get3A_737 {offsets = [13], sizes = [1], strides = [1]} : vector<16xi32> to vector<1xi32>
      %squeeze3A_1348 = vector.extract %slice3A_1347[0] : i32 from vector<1xi32>
      %shift_right_arithmetic3A_1349 = arith.constant 7 : i32
      %shift_right_arithmetic3A_1350 = arith.shrsi %squeeze3A_1348, %shift_right_arithmetic3A_1349 : i32
      %mul3A_1351 = arith.constant 128 : i32
      %mul3A_1352 = arith.muli %shift_right_arithmetic3A_1350, %mul3A_1351 : i32
      %multiple_of3A_1353 = tpu.assume_multiple %mul3A_1352, 128 : i32
      %dma_start3A_1354 = arith.constant 1 : i32
      %dma_start3A_1355 = arith.constant 5 : i32
      %dma_start3A_1356 = arith.constant 0 : i32
      %dma_start3A_1357 = arith.constant 0 : i32
      %dma_start3A_1358 = tpu.memref_slice %arg17[%dma_start3A_1354, %dma_start3A_1355, %dma_start3A_1356, %dma_start3A_1357] : memref<2x8x16x128xf32, #tpu.memory_space<vmem>> -> memref<1x1x16x128xf32, #tpu.memory_space<vmem>>
      %dma_start3A_1359 = tpu.memref_squeeze %dma_start3A_1358 : memref<1x1x16x128xf32, #tpu.memory_space<vmem>> -> memref<16x128xf32, #tpu.memory_space<vmem>>
      %dma_start3A_1360 = arith.constant 0 : i32
      %dma_start3A_1361 = tpu.memref_slice %arg5[%dma_start3A_1360, %multiple_of3A_1353] : memref<16x1000000xf32, #tpu.memory_space<hbm>> -> memref<16x128xf32, #tpu.memory_space<hbm>>
      %dma_start3A_1362 = arith.constant 0 : i32
      %dma_start3A_1363 = arith.constant 0 : i32
      %dma_start3A_1364 = tpu.memref_slice %arg17[%dma_start3A_1354, %dma_start3A_1355, %dma_start3A_1362, %dma_start3A_1363] : memref<2x8x16x128xf32, #tpu.memory_space<vmem>> -> memref<1x1x16x128xf32, #tpu.memory_space<vmem>>
      %dma_start3A_1365 = tpu.memref_squeeze %dma_start3A_1364 : memref<1x1x16x128xf32, #tpu.memory_space<vmem>> -> memref<16x128xf32, #tpu.memory_space<vmem>>
      %dma_start3A_1366 = arith.constant 0 : i32
      %dma_start3A_1367 = tpu.memref_slice %arg5[%dma_start3A_1366, %multiple_of3A_1353] : memref<16x1000000xf32, #tpu.memory_space<hbm>> -> memref<16x128xf32, #tpu.memory_space<hbm>>
      tpu.enqueue_dma source(%dma_start3A_1367 : memref<16x128xf32, #tpu.memory_space<hbm>>) target(%dma_start3A_1365 : memref<16x128xf32, #tpu.memory_space<vmem>>) target_semaphore(%arg25 : memref<!tpu.dma_semaphore, #tpu.memory_space<semaphore_mem>>)
      %slice3A_1368 = vector.extract_strided_slice %get3A_737 {offsets = [14], sizes = [1], strides = [1]} : vector<16xi32> to vector<1xi32>
      %squeeze3A_1369 = vector.extract %slice3A_1368[0] : i32 from vector<1xi32>
      %shift_right_arithmetic3A_1370 = arith.constant 7 : i32
      %shift_right_arithmetic3A_1371 = arith.shrsi %squeeze3A_1369, %shift_right_arithmetic3A_1370 : i32
      %mul3A_1372 = arith.constant 128 : i32
      %mul3A_1373 = arith.muli %shift_right_arithmetic3A_1371, %mul3A_1372 : i32
      %multiple_of3A_1374 = tpu.assume_multiple %mul3A_1373, 128 : i32
      %dma_start3A_1375 = arith.constant 1 : i32
      %dma_start3A_1376 = arith.constant 6 : i32
      %dma_start3A_1377 = arith.constant 0 : i32
      %dma_start3A_1378 = arith.constant 0 : i32
      %dma_start3A_1379 = tpu.memref_slice %arg17[%dma_start3A_1375, %dma_start3A_1376, %dma_start3A_1377, %dma_start3A_1378] : memref<2x8x16x128xf32, #tpu.memory_space<vmem>> -> memref<1x1x16x128xf32, #tpu.memory_space<vmem>>
      %dma_start3A_1380 = tpu.memref_squeeze %dma_start3A_1379 : memref<1x1x16x128xf32, #tpu.memory_space<vmem>> -> memref<16x128xf32, #tpu.memory_space<vmem>>
      %dma_start3A_1381 = arith.constant 0 : i32
      %dma_start3A_1382 = tpu.memref_slice %arg5[%dma_start3A_1381, %multiple_of3A_1374] : memref<16x1000000xf32, #tpu.memory_space<hbm>> -> memref<16x128xf32, #tpu.memory_space<hbm>>
      %dma_start3A_1383 = arith.constant 0 : i32
      %dma_start3A_1384 = arith.constant 0 : i32
      %dma_start3A_1385 = tpu.memref_slice %arg17[%dma_start3A_1375, %dma_start3A_1376, %dma_start3A_1383, %dma_start3A_1384] : memref<2x8x16x128xf32, #tpu.memory_space<vmem>> -> memref<1x1x16x128xf32, #tpu.memory_space<vmem>>
      %dma_start3A_1386 = tpu.memref_squeeze %dma_start3A_1385 : memref<1x1x16x128xf32, #tpu.memory_space<vmem>> -> memref<16x128xf32, #tpu.memory_space<vmem>>
      %dma_start3A_1387 = arith.constant 0 : i32
      %dma_start3A_1388 = tpu.memref_slice %arg5[%dma_start3A_1387, %multiple_of3A_1374] : memref<16x1000000xf32, #tpu.memory_space<hbm>> -> memref<16x128xf32, #tpu.memory_space<hbm>>
      tpu.enqueue_dma source(%dma_start3A_1388 : memref<16x128xf32, #tpu.memory_space<hbm>>) target(%dma_start3A_1386 : memref<16x128xf32, #tpu.memory_space<vmem>>) target_semaphore(%arg25 : memref<!tpu.dma_semaphore, #tpu.memory_space<semaphore_mem>>)
      %slice3A_1389 = vector.extract_strided_slice %get3A_737 {offsets = [15], sizes = [1], strides = [1]} : vector<16xi32> to vector<1xi32>
      %squeeze3A_1390 = vector.extract %slice3A_1389[0] : i32 from vector<1xi32>
      %shift_right_arithmetic3A_1391 = arith.constant 7 : i32
      %shift_right_arithmetic3A_1392 = arith.shrsi %squeeze3A_1390, %shift_right_arithmetic3A_1391 : i32
      %mul3A_1393 = arith.constant 128 : i32
      %mul3A_1394 = arith.muli %shift_right_arithmetic3A_1392, %mul3A_1393 : i32
      %multiple_of3A_1395 = tpu.assume_multiple %mul3A_1394, 128 : i32
      %dma_start3A_1396 = arith.constant 1 : i32
      %dma_start3A_1397 = arith.constant 7 : i32
      %dma_start3A_1398 = arith.constant 0 : i32
      %dma_start3A_1399 = arith.constant 0 : i32
      %dma_start3A_1400 = tpu.memref_slice %arg17[%dma_start3A_1396, %dma_start3A_1397, %dma_start3A_1398, %dma_start3A_1399] : memref<2x8x16x128xf32, #tpu.memory_space<vmem>> -> memref<1x1x16x128xf32, #tpu.memory_space<vmem>>
      %dma_start3A_1401 = tpu.memref_squeeze %dma_start3A_1400 : memref<1x1x16x128xf32, #tpu.memory_space<vmem>> -> memref<16x128xf32, #tpu.memory_space<vmem>>
      %dma_start3A_1402 = arith.constant 0 : i32
      %dma_start3A_1403 = tpu.memref_slice %arg5[%dma_start3A_1402, %multiple_of3A_1395] : memref<16x1000000xf32, #tpu.memory_space<hbm>> -> memref<16x128xf32, #tpu.memory_space<hbm>>
      %dma_start3A_1404 = arith.constant 0 : i32
      %dma_start3A_1405 = arith.constant 0 : i32
      %dma_start3A_1406 = tpu.memref_slice %arg17[%dma_start3A_1396, %dma_start3A_1397, %dma_start3A_1404, %dma_start3A_1405] : memref<2x8x16x128xf32, #tpu.memory_space<vmem>> -> memref<1x1x16x128xf32, #tpu.memory_space<vmem>>
      %dma_start3A_1407 = tpu.memref_squeeze %dma_start3A_1406 : memref<1x1x16x128xf32, #tpu.memory_space<vmem>> -> memref<16x128xf32, #tpu.memory_space<vmem>>
      %dma_start3A_1408 = arith.constant 0 : i32
      %dma_start3A_1409 = tpu.memref_slice %arg5[%dma_start3A_1408, %multiple_of3A_1395] : memref<16x1000000xf32, #tpu.memory_space<hbm>> -> memref<16x128xf32, #tpu.memory_space<hbm>>
      tpu.enqueue_dma source(%dma_start3A_1409 : memref<16x128xf32, #tpu.memory_space<hbm>>) target(%dma_start3A_1407 : memref<16x128xf32, #tpu.memory_space<vmem>>) target_semaphore(%arg25 : memref<!tpu.dma_semaphore, #tpu.memory_space<semaphore_mem>>)
      %dma_wait3A_1410 = arith.constant 0 : i32
      %dma_wait3A_1411 = arith.constant 0 : i32
      %dma_wait3A_1412 = arith.constant 0 : i32
      %dma_wait3A_1413 = arith.constant 0 : i32
      %dma_wait3A_1414 = tpu.memref_slice %arg16[%dma_wait3A_1410, %dma_wait3A_1411, %dma_wait3A_1412, %dma_wait3A_1413] : memref<2x8x16x128xf32, #tpu.memory_space<vmem>> -> memref<1x1x16x128xf32, #tpu.memory_space<vmem>>
      %dma_wait3A_1415 = tpu.memref_squeeze %dma_wait3A_1414 : memref<1x1x16x128xf32, #tpu.memory_space<vmem>> -> memref<16x128xf32, #tpu.memory_space<vmem>>
      %dma_wait3A_1416 = arith.constant 0 : i32
      %dma_wait3A_1417 = tpu.memref_slice %arg5[%dma_wait3A_1416, %multiple_of3A_744] : memref<16x1000000xf32, #tpu.memory_space<hbm>> -> memref<16x128xf32, #tpu.memory_space<hbm>>
      %dma_wait3A_1418 = arith.constant 0 : i32
      %dma_wait3A_1419 = arith.constant 0 : i32
      %dma_wait3A_1420 = tpu.memref_slice %arg16[%dma_wait3A_1410, %dma_wait3A_1411, %dma_wait3A_1418, %dma_wait3A_1419] : memref<2x8x16x128xf32, #tpu.memory_space<vmem>> -> memref<1x1x16x128xf32, #tpu.memory_space<vmem>>
      %dma_wait3A_1421 = tpu.memref_squeeze %dma_wait3A_1420 : memref<1x1x16x128xf32, #tpu.memory_space<vmem>> -> memref<16x128xf32, #tpu.memory_space<vmem>>
      %dma_wait3A_1422 = arith.constant 0 : i32
      %dma_wait3A_1423 = tpu.memref_slice %arg5[%dma_wait3A_1422, %multiple_of3A_744] : memref<16x1000000xf32, #tpu.memory_space<hbm>> -> memref<16x128xf32, #tpu.memory_space<hbm>>
      tpu.wait_dma2 semaphore(%arg25 : memref<!tpu.dma_semaphore, #tpu.memory_space<semaphore_mem>>) src(%dma_wait3A_1423 : memref<16x128xf32, #tpu.memory_space<hbm>>) dst(%dma_wait3A_1421 : memref<16x128xf32, #tpu.memory_space<vmem>>)
      %dma_wait3A_1424 = arith.constant 0 : i32
      %dma_wait3A_1425 = arith.constant 1 : i32
      %dma_wait3A_1426 = arith.constant 0 : i32
      %dma_wait3A_1427 = arith.constant 0 : i32
      %dma_wait3A_1428 = tpu.memref_slice %arg16[%dma_wait3A_1424, %dma_wait3A_1425, %dma_wait3A_1426, %dma_wait3A_1427] : memref<2x8x16x128xf32, #tpu.memory_space<vmem>> -> memref<1x1x16x128xf32, #tpu.memory_space<vmem>>
      %dma_wait3A_1429 = tpu.memref_squeeze %dma_wait3A_1428 : memref<1x1x16x128xf32, #tpu.memory_space<vmem>> -> memref<16x128xf32, #tpu.memory_space<vmem>>
      %dma_wait3A_1430 = arith.constant 0 : i32
      %dma_wait3A_1431 = tpu.memref_slice %arg5[%dma_wait3A_1430, %multiple_of3A_765] : memref<16x1000000xf32, #tpu.memory_space<hbm>> -> memref<16x128xf32, #tpu.memory_space<hbm>>
      %dma_wait3A_1432 = arith.constant 0 : i32
      %dma_wait3A_1433 = arith.constant 0 : i32
      %dma_wait3A_1434 = tpu.memref_slice %arg16[%dma_wait3A_1424, %dma_wait3A_1425, %dma_wait3A_1432, %dma_wait3A_1433] : memref<2x8x16x128xf32, #tpu.memory_space<vmem>> -> memref<1x1x16x128xf32, #tpu.memory_space<vmem>>
      %dma_wait3A_1435 = tpu.memref_squeeze %dma_wait3A_1434 : memref<1x1x16x128xf32, #tpu.memory_space<vmem>> -> memref<16x128xf32, #tpu.memory_space<vmem>>
      %dma_wait3A_1436 = arith.constant 0 : i32
      %dma_wait3A_1437 = tpu.memref_slice %arg5[%dma_wait3A_1436, %multiple_of3A_765] : memref<16x1000000xf32, #tpu.memory_space<hbm>> -> memref<16x128xf32, #tpu.memory_space<hbm>>
      tpu.wait_dma2 semaphore(%arg25 : memref<!tpu.dma_semaphore, #tpu.memory_space<semaphore_mem>>) src(%dma_wait3A_1437 : memref<16x128xf32, #tpu.memory_space<hbm>>) dst(%dma_wait3A_1435 : memref<16x128xf32, #tpu.memory_space<vmem>>)
      %dma_wait3A_1438 = arith.constant 0 : i32
      %dma_wait3A_1439 = arith.constant 2 : i32
      %dma_wait3A_1440 = arith.constant 0 : i32
      %dma_wait3A_1441 = arith.constant 0 : i32
      %dma_wait3A_1442 = tpu.memref_slice %arg16[%dma_wait3A_1438, %dma_wait3A_1439, %dma_wait3A_1440, %dma_wait3A_1441] : memref<2x8x16x128xf32, #tpu.memory_space<vmem>> -> memref<1x1x16x128xf32, #tpu.memory_space<vmem>>
      %dma_wait3A_1443 = tpu.memref_squeeze %dma_wait3A_1442 : memref<1x1x16x128xf32, #tpu.memory_space<vmem>> -> memref<16x128xf32, #tpu.memory_space<vmem>>
      %dma_wait3A_1444 = arith.constant 0 : i32
      %dma_wait3A_1445 = tpu.memref_slice %arg5[%dma_wait3A_1444, %multiple_of3A_786] : memref<16x1000000xf32, #tpu.memory_space<hbm>> -> memref<16x128xf32, #tpu.memory_space<hbm>>
      %dma_wait3A_1446 = arith.constant 0 : i32
      %dma_wait3A_1447 = arith.constant 0 : i32
      %dma_wait3A_1448 = tpu.memref_slice %arg16[%dma_wait3A_1438, %dma_wait3A_1439, %dma_wait3A_1446, %dma_wait3A_1447] : memref<2x8x16x128xf32, #tpu.memory_space<vmem>> -> memref<1x1x16x128xf32, #tpu.memory_space<vmem>>
      %dma_wait3A_1449 = tpu.memref_squeeze %dma_wait3A_1448 : memref<1x1x16x128xf32, #tpu.memory_space<vmem>> -> memref<16x128xf32, #tpu.memory_space<vmem>>
      %dma_wait3A_1450 = arith.constant 0 : i32
      %dma_wait3A_1451 = tpu.memref_slice %arg5[%dma_wait3A_1450, %multiple_of3A_786] : memref<16x1000000xf32, #tpu.memory_space<hbm>> -> memref<16x128xf32, #tpu.memory_space<hbm>>
      tpu.wait_dma2 semaphore(%arg25 : memref<!tpu.dma_semaphore, #tpu.memory_space<semaphore_mem>>) src(%dma_wait3A_1451 : memref<16x128xf32, #tpu.memory_space<hbm>>) dst(%dma_wait3A_1449 : memref<16x128xf32, #tpu.memory_space<vmem>>)
      %dma_wait3A_1452 = arith.constant 0 : i32
      %dma_wait3A_1453 = arith.constant 3 : i32
      %dma_wait3A_1454 = arith.constant 0 : i32
      %dma_wait3A_1455 = arith.constant 0 : i32
      %dma_wait3A_1456 = tpu.memref_slice %arg16[%dma_wait3A_1452, %dma_wait3A_1453, %dma_wait3A_1454, %dma_wait3A_1455] : memref<2x8x16x128xf32, #tpu.memory_space<vmem>> -> memref<1x1x16x128xf32, #tpu.memory_space<vmem>>
      %dma_wait3A_1457 = tpu.memref_squeeze %dma_wait3A_1456 : memref<1x1x16x128xf32, #tpu.memory_space<vmem>> -> memref<16x128xf32, #tpu.memory_space<vmem>>
      %dma_wait3A_1458 = arith.constant 0 : i32
      %dma_wait3A_1459 = tpu.memref_slice %arg5[%dma_wait3A_1458, %multiple_of3A_807] : memref<16x1000000xf32, #tpu.memory_space<hbm>> -> memref<16x128xf32, #tpu.memory_space<hbm>>
      %dma_wait3A_1460 = arith.constant 0 : i32
      %dma_wait3A_1461 = arith.constant 0 : i32
      %dma_wait3A_1462 = tpu.memref_slice %arg16[%dma_wait3A_1452, %dma_wait3A_1453, %dma_wait3A_1460, %dma_wait3A_1461] : memref<2x8x16x128xf32, #tpu.memory_space<vmem>> -> memref<1x1x16x128xf32, #tpu.memory_space<vmem>>
      %dma_wait3A_1463 = tpu.memref_squeeze %dma_wait3A_1462 : memref<1x1x16x128xf32, #tpu.memory_space<vmem>> -> memref<16x128xf32, #tpu.memory_space<vmem>>
      %dma_wait3A_1464 = arith.constant 0 : i32
      %dma_wait3A_1465 = tpu.memref_slice %arg5[%dma_wait3A_1464, %multiple_of3A_807] : memref<16x1000000xf32, #tpu.memory_space<hbm>> -> memref<16x128xf32, #tpu.memory_space<hbm>>
      tpu.wait_dma2 semaphore(%arg25 : memref<!tpu.dma_semaphore, #tpu.memory_space<semaphore_mem>>) src(%dma_wait3A_1465 : memref<16x128xf32, #tpu.memory_space<hbm>>) dst(%dma_wait3A_1463 : memref<16x128xf32, #tpu.memory_space<vmem>>)
      %dma_wait3A_1466 = arith.constant 0 : i32
      %dma_wait3A_1467 = arith.constant 4 : i32
      %dma_wait3A_1468 = arith.constant 0 : i32
      %dma_wait3A_1469 = arith.constant 0 : i32
      %dma_wait3A_1470 = tpu.memref_slice %arg16[%dma_wait3A_1466, %dma_wait3A_1467, %dma_wait3A_1468, %dma_wait3A_1469] : memref<2x8x16x128xf32, #tpu.memory_space<vmem>> -> memref<1x1x16x128xf32, #tpu.memory_space<vmem>>
      %dma_wait3A_1471 = tpu.memref_squeeze %dma_wait3A_1470 : memref<1x1x16x128xf32, #tpu.memory_space<vmem>> -> memref<16x128xf32, #tpu.memory_space<vmem>>
      %dma_wait3A_1472 = arith.constant 0 : i32
      %dma_wait3A_1473 = tpu.memref_slice %arg5[%dma_wait3A_1472, %multiple_of3A_828] : memref<16x1000000xf32, #tpu.memory_space<hbm>> -> memref<16x128xf32, #tpu.memory_space<hbm>>
      %dma_wait3A_1474 = arith.constant 0 : i32
      %dma_wait3A_1475 = arith.constant 0 : i32
      %dma_wait3A_1476 = tpu.memref_slice %arg16[%dma_wait3A_1466, %dma_wait3A_1467, %dma_wait3A_1474, %dma_wait3A_1475] : memref<2x8x16x128xf32, #tpu.memory_space<vmem>> -> memref<1x1x16x128xf32, #tpu.memory_space<vmem>>
      %dma_wait3A_1477 = tpu.memref_squeeze %dma_wait3A_1476 : memref<1x1x16x128xf32, #tpu.memory_space<vmem>> -> memref<16x128xf32, #tpu.memory_space<vmem>>
      %dma_wait3A_1478 = arith.constant 0 : i32
      %dma_wait3A_1479 = tpu.memref_slice %arg5[%dma_wait3A_1478, %multiple_of3A_828] : memref<16x1000000xf32, #tpu.memory_space<hbm>> -> memref<16x128xf32, #tpu.memory_space<hbm>>
      tpu.wait_dma2 semaphore(%arg25 : memref<!tpu.dma_semaphore, #tpu.memory_space<semaphore_mem>>) src(%dma_wait3A_1479 : memref<16x128xf32, #tpu.memory_space<hbm>>) dst(%dma_wait3A_1477 : memref<16x128xf32, #tpu.memory_space<vmem>>)
      %dma_wait3A_1480 = arith.constant 0 : i32
      %dma_wait3A_1481 = arith.constant 5 : i32
      %dma_wait3A_1482 = arith.constant 0 : i32
      %dma_wait3A_1483 = arith.constant 0 : i32
      %dma_wait3A_1484 = tpu.memref_slice %arg16[%dma_wait3A_1480, %dma_wait3A_1481, %dma_wait3A_1482, %dma_wait3A_1483] : memref<2x8x16x128xf32, #tpu.memory_space<vmem>> -> memref<1x1x16x128xf32, #tpu.memory_space<vmem>>
      %dma_wait3A_1485 = tpu.memref_squeeze %dma_wait3A_1484 : memref<1x1x16x128xf32, #tpu.memory_space<vmem>> -> memref<16x128xf32, #tpu.memory_space<vmem>>
      %dma_wait3A_1486 = arith.constant 0 : i32
      %dma_wait3A_1487 = tpu.memref_slice %arg5[%dma_wait3A_1486, %multiple_of3A_849] : memref<16x1000000xf32, #tpu.memory_space<hbm>> -> memref<16x128xf32, #tpu.memory_space<hbm>>
      %dma_wait3A_1488 = arith.constant 0 : i32
      %dma_wait3A_1489 = arith.constant 0 : i32
      %dma_wait3A_1490 = tpu.memref_slice %arg16[%dma_wait3A_1480, %dma_wait3A_1481, %dma_wait3A_1488, %dma_wait3A_1489] : memref<2x8x16x128xf32, #tpu.memory_space<vmem>> -> memref<1x1x16x128xf32, #tpu.memory_space<vmem>>
      %dma_wait3A_1491 = tpu.memref_squeeze %dma_wait3A_1490 : memref<1x1x16x128xf32, #tpu.memory_space<vmem>> -> memref<16x128xf32, #tpu.memory_space<vmem>>
      %dma_wait3A_1492 = arith.constant 0 : i32
      %dma_wait3A_1493 = tpu.memref_slice %arg5[%dma_wait3A_1492, %multiple_of3A_849] : memref<16x1000000xf32, #tpu.memory_space<hbm>> -> memref<16x128xf32, #tpu.memory_space<hbm>>
      tpu.wait_dma2 semaphore(%arg25 : memref<!tpu.dma_semaphore, #tpu.memory_space<semaphore_mem>>) src(%dma_wait3A_1493 : memref<16x128xf32, #tpu.memory_space<hbm>>) dst(%dma_wait3A_1491 : memref<16x128xf32, #tpu.memory_space<vmem>>)
      %dma_wait3A_1494 = arith.constant 0 : i32
      %dma_wait3A_1495 = arith.constant 6 : i32
      %dma_wait3A_1496 = arith.constant 0 : i32
      %dma_wait3A_1497 = arith.constant 0 : i32
      %dma_wait3A_1498 = tpu.memref_slice %arg16[%dma_wait3A_1494, %dma_wait3A_1495, %dma_wait3A_1496, %dma_wait3A_1497] : memref<2x8x16x128xf32, #tpu.memory_space<vmem>> -> memref<1x1x16x128xf32, #tpu.memory_space<vmem>>
      %dma_wait3A_1499 = tpu.memref_squeeze %dma_wait3A_1498 : memref<1x1x16x128xf32, #tpu.memory_space<vmem>> -> memref<16x128xf32, #tpu.memory_space<vmem>>
      %dma_wait3A_1500 = arith.constant 0 : i32
      %dma_wait3A_1501 = tpu.memref_slice %arg5[%dma_wait3A_1500, %multiple_of3A_870] : memref<16x1000000xf32, #tpu.memory_space<hbm>> -> memref<16x128xf32, #tpu.memory_space<hbm>>
      %dma_wait3A_1502 = arith.constant 0 : i32
      %dma_wait3A_1503 = arith.constant 0 : i32
      %dma_wait3A_1504 = tpu.memref_slice %arg16[%dma_wait3A_1494, %dma_wait3A_1495, %dma_wait3A_1502, %dma_wait3A_1503] : memref<2x8x16x128xf32, #tpu.memory_space<vmem>> -> memref<1x1x16x128xf32, #tpu.memory_space<vmem>>
      %dma_wait3A_1505 = tpu.memref_squeeze %dma_wait3A_1504 : memref<1x1x16x128xf32, #tpu.memory_space<vmem>> -> memref<16x128xf32, #tpu.memory_space<vmem>>
      %dma_wait3A_1506 = arith.constant 0 : i32
      %dma_wait3A_1507 = tpu.memref_slice %arg5[%dma_wait3A_1506, %multiple_of3A_870] : memref<16x1000000xf32, #tpu.memory_space<hbm>> -> memref<16x128xf32, #tpu.memory_space<hbm>>
      tpu.wait_dma2 semaphore(%arg25 : memref<!tpu.dma_semaphore, #tpu.memory_space<semaphore_mem>>) src(%dma_wait3A_1507 : memref<16x128xf32, #tpu.memory_space<hbm>>) dst(%dma_wait3A_1505 : memref<16x128xf32, #tpu.memory_space<vmem>>)
      %dma_wait3A_1508 = arith.constant 0 : i32
      %dma_wait3A_1509 = arith.constant 7 : i32
      %dma_wait3A_1510 = arith.constant 0 : i32
      %dma_wait3A_1511 = arith.constant 0 : i32
      %dma_wait3A_1512 = tpu.memref_slice %arg16[%dma_wait3A_1508, %dma_wait3A_1509, %dma_wait3A_1510, %dma_wait3A_1511] : memref<2x8x16x128xf32, #tpu.memory_space<vmem>> -> memref<1x1x16x128xf32, #tpu.memory_space<vmem>>
      %dma_wait3A_1513 = tpu.memref_squeeze %dma_wait3A_1512 : memref<1x1x16x128xf32, #tpu.memory_space<vmem>> -> memref<16x128xf32, #tpu.memory_space<vmem>>
      %dma_wait3A_1514 = arith.constant 0 : i32
      %dma_wait3A_1515 = tpu.memref_slice %arg5[%dma_wait3A_1514, %multiple_of3A_891] : memref<16x1000000xf32, #tpu.memory_space<hbm>> -> memref<16x128xf32, #tpu.memory_space<hbm>>
      %dma_wait3A_1516 = arith.constant 0 : i32
      %dma_wait3A_1517 = arith.constant 0 : i32
      %dma_wait3A_1518 = tpu.memref_slice %arg16[%dma_wait3A_1508, %dma_wait3A_1509, %dma_wait3A_1516, %dma_wait3A_1517] : memref<2x8x16x128xf32, #tpu.memory_space<vmem>> -> memref<1x1x16x128xf32, #tpu.memory_space<vmem>>
      %dma_wait3A_1519 = tpu.memref_squeeze %dma_wait3A_1518 : memref<1x1x16x128xf32, #tpu.memory_space<vmem>> -> memref<16x128xf32, #tpu.memory_space<vmem>>
      %dma_wait3A_1520 = arith.constant 0 : i32
      %dma_wait3A_1521 = tpu.memref_slice %arg5[%dma_wait3A_1520, %multiple_of3A_891] : memref<16x1000000xf32, #tpu.memory_space<hbm>> -> memref<16x128xf32, #tpu.memory_space<hbm>>
      tpu.wait_dma2 semaphore(%arg25 : memref<!tpu.dma_semaphore, #tpu.memory_space<semaphore_mem>>) src(%dma_wait3A_1521 : memref<16x128xf32, #tpu.memory_space<hbm>>) dst(%dma_wait3A_1519 : memref<16x128xf32, #tpu.memory_space<vmem>>)
      %dma_wait3A_1522 = arith.constant 1 : i32
      %dma_wait3A_1523 = arith.constant 0 : i32
      %dma_wait3A_1524 = arith.constant 0 : i32
      %dma_wait3A_1525 = arith.constant 0 : i32
      %dma_wait3A_1526 = tpu.memref_slice %arg16[%dma_wait3A_1522, %dma_wait3A_1523, %dma_wait3A_1524, %dma_wait3A_1525] : memref<2x8x16x128xf32, #tpu.memory_space<vmem>> -> memref<1x1x16x128xf32, #tpu.memory_space<vmem>>
      %dma_wait3A_1527 = tpu.memref_squeeze %dma_wait3A_1526 : memref<1x1x16x128xf32, #tpu.memory_space<vmem>> -> memref<16x128xf32, #tpu.memory_space<vmem>>
      %dma_wait3A_1528 = arith.constant 0 : i32
      %dma_wait3A_1529 = tpu.memref_slice %arg5[%dma_wait3A_1528, %multiple_of3A_912] : memref<16x1000000xf32, #tpu.memory_space<hbm>> -> memref<16x128xf32, #tpu.memory_space<hbm>>
      %dma_wait3A_1530 = arith.constant 0 : i32
      %dma_wait3A_1531 = arith.constant 0 : i32
      %dma_wait3A_1532 = tpu.memref_slice %arg16[%dma_wait3A_1522, %dma_wait3A_1523, %dma_wait3A_1530, %dma_wait3A_1531] : memref<2x8x16x128xf32, #tpu.memory_space<vmem>> -> memref<1x1x16x128xf32, #tpu.memory_space<vmem>>
      %dma_wait3A_1533 = tpu.memref_squeeze %dma_wait3A_1532 : memref<1x1x16x128xf32, #tpu.memory_space<vmem>> -> memref<16x128xf32, #tpu.memory_space<vmem>>
      %dma_wait3A_1534 = arith.constant 0 : i32
      %dma_wait3A_1535 = tpu.memref_slice %arg5[%dma_wait3A_1534, %multiple_of3A_912] : memref<16x1000000xf32, #tpu.memory_space<hbm>> -> memref<16x128xf32, #tpu.memory_space<hbm>>
      tpu.wait_dma2 semaphore(%arg25 : memref<!tpu.dma_semaphore, #tpu.memory_space<semaphore_mem>>) src(%dma_wait3A_1535 : memref<16x128xf32, #tpu.memory_space<hbm>>) dst(%dma_wait3A_1533 : memref<16x128xf32, #tpu.memory_space<vmem>>)
      %dma_wait3A_1536 = arith.constant 1 : i32
      %dma_wait3A_1537 = arith.constant 1 : i32
      %dma_wait3A_1538 = arith.constant 0 : i32
      %dma_wait3A_1539 = arith.constant 0 : i32
      %dma_wait3A_1540 = tpu.memref_slice %arg16[%dma_wait3A_1536, %dma_wait3A_1537, %dma_wait3A_1538, %dma_wait3A_1539] : memref<2x8x16x128xf32, #tpu.memory_space<vmem>> -> memref<1x1x16x128xf32, #tpu.memory_space<vmem>>
      %dma_wait3A_1541 = tpu.memref_squeeze %dma_wait3A_1540 : memref<1x1x16x128xf32, #tpu.memory_space<vmem>> -> memref<16x128xf32, #tpu.memory_space<vmem>>
      %dma_wait3A_1542 = arith.constant 0 : i32
      %dma_wait3A_1543 = tpu.memref_slice %arg5[%dma_wait3A_1542, %multiple_of3A_933] : memref<16x1000000xf32, #tpu.memory_space<hbm>> -> memref<16x128xf32, #tpu.memory_space<hbm>>
      %dma_wait3A_1544 = arith.constant 0 : i32
      %dma_wait3A_1545 = arith.constant 0 : i32
      %dma_wait3A_1546 = tpu.memref_slice %arg16[%dma_wait3A_1536, %dma_wait3A_1537, %dma_wait3A_1544, %dma_wait3A_1545] : memref<2x8x16x128xf32, #tpu.memory_space<vmem>> -> memref<1x1x16x128xf32, #tpu.memory_space<vmem>>
      %dma_wait3A_1547 = tpu.memref_squeeze %dma_wait3A_1546 : memref<1x1x16x128xf32, #tpu.memory_space<vmem>> -> memref<16x128xf32, #tpu.memory_space<vmem>>
      %dma_wait3A_1548 = arith.constant 0 : i32
      %dma_wait3A_1549 = tpu.memref_slice %arg5[%dma_wait3A_1548, %multiple_of3A_933] : memref<16x1000000xf32, #tpu.memory_space<hbm>> -> memref<16x128xf32, #tpu.memory_space<hbm>>
      tpu.wait_dma2 semaphore(%arg25 : memref<!tpu.dma_semaphore, #tpu.memory_space<semaphore_mem>>) src(%dma_wait3A_1549 : memref<16x128xf32, #tpu.memory_space<hbm>>) dst(%dma_wait3A_1547 : memref<16x128xf32, #tpu.memory_space<vmem>>)
      %dma_wait3A_1550 = arith.constant 1 : i32
      %dma_wait3A_1551 = arith.constant 2 : i32
      %dma_wait3A_1552 = arith.constant 0 : i32
      %dma_wait3A_1553 = arith.constant 0 : i32
      %dma_wait3A_1554 = tpu.memref_slice %arg16[%dma_wait3A_1550, %dma_wait3A_1551, %dma_wait3A_1552, %dma_wait3A_1553] : memref<2x8x16x128xf32, #tpu.memory_space<vmem>> -> memref<1x1x16x128xf32, #tpu.memory_space<vmem>>
      %dma_wait3A_1555 = tpu.memref_squeeze %dma_wait3A_1554 : memref<1x1x16x128xf32, #tpu.memory_space<vmem>> -> memref<16x128xf32, #tpu.memory_space<vmem>>
      %dma_wait3A_1556 = arith.constant 0 : i32
      %dma_wait3A_1557 = tpu.memref_slice %arg5[%dma_wait3A_1556, %multiple_of3A_954] : memref<16x1000000xf32, #tpu.memory_space<hbm>> -> memref<16x128xf32, #tpu.memory_space<hbm>>
      %dma_wait3A_1558 = arith.constant 0 : i32
      %dma_wait3A_1559 = arith.constant 0 : i32
      %dma_wait3A_1560 = tpu.memref_slice %arg16[%dma_wait3A_1550, %dma_wait3A_1551, %dma_wait3A_1558, %dma_wait3A_1559] : memref<2x8x16x128xf32, #tpu.memory_space<vmem>> -> memref<1x1x16x128xf32, #tpu.memory_space<vmem>>
      %dma_wait3A_1561 = tpu.memref_squeeze %dma_wait3A_1560 : memref<1x1x16x128xf32, #tpu.memory_space<vmem>> -> memref<16x128xf32, #tpu.memory_space<vmem>>
      %dma_wait3A_1562 = arith.constant 0 : i32
      %dma_wait3A_1563 = tpu.memref_slice %arg5[%dma_wait3A_1562, %multiple_of3A_954] : memref<16x1000000xf32, #tpu.memory_space<hbm>> -> memref<16x128xf32, #tpu.memory_space<hbm>>
      tpu.wait_dma2 semaphore(%arg25 : memref<!tpu.dma_semaphore, #tpu.memory_space<semaphore_mem>>) src(%dma_wait3A_1563 : memref<16x128xf32, #tpu.memory_space<hbm>>) dst(%dma_wait3A_1561 : memref<16x128xf32, #tpu.memory_space<vmem>>)
      %dma_wait3A_1564 = arith.constant 1 : i32
      %dma_wait3A_1565 = arith.constant 3 : i32
      %dma_wait3A_1566 = arith.constant 0 : i32
      %dma_wait3A_1567 = arith.constant 0 : i32
      %dma_wait3A_1568 = tpu.memref_slice %arg16[%dma_wait3A_1564, %dma_wait3A_1565, %dma_wait3A_1566, %dma_wait3A_1567] : memref<2x8x16x128xf32, #tpu.memory_space<vmem>> -> memref<1x1x16x128xf32, #tpu.memory_space<vmem>>
      %dma_wait3A_1569 = tpu.memref_squeeze %dma_wait3A_1568 : memref<1x1x16x128xf32, #tpu.memory_space<vmem>> -> memref<16x128xf32, #tpu.memory_space<vmem>>
      %dma_wait3A_1570 = arith.constant 0 : i32
      %dma_wait3A_1571 = tpu.memref_slice %arg5[%dma_wait3A_1570, %multiple_of3A_975] : memref<16x1000000xf32, #tpu.memory_space<hbm>> -> memref<16x128xf32, #tpu.memory_space<hbm>>
      %dma_wait3A_1572 = arith.constant 0 : i32
      %dma_wait3A_1573 = arith.constant 0 : i32
      %dma_wait3A_1574 = tpu.memref_slice %arg16[%dma_wait3A_1564, %dma_wait3A_1565, %dma_wait3A_1572, %dma_wait3A_1573] : memref<2x8x16x128xf32, #tpu.memory_space<vmem>> -> memref<1x1x16x128xf32, #tpu.memory_space<vmem>>
      %dma_wait3A_1575 = tpu.memref_squeeze %dma_wait3A_1574 : memref<1x1x16x128xf32, #tpu.memory_space<vmem>> -> memref<16x128xf32, #tpu.memory_space<vmem>>
      %dma_wait3A_1576 = arith.constant 0 : i32
      %dma_wait3A_1577 = tpu.memref_slice %arg5[%dma_wait3A_1576, %multiple_of3A_975] : memref<16x1000000xf32, #tpu.memory_space<hbm>> -> memref<16x128xf32, #tpu.memory_space<hbm>>
      tpu.wait_dma2 semaphore(%arg25 : memref<!tpu.dma_semaphore, #tpu.memory_space<semaphore_mem>>) src(%dma_wait3A_1577 : memref<16x128xf32, #tpu.memory_space<hbm>>) dst(%dma_wait3A_1575 : memref<16x128xf32, #tpu.memory_space<vmem>>)
      %dma_wait3A_1578 = arith.constant 1 : i32
      %dma_wait3A_1579 = arith.constant 4 : i32
      %dma_wait3A_1580 = arith.constant 0 : i32
      %dma_wait3A_1581 = arith.constant 0 : i32
      %dma_wait3A_1582 = tpu.memref_slice %arg16[%dma_wait3A_1578, %dma_wait3A_1579, %dma_wait3A_1580, %dma_wait3A_1581] : memref<2x8x16x128xf32, #tpu.memory_space<vmem>> -> memref<1x1x16x128xf32, #tpu.memory_space<vmem>>
      %dma_wait3A_1583 = tpu.memref_squeeze %dma_wait3A_1582 : memref<1x1x16x128xf32, #tpu.memory_space<vmem>> -> memref<16x128xf32, #tpu.memory_space<vmem>>
      %dma_wait3A_1584 = arith.constant 0 : i32
      %dma_wait3A_1585 = tpu.memref_slice %arg5[%dma_wait3A_1584, %multiple_of3A_996] : memref<16x1000000xf32, #tpu.memory_space<hbm>> -> memref<16x128xf32, #tpu.memory_space<hbm>>
      %dma_wait3A_1586 = arith.constant 0 : i32
      %dma_wait3A_1587 = arith.constant 0 : i32
      %dma_wait3A_1588 = tpu.memref_slice %arg16[%dma_wait3A_1578, %dma_wait3A_1579, %dma_wait3A_1586, %dma_wait3A_1587] : memref<2x8x16x128xf32, #tpu.memory_space<vmem>> -> memref<1x1x16x128xf32, #tpu.memory_space<vmem>>
      %dma_wait3A_1589 = tpu.memref_squeeze %dma_wait3A_1588 : memref<1x1x16x128xf32, #tpu.memory_space<vmem>> -> memref<16x128xf32, #tpu.memory_space<vmem>>
      %dma_wait3A_1590 = arith.constant 0 : i32
      %dma_wait3A_1591 = tpu.memref_slice %arg5[%dma_wait3A_1590, %multiple_of3A_996] : memref<16x1000000xf32, #tpu.memory_space<hbm>> -> memref<16x128xf32, #tpu.memory_space<hbm>>
      tpu.wait_dma2 semaphore(%arg25 : memref<!tpu.dma_semaphore, #tpu.memory_space<semaphore_mem>>) src(%dma_wait3A_1591 : memref<16x128xf32, #tpu.memory_space<hbm>>) dst(%dma_wait3A_1589 : memref<16x128xf32, #tpu.memory_space<vmem>>)
      %dma_wait3A_1592 = arith.constant 1 : i32
      %dma_wait3A_1593 = arith.constant 5 : i32
      %dma_wait3A_1594 = arith.constant 0 : i32
      %dma_wait3A_1595 = arith.constant 0 : i32
      %dma_wait3A_1596 = tpu.memref_slice %arg16[%dma_wait3A_1592, %dma_wait3A_1593, %dma_wait3A_1594, %dma_wait3A_1595] : memref<2x8x16x128xf32, #tpu.memory_space<vmem>> -> memref<1x1x16x128xf32, #tpu.memory_space<vmem>>
      %dma_wait3A_1597 = tpu.memref_squeeze %dma_wait3A_1596 : memref<1x1x16x128xf32, #tpu.memory_space<vmem>> -> memref<16x128xf32, #tpu.memory_space<vmem>>
      %dma_wait3A_1598 = arith.constant 0 : i32
      %dma_wait3A_1599 = tpu.memref_slice %arg5[%dma_wait3A_1598, %multiple_of3A_1017] : memref<16x1000000xf32, #tpu.memory_space<hbm>> -> memref<16x128xf32, #tpu.memory_space<hbm>>
      %dma_wait3A_1600 = arith.constant 0 : i32
      %dma_wait3A_1601 = arith.constant 0 : i32
      %dma_wait3A_1602 = tpu.memref_slice %arg16[%dma_wait3A_1592, %dma_wait3A_1593, %dma_wait3A_1600, %dma_wait3A_1601] : memref<2x8x16x128xf32, #tpu.memory_space<vmem>> -> memref<1x1x16x128xf32, #tpu.memory_space<vmem>>
      %dma_wait3A_1603 = tpu.memref_squeeze %dma_wait3A_1602 : memref<1x1x16x128xf32, #tpu.memory_space<vmem>> -> memref<16x128xf32, #tpu.memory_space<vmem>>
      %dma_wait3A_1604 = arith.constant 0 : i32
      %dma_wait3A_1605 = tpu.memref_slice %arg5[%dma_wait3A_1604, %multiple_of3A_1017] : memref<16x1000000xf32, #tpu.memory_space<hbm>> -> memref<16x128xf32, #tpu.memory_space<hbm>>
      tpu.wait_dma2 semaphore(%arg25 : memref<!tpu.dma_semaphore, #tpu.memory_space<semaphore_mem>>) src(%dma_wait3A_1605 : memref<16x128xf32, #tpu.memory_space<hbm>>) dst(%dma_wait3A_1603 : memref<16x128xf32, #tpu.memory_space<vmem>>)
      %dma_wait3A_1606 = arith.constant 1 : i32
      %dma_wait3A_1607 = arith.constant 6 : i32
      %dma_wait3A_1608 = arith.constant 0 : i32
      %dma_wait3A_1609 = arith.constant 0 : i32
      %dma_wait3A_1610 = tpu.memref_slice %arg16[%dma_wait3A_1606, %dma_wait3A_1607, %dma_wait3A_1608, %dma_wait3A_1609] : memref<2x8x16x128xf32, #tpu.memory_space<vmem>> -> memref<1x1x16x128xf32, #tpu.memory_space<vmem>>
      %dma_wait3A_1611 = tpu.memref_squeeze %dma_wait3A_1610 : memref<1x1x16x128xf32, #tpu.memory_space<vmem>> -> memref<16x128xf32, #tpu.memory_space<vmem>>
      %dma_wait3A_1612 = arith.constant 0 : i32
      %dma_wait3A_1613 = tpu.memref_slice %arg5[%dma_wait3A_1612, %multiple_of3A_1038] : memref<16x1000000xf32, #tpu.memory_space<hbm>> -> memref<16x128xf32, #tpu.memory_space<hbm>>
      %dma_wait3A_1614 = arith.constant 0 : i32
      %dma_wait3A_1615 = arith.constant 0 : i32
      %dma_wait3A_1616 = tpu.memref_slice %arg16[%dma_wait3A_1606, %dma_wait3A_1607, %dma_wait3A_1614, %dma_wait3A_1615] : memref<2x8x16x128xf32, #tpu.memory_space<vmem>> -> memref<1x1x16x128xf32, #tpu.memory_space<vmem>>
      %dma_wait3A_1617 = tpu.memref_squeeze %dma_wait3A_1616 : memref<1x1x16x128xf32, #tpu.memory_space<vmem>> -> memref<16x128xf32, #tpu.memory_space<vmem>>
      %dma_wait3A_1618 = arith.constant 0 : i32
      %dma_wait3A_1619 = tpu.memref_slice %arg5[%dma_wait3A_1618, %multiple_of3A_1038] : memref<16x1000000xf32, #tpu.memory_space<hbm>> -> memref<16x128xf32, #tpu.memory_space<hbm>>
      tpu.wait_dma2 semaphore(%arg25 : memref<!tpu.dma_semaphore, #tpu.memory_space<semaphore_mem>>) src(%dma_wait3A_1619 : memref<16x128xf32, #tpu.memory_space<hbm>>) dst(%dma_wait3A_1617 : memref<16x128xf32, #tpu.memory_space<vmem>>)
      %dma_wait3A_1620 = arith.constant 1 : i32
      %dma_wait3A_1621 = arith.constant 7 : i32
      %dma_wait3A_1622 = arith.constant 0 : i32
      %dma_wait3A_1623 = arith.constant 0 : i32
      %dma_wait3A_1624 = tpu.memref_slice %arg16[%dma_wait3A_1620, %dma_wait3A_1621, %dma_wait3A_1622, %dma_wait3A_1623] : memref<2x8x16x128xf32, #tpu.memory_space<vmem>> -> memref<1x1x16x128xf32, #tpu.memory_space<vmem>>
      %dma_wait3A_1625 = tpu.memref_squeeze %dma_wait3A_1624 : memref<1x1x16x128xf32, #tpu.memory_space<vmem>> -> memref<16x128xf32, #tpu.memory_space<vmem>>
      %dma_wait3A_1626 = arith.constant 0 : i32
      %dma_wait3A_1627 = tpu.memref_slice %arg5[%dma_wait3A_1626, %multiple_of3A_1059] : memref<16x1000000xf32, #tpu.memory_space<hbm>> -> memref<16x128xf32, #tpu.memory_space<hbm>>
      %dma_wait3A_1628 = arith.constant 0 : i32
      %dma_wait3A_1629 = arith.constant 0 : i32
      %dma_wait3A_1630 = tpu.memref_slice %arg16[%dma_wait3A_1620, %dma_wait3A_1621, %dma_wait3A_1628, %dma_wait3A_1629] : memref<2x8x16x128xf32, #tpu.memory_space<vmem>> -> memref<1x1x16x128xf32, #tpu.memory_space<vmem>>
      %dma_wait3A_1631 = tpu.memref_squeeze %dma_wait3A_1630 : memref<1x1x16x128xf32, #tpu.memory_space<vmem>> -> memref<16x128xf32, #tpu.memory_space<vmem>>
      %dma_wait3A_1632 = arith.constant 0 : i32
      %dma_wait3A_1633 = tpu.memref_slice %arg5[%dma_wait3A_1632, %multiple_of3A_1059] : memref<16x1000000xf32, #tpu.memory_space<hbm>> -> memref<16x128xf32, #tpu.memory_space<hbm>>
      tpu.wait_dma2 semaphore(%arg25 : memref<!tpu.dma_semaphore, #tpu.memory_space<semaphore_mem>>) src(%dma_wait3A_1633 : memref<16x128xf32, #tpu.memory_space<hbm>>) dst(%dma_wait3A_1631 : memref<16x128xf32, #tpu.memory_space<vmem>>)
      %dma_wait3A_1634 = arith.constant 0 : i32
      %dma_wait3A_1635 = arith.constant 0 : i32
      %dma_wait3A_1636 = arith.constant 0 : i32
      %dma_wait3A_1637 = arith.constant 0 : i32
      %dma_wait3A_1638 = tpu.memref_slice %arg17[%dma_wait3A_1634, %dma_wait3A_1635, %dma_wait3A_1636, %dma_wait3A_1637] : memref<2x8x16x128xf32, #tpu.memory_space<vmem>> -> memref<1x1x16x128xf32, #tpu.memory_space<vmem>>
      %dma_wait3A_1639 = tpu.memref_squeeze %dma_wait3A_1638 : memref<1x1x16x128xf32, #tpu.memory_space<vmem>> -> memref<16x128xf32, #tpu.memory_space<vmem>>
      %dma_wait3A_1640 = arith.constant 0 : i32
      %dma_wait3A_1641 = tpu.memref_slice %arg5[%dma_wait3A_1640, %multiple_of3A_1080] : memref<16x1000000xf32, #tpu.memory_space<hbm>> -> memref<16x128xf32, #tpu.memory_space<hbm>>
      %dma_wait3A_1642 = arith.constant 0 : i32
      %dma_wait3A_1643 = arith.constant 0 : i32
      %dma_wait3A_1644 = tpu.memref_slice %arg17[%dma_wait3A_1634, %dma_wait3A_1635, %dma_wait3A_1642, %dma_wait3A_1643] : memref<2x8x16x128xf32, #tpu.memory_space<vmem>> -> memref<1x1x16x128xf32, #tpu.memory_space<vmem>>
      %dma_wait3A_1645 = tpu.memref_squeeze %dma_wait3A_1644 : memref<1x1x16x128xf32, #tpu.memory_space<vmem>> -> memref<16x128xf32, #tpu.memory_space<vmem>>
      %dma_wait3A_1646 = arith.constant 0 : i32
      %dma_wait3A_1647 = tpu.memref_slice %arg5[%dma_wait3A_1646, %multiple_of3A_1080] : memref<16x1000000xf32, #tpu.memory_space<hbm>> -> memref<16x128xf32, #tpu.memory_space<hbm>>
      tpu.wait_dma2 semaphore(%arg25 : memref<!tpu.dma_semaphore, #tpu.memory_space<semaphore_mem>>) src(%dma_wait3A_1647 : memref<16x128xf32, #tpu.memory_space<hbm>>) dst(%dma_wait3A_1645 : memref<16x128xf32, #tpu.memory_space<vmem>>)
      %dma_wait3A_1648 = arith.constant 0 : i32
      %dma_wait3A_1649 = arith.constant 1 : i32
      %dma_wait3A_1650 = arith.constant 0 : i32
      %dma_wait3A_1651 = arith.constant 0 : i32
      %dma_wait3A_1652 = tpu.memref_slice %arg17[%dma_wait3A_1648, %dma_wait3A_1649, %dma_wait3A_1650, %dma_wait3A_1651] : memref<2x8x16x128xf32, #tpu.memory_space<vmem>> -> memref<1x1x16x128xf32, #tpu.memory_space<vmem>>
      %dma_wait3A_1653 = tpu.memref_squeeze %dma_wait3A_1652 : memref<1x1x16x128xf32, #tpu.memory_space<vmem>> -> memref<16x128xf32, #tpu.memory_space<vmem>>
      %dma_wait3A_1654 = arith.constant 0 : i32
      %dma_wait3A_1655 = tpu.memref_slice %arg5[%dma_wait3A_1654, %multiple_of3A_1101] : memref<16x1000000xf32, #tpu.memory_space<hbm>> -> memref<16x128xf32, #tpu.memory_space<hbm>>
      %dma_wait3A_1656 = arith.constant 0 : i32
      %dma_wait3A_1657 = arith.constant 0 : i32
      %dma_wait3A_1658 = tpu.memref_slice %arg17[%dma_wait3A_1648, %dma_wait3A_1649, %dma_wait3A_1656, %dma_wait3A_1657] : memref<2x8x16x128xf32, #tpu.memory_space<vmem>> -> memref<1x1x16x128xf32, #tpu.memory_space<vmem>>
      %dma_wait3A_1659 = tpu.memref_squeeze %dma_wait3A_1658 : memref<1x1x16x128xf32, #tpu.memory_space<vmem>> -> memref<16x128xf32, #tpu.memory_space<vmem>>
      %dma_wait3A_1660 = arith.constant 0 : i32
      %dma_wait3A_1661 = tpu.memref_slice %arg5[%dma_wait3A_1660, %multiple_of3A_1101] : memref<16x1000000xf32, #tpu.memory_space<hbm>> -> memref<16x128xf32, #tpu.memory_space<hbm>>
      tpu.wait_dma2 semaphore(%arg25 : memref<!tpu.dma_semaphore, #tpu.memory_space<semaphore_mem>>) src(%dma_wait3A_1661 : memref<16x128xf32, #tpu.memory_space<hbm>>) dst(%dma_wait3A_1659 : memref<16x128xf32, #tpu.memory_space<vmem>>)
      %dma_wait3A_1662 = arith.constant 0 : i32
      %dma_wait3A_1663 = arith.constant 2 : i32
      %dma_wait3A_1664 = arith.constant 0 : i32
      %dma_wait3A_1665 = arith.constant 0 : i32
      %dma_wait3A_1666 = tpu.memref_slice %arg17[%dma_wait3A_1662, %dma_wait3A_1663, %dma_wait3A_1664, %dma_wait3A_1665] : memref<2x8x16x128xf32, #tpu.memory_space<vmem>> -> memref<1x1x16x128xf32, #tpu.memory_space<vmem>>
      %dma_wait3A_1667 = tpu.memref_squeeze %dma_wait3A_1666 : memref<1x1x16x128xf32, #tpu.memory_space<vmem>> -> memref<16x128xf32, #tpu.memory_space<vmem>>
      %dma_wait3A_1668 = arith.constant 0 : i32
      %dma_wait3A_1669 = tpu.memref_slice %arg5[%dma_wait3A_1668, %multiple_of3A_1122] : memref<16x1000000xf32, #tpu.memory_space<hbm>> -> memref<16x128xf32, #tpu.memory_space<hbm>>
      %dma_wait3A_1670 = arith.constant 0 : i32
      %dma_wait3A_1671 = arith.constant 0 : i32
      %dma_wait3A_1672 = tpu.memref_slice %arg17[%dma_wait3A_1662, %dma_wait3A_1663, %dma_wait3A_1670, %dma_wait3A_1671] : memref<2x8x16x128xf32, #tpu.memory_space<vmem>> -> memref<1x1x16x128xf32, #tpu.memory_space<vmem>>
      %dma_wait3A_1673 = tpu.memref_squeeze %dma_wait3A_1672 : memref<1x1x16x128xf32, #tpu.memory_space<vmem>> -> memref<16x128xf32, #tpu.memory_space<vmem>>
      %dma_wait3A_1674 = arith.constant 0 : i32
      %dma_wait3A_1675 = tpu.memref_slice %arg5[%dma_wait3A_1674, %multiple_of3A_1122] : memref<16x1000000xf32, #tpu.memory_space<hbm>> -> memref<16x128xf32, #tpu.memory_space<hbm>>
      tpu.wait_dma2 semaphore(%arg25 : memref<!tpu.dma_semaphore, #tpu.memory_space<semaphore_mem>>) src(%dma_wait3A_1675 : memref<16x128xf32, #tpu.memory_space<hbm>>) dst(%dma_wait3A_1673 : memref<16x128xf32, #tpu.memory_space<vmem>>)
      %dma_wait3A_1676 = arith.constant 0 : i32
      %dma_wait3A_1677 = arith.constant 3 : i32
      %dma_wait3A_1678 = arith.constant 0 : i32
      %dma_wait3A_1679 = arith.constant 0 : i32
      %dma_wait3A_1680 = tpu.memref_slice %arg17[%dma_wait3A_1676, %dma_wait3A_1677, %dma_wait3A_1678, %dma_wait3A_1679] : memref<2x8x16x128xf32, #tpu.memory_space<vmem>> -> memref<1x1x16x128xf32, #tpu.memory_space<vmem>>
      %dma_wait3A_1681 = tpu.memref_squeeze %dma_wait3A_1680 : memref<1x1x16x128xf32, #tpu.memory_space<vmem>> -> memref<16x128xf32, #tpu.memory_space<vmem>>
      %dma_wait3A_1682 = arith.constant 0 : i32
      %dma_wait3A_1683 = tpu.memref_slice %arg5[%dma_wait3A_1682, %multiple_of3A_1143] : memref<16x1000000xf32, #tpu.memory_space<hbm>> -> memref<16x128xf32, #tpu.memory_space<hbm>>
      %dma_wait3A_1684 = arith.constant 0 : i32
      %dma_wait3A_1685 = arith.constant 0 : i32
      %dma_wait3A_1686 = tpu.memref_slice %arg17[%dma_wait3A_1676, %dma_wait3A_1677, %dma_wait3A_1684, %dma_wait3A_1685] : memref<2x8x16x128xf32, #tpu.memory_space<vmem>> -> memref<1x1x16x128xf32, #tpu.memory_space<vmem>>
      %dma_wait3A_1687 = tpu.memref_squeeze %dma_wait3A_1686 : memref<1x1x16x128xf32, #tpu.memory_space<vmem>> -> memref<16x128xf32, #tpu.memory_space<vmem>>
      %dma_wait3A_1688 = arith.constant 0 : i32
      %dma_wait3A_1689 = tpu.memref_slice %arg5[%dma_wait3A_1688, %multiple_of3A_1143] : memref<16x1000000xf32, #tpu.memory_space<hbm>> -> memref<16x128xf32, #tpu.memory_space<hbm>>
      tpu.wait_dma2 semaphore(%arg25 : memref<!tpu.dma_semaphore, #tpu.memory_space<semaphore_mem>>) src(%dma_wait3A_1689 : memref<16x128xf32, #tpu.memory_space<hbm>>) dst(%dma_wait3A_1687 : memref<16x128xf32, #tpu.memory_space<vmem>>)
      %dma_wait3A_1690 = arith.constant 0 : i32
      %dma_wait3A_1691 = arith.constant 4 : i32
      %dma_wait3A_1692 = arith.constant 0 : i32
      %dma_wait3A_1693 = arith.constant 0 : i32
      %dma_wait3A_1694 = tpu.memref_slice %arg17[%dma_wait3A_1690, %dma_wait3A_1691, %dma_wait3A_1692, %dma_wait3A_1693] : memref<2x8x16x128xf32, #tpu.memory_space<vmem>> -> memref<1x1x16x128xf32, #tpu.memory_space<vmem>>
      %dma_wait3A_1695 = tpu.memref_squeeze %dma_wait3A_1694 : memref<1x1x16x128xf32, #tpu.memory_space<vmem>> -> memref<16x128xf32, #tpu.memory_space<vmem>>
      %dma_wait3A_1696 = arith.constant 0 : i32
      %dma_wait3A_1697 = tpu.memref_slice %arg5[%dma_wait3A_1696, %multiple_of3A_1164] : memref<16x1000000xf32, #tpu.memory_space<hbm>> -> memref<16x128xf32, #tpu.memory_space<hbm>>
      %dma_wait3A_1698 = arith.constant 0 : i32
      %dma_wait3A_1699 = arith.constant 0 : i32
      %dma_wait3A_1700 = tpu.memref_slice %arg17[%dma_wait3A_1690, %dma_wait3A_1691, %dma_wait3A_1698, %dma_wait3A_1699] : memref<2x8x16x128xf32, #tpu.memory_space<vmem>> -> memref<1x1x16x128xf32, #tpu.memory_space<vmem>>
      %dma_wait3A_1701 = tpu.memref_squeeze %dma_wait3A_1700 : memref<1x1x16x128xf32, #tpu.memory_space<vmem>> -> memref<16x128xf32, #tpu.memory_space<vmem>>
      %dma_wait3A_1702 = arith.constant 0 : i32
      %dma_wait3A_1703 = tpu.memref_slice %arg5[%dma_wait3A_1702, %multiple_of3A_1164] : memref<16x1000000xf32, #tpu.memory_space<hbm>> -> memref<16x128xf32, #tpu.memory_space<hbm>>
      tpu.wait_dma2 semaphore(%arg25 : memref<!tpu.dma_semaphore, #tpu.memory_space<semaphore_mem>>) src(%dma_wait3A_1703 : memref<16x128xf32, #tpu.memory_space<hbm>>) dst(%dma_wait3A_1701 : memref<16x128xf32, #tpu.memory_space<vmem>>)
      %dma_wait3A_1704 = arith.constant 0 : i32
      %dma_wait3A_1705 = arith.constant 5 : i32
      %dma_wait3A_1706 = arith.constant 0 : i32
      %dma_wait3A_1707 = arith.constant 0 : i32
      %dma_wait3A_1708 = tpu.memref_slice %arg17[%dma_wait3A_1704, %dma_wait3A_1705, %dma_wait3A_1706, %dma_wait3A_1707] : memref<2x8x16x128xf32, #tpu.memory_space<vmem>> -> memref<1x1x16x128xf32, #tpu.memory_space<vmem>>
      %dma_wait3A_1709 = tpu.memref_squeeze %dma_wait3A_1708 : memref<1x1x16x128xf32, #tpu.memory_space<vmem>> -> memref<16x128xf32, #tpu.memory_space<vmem>>
      %dma_wait3A_1710 = arith.constant 0 : i32
      %dma_wait3A_1711 = tpu.memref_slice %arg5[%dma_wait3A_1710, %multiple_of3A_1185] : memref<16x1000000xf32, #tpu.memory_space<hbm>> -> memref<16x128xf32, #tpu.memory_space<hbm>>
      %dma_wait3A_1712 = arith.constant 0 : i32
      %dma_wait3A_1713 = arith.constant 0 : i32
      %dma_wait3A_1714 = tpu.memref_slice %arg17[%dma_wait3A_1704, %dma_wait3A_1705, %dma_wait3A_1712, %dma_wait3A_1713] : memref<2x8x16x128xf32, #tpu.memory_space<vmem>> -> memref<1x1x16x128xf32, #tpu.memory_space<vmem>>
      %dma_wait3A_1715 = tpu.memref_squeeze %dma_wait3A_1714 : memref<1x1x16x128xf32, #tpu.memory_space<vmem>> -> memref<16x128xf32, #tpu.memory_space<vmem>>
      %dma_wait3A_1716 = arith.constant 0 : i32
      %dma_wait3A_1717 = tpu.memref_slice %arg5[%dma_wait3A_1716, %multiple_of3A_1185] : memref<16x1000000xf32, #tpu.memory_space<hbm>> -> memref<16x128xf32, #tpu.memory_space<hbm>>
      tpu.wait_dma2 semaphore(%arg25 : memref<!tpu.dma_semaphore, #tpu.memory_space<semaphore_mem>>) src(%dma_wait3A_1717 : memref<16x128xf32, #tpu.memory_space<hbm>>) dst(%dma_wait3A_1715 : memref<16x128xf32, #tpu.memory_space<vmem>>)
      %dma_wait3A_1718 = arith.constant 0 : i32
      %dma_wait3A_1719 = arith.constant 6 : i32
      %dma_wait3A_1720 = arith.constant 0 : i32
      %dma_wait3A_1721 = arith.constant 0 : i32
      %dma_wait3A_1722 = tpu.memref_slice %arg17[%dma_wait3A_1718, %dma_wait3A_1719, %dma_wait3A_1720, %dma_wait3A_1721] : memref<2x8x16x128xf32, #tpu.memory_space<vmem>> -> memref<1x1x16x128xf32, #tpu.memory_space<vmem>>
      %dma_wait3A_1723 = tpu.memref_squeeze %dma_wait3A_1722 : memref<1x1x16x128xf32, #tpu.memory_space<vmem>> -> memref<16x128xf32, #tpu.memory_space<vmem>>
      %dma_wait3A_1724 = arith.constant 0 : i32
      %dma_wait3A_1725 = tpu.memref_slice %arg5[%dma_wait3A_1724, %multiple_of3A_1206] : memref<16x1000000xf32, #tpu.memory_space<hbm>> -> memref<16x128xf32, #tpu.memory_space<hbm>>
      %dma_wait3A_1726 = arith.constant 0 : i32
      %dma_wait3A_1727 = arith.constant 0 : i32
      %dma_wait3A_1728 = tpu.memref_slice %arg17[%dma_wait3A_1718, %dma_wait3A_1719, %dma_wait3A_1726, %dma_wait3A_1727] : memref<2x8x16x128xf32, #tpu.memory_space<vmem>> -> memref<1x1x16x128xf32, #tpu.memory_space<vmem>>
      %dma_wait3A_1729 = tpu.memref_squeeze %dma_wait3A_1728 : memref<1x1x16x128xf32, #tpu.memory_space<vmem>> -> memref<16x128xf32, #tpu.memory_space<vmem>>
      %dma_wait3A_1730 = arith.constant 0 : i32
      %dma_wait3A_1731 = tpu.memref_slice %arg5[%dma_wait3A_1730, %multiple_of3A_1206] : memref<16x1000000xf32, #tpu.memory_space<hbm>> -> memref<16x128xf32, #tpu.memory_space<hbm>>
      tpu.wait_dma2 semaphore(%arg25 : memref<!tpu.dma_semaphore, #tpu.memory_space<semaphore_mem>>) src(%dma_wait3A_1731 : memref<16x128xf32, #tpu.memory_space<hbm>>) dst(%dma_wait3A_1729 : memref<16x128xf32, #tpu.memory_space<vmem>>)
      %dma_wait3A_1732 = arith.constant 0 : i32
      %dma_wait3A_1733 = arith.constant 7 : i32
      %dma_wait3A_1734 = arith.constant 0 : i32
      %dma_wait3A_1735 = arith.constant 0 : i32
      %dma_wait3A_1736 = tpu.memref_slice %arg17[%dma_wait3A_1732, %dma_wait3A_1733, %dma_wait3A_1734, %dma_wait3A_1735] : memref<2x8x16x128xf32, #tpu.memory_space<vmem>> -> memref<1x1x16x128xf32, #tpu.memory_space<vmem>>
      %dma_wait3A_1737 = tpu.memref_squeeze %dma_wait3A_1736 : memref<1x1x16x128xf32, #tpu.memory_space<vmem>> -> memref<16x128xf32, #tpu.memory_space<vmem>>
      %dma_wait3A_1738 = arith.constant 0 : i32
      %dma_wait3A_1739 = tpu.memref_slice %arg5[%dma_wait3A_1738, %multiple_of3A_1227] : memref<16x1000000xf32, #tpu.memory_space<hbm>> -> memref<16x128xf32, #tpu.memory_space<hbm>>
      %dma_wait3A_1740 = arith.constant 0 : i32
      %dma_wait3A_1741 = arith.constant 0 : i32
      %dma_wait3A_1742 = tpu.memref_slice %arg17[%dma_wait3A_1732, %dma_wait3A_1733, %dma_wait3A_1740, %dma_wait3A_1741] : memref<2x8x16x128xf32, #tpu.memory_space<vmem>> -> memref<1x1x16x128xf32, #tpu.memory_space<vmem>>
      %dma_wait3A_1743 = tpu.memref_squeeze %dma_wait3A_1742 : memref<1x1x16x128xf32, #tpu.memory_space<vmem>> -> memref<16x128xf32, #tpu.memory_space<vmem>>
      %dma_wait3A_1744 = arith.constant 0 : i32
      %dma_wait3A_1745 = tpu.memref_slice %arg5[%dma_wait3A_1744, %multiple_of3A_1227] : memref<16x1000000xf32, #tpu.memory_space<hbm>> -> memref<16x128xf32, #tpu.memory_space<hbm>>
      tpu.wait_dma2 semaphore(%arg25 : memref<!tpu.dma_semaphore, #tpu.memory_space<semaphore_mem>>) src(%dma_wait3A_1745 : memref<16x128xf32, #tpu.memory_space<hbm>>) dst(%dma_wait3A_1743 : memref<16x128xf32, #tpu.memory_space<vmem>>)
      %dma_wait3A_1746 = arith.constant 1 : i32
      %dma_wait3A_1747 = arith.constant 0 : i32
      %dma_wait3A_1748 = arith.constant 0 : i32
      %dma_wait3A_1749 = arith.constant 0 : i32
      %dma_wait3A_1750 = tpu.memref_slice %arg17[%dma_wait3A_1746, %dma_wait3A_1747, %dma_wait3A_1748, %dma_wait3A_1749] : memref<2x8x16x128xf32, #tpu.memory_space<vmem>> -> memref<1x1x16x128xf32, #tpu.memory_space<vmem>>
      %dma_wait3A_1751 = tpu.memref_squeeze %dma_wait3A_1750 : memref<1x1x16x128xf32, #tpu.memory_space<vmem>> -> memref<16x128xf32, #tpu.memory_space<vmem>>
      %dma_wait3A_1752 = arith.constant 0 : i32
      %dma_wait3A_1753 = tpu.memref_slice %arg5[%dma_wait3A_1752, %multiple_of3A_1248] : memref<16x1000000xf32, #tpu.memory_space<hbm>> -> memref<16x128xf32, #tpu.memory_space<hbm>>
      %dma_wait3A_1754 = arith.constant 0 : i32
      %dma_wait3A_1755 = arith.constant 0 : i32
      %dma_wait3A_1756 = tpu.memref_slice %arg17[%dma_wait3A_1746, %dma_wait3A_1747, %dma_wait3A_1754, %dma_wait3A_1755] : memref<2x8x16x128xf32, #tpu.memory_space<vmem>> -> memref<1x1x16x128xf32, #tpu.memory_space<vmem>>
      %dma_wait3A_1757 = tpu.memref_squeeze %dma_wait3A_1756 : memref<1x1x16x128xf32, #tpu.memory_space<vmem>> -> memref<16x128xf32, #tpu.memory_space<vmem>>
      %dma_wait3A_1758 = arith.constant 0 : i32
      %dma_wait3A_1759 = tpu.memref_slice %arg5[%dma_wait3A_1758, %multiple_of3A_1248] : memref<16x1000000xf32, #tpu.memory_space<hbm>> -> memref<16x128xf32, #tpu.memory_space<hbm>>
      tpu.wait_dma2 semaphore(%arg25 : memref<!tpu.dma_semaphore, #tpu.memory_space<semaphore_mem>>) src(%dma_wait3A_1759 : memref<16x128xf32, #tpu.memory_space<hbm>>) dst(%dma_wait3A_1757 : memref<16x128xf32, #tpu.memory_space<vmem>>)
      %dma_wait3A_1760 = arith.constant 1 : i32
      %dma_wait3A_1761 = arith.constant 1 : i32
      %dma_wait3A_1762 = arith.constant 0 : i32
      %dma_wait3A_1763 = arith.constant 0 : i32
      %dma_wait3A_1764 = tpu.memref_slice %arg17[%dma_wait3A_1760, %dma_wait3A_1761, %dma_wait3A_1762, %dma_wait3A_1763] : memref<2x8x16x128xf32, #tpu.memory_space<vmem>> -> memref<1x1x16x128xf32, #tpu.memory_space<vmem>>
      %dma_wait3A_1765 = tpu.memref_squeeze %dma_wait3A_1764 : memref<1x1x16x128xf32, #tpu.memory_space<vmem>> -> memref<16x128xf32, #tpu.memory_space<vmem>>
      %dma_wait3A_1766 = arith.constant 0 : i32
      %dma_wait3A_1767 = tpu.memref_slice %arg5[%dma_wait3A_1766, %multiple_of3A_1269] : memref<16x1000000xf32, #tpu.memory_space<hbm>> -> memref<16x128xf32, #tpu.memory_space<hbm>>
      %dma_wait3A_1768 = arith.constant 0 : i32
      %dma_wait3A_1769 = arith.constant 0 : i32
      %dma_wait3A_1770 = tpu.memref_slice %arg17[%dma_wait3A_1760, %dma_wait3A_1761, %dma_wait3A_1768, %dma_wait3A_1769] : memref<2x8x16x128xf32, #tpu.memory_space<vmem>> -> memref<1x1x16x128xf32, #tpu.memory_space<vmem>>
      %dma_wait3A_1771 = tpu.memref_squeeze %dma_wait3A_1770 : memref<1x1x16x128xf32, #tpu.memory_space<vmem>> -> memref<16x128xf32, #tpu.memory_space<vmem>>
      %dma_wait3A_1772 = arith.constant 0 : i32
      %dma_wait3A_1773 = tpu.memref_slice %arg5[%dma_wait3A_1772, %multiple_of3A_1269] : memref<16x1000000xf32, #tpu.memory_space<hbm>> -> memref<16x128xf32, #tpu.memory_space<hbm>>
      tpu.wait_dma2 semaphore(%arg25 : memref<!tpu.dma_semaphore, #tpu.memory_space<semaphore_mem>>) src(%dma_wait3A_1773 : memref<16x128xf32, #tpu.memory_space<hbm>>) dst(%dma_wait3A_1771 : memref<16x128xf32, #tpu.memory_space<vmem>>)
      %dma_wait3A_1774 = arith.constant 1 : i32
      %dma_wait3A_1775 = arith.constant 2 : i32
      %dma_wait3A_1776 = arith.constant 0 : i32
      %dma_wait3A_1777 = arith.constant 0 : i32
      %dma_wait3A_1778 = tpu.memref_slice %arg17[%dma_wait3A_1774, %dma_wait3A_1775, %dma_wait3A_1776, %dma_wait3A_1777] : memref<2x8x16x128xf32, #tpu.memory_space<vmem>> -> memref<1x1x16x128xf32, #tpu.memory_space<vmem>>
      %dma_wait3A_1779 = tpu.memref_squeeze %dma_wait3A_1778 : memref<1x1x16x128xf32, #tpu.memory_space<vmem>> -> memref<16x128xf32, #tpu.memory_space<vmem>>
      %dma_wait3A_1780 = arith.constant 0 : i32
      %dma_wait3A_1781 = tpu.memref_slice %arg5[%dma_wait3A_1780, %multiple_of3A_1290] : memref<16x1000000xf32, #tpu.memory_space<hbm>> -> memref<16x128xf32, #tpu.memory_space<hbm>>
      %dma_wait3A_1782 = arith.constant 0 : i32
      %dma_wait3A_1783 = arith.constant 0 : i32
      %dma_wait3A_1784 = tpu.memref_slice %arg17[%dma_wait3A_1774, %dma_wait3A_1775, %dma_wait3A_1782, %dma_wait3A_1783] : memref<2x8x16x128xf32, #tpu.memory_space<vmem>> -> memref<1x1x16x128xf32, #tpu.memory_space<vmem>>
      %dma_wait3A_1785 = tpu.memref_squeeze %dma_wait3A_1784 : memref<1x1x16x128xf32, #tpu.memory_space<vmem>> -> memref<16x128xf32, #tpu.memory_space<vmem>>
      %dma_wait3A_1786 = arith.constant 0 : i32
      %dma_wait3A_1787 = tpu.memref_slice %arg5[%dma_wait3A_1786, %multiple_of3A_1290] : memref<16x1000000xf32, #tpu.memory_space<hbm>> -> memref<16x128xf32, #tpu.memory_space<hbm>>
      tpu.wait_dma2 semaphore(%arg25 : memref<!tpu.dma_semaphore, #tpu.memory_space<semaphore_mem>>) src(%dma_wait3A_1787 : memref<16x128xf32, #tpu.memory_space<hbm>>) dst(%dma_wait3A_1785 : memref<16x128xf32, #tpu.memory_space<vmem>>)
      %dma_wait3A_1788 = arith.constant 1 : i32
      %dma_wait3A_1789 = arith.constant 3 : i32
      %dma_wait3A_1790 = arith.constant 0 : i32
      %dma_wait3A_1791 = arith.constant 0 : i32
      %dma_wait3A_1792 = tpu.memref_slice %arg17[%dma_wait3A_1788, %dma_wait3A_1789, %dma_wait3A_1790, %dma_wait3A_1791] : memref<2x8x16x128xf32, #tpu.memory_space<vmem>> -> memref<1x1x16x128xf32, #tpu.memory_space<vmem>>
      %dma_wait3A_1793 = tpu.memref_squeeze %dma_wait3A_1792 : memref<1x1x16x128xf32, #tpu.memory_space<vmem>> -> memref<16x128xf32, #tpu.memory_space<vmem>>
      %dma_wait3A_1794 = arith.constant 0 : i32
      %dma_wait3A_1795 = tpu.memref_slice %arg5[%dma_wait3A_1794, %multiple_of3A_1311] : memref<16x1000000xf32, #tpu.memory_space<hbm>> -> memref<16x128xf32, #tpu.memory_space<hbm>>
      %dma_wait3A_1796 = arith.constant 0 : i32
      %dma_wait3A_1797 = arith.constant 0 : i32
      %dma_wait3A_1798 = tpu.memref_slice %arg17[%dma_wait3A_1788, %dma_wait3A_1789, %dma_wait3A_1796, %dma_wait3A_1797] : memref<2x8x16x128xf32, #tpu.memory_space<vmem>> -> memref<1x1x16x128xf32, #tpu.memory_space<vmem>>
      %dma_wait3A_1799 = tpu.memref_squeeze %dma_wait3A_1798 : memref<1x1x16x128xf32, #tpu.memory_space<vmem>> -> memref<16x128xf32, #tpu.memory_space<vmem>>
      %dma_wait3A_1800 = arith.constant 0 : i32
      %dma_wait3A_1801 = tpu.memref_slice %arg5[%dma_wait3A_1800, %multiple_of3A_1311] : memref<16x1000000xf32, #tpu.memory_space<hbm>> -> memref<16x128xf32, #tpu.memory_space<hbm>>
      tpu.wait_dma2 semaphore(%arg25 : memref<!tpu.dma_semaphore, #tpu.memory_space<semaphore_mem>>) src(%dma_wait3A_1801 : memref<16x128xf32, #tpu.memory_space<hbm>>) dst(%dma_wait3A_1799 : memref<16x128xf32, #tpu.memory_space<vmem>>)
      %dma_wait3A_1802 = arith.constant 1 : i32
      %dma_wait3A_1803 = arith.constant 4 : i32
      %dma_wait3A_1804 = arith.constant 0 : i32
      %dma_wait3A_1805 = arith.constant 0 : i32
      %dma_wait3A_1806 = tpu.memref_slice %arg17[%dma_wait3A_1802, %dma_wait3A_1803, %dma_wait3A_1804, %dma_wait3A_1805] : memref<2x8x16x128xf32, #tpu.memory_space<vmem>> -> memref<1x1x16x128xf32, #tpu.memory_space<vmem>>
      %dma_wait3A_1807 = tpu.memref_squeeze %dma_wait3A_1806 : memref<1x1x16x128xf32, #tpu.memory_space<vmem>> -> memref<16x128xf32, #tpu.memory_space<vmem>>
      %dma_wait3A_1808 = arith.constant 0 : i32
      %dma_wait3A_1809 = tpu.memref_slice %arg5[%dma_wait3A_1808, %multiple_of3A_1332] : memref<16x1000000xf32, #tpu.memory_space<hbm>> -> memref<16x128xf32, #tpu.memory_space<hbm>>
      %dma_wait3A_1810 = arith.constant 0 : i32
      %dma_wait3A_1811 = arith.constant 0 : i32
      %dma_wait3A_1812 = tpu.memref_slice %arg17[%dma_wait3A_1802, %dma_wait3A_1803, %dma_wait3A_1810, %dma_wait3A_1811] : memref<2x8x16x128xf32, #tpu.memory_space<vmem>> -> memref<1x1x16x128xf32, #tpu.memory_space<vmem>>
      %dma_wait3A_1813 = tpu.memref_squeeze %dma_wait3A_1812 : memref<1x1x16x128xf32, #tpu.memory_space<vmem>> -> memref<16x128xf32, #tpu.memory_space<vmem>>
      %dma_wait3A_1814 = arith.constant 0 : i32
      %dma_wait3A_1815 = tpu.memref_slice %arg5[%dma_wait3A_1814, %multiple_of3A_1332] : memref<16x1000000xf32, #tpu.memory_space<hbm>> -> memref<16x128xf32, #tpu.memory_space<hbm>>
      tpu.wait_dma2 semaphore(%arg25 : memref<!tpu.dma_semaphore, #tpu.memory_space<semaphore_mem>>) src(%dma_wait3A_1815 : memref<16x128xf32, #tpu.memory_space<hbm>>) dst(%dma_wait3A_1813 : memref<16x128xf32, #tpu.memory_space<vmem>>)
      %dma_wait3A_1816 = arith.constant 1 : i32
      %dma_wait3A_1817 = arith.constant 5 : i32
      %dma_wait3A_1818 = arith.constant 0 : i32
      %dma_wait3A_1819 = arith.constant 0 : i32
      %dma_wait3A_1820 = tpu.memref_slice %arg17[%dma_wait3A_1816, %dma_wait3A_1817, %dma_wait3A_1818, %dma_wait3A_1819] : memref<2x8x16x128xf32, #tpu.memory_space<vmem>> -> memref<1x1x16x128xf32, #tpu.memory_space<vmem>>
      %dma_wait3A_1821 = tpu.memref_squeeze %dma_wait3A_1820 : memref<1x1x16x128xf32, #tpu.memory_space<vmem>> -> memref<16x128xf32, #tpu.memory_space<vmem>>
      %dma_wait3A_1822 = arith.constant 0 : i32
      %dma_wait3A_1823 = tpu.memref_slice %arg5[%dma_wait3A_1822, %multiple_of3A_1353] : memref<16x1000000xf32, #tpu.memory_space<hbm>> -> memref<16x128xf32, #tpu.memory_space<hbm>>
      %dma_wait3A_1824 = arith.constant 0 : i32
      %dma_wait3A_1825 = arith.constant 0 : i32
      %dma_wait3A_1826 = tpu.memref_slice %arg17[%dma_wait3A_1816, %dma_wait3A_1817, %dma_wait3A_1824, %dma_wait3A_1825] : memref<2x8x16x128xf32, #tpu.memory_space<vmem>> -> memref<1x1x16x128xf32, #tpu.memory_space<vmem>>
      %dma_wait3A_1827 = tpu.memref_squeeze %dma_wait3A_1826 : memref<1x1x16x128xf32, #tpu.memory_space<vmem>> -> memref<16x128xf32, #tpu.memory_space<vmem>>
      %dma_wait3A_1828 = arith.constant 0 : i32
      %dma_wait3A_1829 = tpu.memref_slice %arg5[%dma_wait3A_1828, %multiple_of3A_1353] : memref<16x1000000xf32, #tpu.memory_space<hbm>> -> memref<16x128xf32, #tpu.memory_space<hbm>>
      tpu.wait_dma2 semaphore(%arg25 : memref<!tpu.dma_semaphore, #tpu.memory_space<semaphore_mem>>) src(%dma_wait3A_1829 : memref<16x128xf32, #tpu.memory_space<hbm>>) dst(%dma_wait3A_1827 : memref<16x128xf32, #tpu.memory_space<vmem>>)
      %dma_wait3A_1830 = arith.constant 1 : i32
      %dma_wait3A_1831 = arith.constant 6 : i32
      %dma_wait3A_1832 = arith.constant 0 : i32
      %dma_wait3A_1833 = arith.constant 0 : i32
      %dma_wait3A_1834 = tpu.memref_slice %arg17[%dma_wait3A_1830, %dma_wait3A_1831, %dma_wait3A_1832, %dma_wait3A_1833] : memref<2x8x16x128xf32, #tpu.memory_space<vmem>> -> memref<1x1x16x128xf32, #tpu.memory_space<vmem>>
      %dma_wait3A_1835 = tpu.memref_squeeze %dma_wait3A_1834 : memref<1x1x16x128xf32, #tpu.memory_space<vmem>> -> memref<16x128xf32, #tpu.memory_space<vmem>>
      %dma_wait3A_1836 = arith.constant 0 : i32
      %dma_wait3A_1837 = tpu.memref_slice %arg5[%dma_wait3A_1836, %multiple_of3A_1374] : memref<16x1000000xf32, #tpu.memory_space<hbm>> -> memref<16x128xf32, #tpu.memory_space<hbm>>
      %dma_wait3A_1838 = arith.constant 0 : i32
      %dma_wait3A_1839 = arith.constant 0 : i32
      %dma_wait3A_1840 = tpu.memref_slice %arg17[%dma_wait3A_1830, %dma_wait3A_1831, %dma_wait3A_1838, %dma_wait3A_1839] : memref<2x8x16x128xf32, #tpu.memory_space<vmem>> -> memref<1x1x16x128xf32, #tpu.memory_space<vmem>>
      %dma_wait3A_1841 = tpu.memref_squeeze %dma_wait3A_1840 : memref<1x1x16x128xf32, #tpu.memory_space<vmem>> -> memref<16x128xf32, #tpu.memory_space<vmem>>
      %dma_wait3A_1842 = arith.constant 0 : i32
      %dma_wait3A_1843 = tpu.memref_slice %arg5[%dma_wait3A_1842, %multiple_of3A_1374] : memref<16x1000000xf32, #tpu.memory_space<hbm>> -> memref<16x128xf32, #tpu.memory_space<hbm>>
      tpu.wait_dma2 semaphore(%arg25 : memref<!tpu.dma_semaphore, #tpu.memory_space<semaphore_mem>>) src(%dma_wait3A_1843 : memref<16x128xf32, #tpu.memory_space<hbm>>) dst(%dma_wait3A_1841 : memref<16x128xf32, #tpu.memory_space<vmem>>)
      %dma_wait3A_1844 = arith.constant 1 : i32
      %dma_wait3A_1845 = arith.constant 7 : i32
      %dma_wait3A_1846 = arith.constant 0 : i32
      %dma_wait3A_1847 = arith.constant 0 : i32
      %dma_wait3A_1848 = tpu.memref_slice %arg17[%dma_wait3A_1844, %dma_wait3A_1845, %dma_wait3A_1846, %dma_wait3A_1847] : memref<2x8x16x128xf32, #tpu.memory_space<vmem>> -> memref<1x1x16x128xf32, #tpu.memory_space<vmem>>
      %dma_wait3A_1849 = tpu.memref_squeeze %dma_wait3A_1848 : memref<1x1x16x128xf32, #tpu.memory_space<vmem>> -> memref<16x128xf32, #tpu.memory_space<vmem>>
      %dma_wait3A_1850 = arith.constant 0 : i32
      %dma_wait3A_1851 = tpu.memref_slice %arg5[%dma_wait3A_1850, %multiple_of3A_1395] : memref<16x1000000xf32, #tpu.memory_space<hbm>> -> memref<16x128xf32, #tpu.memory_space<hbm>>
      %dma_wait3A_1852 = arith.constant 0 : i32
      %dma_wait3A_1853 = arith.constant 0 : i32
      %dma_wait3A_1854 = tpu.memref_slice %arg17[%dma_wait3A_1844, %dma_wait3A_1845, %dma_wait3A_1852, %dma_wait3A_1853] : memref<2x8x16x128xf32, #tpu.memory_space<vmem>> -> memref<1x1x16x128xf32, #tpu.memory_space<vmem>>
      %dma_wait3A_1855 = tpu.memref_squeeze %dma_wait3A_1854 : memref<1x1x16x128xf32, #tpu.memory_space<vmem>> -> memref<16x128xf32, #tpu.memory_space<vmem>>
      %dma_wait3A_1856 = arith.constant 0 : i32
      %dma_wait3A_1857 = tpu.memref_slice %arg5[%dma_wait3A_1856, %multiple_of3A_1395] : memref<16x1000000xf32, #tpu.memory_space<hbm>> -> memref<16x128xf32, #tpu.memory_space<hbm>>
      tpu.wait_dma2 semaphore(%arg25 : memref<!tpu.dma_semaphore, #tpu.memory_space<semaphore_mem>>) src(%dma_wait3A_1857 : memref<16x128xf32, #tpu.memory_space<hbm>>) dst(%dma_wait3A_1855 : memref<16x128xf32, #tpu.memory_space<vmem>>)
      %slice3A_1858 = vector.extract_strided_slice %get3A_735 {offsets = [0], sizes = [1], strides = [1]} : vector<16xi32> to vector<1xi32>
      %squeeze3A_1859 = vector.extract %slice3A_1858[0] : i32 from vector<1xi32>
      %and3A = arith.constant 127 : i32
      %and3A_1860 = arith.andi %squeeze3A_1859, %and3A : i32
      %broadcast_in_dim3A = vector.broadcast %and3A_1860 : i32 to vector<16xi32>
      %broadcast_in_dim3A_1861 = arith.constant 0 : i32
      %broadcast_in_dim3A_1862 = vector.broadcast %broadcast_in_dim3A_1861 : i32 to vector<16xi32>
      %add3A_1863 = arith.constant 0 : i32
      %add3A_1864 = vector.broadcast %add3A_1863 : i32 to vector<16xi32>
      %add3A_1865 = arith.addi %add3A_1864, %broadcast_in_dim3A_1862 : vector<16xi32>
      %gather3A = arith.constant 0 : i32
      %gather3A_1866 = arith.constant 0 : i32
      %gather3A_1867 = arith.constant 0 : i32
      %gather3A_1868 = arith.constant 0 : i32
      %gather3A_1869 = tpu.memref_slice %arg16[%gather3A, %gather3A_1866, %gather3A_1867, %gather3A_1868] : memref<2x8x16x128xf32, #tpu.memory_space<vmem>> -> memref<1x1x16x128xf32, #tpu.memory_space<vmem>>
      %gather3A_1870 = tpu.memref_squeeze %gather3A_1869 : memref<1x1x16x128xf32, #tpu.memory_space<vmem>> -> memref<16x128xf32, #tpu.memory_space<vmem>>
      %gather3A_1871 = tpu.vector_load_idx %gather3A_1870[%iota3A, %broadcast_in_dim3A] : memref<16x128xf32, #tpu.memory_space<vmem>>[vector<16xi32>, vector<16xi32>], vector<16xf32>,
      tpu.vector_store_idx %arg23[%iota3A, %add3A_1865], %gather3A_1871 : memref<16x32xf32, #tpu.memory_space<vmem>>[vector<16xi32>, vector<16xi32>], vector<16xf32>,
      %slice3A_1872 = vector.extract_strided_slice %get3A_735 {offsets = [1], sizes = [1], strides = [1]} : vector<16xi32> to vector<1xi32>
      %squeeze3A_1873 = vector.extract %slice3A_1872[0] : i32 from vector<1xi32>
      %and3A_1874 = arith.constant 127 : i32
      %and3A_1875 = arith.andi %squeeze3A_1873, %and3A_1874 : i32
      %broadcast_in_dim3A_1876 = vector.broadcast %and3A_1875 : i32 to vector<16xi32>
      %broadcast_in_dim3A_1877 = arith.constant 0 : i32
      %broadcast_in_dim3A_1878 = vector.broadcast %broadcast_in_dim3A_1877 : i32 to vector<16xi32>
      %add3A_1879 = arith.constant 1 : i32
      %add3A_1880 = vector.broadcast %add3A_1879 : i32 to vector<16xi32>
      %add3A_1881 = arith.addi %add3A_1880, %broadcast_in_dim3A_1878 : vector<16xi32>
      %gather3A_1882 = arith.constant 0 : i32
      %gather3A_1883 = arith.constant 1 : i32
      %gather3A_1884 = arith.constant 0 : i32
      %gather3A_1885 = arith.constant 0 : i32
      %gather3A_1886 = tpu.memref_slice %arg16[%gather3A_1882, %gather3A_1883, %gather3A_1884, %gather3A_1885] : memref<2x8x16x128xf32, #tpu.memory_space<vmem>> -> memref<1x1x16x128xf32, #tpu.memory_space<vmem>>
      %gather3A_1887 = tpu.memref_squeeze %gather3A_1886 : memref<1x1x16x128xf32, #tpu.memory_space<vmem>> -> memref<16x128xf32, #tpu.memory_space<vmem>>
      %gather3A_1888 = tpu.vector_load_idx %gather3A_1887[%iota3A, %broadcast_in_dim3A_1876] : memref<16x128xf32, #tpu.memory_space<vmem>>[vector<16xi32>, vector<16xi32>], vector<16xf32>,
      tpu.vector_store_idx %arg23[%iota3A, %add3A_1881], %gather3A_1888 : memref<16x32xf32, #tpu.memory_space<vmem>>[vector<16xi32>, vector<16xi32>], vector<16xf32>,
      %slice3A_1889 = vector.extract_strided_slice %get3A_735 {offsets = [2], sizes = [1], strides = [1]} : vector<16xi32> to vector<1xi32>
      %squeeze3A_1890 = vector.extract %slice3A_1889[0] : i32 from vector<1xi32>
      %and3A_1891 = arith.constant 127 : i32
      %and3A_1892 = arith.andi %squeeze3A_1890, %and3A_1891 : i32
      %broadcast_in_dim3A_1893 = vector.broadcast %and3A_1892 : i32 to vector<16xi32>
      %broadcast_in_dim3A_1894 = arith.constant 0 : i32
      %broadcast_in_dim3A_1895 = vector.broadcast %broadcast_in_dim3A_1894 : i32 to vector<16xi32>
      %add3A_1896 = arith.constant 2 : i32
      %add3A_1897 = vector.broadcast %add3A_1896 : i32 to vector<16xi32>
      %add3A_1898 = arith.addi %add3A_1897, %broadcast_in_dim3A_1895 : vector<16xi32>
      %gather3A_1899 = arith.constant 0 : i32
      %gather3A_1900 = arith.constant 2 : i32
      %gather3A_1901 = arith.constant 0 : i32
      %gather3A_1902 = arith.constant 0 : i32
      %gather3A_1903 = tpu.memref_slice %arg16[%gather3A_1899, %gather3A_1900, %gather3A_1901, %gather3A_1902] : memref<2x8x16x128xf32, #tpu.memory_space<vmem>> -> memref<1x1x16x128xf32, #tpu.memory_space<vmem>>
      %gather3A_1904 = tpu.memref_squeeze %gather3A_1903 : memref<1x1x16x128xf32, #tpu.memory_space<vmem>> -> memref<16x128xf32, #tpu.memory_space<vmem>>
      %gather3A_1905 = tpu.vector_load_idx %gather3A_1904[%iota3A, %broadcast_in_dim3A_1893] : memref<16x128xf32, #tpu.memory_space<vmem>>[vector<16xi32>, vector<16xi32>], vector<16xf32>,
      tpu.vector_store_idx %arg23[%iota3A, %add3A_1898], %gather3A_1905 : memref<16x32xf32, #tpu.memory_space<vmem>>[vector<16xi32>, vector<16xi32>], vector<16xf32>,
      %slice3A_1906 = vector.extract_strided_slice %get3A_735 {offsets = [3], sizes = [1], strides = [1]} : vector<16xi32> to vector<1xi32>
      %squeeze3A_1907 = vector.extract %slice3A_1906[0] : i32 from vector<1xi32>
      %and3A_1908 = arith.constant 127 : i32
      %and3A_1909 = arith.andi %squeeze3A_1907, %and3A_1908 : i32
      %broadcast_in_dim3A_1910 = vector.broadcast %and3A_1909 : i32 to vector<16xi32>
      %broadcast_in_dim3A_1911 = arith.constant 0 : i32
      %broadcast_in_dim3A_1912 = vector.broadcast %broadcast_in_dim3A_1911 : i32 to vector<16xi32>
      %add3A_1913 = arith.constant 3 : i32
      %add3A_1914 = vector.broadcast %add3A_1913 : i32 to vector<16xi32>
      %add3A_1915 = arith.addi %add3A_1914, %broadcast_in_dim3A_1912 : vector<16xi32>
      %gather3A_1916 = arith.constant 0 : i32
      %gather3A_1917 = arith.constant 3 : i32
      %gather3A_1918 = arith.constant 0 : i32
      %gather3A_1919 = arith.constant 0 : i32
      %gather3A_1920 = tpu.memref_slice %arg16[%gather3A_1916, %gather3A_1917, %gather3A_1918, %gather3A_1919] : memref<2x8x16x128xf32, #tpu.memory_space<vmem>> -> memref<1x1x16x128xf32, #tpu.memory_space<vmem>>
      %gather3A_1921 = tpu.memref_squeeze %gather3A_1920 : memref<1x1x16x128xf32, #tpu.memory_space<vmem>> -> memref<16x128xf32, #tpu.memory_space<vmem>>
      %gather3A_1922 = tpu.vector_load_idx %gather3A_1921[%iota3A, %broadcast_in_dim3A_1910] : memref<16x128xf32, #tpu.memory_space<vmem>>[vector<16xi32>, vector<16xi32>], vector<16xf32>,
      tpu.vector_store_idx %arg23[%iota3A, %add3A_1915], %gather3A_1922 : memref<16x32xf32, #tpu.memory_space<vmem>>[vector<16xi32>, vector<16xi32>], vector<16xf32>,
      %slice3A_1923 = vector.extract_strided_slice %get3A_735 {offsets = [4], sizes = [1], strides = [1]} : vector<16xi32> to vector<1xi32>
      %squeeze3A_1924 = vector.extract %slice3A_1923[0] : i32 from vector<1xi32>
      %and3A_1925 = arith.constant 127 : i32
      %and3A_1926 = arith.andi %squeeze3A_1924, %and3A_1925 : i32
      %broadcast_in_dim3A_1927 = vector.broadcast %and3A_1926 : i32 to vector<16xi32>
      %broadcast_in_dim3A_1928 = arith.constant 0 : i32
      %broadcast_in_dim3A_1929 = vector.broadcast %broadcast_in_dim3A_1928 : i32 to vector<16xi32>
      %add3A_1930 = arith.constant 4 : i32
      %add3A_1931 = vector.broadcast %add3A_1930 : i32 to vector<16xi32>
      %add3A_1932 = arith.addi %add3A_1931, %broadcast_in_dim3A_1929 : vector<16xi32>
      %gather3A_1933 = arith.constant 0 : i32
      %gather3A_1934 = arith.constant 4 : i32
      %gather3A_1935 = arith.constant 0 : i32
      %gather3A_1936 = arith.constant 0 : i32
      %gather3A_1937 = tpu.memref_slice %arg16[%gather3A_1933, %gather3A_1934, %gather3A_1935, %gather3A_1936] : memref<2x8x16x128xf32, #tpu.memory_space<vmem>> -> memref<1x1x16x128xf32, #tpu.memory_space<vmem>>
      %gather3A_1938 = tpu.memref_squeeze %gather3A_1937 : memref<1x1x16x128xf32, #tpu.memory_space<vmem>> -> memref<16x128xf32, #tpu.memory_space<vmem>>
      %gather3A_1939 = tpu.vector_load_idx %gather3A_1938[%iota3A, %broadcast_in_dim3A_1927] : memref<16x128xf32, #tpu.memory_space<vmem>>[vector<16xi32>, vector<16xi32>], vector<16xf32>,
      tpu.vector_store_idx %arg23[%iota3A, %add3A_1932], %gather3A_1939 : memref<16x32xf32, #tpu.memory_space<vmem>>[vector<16xi32>, vector<16xi32>], vector<16xf32>,
      %slice3A_1940 = vector.extract_strided_slice %get3A_735 {offsets = [5], sizes = [1], strides = [1]} : vector<16xi32> to vector<1xi32>
      %squeeze3A_1941 = vector.extract %slice3A_1940[0] : i32 from vector<1xi32>
      %and3A_1942 = arith.constant 127 : i32
      %and3A_1943 = arith.andi %squeeze3A_1941, %and3A_1942 : i32
      %broadcast_in_dim3A_1944 = vector.broadcast %and3A_1943 : i32 to vector<16xi32>
      %broadcast_in_dim3A_1945 = arith.constant 0 : i32
      %broadcast_in_dim3A_1946 = vector.broadcast %broadcast_in_dim3A_1945 : i32 to vector<16xi32>
      %add3A_1947 = arith.constant 5 : i32
      %add3A_1948 = vector.broadcast %add3A_1947 : i32 to vector<16xi32>
      %add3A_1949 = arith.addi %add3A_1948, %broadcast_in_dim3A_1946 : vector<16xi32>
      %gather3A_1950 = arith.constant 0 : i32
      %gather3A_1951 = arith.constant 5 : i32
      %gather3A_1952 = arith.constant 0 : i32
      %gather3A_1953 = arith.constant 0 : i32
      %gather3A_1954 = tpu.memref_slice %arg16[%gather3A_1950, %gather3A_1951, %gather3A_1952, %gather3A_1953] : memref<2x8x16x128xf32, #tpu.memory_space<vmem>> -> memref<1x1x16x128xf32, #tpu.memory_space<vmem>>
      %gather3A_1955 = tpu.memref_squeeze %gather3A_1954 : memref<1x1x16x128xf32, #tpu.memory_space<vmem>> -> memref<16x128xf32, #tpu.memory_space<vmem>>
      %gather3A_1956 = tpu.vector_load_idx %gather3A_1955[%iota3A, %broadcast_in_dim3A_1944] : memref<16x128xf32, #tpu.memory_space<vmem>>[vector<16xi32>, vector<16xi32>], vector<16xf32>,
      tpu.vector_store_idx %arg23[%iota3A, %add3A_1949], %gather3A_1956 : memref<16x32xf32, #tpu.memory_space<vmem>>[vector<16xi32>, vector<16xi32>], vector<16xf32>,
      %slice3A_1957 = vector.extract_strided_slice %get3A_735 {offsets = [6], sizes = [1], strides = [1]} : vector<16xi32> to vector<1xi32>
      %squeeze3A_1958 = vector.extract %slice3A_1957[0] : i32 from vector<1xi32>
      %and3A_1959 = arith.constant 127 : i32
      %and3A_1960 = arith.andi %squeeze3A_1958, %and3A_1959 : i32
      %broadcast_in_dim3A_1961 = vector.broadcast %and3A_1960 : i32 to vector<16xi32>
      %broadcast_in_dim3A_1962 = arith.constant 0 : i32
      %broadcast_in_dim3A_1963 = vector.broadcast %broadcast_in_dim3A_1962 : i32 to vector<16xi32>
      %add3A_1964 = arith.constant 6 : i32
      %add3A_1965 = vector.broadcast %add3A_1964 : i32 to vector<16xi32>
      %add3A_1966 = arith.addi %add3A_1965, %broadcast_in_dim3A_1963 : vector<16xi32>
      %gather3A_1967 = arith.constant 0 : i32
      %gather3A_1968 = arith.constant 6 : i32
      %gather3A_1969 = arith.constant 0 : i32
      %gather3A_1970 = arith.constant 0 : i32
      %gather3A_1971 = tpu.memref_slice %arg16[%gather3A_1967, %gather3A_1968, %gather3A_1969, %gather3A_1970] : memref<2x8x16x128xf32, #tpu.memory_space<vmem>> -> memref<1x1x16x128xf32, #tpu.memory_space<vmem>>
      %gather3A_1972 = tpu.memref_squeeze %gather3A_1971 : memref<1x1x16x128xf32, #tpu.memory_space<vmem>> -> memref<16x128xf32, #tpu.memory_space<vmem>>
      %gather3A_1973 = tpu.vector_load_idx %gather3A_1972[%iota3A, %broadcast_in_dim3A_1961] : memref<16x128xf32, #tpu.memory_space<vmem>>[vector<16xi32>, vector<16xi32>], vector<16xf32>,
      tpu.vector_store_idx %arg23[%iota3A, %add3A_1966], %gather3A_1973 : memref<16x32xf32, #tpu.memory_space<vmem>>[vector<16xi32>, vector<16xi32>], vector<16xf32>,
      %slice3A_1974 = vector.extract_strided_slice %get3A_735 {offsets = [7], sizes = [1], strides = [1]} : vector<16xi32> to vector<1xi32>
      %squeeze3A_1975 = vector.extract %slice3A_1974[0] : i32 from vector<1xi32>
      %and3A_1976 = arith.constant 127 : i32
      %and3A_1977 = arith.andi %squeeze3A_1975, %and3A_1976 : i32
      %broadcast_in_dim3A_1978 = vector.broadcast %and3A_1977 : i32 to vector<16xi32>
      %broadcast_in_dim3A_1979 = arith.constant 0 : i32
      %broadcast_in_dim3A_1980 = vector.broadcast %broadcast_in_dim3A_1979 : i32 to vector<16xi32>
      %add3A_1981 = arith.constant 7 : i32
      %add3A_1982 = vector.broadcast %add3A_1981 : i32 to vector<16xi32>
      %add3A_1983 = arith.addi %add3A_1982, %broadcast_in_dim3A_1980 : vector<16xi32>
      %gather3A_1984 = arith.constant 0 : i32
      %gather3A_1985 = arith.constant 7 : i32
      %gather3A_1986 = arith.constant 0 : i32
      %gather3A_1987 = arith.constant 0 : i32
      %gather3A_1988 = tpu.memref_slice %arg16[%gather3A_1984, %gather3A_1985, %gather3A_1986, %gather3A_1987] : memref<2x8x16x128xf32, #tpu.memory_space<vmem>> -> memref<1x1x16x128xf32, #tpu.memory_space<vmem>>
      %gather3A_1989 = tpu.memref_squeeze %gather3A_1988 : memref<1x1x16x128xf32, #tpu.memory_space<vmem>> -> memref<16x128xf32, #tpu.memory_space<vmem>>
      %gather3A_1990 = tpu.vector_load_idx %gather3A_1989[%iota3A, %broadcast_in_dim3A_1978] : memref<16x128xf32, #tpu.memory_space<vmem>>[vector<16xi32>, vector<16xi32>], vector<16xf32>,
      tpu.vector_store_idx %arg23[%iota3A, %add3A_1983], %gather3A_1990 : memref<16x32xf32, #tpu.memory_space<vmem>>[vector<16xi32>, vector<16xi32>], vector<16xf32>,
      %slice3A_1991 = vector.extract_strided_slice %get3A_735 {offsets = [8], sizes = [1], strides = [1]} : vector<16xi32> to vector<1xi32>
      %squeeze3A_1992 = vector.extract %slice3A_1991[0] : i32 from vector<1xi32>
      %and3A_1993 = arith.constant 127 : i32
      %and3A_1994 = arith.andi %squeeze3A_1992, %and3A_1993 : i32
      %broadcast_in_dim3A_1995 = vector.broadcast %and3A_1994 : i32 to vector<16xi32>
      %broadcast_in_dim3A_1996 = arith.constant 0 : i32
      %broadcast_in_dim3A_1997 = vector.broadcast %broadcast_in_dim3A_1996 : i32 to vector<16xi32>
      %add3A_1998 = arith.constant 8 : i32
      %add3A_1999 = vector.broadcast %add3A_1998 : i32 to vector<16xi32>
      %add3A_2000 = arith.addi %add3A_1999, %broadcast_in_dim3A_1997 : vector<16xi32>
      %gather3A_2001 = arith.constant 1 : i32
      %gather3A_2002 = arith.constant 0 : i32
      %gather3A_2003 = arith.constant 0 : i32
      %gather3A_2004 = arith.constant 0 : i32
      %gather3A_2005 = tpu.memref_slice %arg16[%gather3A_2001, %gather3A_2002, %gather3A_2003, %gather3A_2004] : memref<2x8x16x128xf32, #tpu.memory_space<vmem>> -> memref<1x1x16x128xf32, #tpu.memory_space<vmem>>
      %gather3A_2006 = tpu.memref_squeeze %gather3A_2005 : memref<1x1x16x128xf32, #tpu.memory_space<vmem>> -> memref<16x128xf32, #tpu.memory_space<vmem>>
      %gather3A_2007 = tpu.vector_load_idx %gather3A_2006[%iota3A, %broadcast_in_dim3A_1995] : memref<16x128xf32, #tpu.memory_space<vmem>>[vector<16xi32>, vector<16xi32>], vector<16xf32>,
      tpu.vector_store_idx %arg23[%iota3A, %add3A_2000], %gather3A_2007 : memref<16x32xf32, #tpu.memory_space<vmem>>[vector<16xi32>, vector<16xi32>], vector<16xf32>,
      %slice3A_2008 = vector.extract_strided_slice %get3A_735 {offsets = [9], sizes = [1], strides = [1]} : vector<16xi32> to vector<1xi32>
      %squeeze3A_2009 = vector.extract %slice3A_2008[0] : i32 from vector<1xi32>
      %and3A_2010 = arith.constant 127 : i32
      %and3A_2011 = arith.andi %squeeze3A_2009, %and3A_2010 : i32
      %broadcast_in_dim3A_2012 = vector.broadcast %and3A_2011 : i32 to vector<16xi32>
      %broadcast_in_dim3A_2013 = arith.constant 0 : i32
      %broadcast_in_dim3A_2014 = vector.broadcast %broadcast_in_dim3A_2013 : i32 to vector<16xi32>
      %add3A_2015 = arith.constant 9 : i32
      %add3A_2016 = vector.broadcast %add3A_2015 : i32 to vector<16xi32>
      %add3A_2017 = arith.addi %add3A_2016, %broadcast_in_dim3A_2014 : vector<16xi32>
      %gather3A_2018 = arith.constant 1 : i32
      %gather3A_2019 = arith.constant 1 : i32
      %gather3A_2020 = arith.constant 0 : i32
      %gather3A_2021 = arith.constant 0 : i32
      %gather3A_2022 = tpu.memref_slice %arg16[%gather3A_2018, %gather3A_2019, %gather3A_2020, %gather3A_2021] : memref<2x8x16x128xf32, #tpu.memory_space<vmem>> -> memref<1x1x16x128xf32, #tpu.memory_space<vmem>>
      %gather3A_2023 = tpu.memref_squeeze %gather3A_2022 : memref<1x1x16x128xf32, #tpu.memory_space<vmem>> -> memref<16x128xf32, #tpu.memory_space<vmem>>
      %gather3A_2024 = tpu.vector_load_idx %gather3A_2023[%iota3A, %broadcast_in_dim3A_2012] : memref<16x128xf32, #tpu.memory_space<vmem>>[vector<16xi32>, vector<16xi32>], vector<16xf32>,
      tpu.vector_store_idx %arg23[%iota3A, %add3A_2017], %gather3A_2024 : memref<16x32xf32, #tpu.memory_space<vmem>>[vector<16xi32>, vector<16xi32>], vector<16xf32>,
      %slice3A_2025 = vector.extract_strided_slice %get3A_735 {offsets = [10], sizes = [1], strides = [1]} : vector<16xi32> to vector<1xi32>
      %squeeze3A_2026 = vector.extract %slice3A_2025[0] : i32 from vector<1xi32>
      %and3A_2027 = arith.constant 127 : i32
      %and3A_2028 = arith.andi %squeeze3A_2026, %and3A_2027 : i32
      %broadcast_in_dim3A_2029 = vector.broadcast %and3A_2028 : i32 to vector<16xi32>
      %broadcast_in_dim3A_2030 = arith.constant 0 : i32
      %broadcast_in_dim3A_2031 = vector.broadcast %broadcast_in_dim3A_2030 : i32 to vector<16xi32>
      %add3A_2032 = arith.constant 10 : i32
      %add3A_2033 = vector.broadcast %add3A_2032 : i32 to vector<16xi32>
      %add3A_2034 = arith.addi %add3A_2033, %broadcast_in_dim3A_2031 : vector<16xi32>
      %gather3A_2035 = arith.constant 1 : i32
      %gather3A_2036 = arith.constant 2 : i32
      %gather3A_2037 = arith.constant 0 : i32
      %gather3A_2038 = arith.constant 0 : i32
      %gather3A_2039 = tpu.memref_slice %arg16[%gather3A_2035, %gather3A_2036, %gather3A_2037, %gather3A_2038] : memref<2x8x16x128xf32, #tpu.memory_space<vmem>> -> memref<1x1x16x128xf32, #tpu.memory_space<vmem>>
      %gather3A_2040 = tpu.memref_squeeze %gather3A_2039 : memref<1x1x16x128xf32, #tpu.memory_space<vmem>> -> memref<16x128xf32, #tpu.memory_space<vmem>>
      %gather3A_2041 = tpu.vector_load_idx %gather3A_2040[%iota3A, %broadcast_in_dim3A_2029] : memref<16x128xf32, #tpu.memory_space<vmem>>[vector<16xi32>, vector<16xi32>], vector<16xf32>,
      tpu.vector_store_idx %arg23[%iota3A, %add3A_2034], %gather3A_2041 : memref<16x32xf32, #tpu.memory_space<vmem>>[vector<16xi32>, vector<16xi32>], vector<16xf32>,
      %slice3A_2042 = vector.extract_strided_slice %get3A_735 {offsets = [11], sizes = [1], strides = [1]} : vector<16xi32> to vector<1xi32>
      %squeeze3A_2043 = vector.extract %slice3A_2042[0] : i32 from vector<1xi32>
      %and3A_2044 = arith.constant 127 : i32
      %and3A_2045 = arith.andi %squeeze3A_2043, %and3A_2044 : i32
      %broadcast_in_dim3A_2046 = vector.broadcast %and3A_2045 : i32 to vector<16xi32>
      %broadcast_in_dim3A_2047 = arith.constant 0 : i32
      %broadcast_in_dim3A_2048 = vector.broadcast %broadcast_in_dim3A_2047 : i32 to vector<16xi32>
      %add3A_2049 = arith.constant 11 : i32
      %add3A_2050 = vector.broadcast %add3A_2049 : i32 to vector<16xi32>
      %add3A_2051 = arith.addi %add3A_2050, %broadcast_in_dim3A_2048 : vector<16xi32>
      %gather3A_2052 = arith.constant 1 : i32
      %gather3A_2053 = arith.constant 3 : i32
      %gather3A_2054 = arith.constant 0 : i32
      %gather3A_2055 = arith.constant 0 : i32
      %gather3A_2056 = tpu.memref_slice %arg16[%gather3A_2052, %gather3A_2053, %gather3A_2054, %gather3A_2055] : memref<2x8x16x128xf32, #tpu.memory_space<vmem>> -> memref<1x1x16x128xf32, #tpu.memory_space<vmem>>
      %gather3A_2057 = tpu.memref_squeeze %gather3A_2056 : memref<1x1x16x128xf32, #tpu.memory_space<vmem>> -> memref<16x128xf32, #tpu.memory_space<vmem>>
      %gather3A_2058 = tpu.vector_load_idx %gather3A_2057[%iota3A, %broadcast_in_dim3A_2046] : memref<16x128xf32, #tpu.memory_space<vmem>>[vector<16xi32>, vector<16xi32>], vector<16xf32>,
      tpu.vector_store_idx %arg23[%iota3A, %add3A_2051], %gather3A_2058 : memref<16x32xf32, #tpu.memory_space<vmem>>[vector<16xi32>, vector<16xi32>], vector<16xf32>,
      %slice3A_2059 = vector.extract_strided_slice %get3A_735 {offsets = [12], sizes = [1], strides = [1]} : vector<16xi32> to vector<1xi32>
      %squeeze3A_2060 = vector.extract %slice3A_2059[0] : i32 from vector<1xi32>
      %and3A_2061 = arith.constant 127 : i32
      %and3A_2062 = arith.andi %squeeze3A_2060, %and3A_2061 : i32
      %broadcast_in_dim3A_2063 = vector.broadcast %and3A_2062 : i32 to vector<16xi32>
      %broadcast_in_dim3A_2064 = arith.constant 0 : i32
      %broadcast_in_dim3A_2065 = vector.broadcast %broadcast_in_dim3A_2064 : i32 to vector<16xi32>
      %add3A_2066 = arith.constant 12 : i32
      %add3A_2067 = vector.broadcast %add3A_2066 : i32 to vector<16xi32>
      %add3A_2068 = arith.addi %add3A_2067, %broadcast_in_dim3A_2065 : vector<16xi32>
      %gather3A_2069 = arith.constant 1 : i32
      %gather3A_2070 = arith.constant 4 : i32
      %gather3A_2071 = arith.constant 0 : i32
      %gather3A_2072 = arith.constant 0 : i32
      %gather3A_2073 = tpu.memref_slice %arg16[%gather3A_2069, %gather3A_2070, %gather3A_2071, %gather3A_2072] : memref<2x8x16x128xf32, #tpu.memory_space<vmem>> -> memref<1x1x16x128xf32, #tpu.memory_space<vmem>>
      %gather3A_2074 = tpu.memref_squeeze %gather3A_2073 : memref<1x1x16x128xf32, #tpu.memory_space<vmem>> -> memref<16x128xf32, #tpu.memory_space<vmem>>
      %gather3A_2075 = tpu.vector_load_idx %gather3A_2074[%iota3A, %broadcast_in_dim3A_2063] : memref<16x128xf32, #tpu.memory_space<vmem>>[vector<16xi32>, vector<16xi32>], vector<16xf32>,
      tpu.vector_store_idx %arg23[%iota3A, %add3A_2068], %gather3A_2075 : memref<16x32xf32, #tpu.memory_space<vmem>>[vector<16xi32>, vector<16xi32>], vector<16xf32>,
      %slice3A_2076 = vector.extract_strided_slice %get3A_735 {offsets = [13], sizes = [1], strides = [1]} : vector<16xi32> to vector<1xi32>
      %squeeze3A_2077 = vector.extract %slice3A_2076[0] : i32 from vector<1xi32>
      %and3A_2078 = arith.constant 127 : i32
      %and3A_2079 = arith.andi %squeeze3A_2077, %and3A_2078 : i32
      %broadcast_in_dim3A_2080 = vector.broadcast %and3A_2079 : i32 to vector<16xi32>
      %broadcast_in_dim3A_2081 = arith.constant 0 : i32
      %broadcast_in_dim3A_2082 = vector.broadcast %broadcast_in_dim3A_2081 : i32 to vector<16xi32>
      %add3A_2083 = arith.constant 13 : i32
      %add3A_2084 = vector.broadcast %add3A_2083 : i32 to vector<16xi32>
      %add3A_2085 = arith.addi %add3A_2084, %broadcast_in_dim3A_2082 : vector<16xi32>
      %gather3A_2086 = arith.constant 1 : i32
      %gather3A_2087 = arith.constant 5 : i32
      %gather3A_2088 = arith.constant 0 : i32
      %gather3A_2089 = arith.constant 0 : i32
      %gather3A_2090 = tpu.memref_slice %arg16[%gather3A_2086, %gather3A_2087, %gather3A_2088, %gather3A_2089] : memref<2x8x16x128xf32, #tpu.memory_space<vmem>> -> memref<1x1x16x128xf32, #tpu.memory_space<vmem>>
      %gather3A_2091 = tpu.memref_squeeze %gather3A_2090 : memref<1x1x16x128xf32, #tpu.memory_space<vmem>> -> memref<16x128xf32, #tpu.memory_space<vmem>>
      %gather3A_2092 = tpu.vector_load_idx %gather3A_2091[%iota3A, %broadcast_in_dim3A_2080] : memref<16x128xf32, #tpu.memory_space<vmem>>[vector<16xi32>, vector<16xi32>], vector<16xf32>,
      tpu.vector_store_idx %arg23[%iota3A, %add3A_2085], %gather3A_2092 : memref<16x32xf32, #tpu.memory_space<vmem>>[vector<16xi32>, vector<16xi32>], vector<16xf32>,
      %slice3A_2093 = vector.extract_strided_slice %get3A_735 {offsets = [14], sizes = [1], strides = [1]} : vector<16xi32> to vector<1xi32>
      %squeeze3A_2094 = vector.extract %slice3A_2093[0] : i32 from vector<1xi32>
      %and3A_2095 = arith.constant 127 : i32
      %and3A_2096 = arith.andi %squeeze3A_2094, %and3A_2095 : i32
      %broadcast_in_dim3A_2097 = vector.broadcast %and3A_2096 : i32 to vector<16xi32>
      %broadcast_in_dim3A_2098 = arith.constant 0 : i32
      %broadcast_in_dim3A_2099 = vector.broadcast %broadcast_in_dim3A_2098 : i32 to vector<16xi32>
      %add3A_2100 = arith.constant 14 : i32
      %add3A_2101 = vector.broadcast %add3A_2100 : i32 to vector<16xi32>
      %add3A_2102 = arith.addi %add3A_2101, %broadcast_in_dim3A_2099 : vector<16xi32>
      %gather3A_2103 = arith.constant 1 : i32
      %gather3A_2104 = arith.constant 6 : i32
      %gather3A_2105 = arith.constant 0 : i32
      %gather3A_2106 = arith.constant 0 : i32
      %gather3A_2107 = tpu.memref_slice %arg16[%gather3A_2103, %gather3A_2104, %gather3A_2105, %gather3A_2106] : memref<2x8x16x128xf32, #tpu.memory_space<vmem>> -> memref<1x1x16x128xf32, #tpu.memory_space<vmem>>
      %gather3A_2108 = tpu.memref_squeeze %gather3A_2107 : memref<1x1x16x128xf32, #tpu.memory_space<vmem>> -> memref<16x128xf32, #tpu.memory_space<vmem>>
      %gather3A_2109 = tpu.vector_load_idx %gather3A_2108[%iota3A, %broadcast_in_dim3A_2097] : memref<16x128xf32, #tpu.memory_space<vmem>>[vector<16xi32>, vector<16xi32>], vector<16xf32>,
      tpu.vector_store_idx %arg23[%iota3A, %add3A_2102], %gather3A_2109 : memref<16x32xf32, #tpu.memory_space<vmem>>[vector<16xi32>, vector<16xi32>], vector<16xf32>,
      %slice3A_2110 = vector.extract_strided_slice %get3A_735 {offsets = [15], sizes = [1], strides = [1]} : vector<16xi32> to vector<1xi32>
      %squeeze3A_2111 = vector.extract %slice3A_2110[0] : i32 from vector<1xi32>
      %and3A_2112 = arith.constant 127 : i32
      %and3A_2113 = arith.andi %squeeze3A_2111, %and3A_2112 : i32
      %broadcast_in_dim3A_2114 = vector.broadcast %and3A_2113 : i32 to vector<16xi32>
      %broadcast_in_dim3A_2115 = arith.constant 0 : i32
      %broadcast_in_dim3A_2116 = vector.broadcast %broadcast_in_dim3A_2115 : i32 to vector<16xi32>
      %add3A_2117 = arith.constant 15 : i32
      %add3A_2118 = vector.broadcast %add3A_2117 : i32 to vector<16xi32>
      %add3A_2119 = arith.addi %add3A_2118, %broadcast_in_dim3A_2116 : vector<16xi32>
      %gather3A_2120 = arith.constant 1 : i32
      %gather3A_2121 = arith.constant 7 : i32
      %gather3A_2122 = arith.constant 0 : i32
      %gather3A_2123 = arith.constant 0 : i32
      %gather3A_2124 = tpu.memref_slice %arg16[%gather3A_2120, %gather3A_2121, %gather3A_2122, %gather3A_2123] : memref<2x8x16x128xf32, #tpu.memory_space<vmem>> -> memref<1x1x16x128xf32, #tpu.memory_space<vmem>>
      %gather3A_2125 = tpu.memref_squeeze %gather3A_2124 : memref<1x1x16x128xf32, #tpu.memory_space<vmem>> -> memref<16x128xf32, #tpu.memory_space<vmem>>
      %gather3A_2126 = tpu.vector_load_idx %gather3A_2125[%iota3A, %broadcast_in_dim3A_2114] : memref<16x128xf32, #tpu.memory_space<vmem>>[vector<16xi32>, vector<16xi32>], vector<16xf32>,
      tpu.vector_store_idx %arg23[%iota3A, %add3A_2119], %gather3A_2126 : memref<16x32xf32, #tpu.memory_space<vmem>>[vector<16xi32>, vector<16xi32>], vector<16xf32>,
      %slice3A_2127 = vector.extract_strided_slice %get3A_737 {offsets = [0], sizes = [1], strides = [1]} : vector<16xi32> to vector<1xi32>
      %squeeze3A_2128 = vector.extract %slice3A_2127[0] : i32 from vector<1xi32>
      %and3A_2129 = arith.constant 127 : i32
      %and3A_2130 = arith.andi %squeeze3A_2128, %and3A_2129 : i32
      %broadcast_in_dim3A_2131 = vector.broadcast %and3A_2130 : i32 to vector<16xi32>
      %broadcast_in_dim3A_2132 = arith.constant 0 : i32
      %broadcast_in_dim3A_2133 = vector.broadcast %broadcast_in_dim3A_2132 : i32 to vector<16xi32>
      %add3A_2134 = arith.constant 16 : i32
      %add3A_2135 = vector.broadcast %add3A_2134 : i32 to vector<16xi32>
      %add3A_2136 = arith.addi %add3A_2135, %broadcast_in_dim3A_2133 : vector<16xi32>
      %gather3A_2137 = arith.constant 0 : i32
      %gather3A_2138 = arith.constant 0 : i32
      %gather3A_2139 = arith.constant 0 : i32
      %gather3A_2140 = arith.constant 0 : i32
      %gather3A_2141 = tpu.memref_slice %arg17[%gather3A_2137, %gather3A_2138, %gather3A_2139, %gather3A_2140] : memref<2x8x16x128xf32, #tpu.memory_space<vmem>> -> memref<1x1x16x128xf32, #tpu.memory_space<vmem>>
      %gather3A_2142 = tpu.memref_squeeze %gather3A_2141 : memref<1x1x16x128xf32, #tpu.memory_space<vmem>> -> memref<16x128xf32, #tpu.memory_space<vmem>>
      %gather3A_2143 = tpu.vector_load_idx %gather3A_2142[%iota3A, %broadcast_in_dim3A_2131] : memref<16x128xf32, #tpu.memory_space<vmem>>[vector<16xi32>, vector<16xi32>], vector<16xf32>,
      tpu.vector_store_idx %arg23[%iota3A, %add3A_2136], %gather3A_2143 : memref<16x32xf32, #tpu.memory_space<vmem>>[vector<16xi32>, vector<16xi32>], vector<16xf32>,
      %slice3A_2144 = vector.extract_strided_slice %get3A_737 {offsets = [1], sizes = [1], strides = [1]} : vector<16xi32> to vector<1xi32>
      %squeeze3A_2145 = vector.extract %slice3A_2144[0] : i32 from vector<1xi32>
      %and3A_2146 = arith.constant 127 : i32
      %and3A_2147 = arith.andi %squeeze3A_2145, %and3A_2146 : i32
      %broadcast_in_dim3A_2148 = vector.broadcast %and3A_2147 : i32 to vector<16xi32>
      %broadcast_in_dim3A_2149 = arith.constant 0 : i32
      %broadcast_in_dim3A_2150 = vector.broadcast %broadcast_in_dim3A_2149 : i32 to vector<16xi32>
      %add3A_2151 = arith.constant 17 : i32
      %add3A_2152 = vector.broadcast %add3A_2151 : i32 to vector<16xi32>
      %add3A_2153 = arith.addi %add3A_2152, %broadcast_in_dim3A_2150 : vector<16xi32>
      %gather3A_2154 = arith.constant 0 : i32
      %gather3A_2155 = arith.constant 1 : i32
      %gather3A_2156 = arith.constant 0 : i32
      %gather3A_2157 = arith.constant 0 : i32
      %gather3A_2158 = tpu.memref_slice %arg17[%gather3A_2154, %gather3A_2155, %gather3A_2156, %gather3A_2157] : memref<2x8x16x128xf32, #tpu.memory_space<vmem>> -> memref<1x1x16x128xf32, #tpu.memory_space<vmem>>
      %gather3A_2159 = tpu.memref_squeeze %gather3A_2158 : memref<1x1x16x128xf32, #tpu.memory_space<vmem>> -> memref<16x128xf32, #tpu.memory_space<vmem>>
      %gather3A_2160 = tpu.vector_load_idx %gather3A_2159[%iota3A, %broadcast_in_dim3A_2148] : memref<16x128xf32, #tpu.memory_space<vmem>>[vector<16xi32>, vector<16xi32>], vector<16xf32>,
      tpu.vector_store_idx %arg23[%iota3A, %add3A_2153], %gather3A_2160 : memref<16x32xf32, #tpu.memory_space<vmem>>[vector<16xi32>, vector<16xi32>], vector<16xf32>,
      %slice3A_2161 = vector.extract_strided_slice %get3A_737 {offsets = [2], sizes = [1], strides = [1]} : vector<16xi32> to vector<1xi32>
      %squeeze3A_2162 = vector.extract %slice3A_2161[0] : i32 from vector<1xi32>
      %and3A_2163 = arith.constant 127 : i32
      %and3A_2164 = arith.andi %squeeze3A_2162, %and3A_2163 : i32
      %broadcast_in_dim3A_2165 = vector.broadcast %and3A_2164 : i32 to vector<16xi32>
      %broadcast_in_dim3A_2166 = arith.constant 0 : i32
      %broadcast_in_dim3A_2167 = vector.broadcast %broadcast_in_dim3A_2166 : i32 to vector<16xi32>
      %add3A_2168 = arith.constant 18 : i32
      %add3A_2169 = vector.broadcast %add3A_2168 : i32 to vector<16xi32>
      %add3A_2170 = arith.addi %add3A_2169, %broadcast_in_dim3A_2167 : vector<16xi32>
      %gather3A_2171 = arith.constant 0 : i32
      %gather3A_2172 = arith.constant 2 : i32
      %gather3A_2173 = arith.constant 0 : i32
      %gather3A_2174 = arith.constant 0 : i32
      %gather3A_2175 = tpu.memref_slice %arg17[%gather3A_2171, %gather3A_2172, %gather3A_2173, %gather3A_2174] : memref<2x8x16x128xf32, #tpu.memory_space<vmem>> -> memref<1x1x16x128xf32, #tpu.memory_space<vmem>>
      %gather3A_2176 = tpu.memref_squeeze %gather3A_2175 : memref<1x1x16x128xf32, #tpu.memory_space<vmem>> -> memref<16x128xf32, #tpu.memory_space<vmem>>
      %gather3A_2177 = tpu.vector_load_idx %gather3A_2176[%iota3A, %broadcast_in_dim3A_2165] : memref<16x128xf32, #tpu.memory_space<vmem>>[vector<16xi32>, vector<16xi32>], vector<16xf32>,
      tpu.vector_store_idx %arg23[%iota3A, %add3A_2170], %gather3A_2177 : memref<16x32xf32, #tpu.memory_space<vmem>>[vector<16xi32>, vector<16xi32>], vector<16xf32>,
      %slice3A_2178 = vector.extract_strided_slice %get3A_737 {offsets = [3], sizes = [1], strides = [1]} : vector<16xi32> to vector<1xi32>
      %squeeze3A_2179 = vector.extract %slice3A_2178[0] : i32 from vector<1xi32>
      %and3A_2180 = arith.constant 127 : i32
      %and3A_2181 = arith.andi %squeeze3A_2179, %and3A_2180 : i32
      %broadcast_in_dim3A_2182 = vector.broadcast %and3A_2181 : i32 to vector<16xi32>
      %broadcast_in_dim3A_2183 = arith.constant 0 : i32
      %broadcast_in_dim3A_2184 = vector.broadcast %broadcast_in_dim3A_2183 : i32 to vector<16xi32>
      %add3A_2185 = arith.constant 19 : i32
      %add3A_2186 = vector.broadcast %add3A_2185 : i32 to vector<16xi32>
      %add3A_2187 = arith.addi %add3A_2186, %broadcast_in_dim3A_2184 : vector<16xi32>
      %gather3A_2188 = arith.constant 0 : i32
      %gather3A_2189 = arith.constant 3 : i32
      %gather3A_2190 = arith.constant 0 : i32
      %gather3A_2191 = arith.constant 0 : i32
      %gather3A_2192 = tpu.memref_slice %arg17[%gather3A_2188, %gather3A_2189, %gather3A_2190, %gather3A_2191] : memref<2x8x16x128xf32, #tpu.memory_space<vmem>> -> memref<1x1x16x128xf32, #tpu.memory_space<vmem>>
      %gather3A_2193 = tpu.memref_squeeze %gather3A_2192 : memref<1x1x16x128xf32, #tpu.memory_space<vmem>> -> memref<16x128xf32, #tpu.memory_space<vmem>>
      %gather3A_2194 = tpu.vector_load_idx %gather3A_2193[%iota3A, %broadcast_in_dim3A_2182] : memref<16x128xf32, #tpu.memory_space<vmem>>[vector<16xi32>, vector<16xi32>], vector<16xf32>,
      tpu.vector_store_idx %arg23[%iota3A, %add3A_2187], %gather3A_2194 : memref<16x32xf32, #tpu.memory_space<vmem>>[vector<16xi32>, vector<16xi32>], vector<16xf32>,
      %slice3A_2195 = vector.extract_strided_slice %get3A_737 {offsets = [4], sizes = [1], strides = [1]} : vector<16xi32> to vector<1xi32>
      %squeeze3A_2196 = vector.extract %slice3A_2195[0] : i32 from vector<1xi32>
      %and3A_2197 = arith.constant 127 : i32
      %and3A_2198 = arith.andi %squeeze3A_2196, %and3A_2197 : i32
      %broadcast_in_dim3A_2199 = vector.broadcast %and3A_2198 : i32 to vector<16xi32>
      %broadcast_in_dim3A_2200 = arith.constant 0 : i32
      %broadcast_in_dim3A_2201 = vector.broadcast %broadcast_in_dim3A_2200 : i32 to vector<16xi32>
      %add3A_2202 = arith.constant 20 : i32
      %add3A_2203 = vector.broadcast %add3A_2202 : i32 to vector<16xi32>
      %add3A_2204 = arith.addi %add3A_2203, %broadcast_in_dim3A_2201 : vector<16xi32>
      %gather3A_2205 = arith.constant 0 : i32
      %gather3A_2206 = arith.constant 4 : i32
      %gather3A_2207 = arith.constant 0 : i32
      %gather3A_2208 = arith.constant 0 : i32
      %gather3A_2209 = tpu.memref_slice %arg17[%gather3A_2205, %gather3A_2206, %gather3A_2207, %gather3A_2208] : memref<2x8x16x128xf32, #tpu.memory_space<vmem>> -> memref<1x1x16x128xf32, #tpu.memory_space<vmem>>
      %gather3A_2210 = tpu.memref_squeeze %gather3A_2209 : memref<1x1x16x128xf32, #tpu.memory_space<vmem>> -> memref<16x128xf32, #tpu.memory_space<vmem>>
      %gather3A_2211 = tpu.vector_load_idx %gather3A_2210[%iota3A, %broadcast_in_dim3A_2199] : memref<16x128xf32, #tpu.memory_space<vmem>>[vector<16xi32>, vector<16xi32>], vector<16xf32>,
      tpu.vector_store_idx %arg23[%iota3A, %add3A_2204], %gather3A_2211 : memref<16x32xf32, #tpu.memory_space<vmem>>[vector<16xi32>, vector<16xi32>], vector<16xf32>,
      %slice3A_2212 = vector.extract_strided_slice %get3A_737 {offsets = [5], sizes = [1], strides = [1]} : vector<16xi32> to vector<1xi32>
      %squeeze3A_2213 = vector.extract %slice3A_2212[0] : i32 from vector<1xi32>
      %and3A_2214 = arith.constant 127 : i32
      %and3A_2215 = arith.andi %squeeze3A_2213, %and3A_2214 : i32
      %broadcast_in_dim3A_2216 = vector.broadcast %and3A_2215 : i32 to vector<16xi32>
      %broadcast_in_dim3A_2217 = arith.constant 0 : i32
      %broadcast_in_dim3A_2218 = vector.broadcast %broadcast_in_dim3A_2217 : i32 to vector<16xi32>
      %add3A_2219 = arith.constant 21 : i32
      %add3A_2220 = vector.broadcast %add3A_2219 : i32 to vector<16xi32>
      %add3A_2221 = arith.addi %add3A_2220, %broadcast_in_dim3A_2218 : vector<16xi32>
      %gather3A_2222 = arith.constant 0 : i32
      %gather3A_2223 = arith.constant 5 : i32
      %gather3A_2224 = arith.constant 0 : i32
      %gather3A_2225 = arith.constant 0 : i32
      %gather3A_2226 = tpu.memref_slice %arg17[%gather3A_2222, %gather3A_2223, %gather3A_2224, %gather3A_2225] : memref<2x8x16x128xf32, #tpu.memory_space<vmem>> -> memref<1x1x16x128xf32, #tpu.memory_space<vmem>>
      %gather3A_2227 = tpu.memref_squeeze %gather3A_2226 : memref<1x1x16x128xf32, #tpu.memory_space<vmem>> -> memref<16x128xf32, #tpu.memory_space<vmem>>
      %gather3A_2228 = tpu.vector_load_idx %gather3A_2227[%iota3A, %broadcast_in_dim3A_2216] : memref<16x128xf32, #tpu.memory_space<vmem>>[vector<16xi32>, vector<16xi32>], vector<16xf32>,
      tpu.vector_store_idx %arg23[%iota3A, %add3A_2221], %gather3A_2228 : memref<16x32xf32, #tpu.memory_space<vmem>>[vector<16xi32>, vector<16xi32>], vector<16xf32>,
      %slice3A_2229 = vector.extract_strided_slice %get3A_737 {offsets = [6], sizes = [1], strides = [1]} : vector<16xi32> to vector<1xi32>
      %squeeze3A_2230 = vector.extract %slice3A_2229[0] : i32 from vector<1xi32>
      %and3A_2231 = arith.constant 127 : i32
      %and3A_2232 = arith.andi %squeeze3A_2230, %and3A_2231 : i32
      %broadcast_in_dim3A_2233 = vector.broadcast %and3A_2232 : i32 to vector<16xi32>
      %broadcast_in_dim3A_2234 = arith.constant 0 : i32
      %broadcast_in_dim3A_2235 = vector.broadcast %broadcast_in_dim3A_2234 : i32 to vector<16xi32>
      %add3A_2236 = arith.constant 22 : i32
      %add3A_2237 = vector.broadcast %add3A_2236 : i32 to vector<16xi32>
      %add3A_2238 = arith.addi %add3A_2237, %broadcast_in_dim3A_2235 : vector<16xi32>
      %gather3A_2239 = arith.constant 0 : i32
      %gather3A_2240 = arith.constant 6 : i32
      %gather3A_2241 = arith.constant 0 : i32
      %gather3A_2242 = arith.constant 0 : i32
      %gather3A_2243 = tpu.memref_slice %arg17[%gather3A_2239, %gather3A_2240, %gather3A_2241, %gather3A_2242] : memref<2x8x16x128xf32, #tpu.memory_space<vmem>> -> memref<1x1x16x128xf32, #tpu.memory_space<vmem>>
      %gather3A_2244 = tpu.memref_squeeze %gather3A_2243 : memref<1x1x16x128xf32, #tpu.memory_space<vmem>> -> memref<16x128xf32, #tpu.memory_space<vmem>>
      %gather3A_2245 = tpu.vector_load_idx %gather3A_2244[%iota3A, %broadcast_in_dim3A_2233] : memref<16x128xf32, #tpu.memory_space<vmem>>[vector<16xi32>, vector<16xi32>], vector<16xf32>,
      tpu.vector_store_idx %arg23[%iota3A, %add3A_2238], %gather3A_2245 : memref<16x32xf32, #tpu.memory_space<vmem>>[vector<16xi32>, vector<16xi32>], vector<16xf32>,
      %slice3A_2246 = vector.extract_strided_slice %get3A_737 {offsets = [7], sizes = [1], strides = [1]} : vector<16xi32> to vector<1xi32>
      %squeeze3A_2247 = vector.extract %slice3A_2246[0] : i32 from vector<1xi32>
      %and3A_2248 = arith.constant 127 : i32
      %and3A_2249 = arith.andi %squeeze3A_2247, %and3A_2248 : i32
      %broadcast_in_dim3A_2250 = vector.broadcast %and3A_2249 : i32 to vector<16xi32>
      %broadcast_in_dim3A_2251 = arith.constant 0 : i32
      %broadcast_in_dim3A_2252 = vector.broadcast %broadcast_in_dim3A_2251 : i32 to vector<16xi32>
      %add3A_2253 = arith.constant 23 : i32
      %add3A_2254 = vector.broadcast %add3A_2253 : i32 to vector<16xi32>
      %add3A_2255 = arith.addi %add3A_2254, %broadcast_in_dim3A_2252 : vector<16xi32>
      %gather3A_2256 = arith.constant 0 : i32
      %gather3A_2257 = arith.constant 7 : i32
      %gather3A_2258 = arith.constant 0 : i32
      %gather3A_2259 = arith.constant 0 : i32
      %gather3A_2260 = tpu.memref_slice %arg17[%gather3A_2256, %gather3A_2257, %gather3A_2258, %gather3A_2259] : memref<2x8x16x128xf32, #tpu.memory_space<vmem>> -> memref<1x1x16x128xf32, #tpu.memory_space<vmem>>
      %gather3A_2261 = tpu.memref_squeeze %gather3A_2260 : memref<1x1x16x128xf32, #tpu.memory_space<vmem>> -> memref<16x128xf32, #tpu.memory_space<vmem>>
      %gather3A_2262 = tpu.vector_load_idx %gather3A_2261[%iota3A, %broadcast_in_dim3A_2250] : memref<16x128xf32, #tpu.memory_space<vmem>>[vector<16xi32>, vector<16xi32>], vector<16xf32>,
      tpu.vector_store_idx %arg23[%iota3A, %add3A_2255], %gather3A_2262 : memref<16x32xf32, #tpu.memory_space<vmem>>[vector<16xi32>, vector<16xi32>], vector<16xf32>,
      %slice3A_2263 = vector.extract_strided_slice %get3A_737 {offsets = [8], sizes = [1], strides = [1]} : vector<16xi32> to vector<1xi32>
      %squeeze3A_2264 = vector.extract %slice3A_2263[0] : i32 from vector<1xi32>
      %and3A_2265 = arith.constant 127 : i32
      %and3A_2266 = arith.andi %squeeze3A_2264, %and3A_2265 : i32
      %broadcast_in_dim3A_2267 = vector.broadcast %and3A_2266 : i32 to vector<16xi32>
      %broadcast_in_dim3A_2268 = arith.constant 0 : i32
      %broadcast_in_dim3A_2269 = vector.broadcast %broadcast_in_dim3A_2268 : i32 to vector<16xi32>
      %add3A_2270 = arith.constant 24 : i32
      %add3A_2271 = vector.broadcast %add3A_2270 : i32 to vector<16xi32>
      %add3A_2272 = arith.addi %add3A_2271, %broadcast_in_dim3A_2269 : vector<16xi32>
      %gather3A_2273 = arith.constant 1 : i32
      %gather3A_2274 = arith.constant 0 : i32
      %gather3A_2275 = arith.constant 0 : i32
      %gather3A_2276 = arith.constant 0 : i32
      %gather3A_2277 = tpu.memref_slice %arg17[%gather3A_2273, %gather3A_2274, %gather3A_2275, %gather3A_2276] : memref<2x8x16x128xf32, #tpu.memory_space<vmem>> -> memref<1x1x16x128xf32, #tpu.memory_space<vmem>>
      %gather3A_2278 = tpu.memref_squeeze %gather3A_2277 : memref<1x1x16x128xf32, #tpu.memory_space<vmem>> -> memref<16x128xf32, #tpu.memory_space<vmem>>
      %gather3A_2279 = tpu.vector_load_idx %gather3A_2278[%iota3A, %broadcast_in_dim3A_2267] : memref<16x128xf32, #tpu.memory_space<vmem>>[vector<16xi32>, vector<16xi32>], vector<16xf32>,
      tpu.vector_store_idx %arg23[%iota3A, %add3A_2272], %gather3A_2279 : memref<16x32xf32, #tpu.memory_space<vmem>>[vector<16xi32>, vector<16xi32>], vector<16xf32>,
      %slice3A_2280 = vector.extract_strided_slice %get3A_737 {offsets = [9], sizes = [1], strides = [1]} : vector<16xi32> to vector<1xi32>
      %squeeze3A_2281 = vector.extract %slice3A_2280[0] : i32 from vector<1xi32>
      %and3A_2282 = arith.constant 127 : i32
      %and3A_2283 = arith.andi %squeeze3A_2281, %and3A_2282 : i32
      %broadcast_in_dim3A_2284 = vector.broadcast %and3A_2283 : i32 to vector<16xi32>
      %broadcast_in_dim3A_2285 = arith.constant 0 : i32
      %broadcast_in_dim3A_2286 = vector.broadcast %broadcast_in_dim3A_2285 : i32 to vector<16xi32>
      %add3A_2287 = arith.constant 25 : i32
      %add3A_2288 = vector.broadcast %add3A_2287 : i32 to vector<16xi32>
      %add3A_2289 = arith.addi %add3A_2288, %broadcast_in_dim3A_2286 : vector<16xi32>
      %gather3A_2290 = arith.constant 1 : i32
      %gather3A_2291 = arith.constant 1 : i32
      %gather3A_2292 = arith.constant 0 : i32
      %gather3A_2293 = arith.constant 0 : i32
      %gather3A_2294 = tpu.memref_slice %arg17[%gather3A_2290, %gather3A_2291, %gather3A_2292, %gather3A_2293] : memref<2x8x16x128xf32, #tpu.memory_space<vmem>> -> memref<1x1x16x128xf32, #tpu.memory_space<vmem>>
      %gather3A_2295 = tpu.memref_squeeze %gather3A_2294 : memref<1x1x16x128xf32, #tpu.memory_space<vmem>> -> memref<16x128xf32, #tpu.memory_space<vmem>>
      %gather3A_2296 = tpu.vector_load_idx %gather3A_2295[%iota3A, %broadcast_in_dim3A_2284] : memref<16x128xf32, #tpu.memory_space<vmem>>[vector<16xi32>, vector<16xi32>], vector<16xf32>,
      tpu.vector_store_idx %arg23[%iota3A, %add3A_2289], %gather3A_2296 : memref<16x32xf32, #tpu.memory_space<vmem>>[vector<16xi32>, vector<16xi32>], vector<16xf32>,
      %slice3A_2297 = vector.extract_strided_slice %get3A_737 {offsets = [10], sizes = [1], strides = [1]} : vector<16xi32> to vector<1xi32>
      %squeeze3A_2298 = vector.extract %slice3A_2297[0] : i32 from vector<1xi32>
      %and3A_2299 = arith.constant 127 : i32
      %and3A_2300 = arith.andi %squeeze3A_2298, %and3A_2299 : i32
      %broadcast_in_dim3A_2301 = vector.broadcast %and3A_2300 : i32 to vector<16xi32>
      %broadcast_in_dim3A_2302 = arith.constant 0 : i32
      %broadcast_in_dim3A_2303 = vector.broadcast %broadcast_in_dim3A_2302 : i32 to vector<16xi32>
      %add3A_2304 = arith.constant 26 : i32
      %add3A_2305 = vector.broadcast %add3A_2304 : i32 to vector<16xi32>
      %add3A_2306 = arith.addi %add3A_2305, %broadcast_in_dim3A_2303 : vector<16xi32>
      %gather3A_2307 = arith.constant 1 : i32
      %gather3A_2308 = arith.constant 2 : i32
      %gather3A_2309 = arith.constant 0 : i32
      %gather3A_2310 = arith.constant 0 : i32
      %gather3A_2311 = tpu.memref_slice %arg17[%gather3A_2307, %gather3A_2308, %gather3A_2309, %gather3A_2310] : memref<2x8x16x128xf32, #tpu.memory_space<vmem>> -> memref<1x1x16x128xf32, #tpu.memory_space<vmem>>
      %gather3A_2312 = tpu.memref_squeeze %gather3A_2311 : memref<1x1x16x128xf32, #tpu.memory_space<vmem>> -> memref<16x128xf32, #tpu.memory_space<vmem>>
      %gather3A_2313 = tpu.vector_load_idx %gather3A_2312[%iota3A, %broadcast_in_dim3A_2301] : memref<16x128xf32, #tpu.memory_space<vmem>>[vector<16xi32>, vector<16xi32>], vector<16xf32>,
      tpu.vector_store_idx %arg23[%iota3A, %add3A_2306], %gather3A_2313 : memref<16x32xf32, #tpu.memory_space<vmem>>[vector<16xi32>, vector<16xi32>], vector<16xf32>,
      %slice3A_2314 = vector.extract_strided_slice %get3A_737 {offsets = [11], sizes = [1], strides = [1]} : vector<16xi32> to vector<1xi32>
      %squeeze3A_2315 = vector.extract %slice3A_2314[0] : i32 from vector<1xi32>
      %and3A_2316 = arith.constant 127 : i32
      %and3A_2317 = arith.andi %squeeze3A_2315, %and3A_2316 : i32
      %broadcast_in_dim3A_2318 = vector.broadcast %and3A_2317 : i32 to vector<16xi32>
      %broadcast_in_dim3A_2319 = arith.constant 0 : i32
      %broadcast_in_dim3A_2320 = vector.broadcast %broadcast_in_dim3A_2319 : i32 to vector<16xi32>
      %add3A_2321 = arith.constant 27 : i32
      %add3A_2322 = vector.broadcast %add3A_2321 : i32 to vector<16xi32>
      %add3A_2323 = arith.addi %add3A_2322, %broadcast_in_dim3A_2320 : vector<16xi32>
      %gather3A_2324 = arith.constant 1 : i32
      %gather3A_2325 = arith.constant 3 : i32
      %gather3A_2326 = arith.constant 0 : i32
      %gather3A_2327 = arith.constant 0 : i32
      %gather3A_2328 = tpu.memref_slice %arg17[%gather3A_2324, %gather3A_2325, %gather3A_2326, %gather3A_2327] : memref<2x8x16x128xf32, #tpu.memory_space<vmem>> -> memref<1x1x16x128xf32, #tpu.memory_space<vmem>>
      %gather3A_2329 = tpu.memref_squeeze %gather3A_2328 : memref<1x1x16x128xf32, #tpu.memory_space<vmem>> -> memref<16x128xf32, #tpu.memory_space<vmem>>
      %gather3A_2330 = tpu.vector_load_idx %gather3A_2329[%iota3A, %broadcast_in_dim3A_2318] : memref<16x128xf32, #tpu.memory_space<vmem>>[vector<16xi32>, vector<16xi32>], vector<16xf32>,
      tpu.vector_store_idx %arg23[%iota3A, %add3A_2323], %gather3A_2330 : memref<16x32xf32, #tpu.memory_space<vmem>>[vector<16xi32>, vector<16xi32>], vector<16xf32>,
      %slice3A_2331 = vector.extract_strided_slice %get3A_737 {offsets = [12], sizes = [1], strides = [1]} : vector<16xi32> to vector<1xi32>
      %squeeze3A_2332 = vector.extract %slice3A_2331[0] : i32 from vector<1xi32>
      %and3A_2333 = arith.constant 127 : i32
      %and3A_2334 = arith.andi %squeeze3A_2332, %and3A_2333 : i32
      %broadcast_in_dim3A_2335 = vector.broadcast %and3A_2334 : i32 to vector<16xi32>
      %broadcast_in_dim3A_2336 = arith.constant 0 : i32
      %broadcast_in_dim3A_2337 = vector.broadcast %broadcast_in_dim3A_2336 : i32 to vector<16xi32>
      %add3A_2338 = arith.constant 28 : i32
      %add3A_2339 = vector.broadcast %add3A_2338 : i32 to vector<16xi32>
      %add3A_2340 = arith.addi %add3A_2339, %broadcast_in_dim3A_2337 : vector<16xi32>
      %gather3A_2341 = arith.constant 1 : i32
      %gather3A_2342 = arith.constant 4 : i32
      %gather3A_2343 = arith.constant 0 : i32
      %gather3A_2344 = arith.constant 0 : i32
      %gather3A_2345 = tpu.memref_slice %arg17[%gather3A_2341, %gather3A_2342, %gather3A_2343, %gather3A_2344] : memref<2x8x16x128xf32, #tpu.memory_space<vmem>> -> memref<1x1x16x128xf32, #tpu.memory_space<vmem>>
      %gather3A_2346 = tpu.memref_squeeze %gather3A_2345 : memref<1x1x16x128xf32, #tpu.memory_space<vmem>> -> memref<16x128xf32, #tpu.memory_space<vmem>>
      %gather3A_2347 = tpu.vector_load_idx %gather3A_2346[%iota3A, %broadcast_in_dim3A_2335] : memref<16x128xf32, #tpu.memory_space<vmem>>[vector<16xi32>, vector<16xi32>], vector<16xf32>,
      tpu.vector_store_idx %arg23[%iota3A, %add3A_2340], %gather3A_2347 : memref<16x32xf32, #tpu.memory_space<vmem>>[vector<16xi32>, vector<16xi32>], vector<16xf32>,
      %slice3A_2348 = vector.extract_strided_slice %get3A_737 {offsets = [13], sizes = [1], strides = [1]} : vector<16xi32> to vector<1xi32>
      %squeeze3A_2349 = vector.extract %slice3A_2348[0] : i32 from vector<1xi32>
      %and3A_2350 = arith.constant 127 : i32
      %and3A_2351 = arith.andi %squeeze3A_2349, %and3A_2350 : i32
      %broadcast_in_dim3A_2352 = vector.broadcast %and3A_2351 : i32 to vector<16xi32>
      %broadcast_in_dim3A_2353 = arith.constant 0 : i32
      %broadcast_in_dim3A_2354 = vector.broadcast %broadcast_in_dim3A_2353 : i32 to vector<16xi32>
      %add3A_2355 = arith.constant 29 : i32
      %add3A_2356 = vector.broadcast %add3A_2355 : i32 to vector<16xi32>
      %add3A_2357 = arith.addi %add3A_2356, %broadcast_in_dim3A_2354 : vector<16xi32>
      %gather3A_2358 = arith.constant 1 : i32
      %gather3A_2359 = arith.constant 5 : i32
      %gather3A_2360 = arith.constant 0 : i32
      %gather3A_2361 = arith.constant 0 : i32
      %gather3A_2362 = tpu.memref_slice %arg17[%gather3A_2358, %gather3A_2359, %gather3A_2360, %gather3A_2361] : memref<2x8x16x128xf32, #tpu.memory_space<vmem>> -> memref<1x1x16x128xf32, #tpu.memory_space<vmem>>
      %gather3A_2363 = tpu.memref_squeeze %gather3A_2362 : memref<1x1x16x128xf32, #tpu.memory_space<vmem>> -> memref<16x128xf32, #tpu.memory_space<vmem>>
      %gather3A_2364 = tpu.vector_load_idx %gather3A_2363[%iota3A, %broadcast_in_dim3A_2352] : memref<16x128xf32, #tpu.memory_space<vmem>>[vector<16xi32>, vector<16xi32>], vector<16xf32>,
      tpu.vector_store_idx %arg23[%iota3A, %add3A_2357], %gather3A_2364 : memref<16x32xf32, #tpu.memory_space<vmem>>[vector<16xi32>, vector<16xi32>], vector<16xf32>,
      %slice3A_2365 = vector.extract_strided_slice %get3A_737 {offsets = [14], sizes = [1], strides = [1]} : vector<16xi32> to vector<1xi32>
      %squeeze3A_2366 = vector.extract %slice3A_2365[0] : i32 from vector<1xi32>
      %and3A_2367 = arith.constant 127 : i32
      %and3A_2368 = arith.andi %squeeze3A_2366, %and3A_2367 : i32
      %broadcast_in_dim3A_2369 = vector.broadcast %and3A_2368 : i32 to vector<16xi32>
      %broadcast_in_dim3A_2370 = arith.constant 0 : i32
      %broadcast_in_dim3A_2371 = vector.broadcast %broadcast_in_dim3A_2370 : i32 to vector<16xi32>
      %add3A_2372 = arith.constant 30 : i32
      %add3A_2373 = vector.broadcast %add3A_2372 : i32 to vector<16xi32>
      %add3A_2374 = arith.addi %add3A_2373, %broadcast_in_dim3A_2371 : vector<16xi32>
      %gather3A_2375 = arith.constant 1 : i32
      %gather3A_2376 = arith.constant 6 : i32
      %gather3A_2377 = arith.constant 0 : i32
      %gather3A_2378 = arith.constant 0 : i32
      %gather3A_2379 = tpu.memref_slice %arg17[%gather3A_2375, %gather3A_2376, %gather3A_2377, %gather3A_2378] : memref<2x8x16x128xf32, #tpu.memory_space<vmem>> -> memref<1x1x16x128xf32, #tpu.memory_space<vmem>>
      %gather3A_2380 = tpu.memref_squeeze %gather3A_2379 : memref<1x1x16x128xf32, #tpu.memory_space<vmem>> -> memref<16x128xf32, #tpu.memory_space<vmem>>
      %gather3A_2381 = tpu.vector_load_idx %gather3A_2380[%iota3A, %broadcast_in_dim3A_2369] : memref<16x128xf32, #tpu.memory_space<vmem>>[vector<16xi32>, vector<16xi32>], vector<16xf32>,
      tpu.vector_store_idx %arg23[%iota3A, %add3A_2374], %gather3A_2381 : memref<16x32xf32, #tpu.memory_space<vmem>>[vector<16xi32>, vector<16xi32>], vector<16xf32>,
      %slice3A_2382 = vector.extract_strided_slice %get3A_737 {offsets = [15], sizes = [1], strides = [1]} : vector<16xi32> to vector<1xi32>
      %squeeze3A_2383 = vector.extract %slice3A_2382[0] : i32 from vector<1xi32>
      %and3A_2384 = arith.constant 127 : i32
      %and3A_2385 = arith.andi %squeeze3A_2383, %and3A_2384 : i32
      %broadcast_in_dim3A_2386 = vector.broadcast %and3A_2385 : i32 to vector<16xi32>
      %broadcast_in_dim3A_2387 = arith.constant 0 : i32
      %broadcast_in_dim3A_2388 = vector.broadcast %broadcast_in_dim3A_2387 : i32 to vector<16xi32>
      %add3A_2389 = arith.constant 31 : i32
      %add3A_2390 = vector.broadcast %add3A_2389 : i32 to vector<16xi32>
      %add3A_2391 = arith.addi %add3A_2390, %broadcast_in_dim3A_2388 : vector<16xi32>
      %gather3A_2392 = arith.constant 1 : i32
      %gather3A_2393 = arith.constant 7 : i32
      %gather3A_2394 = arith.constant 0 : i32
      %gather3A_2395 = arith.constant 0 : i32
      %gather3A_2396 = tpu.memref_slice %arg17[%gather3A_2392, %gather3A_2393, %gather3A_2394, %gather3A_2395] : memref<2x8x16x128xf32, #tpu.memory_space<vmem>> -> memref<1x1x16x128xf32, #tpu.memory_space<vmem>>
      %gather3A_2397 = tpu.memref_squeeze %gather3A_2396 : memref<1x1x16x128xf32, #tpu.memory_space<vmem>> -> memref<16x128xf32, #tpu.memory_space<vmem>>
      %gather3A_2398 = tpu.vector_load_idx %gather3A_2397[%iota3A, %broadcast_in_dim3A_2386] : memref<16x128xf32, #tpu.memory_space<vmem>>[vector<16xi32>, vector<16xi32>], vector<16xf32>,
      tpu.vector_store_idx %arg23[%iota3A, %add3A_2391], %gather3A_2398 : memref<16x32xf32, #tpu.memory_space<vmem>>[vector<16xi32>, vector<16xi32>], vector<16xf32>,
      %dma_wait3A_2399 = arith.constant 0 : i32
      %dma_wait3A_2400 = tpu.memref_slice %arg6[%dma_wait3A_2399] : memref<1000000xf32, #tpu.memory_space<hbm>> -> memref<1000000xf32, #tpu.memory_space<hbm>>
      tpu.wait_indirect_dma semaphore(%arg26 : memref<!tpu.dma_semaphore, #tpu.memory_space<semaphore_mem>>) src(%dma_wait3A_2400 : memref<1000000xf32, #tpu.memory_space<hbm>>) dst(%arg24 : memref<32xf32, #tpu.memory_space<vmem>>)
      "tpu.region"() ({
        %run_scoped3A = tpu.sem_alloc : memref<!tpu.dma_semaphore, #tpu.memory_space<semaphore_mem>>
        tpu.enqueue_dma source(%arg23 : memref<16x32xf32, #tpu.memory_space<vmem>>) target(%arg11 : memref<16x32xf32, #tpu.memory_space<hbm>>) target_semaphore(%run_scoped3A : memref<!tpu.dma_semaphore, #tpu.memory_space<semaphore_mem>>)
        tpu.wait_dma2 semaphore(%run_scoped3A : memref<!tpu.dma_semaphore, #tpu.memory_space<semaphore_mem>>) src(%arg23 : memref<16x32xf32, #tpu.memory_space<vmem>>) dst(%arg11 : memref<16x32xf32, #tpu.memory_space<hbm>>)
        tpu.yield
      }) : () -> ()
      "tpu.region"() ({
        %run_scoped3A = tpu.sem_alloc : memref<!tpu.dma_semaphore, #tpu.memory_space<semaphore_mem>>
        tpu.enqueue_dma source(%arg24 : memref<32xf32, #tpu.memory_space<vmem>>) target(%arg12 : memref<32xf32, #tpu.memory_space<hbm>>) target_semaphore(%run_scoped3A : memref<!tpu.dma_semaphore, #tpu.memory_space<semaphore_mem>>)
        tpu.wait_dma2 semaphore(%run_scoped3A : memref<!tpu.dma_semaphore, #tpu.memory_space<semaphore_mem>>) src(%arg24 : memref<32xf32, #tpu.memory_space<vmem>>) dst(%arg12 : memref<32xf32, #tpu.memory_space<hbm>>)
        tpu.yield
      }) : () -> ()
    } else {
    }
    return
  }
}

module attributes {stable_mosaic.version = 14 : i64} {
  func.func @_tc_loss_body(%arg0: i32, %arg1: memref<16x16384xf32, #tpu.memory_space<vmem>>, %arg2: memref<16x16384xf32, #tpu.memory_space<vmem>>, %arg3: memref<16384xf32, #tpu.memory_space<vmem>>, %arg4: memref<16384xi32, #tpu.memory_space<vmem>>, %arg5: memref<16x32xf32, #tpu.memory_space<vmem>>, %arg6: memref<32xf32, #tpu.memory_space<vmem>>, %arg7: memref<32xi32, #tpu.memory_space<vmem>>, %arg8: memref<16384xf32, #tpu.memory_space<vmem>>) attributes {dimension_semantics = [#tpu.dimension_semantics<arbitrary>], iteration_bounds = array<i64: 1>, scalar_prefetch = 0 : i64, scratch_operands = 0 : i64, tpu.core_type = #tpu.core_type<tc>, window_params = [{transform_indices = @transform_0, window_bounds = array<i64: 16, 16384>}, {transform_indices = @transform_1, window_bounds = array<i64: 16, 16384>}, {transform_indices = @transform_2, window_bounds = array<i64: 16384>}, {transform_indices = @transform_3, window_bounds = array<i64: 16384>}, {pipeline_mode = #tpu.pipeline_mode<synchronous>, transform_indices = @transform_4, window_bounds = array<i64: 16, 32>}, {pipeline_mode = #tpu.pipeline_mode<synchronous>, transform_indices = @transform_5, window_bounds = array<i64: 32>}, {pipeline_mode = #tpu.pipeline_mode<synchronous>, transform_indices = @transform_6, window_bounds = array<i64: 32>}, {transform_indices = @transform_7, window_bounds = array<i64: 16384>}]} {
    %get3A = arith.constant 0 : index
    %get3A_0 = arith.constant 0 : index
    %get3A_1 = vector.load %arg1[%get3A, %get3A_0] : memref<16x16384xf32, #tpu.memory_space<vmem>>, vector<16x16384xf32>
    %get3A_2 = arith.constant 0 : index
    %get3A_3 = arith.constant 0 : index
    %get3A_4 = vector.load %arg2[%get3A_2, %get3A_3] : memref<16x16384xf32, #tpu.memory_space<vmem>>, vector<16x16384xf32>
    %get3A_5 = arith.constant 0 : index
    %get3A_6 = vector.load %arg3[%get3A_5] : memref<16384xf32, #tpu.memory_space<vmem>>, vector<16384xf32>
    %get3A_7 = arith.constant 0 : index
    %get3A_8 = vector.load %arg4[%get3A_7] : memref<16384xi32, #tpu.memory_space<vmem>>, vector<16384xi32>
    %get3A_9 = arith.constant 0 : index
    %get3A_10 = arith.constant 0 : index
    %get3A_11 = vector.load %arg5[%get3A_9, %get3A_10] : memref<16x32xf32, #tpu.memory_space<vmem>>, vector<16x32xf32>
    %get3A_12 = arith.constant 0 : index
    %get3A_13 = vector.load %arg6[%get3A_12] : memref<32xf32, #tpu.memory_space<vmem>>, vector<32xf32>
    %get3A_14 = arith.constant 0 : index
    %get3A_15 = vector.load %arg7[%get3A_14] : memref<32xi32, #tpu.memory_space<vmem>>, vector<32xi32>
    %log3A = arith.constant 0x49742410 : f32
    %log3A_16 = math.log %log3A : f32
    %mul3A = arith.mulf %get3A_1, %get3A_4 : vector<16x16384xf32>
    %reduce_sum3A = arith.constant dense<0.000000e+00> : vector<16384xf32>
    %reduce_sum3A_17 = vector.multi_reduction <add>, %mul3A, %reduce_sum3A [0] : vector<16x16384xf32> to vector<16384xf32>
    %add3A = arith.addf %reduce_sum3A_17, %get3A_6 : vector<16384xf32>
    %convert_element_type3A = arith.sitofp %get3A_8 : vector<16384xi32> to vector<16384xf32>
    %add3A_18 = arith.constant 2.000000e+00 : f32
    %add3A_19 = vector.broadcast %add3A_18 : f32 to vector<16384xf32>
    %add3A_20 = arith.addf %convert_element_type3A, %add3A_19 : vector<16384xf32>
    %log3A_21 = math.log %add3A_20 : vector<16384xf32>
    %add3A_22 = arith.constant 1.000000e+00 : f32
    %add3A_23 = vector.broadcast %add3A_22 : f32 to vector<16384xf32>
    %add3A_24 = arith.addf %convert_element_type3A, %add3A_23 : vector<16384xf32>
    %log3A_25 = math.log %add3A_24 : vector<16384xf32>
    %sub3A = arith.subf %log3A_21, %log3A_25 : vector<16384xf32>
    %div3A = vector.broadcast %log3A_16 : f32 to vector<16384xf32>
    %div3A_26 = arith.divf %sub3A, %div3A : vector<16384xf32>
    %mul3A_27 = arith.constant 3.200000e+01 : f32
    %mul3A_28 = vector.broadcast %mul3A_27 : f32 to vector<16384xf32>
    %mul3A_29 = arith.mulf %mul3A_28, %div3A_26 : vector<16384xf32>
    %log3A_30 = math.log %mul3A_29 : vector<16384xf32>
    %sub3A_31 = arith.subf %add3A, %log3A_30 : vector<16384xf32>
    %dot_general3A = arith.constant dense<0.000000e+00> : vector<16384x32xf32>
    %dot_general3A_32 = tpu.matmul %get3A_1, %get3A_11, %dot_general3A {dimension_numbers = #tpu.dot_dimension_numbers<[0], [0], [1], [1], [0, 1, 1, 1], [], []>, transpose_lhs_hint = false} : vector<16x16384xf32>, vector<16x32xf32>, vector<16384x32xf32> -> vector<16384x32xf32>
    %convert_element_type3A_33 = arith.sitofp %get3A_15 : vector<32xi32> to vector<32xf32>
    %add3A_34 = arith.constant 2.000000e+00 : f32
    %add3A_35 = vector.broadcast %add3A_34 : f32 to vector<32xf32>
    %add3A_36 = arith.addf %convert_element_type3A_33, %add3A_35 : vector<32xf32>
    %log3A_37 = math.log %add3A_36 : vector<32xf32>
    %add3A_38 = arith.constant 1.000000e+00 : f32
    %add3A_39 = vector.broadcast %add3A_38 : f32 to vector<32xf32>
    %add3A_40 = arith.addf %convert_element_type3A_33, %add3A_39 : vector<32xf32>
    %log3A_41 = math.log %add3A_40 : vector<32xf32>
    %sub3A_42 = arith.subf %log3A_37, %log3A_41 : vector<32xf32>
    %div3A_43 = vector.broadcast %log3A_16 : f32 to vector<32xf32>
    %div3A_44 = arith.divf %sub3A_42, %div3A_43 : vector<32xf32>
    %mul3A_45 = arith.constant 3.200000e+01 : f32
    %mul3A_46 = vector.broadcast %mul3A_45 : f32 to vector<32xf32>
    %mul3A_47 = arith.mulf %mul3A_46, %div3A_44 : vector<32xf32>
    %log3A_48 = math.log %mul3A_47 : vector<32xf32>
    %sub3A_49 = arith.subf %get3A_13, %log3A_48 : vector<32xf32>
    %broadcast_in_dim3A = vector.shape_cast %sub3A_49 : vector<32xf32> to vector<1x32xf32>
    %add3A_50 = vector.broadcast %broadcast_in_dim3A : vector<1x32xf32> to vector<16384x32xf32>
    %add3A_51 = arith.addf %dot_general3A_32, %add3A_50 : vector<16384x32xf32>
    %max3A = arith.constant 0.000000e+00 : f32
    %max3A_52 = vector.broadcast %max3A : f32 to vector<16384xf32>
    %max3A_53 = arith.maximumf %sub3A_31, %max3A_52 : vector<16384xf32>
    %mul3A_54 = arith.constant 1.000000e+00 : f32
    %mul3A_55 = vector.broadcast %mul3A_54 : f32 to vector<16384xf32>
    %mul3A_56 = arith.mulf %sub3A_31, %mul3A_55 : vector<16384xf32>
    %sub3A_57 = arith.subf %max3A_53, %mul3A_56 : vector<16384xf32>
    %abs3A = math.absf %sub3A_31 : vector<16384xf32>
    %neg3A = arith.constant 0.000000e+00 : f32
    %neg3A_58 = vector.broadcast %neg3A : f32 to vector<16384xf32>
    %neg3A_59 = arith.subf %neg3A_58, %abs3A : vector<16384xf32>
    %exp3A = math.exp %neg3A_59 : vector<16384xf32>
    %log1p3A = math.log1p %exp3A : vector<16384xf32>
    %add3A_60 = arith.addf %sub3A_57, %log1p3A : vector<16384xf32>
    %max3A_61 = arith.constant 0.000000e+00 : f32
    %max3A_62 = vector.broadcast %max3A_61 : f32 to vector<16384x32xf32>
    %max3A_63 = arith.maximumf %add3A_51, %max3A_62 : vector<16384x32xf32>
    %mul3A_64 = arith.constant 0.000000e+00 : f32
    %mul3A_65 = vector.broadcast %mul3A_64 : f32 to vector<16384x32xf32>
    %mul3A_66 = arith.mulf %add3A_51, %mul3A_65 : vector<16384x32xf32>
    %sub3A_67 = arith.subf %max3A_63, %mul3A_66 : vector<16384x32xf32>
    %abs3A_68 = math.absf %add3A_51 : vector<16384x32xf32>
    %neg3A_69 = arith.constant 0.000000e+00 : f32
    %neg3A_70 = vector.broadcast %neg3A_69 : f32 to vector<16384x32xf32>
    %neg3A_71 = arith.subf %neg3A_70, %abs3A_68 : vector<16384x32xf32>
    %exp3A_72 = math.exp %neg3A_71 : vector<16384x32xf32>
    %log1p3A_73 = math.log1p %exp3A_72 : vector<16384x32xf32>
    %add3A_74 = arith.addf %sub3A_67, %log1p3A_73 : vector<16384x32xf32>
    %reduce_sum3A_75 = arith.constant dense<0.000000e+00> : vector<16384xf32>
    %reduce_sum3A_76 = vector.multi_reduction <add>, %add3A_74, %reduce_sum3A_75 [1] : vector<16384x32xf32> to vector<16384xf32>
    %add3A_77 = arith.addf %add3A_60, %reduce_sum3A_76 : vector<16384xf32>
    %swap3A = arith.constant 0 : index
    %swap3A_78 = vector.load %arg8[%swap3A] : memref<16384xf32, #tpu.memory_space<vmem>>, vector<16384xf32>
    tpu.vector_store %arg8[%swap3A], %add3A_77 {strides = array<i32>} : memref<16384xf32, #tpu.memory_space<vmem>>, vector<16384xf32>,
    return
  }
  func.func @transform_0(%arg0: i32) -> (i32, i32) {
    %c0_i32 = arith.constant 0 : i32
    %c0_i32_0 = arith.constant 0 : i32
    return %c0_i32, %arg0 : i32, i32
  }
  func.func @transform_1(%arg0: i32) -> (i32, i32) {
    %c0_i32 = arith.constant 0 : i32
    %c0_i32_0 = arith.constant 0 : i32
    return %c0_i32, %arg0 : i32, i32
  }
  func.func @transform_2(%arg0: i32) -> i32 {
    %c0_i32 = arith.constant 0 : i32
    return %arg0 : i32
  }
  func.func @transform_3(%arg0: i32) -> i32 {
    %c0_i32 = arith.constant 0 : i32
    return %arg0 : i32
  }
  func.func @transform_4(%arg0: i32) -> (i32, i32) {
    %c0_i32 = arith.constant 0 : i32
    %c0_i32_0 = arith.constant 0 : i32
    %c0_i32_1 = arith.constant 0 : i32
    return %c0_i32, %c0_i32_0 : i32, i32
  }
  func.func @transform_5(%arg0: i32) -> i32 {
    %c0_i32 = arith.constant 0 : i32
    %c0_i32_0 = arith.constant 0 : i32
    return %c0_i32 : i32
  }
  func.func @transform_6(%arg0: i32) -> i32 {
    %c0_i32 = arith.constant 0 : i32
    %c0_i32_0 = arith.constant 0 : i32
    return %c0_i32 : i32
  }
  func.func @transform_7(%arg0: i32) -> i32 {
    %c0_i32 = arith.constant 0 : i32
    return %arg0 : i32
  }
}

</mosaic_0001>

<sc_bundles>
// kernel: kernel.4.cloned.1.call-start
scs
__scs_entry_jumppad:
0x0: {  	(pc) =	sbr.rel $0x88, $3  }
0x1: {  	(tag) =	ssettag $0x0;
	lr =	simm.s32 $0x1  }
0x2: {  	[smem:$0x3F9B] =	sst lr;
	_ =	strace $0xD0000000  }
0x3: {  	_ = 	snop  }
0x4: {  	_ = 	snop  }
0x5: {  	_ = 	snop  }
0x6: {  	_ = 	snop  }
0x7: {  	_ = 	snop  }
__scs_overlays_trampoline_lowered:
0x8: {  	[smem:$0x3FAA] =	sst s0  }
0x9: {  	[smem:$0x3FAB] =	sst s1  }
0xa: {  	[smem:$0x3FAC] =	sst s2  }
0xb: {  	[smem:$0x3FAD] =	sst s3  }
0xc: {  	[smem:$0x3FAE] =	sst s4  }
0xd: {  	[smem:$0x3FAF] =	sst s5  }
0xe: {  	[smem:$0x3FB0] =	sst s6  }
0xf: {  	[smem:$0x3FB1] =	sst s7  }
0x10: {  	[smem:$0x3FB2] =	sst s8  }
0x11: {  	[smem:$0x3FB3] =	sst s9;
	s0 =	simm.s32 @!p0 $0x0  }
0x12: {  	s1 =	sld [smem:$0x3F99];
	s0 =	simm.s32 @p0 $0x1  }
0x13: {  	[smem:$0x3FB4] =	sst s0;
	s0 =	simm.s32 @!p1 $0x0  }
0x14: {  	s2 =	sld [smem:$0x3F98];
	s0 =	simm.s32 @p1 $0x1  }
0x15: {  	[smem:$0x3FB5] =	sst s0;
	s0 =	simm.s32 @!p2 $0x0  }
0x16: {  	s3 =	sld [smem:$0x3FDB];
	s0 =	simm.s32 @p2 $0x1  }
0x17: {  	s4 =	simm.s32 $0x1BF5;
	[smem:$0x3FB7] =	sst s0  }
0x18: {  	s0 =	sld [smem:$0x3F9A];
	_ =	swait.ge [sflag:s4], $0x0  }
0x19: {  	s7 =	sld [smem:$0x3F9B]  }
0x1a: {  	s8 =	sadd.s32 $0xFFFFE003, lr  }
0x1b: {  	s9 =	sadd.s32 $0xFFFFFEF7, lr;
	s5 =	simm.s32 $0xFFFFFFFF;
	p2 =	slt.u32 s8, $0xFFFFF086  }
0x1c: {  	p1 =	slt.u32 s9, $0xF7A;
	s5 =	simm.s32 @!p2 $0x0  }
0x1d: {  	s5 =	simm.s32 @p1 $0x1;
	p0 =	seq.s32 s7, s2  }
0x1e: {  	s7 =	smul.u32 @!p0 $0xF7A, s2;
	p2 =	seq.s32 @!p0 s5, $0x0  }
0x1f: {  	s9 =	smul.u32 $0xF7A, s1;
	s8 =	simm.s32 @!p0 $0x1BF5;
	p2 =	por !p2, p0  }
0x20: {  	[sflag:s8] =	ssyncset.s32 @!p0 $0xFFFFF086;
	s6 =	sadd.s32 @!p0 s3, s7;
	s7 =	simm.s32 @!p0 $0x108  }
0x21: {  	s3 =	sadd.s32 s3, s9;
	s6 =	sadd.s32 @!p0 $0x88, s6;
	s7 =	simm.s32 @p2 $0x1082  }
0x22: {  	[simem:s7], [sflag:s8] =	dma.local @!p0 [hbm:s6], $0xF7A  }
0x23: {  	s9 =	sor.u32 $0xD0000000, s2;
	s6 =	simm.s32 $0x108;
	_ =	swait.ge @!p0 [sflag:s8], $0x0  }
0x24: {  	s3 =	sadd.s32 $0x88, s3;
	s6 =	simm.s32 @!p1 $0x1082;
	[sflag:s4] =	ssyncset.s32 $0xFFFFF086  }
0x25: {  	[simem:s6], [sflag:s4] =	dma.local [hbm:s3], $0xF7A  }
0x26: {  	[smem:$0x3F9B] =	sst s1;
	(tag) =	ssettag s2;
	_ =	strace s9  }
0x27: {  	s1 =	sld [smem:$0x3FAB]  }
0x28: {  	s2 =	sld [smem:$0x3FAC]  }
0x29: {  	s4 =	sld [smem:$0x3FAE]  }
0x2a: {  	p0 =	seq.s32 s5, $0x0;
	s5 =	sld [smem:$0x3FAF]  }
0x2b: {  	s6 =	sld [smem:$0x3FB0]  }
0x2c: {  	s7 =	sld [smem:$0x3FB1]  }
0x2d: {  	s3 =	simm.s32 $0x108;
	s8 =	sld [smem:$0x3FB2]  }
0x2e: {  	s3 =	simm.s32 @!p0 $0x1082;
	s9 =	sld [smem:$0x3FB3]  }
0x2f: {  	lr =	sadd.s32 s0, s3;
	s0 =	sld [smem:$0x3FAA]  }
0x30: {  	s3 =	sld [smem:$0x3FAD]  }
0x31: {  	[smem:$0x3FB6] =	sst s10  }
0x32: {  	s10 =	sld [smem:$0x3FB4];
	_ =	sdelay $0x3  }
0x33: {  	p0 =	seq.s32 s10, $0x1;
	s10 =	sld [smem:$0x3FB6];
	_ =	sdelay $0x3  }
0x34: {  	[smem:$0x3FB6] =	sst s10  }
0x35: {  	s10 =	sld [smem:$0x3FB5];
	_ =	sdelay $0x3  }
0x36: {  	p1 =	seq.s32 s10, $0x1;
	s10 =	sld [smem:$0x3FB6];
	_ =	sdelay $0x3  }
0x37: {  	[smem:$0x3FB6] =	sst s10  }
0x38: {  	s10 =	sld [smem:$0x3FB7]  }
0x39: {  	_ = 	snop;
	(pc) =	sbr.ind lr, $3  }
0x3a: {  	_ = 	snop  }
0x3b: {  	_ = 	snop  }
0x3c: {  	p2 =	seq.s32 s10, $0x1;
	s10 =	sld [smem:$0x3FB6]  }
0x3d: {  	_ =	shalt  }
0x3e: {  	_ =	shalt  }
0x3f: {  	_ =	shalt  }
0x40: {  	_ =	shalt  }
0x41: {  	_ =	shalt  }
0x42: {  	_ =	shalt  }
0x43: {  	_ =	shalt  }
0x44: {  	_ =	shalt  }
0x45: {  	_ =	shalt  }
0x46: {  	_ =	shalt  }
0x47: {  	_ =	shalt  }
0x48: {  	_ =	shalt  }
0x49: {  	_ =	shalt  }
0x4a: {  	_ =	shalt  }
0x4b: {  	_ =	shalt  }
0x4c: {  	_ =	shalt  }
0x4d: {  	_ =	shalt  }
0x4e: {  	_ =	shalt  }
0x4f: {  	_ =	shalt  }
0x50: {  	_ =	shalt  }
0x51: {  	_ =	shalt  }
0x52: {  	_ =	shalt  }
0x53: {  	_ =	shalt  }
0x54: {  	_ =	shalt  }
0x55: {  	_ =	shalt  }
0x56: {  	_ =	shalt  }
0x57: {  	_ =	shalt  }
0x58: {  	_ =	shalt  }
0x59: {  	_ =	shalt  }
0x5a: {  	_ =	shalt  }
0x5b: {  	_ =	shalt  }
0x5c: {  	_ =	shalt  }
0x5d: {  	_ =	shalt  }
0x5e: {  	_ =	shalt  }
0x5f: {  	_ =	shalt  }
0x60: {  	_ =	shalt  }
0x61: {  	_ =	shalt  }
0x62: {  	_ =	shalt  }
0x63: {  	_ =	shalt  }
0x64: {  	_ =	shalt  }
0x65: {  	_ =	shalt  }
0x66: {  	_ =	shalt  }
0x67: {  	_ =	shalt  }
0x68: {  	_ =	shalt  }
0x69: {  	_ =	shalt  }
0x6a: {  	_ =	shalt  }
0x6b: {  	_ =	shalt  }
0x6c: {  	_ =	shalt  }
0x6d: {  	_ =	shalt  }
0x6e: {  	_ =	shalt  }
0x6f: {  	_ =	shalt  }
0x70: {  	_ =	shalt  }
0x71: {  	_ =	shalt  }
0x72: {  	_ =	shalt  }
0x73: {  	_ =	shalt  }
0x74: {  	_ =	shalt  }
0x75: {  	_ =	shalt  }
0x76: {  	_ =	shalt  }
0x77: {  	_ =	shalt  }
0x78: {  	_ =	shalt  }
0x79: {  	_ =	shalt  }
0x7a: {  	_ =	shalt  }
0x7b: {  	_ =	shalt  }
0x7c: {  	_ =	shalt  }
0x7d: {  	_ =	shalt  }
0x7e: {  	_ =	shalt  }
0x7f: {  	_ =	shalt  }
0x80: {  	_ =	shalt  }
0x81: {  	_ =	shalt  }
0x82: {  	_ =	shalt  }
0x83: {  	_ =	shalt  }
0x84: {  	_ =	shalt  }
0x85: {  	_ =	shalt  }
0x86: {  	_ =	shalt  }
0x87: {  	_ =	shalt  }
.Lfunc_end0:
.L_simem_size_0:
called_computation_lowered:
.L_overlay_start_0:
0x88: {  	s2 =	sld [smem:$0x3FD9]  }
0x89: {  	s3 =	sld [smem:$0x3FFE];
	_ =	sdelay $0x1  }
0x8a: {  	s1 =	srdreg.scid  }
0x8b: {  	s0 =	sand.u32 $0x1, s1  }
0x8c: {  	s17 =	sshll.u32 s0, $0xA;
	s2 =	sadd.s32 s3, s2  }
0x8d: {  	s2 =	sadd.s32 s2, s17  }
0x8e: {  	[smem:$0x3FC2] =	sst s2  }
0x8f: {  	_ = 	snop  }
0x90: {  	s2 =	sld [smem:$0x3FC9]  }
0x91: {  	s18 =	sld [smem:$0x3FC8]  }
0x92: {  	s4 =	sld [smem:$0x3FC7]  }
0x93: {  	s5 =	sld [smem:$0x3FC6]  }
0x94: {  	s6 =	sld [smem:$0x3FC5]  }
0x95: {  	s7 =	sld [smem:$0x3FC4]  }
0x96: {  	s8 =	sld [smem:$0x3FD0];
	(tm) =	ssettm $0x1  }
0x97: {  	s9 =	sld [smem:$0x3FFB];
	_ =	sdelay $0x3  }
0x98: {  	_ =	strace s9  }
0x99: {  	s9 =	sld [smem:$0x3FFC];
	_ =	sdelay $0x3  }
0x9a: {  	_ =	strace s9  }
0x9b: {  	s9 =	sld [smem:$0x3FFD];
	_ =	sdelay $0x3  }
0x9c: {  	_ =	strace s9  }
0x9d: {  	_ =	strace $0x8FFFFFFF  }
0x9e: {  	s19 =	sld [smem:$0x3FDB];
	_ =	sdelay $0x1  }
0x9f: {  	s10 =	simm.s32 $_scs_section_size  }
0xa0: {  	s11 =	simm.s32 $_size__tile_overlayer_lowered;
	s12 =	simm.s32 $_tile_overlayer_lowered  }
0xa1: {  	s22 =	simm.s32 $0x1BFF;
	s21 =	sshll.u32 s12, $0x1;
	s9 =	sadd.s32 s10, s19  }
0xa2: {  	s13 =	simm.s32 $0x0;
	s20 =	sshll.u32 s11, $0x1;
	s11 =	sadd.s32 s21, s9  }
0xa3: {  	[timem:s13], [sflag:s22] =	dma.local [hbm:s11], s20  }
0xa4: {  	_ =	swait.ge [sflag:s22], s20  }
0xa5: {  	s10 =	ssub.s32 $0x0, s20;
	[sflag:s22] =	ssyncset.done $0x0  }
0xa6: {  	[sflag:s22] =	ssyncadd.s32 s10;
	_ =	sdelay $0x1  }
0xa7: {  	s23 =	simm.s32 $0x1B8B  }
0xa8: {  	_ =	swait.ge [sflag:s23], $0x1  }
0xa9: {  	[sflag:s23] =	ssyncset.done $0x0  }
0xaa: {  	s25 =	simm.s32 $0x1B8E;
	s24 =	sld [smem:$0x3FFE];
	[sflag:s23] =	ssyncadd.s32 $0xFFFFFFFF  }
0xab: {  	s26 =	simm.s32 $execute0_lowered;
	[smem:$0x3FD2] =	sst s25  }
0xac: {  	s11 =	sshll.u32 s26, $0x1;
	_ =	strace $0x80000046;
	[dreg:$0x1] =	wrdreg $0xFFFFFFFF  }
0xad: {  	s28 =	simm.s32 $_size_execute0_lowered;
	s9 =	sadd.s32 s9, s11;
	[dreg:$0x0] =	wrdreg $0x0  }
0xae: {  	s11 =	sshll.u32 s28, $0x1;
	[dreg:$0x2] =	wrdreg s9  }
0xaf: {  	[dreg:$0x3] =	wrdreg s11  }
0xb0: {  	[dreg:$0x4] =	wrdreg $0xC0  }
0xb1: {  	_ =	task [dreg:s13], $0x5FFFF  }
0xb2: {  	[dreg:$0x1] =	wrdreg $0xFFFFFFFF  }
0xb3: {  	[dreg:$0x0] =	wrdreg $0x60  }
0xb4: {  	[dreg:$0x2] =	wrdreg s2  }
0xb5: {  	[dreg:$0x3] =	wrdreg s18  }
0xb6: {  	[dreg:$0x4] =	wrdreg s4  }
0xb7: {  	[dreg:$0x5] =	wrdreg s5  }
0xb8: {  	[dreg:$0x6] =	wrdreg s6  }
0xb9: {  	[dreg:$0x7] =	wrdreg s7  }
0xba: {  	[dreg:$0x8] =	wrdreg s24  }
0xbb: {  	[dreg:$0x9] =	wrdreg s8  }
0xbc: {  	[dreg:$0xa] =	wrdreg $0x9  }
0xbd: {  	_ =	task.clear_ibuf [dreg:s13], $0xBFFFF;
	_ =	strace $0x90000046  }
0xbe: {  	s29 =	simm.s32 $0x9;
	_ =	strace $0x80000048  }
0xbf: {  	_ =	swait.ge [sflag:s29], $0x1  }
0xc0: {  	[sflag:s29] =	ssyncadd.s32 $0xFFFFFFFF  }
0xc1: {  	_ =	strace $0x90000048  }
0xc2: {  	_ =	sfence  }
0xc3: {  	s30 =	sld [smem:$0x0];
	_ =	sdelay $0x2  }
0xc4: {  	s31 =	sshll.u32 s1, $0xD;
	s1 =	sshrl.u32 s1, $0x2  }
0xc5: {  	s3 =	sand.u32 $0x4000, s31;
	s1 =	sadd.s32 s1, s30  }
0xc6: {  	s0 =	sor.u32 s3, s0;
	s1 =	sshll.u32 s1, $0x11  }
0xc7: {  	s0 =	sor.u32 s1, s0  }
0xc8: {  	s0 =	sadd.s32 $0x8F2B, s0  }
0xc9: {  	[sflag:s0] =	ssyncadd.remote.s32 $0x1  }
0xca: {  	_ =	sfence.sel $0xFFFF  }
0xcb: {  	[dreg:$0x0] =	wrdreg $0xFFFFFFFF;
	(pc) =	sbr.abs _section_cstart, $3  }
0xcc: {  	[dreg:$0x1] =	wrdreg $0xFFFFFFFF  }
0xcd: {  	_ =	task.clear_ibuf [dreg:s13], $0x2FFFF;
	_ =	strace $0x9FFFFFFF  }
0xce: {  	(tm) =	ssettm $0x7FFFFFFF  }
0xcf: {  	_ =	shalt  }
tec
execute0_lowered:
.L_overlay_start_1:
0x0: {  	(tag) =	ssettag $0x1  }
0x1: {  	s2 =	rddreg [dreg:$0x0]  }
0x2: {  	s3 =	rddreg [dreg:$0x1]  }
0x3: {  	s0 =	rddreg [dreg:$0x2];
	v0 =	vimm.s32 $0x1380;
	vm0 =	vcmask $0x300  }
0x4: {  	s1 =	rddreg [dreg:$0x3];
	vm14 =	vcmask $0x704;
	v0 =	vsel vm0, $0x0, v0  }
0x5: {  	s4 =	rddreg [dreg:$0x6];
	s5 =	srdreg.scid;
	vm15 =	vcmask $0xB08;
	v0 =	vsel vm14, $0x80, v0  }
0x6: {  	s7 =	stileid.u32;
	s6 =	rddreg [dreg:$0x7];
	s11 =	simm.s32 $0x0;
	vm4 =	vcmask $0xF0C;
	v0 =	vsel vm15, $0x100, v0  }
0x7: {  	s12 =	simm.s32 $0x4;
	s17 =	simm.s32 $0x400;
	s15 =	simm.s32 $0x14600;
	vm5 =	vcmask $0x1310;
	v0 =	vsel vm4, $0x180, v0  }
0x8: {  	vm6 =	vcmask $0x1714;
	s29 =	simm.s32 $0x600;
	s30 =	simm.s32 $0x8600;
	s31 =	simm.s32 $0xE00;
	v0 =	vsel vm5, $0x200, v0  }
0x9: {  	vm7 =	vcmask $0x1B18;
	s16 =	simm.s32 $0x2600;
	s28 =	simm.s32 $0xBE00;
	s14 =	simm.s32 $0x1;
	v0 =	vsel vm6, $0x280, v0  }
0xa: {  	vm8 =	vcmask $0x1F1C;
	s18 =	simm.s32 $0x12600;
	s19 =	simm.s32 $0x0;
	s5 =	sand.u32 $0x1, s5;
	v0 =	vsel vm7, $0x300, v0  }
0xb: {  	vm9 =	vcmask $0x2320;
	s7 =	sshll.u32 s7, $0x1;
	[smem:$0x7FF] =	sst s11;
	s9 =	sadd.s32 $0x11600, s4;
	v0 =	vsel vm8, $0x380, v0  }
0xc: {  	vm10 =	vcmask $0x2724;
	s7 =	sor.u32 s5, s7;
	_ =	strace $0x80000047;
	s5 =	ssub.s32 $0x2, s5;
	v0 =	vsel vm9, $0x1000, v0  }
0xd: {  	vm11 =	vcmask $0x2B28;
	[dreg:$0x9] =	wrdreg s9;
	s8 =	sshll.u32 s7, $0x9;
	s20 =	sshrl.u32 s5, $0x1;
	v0 =	vsel vm10, $0x1080, v0  }
0xe: {  	vm12 =	vcmask $0x2F2C;
	s10 =	sshll.u32 s7, $0x6;
	p0 =	sne.s32 s7, $0x0;
	s7 =	simm.s32 $0x1E00;
	v0 =	vsel vm11, $0x1100, v0  }
0xf: {  	v1 =	vlaneseq.u32;
	vm13 =	vcmask $0x3330;
	s8 =	sadd.s32 s8, s4;
	s4 =	sadd.s32 $0x11800, s4;
	s21 =	ssub.s32 s5, s20;
	v2 =	vsel vm12, $0x1180, v0  }
0x10: {  	vm14 =	vcmask $0x3734;
	s2 =	sadd.s32 s2, s10;
	s22 =	sadd.s32 s3, s10;
	s25 =	sadd.s32 s6, s10;
	v0 =	vmul.u32 $0x80, v1;
	v1 =	vsel vm13, $0x1200, v2  }
0x11: {  	vm15 =	vcmask $0x3B38;
	s5 =	simm.s32 $0x8E00;
	s20 =	simm.s32 $0xA600;
	[dreg:$0xa] =	wrdreg s4;
	v1 =	vsel vm14, $0x1280, v1  }
0x12: {  	s10 =	simm.s32 $0x10600;
	s3 =	simm.s32 $0x3;
	[dreg:$0xb] =	wrdreg s2;
	v2 =	vor.u32 $0x1, v0;
	v3 =	vor.u32 $0x2, v0;
	v4 =	vor.u32 $0x3, v0  }
0x13: {  	[dreg:$0xc] =	wrdreg s22;
	s23 =	sadd.s32 $0x1600, s8;
	s24 =	sadd.s32 $0x9600, s8;
	v5 =	vor.u32 $0x4, v0;
	v6 =	vor.u32 $0x5, v0;
	v7 =	vor.u32 $0x6, v0  }
.Ltmp0:
0x14: {  	[dreg:$0xf] =	wrdreg s25;
	s26 =	smax.u32 s21, $0x1;
	v8 =	vor.u32 $0x7, v0;
	v9 =	vor.u32 $0x8, v0;
	v10 =	vor.u32 $0x9, v0;
	(pc) =	sbr.rel .LBB2_1-.Ltmp0, $4  }
0x15: {  	s2 =	simm.s32 $0x1600;
	s4 =	simm.s32 $0x9600;
	s8 =	simm.s32 $0x9E00;
	v11 =	vor.u32 $0xA, v0;
	v12 =	vor.u32 $0xB, v0;
	v13 =	vor.u32 $0xC, v0  }
0x16: {  	s21 =	simm.s32 $0x2E00;
	s22 =	simm.s32 $0xAE00;
	[dreg:$0xd] =	wrdreg s23;
	v14 =	vor.u32 $0xD, v0;
	v15 =	vor.u32 $0xE, v0;
	v16 =	vor.u32 $0xF, v0  }
0x17: {  	s25 =	simm.s32 $0x3E00;
	[dreg:$0x10] =	wrdreg s26;
	s26 =	simm.s32 $0x7A1400;
	v17 =	vor.u32 $0x10, v0;
	v18 =	vor.u32 $0x11, v0;
	v19 =	vor.u32 $0x12, v0  }
0x18: {  	[dreg:$0xe] =	wrdreg s24;
	s23 =	simm.s32 $0x3600;
	s24 =	simm.s32 $0xB600;
	v20 =	vor.u32 $0x13, v0;
	v21 =	vor.u32 $0x14, v0;
	v1 =	vsel vm15, $0x1300, v1  }
.LBB2_5:
0x19: {  	s6 =	simm.s32 $0x2  }
0x1a: {  	_ =	swait.ge [sflag:s6], $0x80  }
0x1b: {  	[sflag:s6] =	ssyncset.done $0x0  }
0x1c: {  	[sflag:s6] =	ssyncadd.s32 $0xFFFFFF80  }
0x1d: {  	_ =	swait.ge [sflag:s6], $0x80  }
0x1e: {  	[sflag:s6] =	ssyncset.done $0x0  }
0x1f: {  	[sflag:s6] =	ssyncadd.s32 $0xFFFFFF80  }
0x20: {  	_ =	swait.ge [sflag:s6], $0x80  }
0x21: {  	[sflag:s6] =	ssyncset.done $0x0  }
0x22: {  	[sflag:s6] =	ssyncadd.s32 $0xFFFFFF80  }
0x23: {  	_ =	swait.ge [sflag:s6], $0x80  }
0x24: {  	s9 =	simm.s32 $0x1000;
	s11 =	simm.s32 $0x20000;
	[sflag:s6] =	ssyncset.done $0x0  }
0x25: {  	s12 =	simm.s32 $0x4;
	s13 =	rddreg [dreg:$0xd];
	[sflag:s6] =	ssyncadd.s32 $0xFFFFFF80  }
0x26: {  	[hbm4b:s13+s9] =	stream.strided.scatter [tilespmem:s10], [sflag:$0x4], $0x2000, s11, s9, $0x38;
	[tilespmem:$0x15180] =	vst v63  }
0x27: {  	_ =	swait.ge [sflag:s12], $0x2000  }
0x28: {  	[sflag:s12] =	ssyncset.done $0x0  }
0x29: {  	s15 =	rddreg [dreg:$0xe];
	[sflag:s12] =	ssyncadd.s32 $0xFFFFE000  }
0x2a: {  	[hbm4b:s15+s9] =	stream.strided.scatter [tilespmem:s18], [sflag:$0x4], $0x2000, s11, s9, $0x38;
	[tilespmem:$0x15180] =	vst v63  }
0x2b: {  	_ =	swait.ge [sflag:s12], $0x2000  }
0x2c: {  	s11 =	simm.s32 $0x0;
	s15 =	simm.s32 $0x14600;
	[sflag:s12] =	ssyncset.done $0x0  }
.Ltmp1:
0x2d: {  	s19 =	rddreg [dreg:$0xf];
	[sflag:s12] =	ssyncadd.s32 $0xFFFFE000;
	(pc) =	sbr.rel @!p0 .LBB2_6-.Ltmp1, $4  }
0x2e: {  	[hbm4b:s19+s11] =	stream.linear.scatter [tilespmem:s15], [sflag:$0x4], $0x200, $0x38;
	[tilespmem:$0x15180] =	vst v63  }
0x2f: {  	_ =	swait.ge [sflag:s12], $0x200  }
0x30: {  	[sflag:s12] =	ssyncset.done $0x0  }
0x31: {  	s19 =	rddreg [dreg:$0x11];
	[sflag:s12] =	ssyncadd.s32 $0xFFFFFE00  }
.LBB2_7:
0x32: {  	s19 =	sadd.s32 $0x1, s19;
	s6 =	rddreg [dreg:$0x10]  }
0x33: {  	p1 =	sne.s32 s19, s6  }
.Ltmp2:
0x34: {  	_ = 	snop;
	(pc) =	sbr.rel @!p1 .LBB2_8-.Ltmp2, $1  }
0x35: {  	_ =	sdelay $0x3  }
.LBB2_1:
0x36: {  	[dreg:$0x11] =	wrdreg s19  }
0x37: {  	s6 =	rddreg [dreg:$0xb]  }
0x38: {  	[tilespmem:s11], [sflag:$0x4] =	stream.linear.gather [hbm4b:s6+s11], $0x200, $0x38;
	[tilespmem:$0x15180] =	vst v63  }
0x39: {  	_ =	swait.ge [sflag:s12], $0x200  }
0x3a: {  	[sflag:s12] =	ssyncset.done $0x0  }
0x3b: {  	s9 =	simm.s32 $0x200;
	s13 =	rddreg [dreg:$0xc];
	[sflag:s12] =	ssyncadd.s32 $0xFFFFFE00  }
0x3c: {  	[tilespmem:s9], [sflag:$0x4] =	stream.linear.gather [hbm4b:s13+s11], $0x200, $0x38;
	[tilespmem:$0x15180] =	vst v63  }
0x3d: {  	_ =	swait.ge [sflag:s12], $0x200  }
0x3e: {  	[sflag:s12] =	ssyncset.done $0x0  }
0x3f: {  	[sflag:s12] =	ssyncadd.s32 $0xFFFFFE00  }
0x40: {  	[tilespmem:s17], [sflag:$0x4] =	stream.linear.gather [hbm4b:s13+s11], $0x200, $0x38;
	[tilespmem:$0x15180] =	vst v63  }
0x41: {  	_ =	swait.ge [sflag:s12], $0x200  }
0x42: {  	[sflag:s12] =	ssyncset.done $0x0  }
0x43: {  	[sflag:s12] =	ssyncadd.s32 $0xFFFFFE00  }
0x44: {  	s9 =	simm.s32 $0x80;
	s6 =	rddreg [dreg:$0x4]  }
0x45: {  	[tilespmem:s15], [sflag:$0x2] =	stream.indirect.gather [hbm4b:s6+s9], $0x1, s17, s9, $0xb8;
	[tilespmem:$0x15180] =	vst v63  }
0x46: {  	s19 =	simm.s32 $0x14680;
	s15 =	simm.s32 $0x480  }
0x47: {  	[tilespmem:s19], [sflag:$0x2] =	stream.indirect.gather [hbm4b:s6+s9], $0x1, s15, s9, $0xb8;
	[tilespmem:$0x15180] =	vst v63  }
0x48: {  	s13 =	simm.s32 $0x14700;
	s12 =	simm.s32 $0x500  }
0x49: {  	[tilespmem:s13], [sflag:$0x2] =	stream.indirect.gather [hbm4b:s6+s9], $0x1, s12, s9, $0xb8;
	[tilespmem:$0x15180] =	vst v63  }
0x4a: {  	s15 =	simm.s32 $0x580;
	s19 =	simm.s32 $0x14780  }
0x4b: {  	[tilespmem:s19], [sflag:$0x2] =	stream.indirect.gather [hbm4b:s6+s9], $0x1, s15, s9, $0xb8;
	[tilespmem:$0x15180] =	vst v63  }
0x4c: {  	v22 =	vld [tilespmem:$0x0];
	_ =	sdelay $0x1  }
0x4d: {  	v23 =	vld [tilespmem:$0x200];
	_ =	sdelay $0x2  }
0x4e: {  	(v2sf) =	vpush v22, $0x0;
	_ =	sdelay $0x1  }
0x4f: {  	(v2sf) =	vpush v23, $0x0;
	_ =	sdelay $0x1  }
0x50: {  	(v2sf) =	vpush v22, $0x1;
	_ =	sdelay $0x8  }
0x51: {  	(v2sf) =	vpush v23, $0x1;
	_ =	sdelay $0x1  }
0x52: {  	s12 =	spop (v2sf);
	(v2sf) =	vpush v22, $0x2;
	_ =	sdelay $0x1  }
0x53: {  	s13 =	spop (v2sf);
	(v2sf) =	vpush v23, $0x2;
	_ =	sdelay $0x1  }
0x54: {  	s15 =	spop (v2sf);
	(v2sf) =	vpush v22, $0x3;
	_ =	sdelay $0x1  }
0x55: {  	s6 =	sand.u32 $0xFFFFF80, s12  }
0x56: {  	s6 =	sadd.s32 s0, s6;
	(v2sf) =	vpush v23, $0x3  }
0x57: {  	[tilespmem:s29], [sflag:$0x1] =	stream.strided.gather [hbm4b:s6+s17], $0x800, s26, s17, $0x38;
	[tilespmem:$0x15180] =	vst v63  }
0x58: {  	s6 =	sand.u32 $0xFFFFF80, s13  }
0x59: {  	s6 =	sadd.s32 s1, s6  }
0x5a: {  	[tilespmem:s30], [sflag:$0x1] =	stream.strided.gather [hbm4b:s6+s17], $0x800, s26, s17, $0x38;
	[tilespmem:$0x15180] =	vst v63  }
0x5b: {  	s6 =	sand.u32 $0xFFFFF80, s15  }
0x5c: {  	s19 =	spop (v2sf);
	s6 =	sadd.s32 s0, s6  }
0x5d: {  	[tilespmem:s31], [sflag:$0x1] =	stream.strided.gather [hbm4b:s6+s17], $0x800, s26, s17, $0x38;
	[tilespmem:$0x15180] =	vst v63  }
0x5e: {  	s9 =	spop (v2sf);
	(v2sf) =	vpush v22, $0x4  }
0x5f: {  	s6 =	sand.u32 $0xFFFFF80, s19  }
0x60: {  	s6 =	sadd.s32 s1, s6;
	s11 =	spop (v2sf);
	(v2sf) =	vpush v23, $0x4  }
0x61: {  	[tilespmem:s5], [sflag:$0x1] =	stream.strided.gather [hbm4b:s6+s17], $0x800, s26, s17, $0x38;
	[tilespmem:$0x15180] =	vst v63  }
0x62: {  	s6 =	sand.u32 $0xFFFFF80, s9;
	s12 =	spop (v2sf);
	(v2sf) =	vpush v22, $0x5  }
0x63: {  	s6 =	sadd.s32 s0, s6  }
0x64: {  	[tilespmem:s2], [sflag:$0x1] =	stream.strided.gather [hbm4b:s6+s17], $0x800, s26, s17, $0x38;
	[tilespmem:$0x15180] =	vst v63  }
0x65: {  	s13 =	spop (v2sf);
	(v2sf) =	vpush v23, $0x5  }
0x66: {  	s6 =	sand.u32 $0xFFFFF80, s11  }
0x67: {  	s6 =	sadd.s32 s1, s6  }
0x68: {  	[tilespmem:s4], [sflag:$0x1] =	stream.strided.gather [hbm4b:s6+s17], $0x800, s26, s17, $0x38;
	[tilespmem:$0x15180] =	vst v63  }
0x69: {  	s6 =	sand.u32 $0xFFFFF80, s12  }
0x6a: {  	s6 =	sadd.s32 s0, s6  }
0x6b: {  	[tilespmem:s7], [sflag:$0x1] =	stream.strided.gather [hbm4b:s6+s17], $0x800, s26, s17, $0x38;
	[tilespmem:$0x15180] =	vst v63  }
0x6c: {  	s6 =	sand.u32 $0xFFFFF80, s13  }
0x6d: {  	s6 =	sadd.s32 s1, s6;
	s15 =	spop (v2sf);
	(v2sf) =	vpush v22, $0x6  }
0x6e: {  	[tilespmem:s8], [sflag:$0x1] =	stream.strided.gather [hbm4b:s6+s17], $0x800, s26, s17, $0x38;
	[tilespmem:$0x15180] =	vst v63  }
0x6f: {  	s19 =	spop (v2sf);
	(v2sf) =	vpush v23, $0x6  }
0x70: {  	s6 =	sand.u32 $0xFFFFF80, s15  }
0x71: {  	s6 =	sadd.s32 s0, s6;
	s9 =	spop (v2sf)  }
0x72: {  	(v2sf) =	vpush v22, $0x7;
	[tilespmem:s16], [sflag:$0x1] =	stream.strided.gather [hbm4b:s6+s17], $0x800, s26, s17, $0x38;
	[tilespmem:$0x15180] =	vst v63  }
0x73: {  	s6 =	sand.u32 $0xFFFFF80, s19  }
0x74: {  	s11 =	spop (v2sf);
	s6 =	sadd.s32 s1, s6  }
0x75: {  	(v2sf) =	vpush v23, $0x7;
	[tilespmem:s20], [sflag:$0x1] =	stream.strided.gather [hbm4b:s6+s17], $0x800, s26, s17, $0x38;
	[tilespmem:$0x15180] =	vst v63  }
0x76: {  	s6 =	sand.u32 $0xFFFFF80, s9  }
0x77: {  	s6 =	sadd.s32 s0, s6  }
0x78: {  	[tilespmem:s21], [sflag:$0x1] =	stream.strided.gather [hbm4b:s6+s17], $0x800, s26, s17, $0x38;
	[tilespmem:$0x15180] =	vst v63  }
0x79: {  	s6 =	sand.u32 $0xFFFFF80, s11  }
0x7a: {  	s6 =	sadd.s32 s1, s6  }
0x7b: {  	[tilespmem:s22], [sflag:$0x1] =	stream.strided.gather [hbm4b:s6+s17], $0x800, s26, s17, $0x38;
	[tilespmem:$0x15180] =	vst v63  }
0x7c: {  	s12 =	spop (v2sf)  }
0x7d: {  	s6 =	sand.u32 $0xFFFFF80, s12  }
0x7e: {  	s13 =	spop (v2sf);
	s6 =	sadd.s32 s0, s6  }
0x7f: {  	[tilespmem:s23], [sflag:$0x1] =	stream.strided.gather [hbm4b:s6+s17], $0x800, s26, s17, $0x38;
	[tilespmem:$0x15180] =	vst v63  }
0x80: {  	s6 =	sand.u32 $0xFFFFF80, s13  }
0x81: {  	s15 =	spop (v2sf);
	s6 =	sadd.s32 s1, s6  }
0x82: {  	[tilespmem:s24], [sflag:$0x1] =	stream.strided.gather [hbm4b:s6+s17], $0x800, s26, s17, $0x38;
	[tilespmem:$0x15180] =	vst v63  }
0x83: {  	s6 =	sand.u32 $0xFFFFF80, s15  }
0x84: {  	s19 =	spop (v2sf);
	s6 =	sadd.s32 s0, s6  }
0x85: {  	[tilespmem:s25], [sflag:$0x1] =	stream.strided.gather [hbm4b:s6+s17], $0x800, s26, s17, $0x38;
	[tilespmem:$0x15180] =	vst v63  }
0x86: {  	s6 =	sand.u32 $0xFFFFF80, s19  }
0x87: {  	s6 =	sadd.s32 s1, s6  }
0x88: {  	[tilespmem:s28], [sflag:$0x1] =	stream.strided.gather [hbm4b:s6+s17], $0x800, s26, s17, $0x38;
	[tilespmem:$0x15180] =	vst v63  }
0x89: {  	v22 =	vld [tilespmem:$0x0];
	_ =	sdelay $0x2  }
0x8a: {  	v23 =	vld [tilespmem:$0x200];
	_ =	sdelay $0x1  }
0x8b: {  	(v2sf) =	vpush v22, $0x8;
	_ =	sdelay $0x2  }
0x8c: {  	(v2sf) =	vpush v23, $0x8  }
0x8d: {  	(v2sf) =	vpush v22, $0x9;
	_ =	sdelay $0x2  }
0x8e: {  	(v2sf) =	vpush v23, $0x9;
	_ =	sdelay $0x1  }
0x8f: {  	(v2sf) =	vpush v22, $0xA;
	_ =	sdelay $0x5  }
0x90: {  	s9 =	spop (v2sf);
	(v2sf) =	vpush v23, $0xA;
	_ =	sdelay $0x2  }
0x91: {  	s12 =	spop (v2sf)  }
0x92: {  	s15 =	spop (v2sf);
	(v2sf) =	vpush v22, $0xB;
	_ =	sdelay $0x1  }
0x93: {  	s6 =	sand.u32 $0xFFFFF80, s9  }
0x94: {  	s11 =	simm.s32 $0x4600;
	s6 =	sadd.s32 s0, s6;
	s9 =	spop (v2sf);
	(v2sf) =	vpush v23, $0xB  }
0x95: {  	[tilespmem:s11], [sflag:$0x3] =	stream.strided.gather [hbm4b:s6+s17], $0x800, s26, s17, $0x38;
	[tilespmem:$0x15180] =	vst v63  }
0x96: {  	s6 =	sand.u32 $0xFFFFF80, s12;
	s12 =	spop (v2sf);
	(v2sf) =	vpush v22, $0xC  }
0x97: {  	s13 =	simm.s32 $0xC600;
	s6 =	sadd.s32 s1, s6  }
0x98: {  	[tilespmem:s13], [sflag:$0x3] =	stream.strided.gather [hbm4b:s6+s17], $0x800, s26, s17, $0x38;
	[tilespmem:$0x15180] =	vst v63  }
0x99: {  	s6 =	sand.u32 $0xFFFFF80, s15  }
0x9a: {  	s19 =	simm.s32 $0x4E00;
	s6 =	sadd.s32 s0, s6  }
0x9b: {  	[tilespmem:s19], [sflag:$0x3] =	stream.strided.gather [hbm4b:s6+s17], $0x800, s26, s17, $0x38;
	[tilespmem:$0x15180] =	vst v63  }
0x9c: {  	s6 =	sand.u32 $0xFFFFF80, s9;
	s15 =	spop (v2sf);
	(v2sf) =	vpush v23, $0xC  }
0x9d: {  	s11 =	simm.s32 $0xCE00;
	s6 =	sadd.s32 s1, s6  }
0x9e: {  	[tilespmem:s11], [sflag:$0x3] =	stream.strided.gather [hbm4b:s6+s17], $0x800, s26, s17, $0x38;
	[tilespmem:$0x15180] =	vst v63  }
0x9f: {  	s6 =	sand.u32 $0xFFFFF80, s12;
	(v2sf) =	vpush v22, $0xD  }
0xa0: {  	s13 =	simm.s32 $0x5600;
	s6 =	sadd.s32 s0, s6;
	s9 =	spop (v2sf);
	(v2sf) =	vpush v23, $0xD  }
0xa1: {  	[tilespmem:s13], [sflag:$0x3] =	stream.strided.gather [hbm4b:s6+s17], $0x800, s26, s17, $0x38;
	[tilespmem:$0x15180] =	vst v63  }
0xa2: {  	s6 =	sand.u32 $0xFFFFF80, s15  }
0xa3: {  	s19 =	simm.s32 $0xD600;
	s6 =	sadd.s32 s1, s6;
	s12 =	spop (v2sf);
	(v2sf) =	vpush v22, $0xE  }
0xa4: {  	[tilespmem:s19], [sflag:$0x3] =	stream.strided.gather [hbm4b:s6+s17], $0x800, s26, s17, $0x38;
	[tilespmem:$0x15180] =	vst v63  }
0xa5: {  	s6 =	sand.u32 $0xFFFFF80, s9;
	s15 =	spop (v2sf);
	(v2sf) =	vpush v23, $0xE  }
0xa6: {  	s11 =	simm.s32 $0x5E00;
	s6 =	sadd.s32 s0, s6  }
0xa7: {  	[tilespmem:s11], [sflag:$0x3] =	stream.strided.gather [hbm4b:s6+s17], $0x800, s26, s17, $0x38;
	[tilespmem:$0x15180] =	vst v63  }
0xa8: {  	s6 =	sand.u32 $0xFFFFF80, s12  }
0xa9: {  	s13 =	simm.s32 $0xDE00;
	s6 =	sadd.s32 s1, s6  }
0xaa: {  	[tilespmem:s13], [sflag:$0x3] =	stream.strided.gather [hbm4b:s6+s17], $0x800, s26, s17, $0x38;
	[tilespmem:$0x15180] =	vst v63  }
0xab: {  	s6 =	sand.u32 $0xFFFFF80, s15;
	s11 =	spop (v2sf);
	(v2sf) =	vpush v22, $0xF  }
0xac: {  	s19 =	simm.s32 $0x6600;
	s6 =	sadd.s32 s0, s6  }
0xad: {  	[tilespmem:s19], [sflag:$0x3] =	stream.strided.gather [hbm4b:s6+s17], $0x800, s26, s17, $0x38;
	[tilespmem:$0x15180] =	vst v63  }
0xae: {  	s6 =	sand.u32 $0xFFFFF80, s11;
	s13 =	spop (v2sf)  }
0xaf: {  	s12 =	simm.s32 $0xE600;
	(v2sf) =	vpush v23, $0xF;
	s6 =	sadd.s32 s1, s6;
	s15 =	spop (v2sf)  }
0xb0: {  	[tilespmem:s12], [sflag:$0x3] =	stream.strided.gather [hbm4b:s6+s17], $0x800, s26, s17, $0x38;
	[tilespmem:$0x15180] =	vst v63  }
0xb1: {  	s19 =	simm.s32 $0x6E00;
	s6 =	sand.u32 $0xFFFFF80, s13;
	s11 =	sand.u32 $0xFFFFF80, s15  }
0xb2: {  	s12 =	spop (v2sf);
	s13 =	simm.s32 $0xEE00;
	s6 =	sadd.s32 s0, s6  }
0xb3: {  	[tilespmem:s19], [sflag:$0x3] =	stream.strided.gather [hbm4b:s6+s17], $0x800, s26, s17, $0x38;
	[tilespmem:$0x15180] =	vst v63  }
0xb4: {  	s15 =	sand.u32 $0xFFFFF80, s12;
	s6 =	sadd.s32 s1, s11;
	s19 =	spop (v2sf)  }
0xb5: {  	[tilespmem:s13], [sflag:$0x3] =	stream.strided.gather [hbm4b:s6+s17], $0x800, s26, s17, $0x38;
	[tilespmem:$0x15180] =	vst v63  }
0xb6: {  	s12 =	simm.s32 $0x7600;
	s6 =	sadd.s32 s0, s15;
	s13 =	sand.u32 $0xFFFFF80, s19  }
0xb7: {  	[tilespmem:s12], [sflag:$0x3] =	stream.strided.gather [hbm4b:s6+s17], $0x800, s26, s17, $0x38;
	[tilespmem:$0x15180] =	vst v63  }
0xb8: {  	s19 =	simm.s32 $0xF600;
	s6 =	sadd.s32 s1, s13  }
0xb9: {  	[tilespmem:s19], [sflag:$0x3] =	stream.strided.gather [hbm4b:s6+s17], $0x800, s26, s17, $0x38;
	[tilespmem:$0x15180] =	vst v63  }
0xba: {  	s15 =	spop (v2sf)  }
0xbb: {  	s12 =	sand.u32 $0xFFFFF80, s15  }
0xbc: {  	s13 =	simm.s32 $0x7E00;
	s6 =	sadd.s32 s0, s12  }
0xbd: {  	[tilespmem:s13], [sflag:$0x3] =	stream.strided.gather [hbm4b:s6+s17], $0x800, s26, s17, $0x38;
	[tilespmem:$0x15180] =	vst v63  }
.Ltmp3:
0xbe: {  	s15 =	spop (v2sf);
	(pc) =	sbr.rel .LBB2_2-.Ltmp3, $4  }
0xbf: {  	s6 =	sand.u32 $0xFFFFF80, s15  }
0xc0: {  	s19 =	simm.s32 $0xFE00;
	s6 =	sadd.s32 s1, s6  }
0xc1: {  	[tilespmem:s19], [sflag:$0x3] =	stream.strided.gather [hbm4b:s6+s17], $0x800, s26, s17, $0x38;
	[tilespmem:$0x15180] =	vst v63  }
0xc2: {  	s15 =	simm.s32 $0x10;
	s6 =	simm.s32 $0xF;
	s19 =	simm.s32 $0x210  }
.LBB2_4:
0xc3: {  	_ =	swait.ge [sflag:s3], $0x2000  }
0xc4: {  	[sflag:s3] =	ssyncset.done $0x0  }
0xc5: {  	[sflag:s3] =	ssyncadd.s32 $0xFFFFE000  }
0xc6: {  	_ =	swait.ge [sflag:s3], $0x2000  }
0xc7: {  	[sflag:s3] =	ssyncset.done $0x0  }
0xc8: {  	[sflag:s3] =	ssyncadd.s32 $0xFFFFE000  }
0xc9: {  	_ =	swait.ge [sflag:s3], $0x2000  }
0xca: {  	[sflag:s3] =	ssyncset.done $0x0  }
0xcb: {  	[sflag:s3] =	ssyncadd.s32 $0xFFFFE000  }
0xcc: {  	_ =	swait.ge [sflag:s3], $0x2000  }
0xcd: {  	[sflag:s3] =	ssyncset.done $0x0  }
0xce: {  	[sflag:s3] =	ssyncadd.s32 $0xFFFFE000  }
0xcf: {  	v22 =	vld [tilespmem:s15+$0xFFFFFFF0]  }
0xd0: {  	v23 =	vld [tilespmem:s19+$0xFFFFFFF0];
	_ =	sdelay $0x3  }
0xd1: {  	(v2sf) =	vpush v22, $0x8  }
0xd2: {  	(v2sf) =	vpush v23, $0x8;
	_ =	sdelay $0x5  }
0xd3: {  	(v2sf) =	vpush v22, $0x9  }
0xd4: {  	(v2sf) =	vpush v23, $0x9;
	_ =	sdelay $0x5  }
0xd5: {  	(v2sf) =	vpush v22, $0xA  }
0xd6: {  	s9 =	spop (v2sf);
	(v2sf) =	vpush v23, $0xA  }
0xd7: {  	s9 =	sand.u32 $0x7F, s9;
	s11 =	spop (v2sf)  }
0xd8: {  	s12 =	sadd.s32 $0xFFFFFFF9, s6;
	s11 =	sand.u32 $0x7F, s11;
	v24 =	vor.u32 s9, v0  }
0xd9: {  	v25 =	vmov s12;
	v26 =	vor.u32 s11, v0  }
0xda: {  	v27 =	vshll.u32 v25, $0x3  }
0xdb: {  	v25 =	vand.u32 $0x78, v25;
	v27 =	vand.u32 $0xC00, v27  }
0xdc: {  	v25 =	vor.u32 v27, v25;
	(v2sf) =	vpush v22, $0xB;
	s11 =	simm.s32 $0x4600  }
0xdd: {  	s13 =	simm.s32 $0xC600;
	v25 =	vor.u32 v1, v25;
	s12 =	spop (v2sf);
	(v2sf) =	vpush v23, $0xB;
	v24 =	vld.idx.msk [tilespmem:v24+s11+$0x0], $0xffff  }
0xde: {  	s9 =	sand.u32 $0x7F, s12;
	s12 =	spop (v2sf);
	v26 =	vld.idx.msk [tilespmem:v26+s13+$0x0], $0xffff  }
0xdf: {  	v55 =	vor.u32 s9, v0;
	s11 =	sand.u32 $0x7F, s12;
	s13 =	sadd.s32 $0xFFFFFFFA, s6  }
0xe0: {  	v29 =	vor.u32 s11, v0;
	v28 =	vmov s13  }
0xe1: {  	v30 =	vshll.u32 v28, $0x3  }
0xe2: {  	v56 =	vand.u32 $0x79, v28;
	v57 =	vand.u32 $0xC00, v30;
	[tilespmem:v25+s10+$0x0] =	vst.idx.msk $0xffff, v24  }
0xe3: {  	(v2sf) =	vpush v22, $0xC;
	s11 =	simm.s32 $0x4E00;
	v24 =	vor.u32 v57, v56;
	[tilespmem:v25+s18+$0x0] =	vst.idx.msk $0xffff, v26  }
0xe4: {  	s12 =	spop (v2sf);
	(v2sf) =	vpush v23, $0xC;
	s13 =	simm.s32 $0xCE00;
	v24 =	vor.u32 v1, v24;
	v25 =	vld.idx.msk [tilespmem:v55+s11+$0x0], $0xffff  }
0xe5: {  	s9 =	sand.u32 $0x7F, s12;
	v26 =	vld.idx.msk [tilespmem:v29+s13+$0x0], $0xffff;
	s12 =	spop (v2sf)  }
0xe6: {  	v58 =	vor.u32 s9, v0;
	s13 =	sadd.s32 $0xFFFFFFFB, s6;
	s11 =	sand.u32 $0x7F, s12  }
0xe7: {  	v59 =	vmov s13;
	v60 =	vor.u32 s11, v0  }
0xe8: {  	v61 =	vshll.u32 v59, $0x3  }
0xe9: {  	v62 =	vand.u32 $0x7A, v59;
	v63 =	vand.u32 $0xC00, v61;
	[tilespmem:v24+s10+$0x0] =	vst.idx.msk $0xffff, v25  }
0xea: {  	(v2sf) =	vpush v22, $0xD;
	s11 =	simm.s32 $0x5600;
	v32 =	vor.u32 v63, v62;
	[tilespmem:v24+s18+$0x0] =	vst.idx.msk $0xffff, v26  }
0xeb: {  	s13 =	simm.s32 $0xD600;
	s12 =	spop (v2sf);
	(v2sf) =	vpush v23, $0xD;
	v24 =	vor.u32 v1, v32;
	v33 =	vld.idx.msk [tilespmem:v58+s11+$0x0], $0xffff  }
0xec: {  	s9 =	sand.u32 $0x7F, s12;
	s12 =	spop (v2sf);
	v26 =	vld.idx.msk [tilespmem:v60+s13+$0x0], $0xffff  }
0xed: {  	v34 =	vor.u32 s9, v0;
	s11 =	sand.u32 $0x7F, s12;
	s13 =	sadd.s32 $0xFFFFFFFC, s6  }
0xee: {  	v36 =	vor.u32 s11, v0;
	v35 =	vmov s13  }
0xef: {  	v37 =	vshll.u32 v35, $0x3  }
0xf0: {  	v38 =	vand.u32 $0x7B, v35;
	v39 =	vand.u32 $0xC00, v37;
	[tilespmem:v24+s10+$0x0] =	vst.idx.msk $0xffff, v33  }
0xf1: {  	(v2sf) =	vpush v22, $0xE;
	s11 =	simm.s32 $0x5E00;
	v40 =	vor.u32 v39, v38;
	[tilespmem:v24+s18+$0x0] =	vst.idx.msk $0xffff, v26  }
0xf2: {  	s12 =	spop (v2sf);
	(v2sf) =	vpush v23, $0xE;
	s13 =	simm.s32 $0xDE00;
	v24 =	vor.u32 v1, v40;
	v41 =	vld.idx.msk [tilespmem:v34+s11+$0x0], $0xffff  }
0xf3: {  	s9 =	sand.u32 $0x7F, s12;
	s12 =	spop (v2sf);
	v26 =	vld.idx.msk [tilespmem:v36+s13+$0x0], $0xffff  }
0xf4: {  	v42 =	vor.u32 s9, v0;
	s11 =	sand.u32 $0x7F, s12;
	s13 =	sadd.s32 $0xFFFFFFFD, s6  }
0xf5: {  	v43 =	vmov s13;
	v44 =	vor.u32 s11, v0  }
0xf6: {  	v45 =	vshll.u32 v43, $0x3  }
0xf7: {  	v46 =	vand.u32 $0x7C, v43;
	v47 =	vand.u32 $0xC00, v45;
	[tilespmem:v24+s10+$0x0] =	vst.idx.msk $0xffff, v41  }
0xf8: {  	(v2sf) =	vpush v22, $0xF;
	s12 =	simm.s32 $0x6600;
	v48 =	vor.u32 v47, v46;
	[tilespmem:v24+s18+$0x0] =	vst.idx.msk $0xffff, v26  }
0xf9: {  	s13 =	simm.s32 $0xE600;
	s9 =	spop (v2sf);
	(v2sf) =	vpush v23, $0xF;
	v24 =	vor.u32 v1, v48;
	v22 =	vld.idx.msk [tilespmem:v42+s12+$0x0], $0xffff  }
0xfa: {  	s11 =	spop (v2sf);
	s9 =	sand.u32 $0x7F, s9;
	v23 =	vld.idx.msk [tilespmem:v44+s13+$0x0], $0xffff  }
0xfb: {  	s11 =	sand.u32 $0x7F, s11;
	v49 =	vor.u32 s9, v0;
	s13 =	sadd.s32 $0xFFFFFFFE, s6  }
0xfc: {  	v51 =	vor.u32 s11, v0;
	v50 =	vmov s13  }
0xfd: {  	v52 =	vshll.u32 v50, $0x3  }
0xfe: {  	v53 =	vand.u32 $0xC00, v52;
	[tilespmem:v24+s10+$0x0] =	vst.idx.msk $0xffff, v22;
	v22 =	vand.u32 $0x7D, v50  }
0xff: {  	s11 =	simm.s32 $0x6E00;
	[tilespmem:v24+s18+$0x0] =	vst.idx.msk $0xffff, v23;
	v22 =	vor.u32 v53, v22  }
0x100: {  	s12 =	spop (v2sf);
	s13 =	simm.s32 $0xEE00;
	v23 =	vld.idx.msk [tilespmem:v49+s11+$0x0], $0xffff;
	v22 =	vor.u32 v1, v22  }
0x101: {  	s9 =	sand.u32 $0x7F, s12;
	s12 =	spop (v2sf);
	v24 =	vld.idx.msk [tilespmem:v51+s13+$0x0], $0xffff  }
0x102: {  	v54 =	vor.u32 s9, v0;
	s11 =	sand.u32 $0x7F, s12;
	s13 =	sadd.s32 $0xFFFFFFFF, s6  }
0x103: {  	v55 =	vmov s13;
	v56 =	vor.u32 s11, v0  }
0x104: {  	v57 =	vshll.u32 v55, $0x3  }
0x105: {  	v58 =	vand.u32 $0xC00, v57;
	[tilespmem:v22+s10+$0x0] =	vst.idx.msk $0xffff, v23;
	v23 =	vand.u32 $0x7E, v55  }
0x106: {  	s12 =	simm.s32 $0x7600;
	[tilespmem:v22+s18+$0x0] =	vst.idx.msk $0xffff, v24;
	v22 =	vor.u32 v58, v23  }
0x107: {  	s13 =	spop (v2sf);
	v23 =	vld.idx.msk [tilespmem:v54+s12+$0x0], $0xffff;
	v22 =	vor.u32 v1, v22;
	s12 =	simm.s32 $0xF600  }
0x108: {  	s9 =	sand.u32 $0x7F, s13;
	s13 =	spop (v2sf);
	v24 =	vld.idx.msk [tilespmem:v56+s12+$0x0], $0xffff  }
0x109: {  	v59 =	vor.u32 s9, v0;
	s11 =	sand.u32 $0x7F, s13  }
0x10a: {  	v60 =	vmov s6;
	v61 =	vor.u32 s11, v0  }
0x10b: {  	v62 =	vshll.u32 v60, $0x3  }
0x10c: {  	v63 =	vand.u32 $0xC00, v62;
	[tilespmem:v22+s10+$0x0] =	vst.idx.msk $0xffff, v23;
	v23 =	vand.u32 $0x7F, v60  }
0x10d: {  	s12 =	simm.s32 $0x7E00;
	[tilespmem:v22+s18+$0x0] =	vst.idx.msk $0xffff, v24;
	v22 =	vor.u32 v63, v23  }
0x10e: {  	s13 =	simm.s32 $0xFE00;
	v23 =	vld.idx.msk [tilespmem:v59+s12+$0x0], $0xffff;
	v22 =	vor.u32 v1, v22  }
0x10f: {  	v24 =	vld.idx.msk [tilespmem:v61+s13+$0x0], $0xffff;
	_ =	sdelay $0x3  }
0x110: {  	[tilespmem:v22+s10+$0x0] =	vst.idx.msk $0xffff, v23  }
0x111: {  	[tilespmem:v22+s18+$0x0] =	vst.idx.msk $0xffff, v24  }
0x112: {  	v22 =	vld @!p1 [tilespmem:s15+$0x0];
	_ =	sdelay $0x3  }
0x113: {  	v23 =	vld @!p1 [tilespmem:s19+$0x0]  }
0x114: {  	(v2sf) =	vpush @!p1 v22, $0x8;
	_ =	sdelay $0x3  }
0x115: {  	(v2sf) =	vpush @!p1 v23, $0x8;
	_ =	sdelay $0x3  }
0x116: {  	(v2sf) =	vpush @!p1 v22, $0x9;
	_ =	sdelay $0x3  }
0x117: {  	(v2sf) =	vpush @!p1 v23, $0x9;
	_ =	sdelay $0x2  }
0x118: {  	s9 =	spop @!p1 (v2sf)  }
0x119: {  	s11 =	simm.s32 @!p1 $0x7A1400;
	(v2sf) =	vpush @!p1 v22, $0xA;
	s9 =	sand.u32 @!p1 $0xFFFFF80, s9  }
0x11a: {  	s13 =	simm.s32 @!p1 $0x4600;
	s12 =	sadd.s32 @!p1 s0, s9;
	s9 =	simm.s32 @!p1 $0x400  }
0x11b: {  	[tilespmem:s13], [sflag:$0x3] =	stream.strided.gather @!p1 [hbm4b:s12+s9], $0x800, s11, s9, $0x38;
	[tilespmem:$0x15180] =	vst v63  }
0x11c: {  	s12 =	spop @!p1 (v2sf)  }
0x11d: {  	(v2sf) =	vpush @!p1 v23, $0xA;
	s12 =	sand.u32 @!p1 $0xFFFFF80, s12  }
0x11e: {  	s13 =	simm.s32 @!p1 $0xC600;
	s12 =	sadd.s32 @!p1 s1, s12  }
0x11f: {  	[tilespmem:s13], [sflag:$0x3] =	stream.strided.gather @!p1 [hbm4b:s12+s9], $0x800, s11, s9, $0x38;
	[tilespmem:$0x15180] =	vst v63  }
0x120: {  	s12 =	spop @!p1 (v2sf)  }
0x121: {  	(v2sf) =	vpush @!p1 v22, $0xB;
	s12 =	sand.u32 @!p1 $0xFFFFF80, s12  }
0x122: {  	s13 =	simm.s32 @!p1 $0x4E00;
	s12 =	sadd.s32 @!p1 s0, s12  }
0x123: {  	[tilespmem:s13], [sflag:$0x3] =	stream.strided.gather @!p1 [hbm4b:s12+s9], $0x800, s11, s9, $0x38;
	[tilespmem:$0x15180] =	vst v63  }
0x124: {  	s12 =	spop @!p1 (v2sf)  }
0x125: {  	(v2sf) =	vpush @!p1 v23, $0xB;
	s12 =	sand.u32 @!p1 $0xFFFFF80, s12  }
0x126: {  	s13 =	simm.s32 @!p1 $0xCE00;
	s12 =	sadd.s32 @!p1 s1, s12  }
0x127: {  	[tilespmem:s13], [sflag:$0x3] =	stream.strided.gather @!p1 [hbm4b:s12+s9], $0x800, s11, s9, $0x38;
	[tilespmem:$0x15180] =	vst v63  }
0x128: {  	s12 =	spop @!p1 (v2sf)  }
0x129: {  	(v2sf) =	vpush @!p1 v22, $0xC;
	s12 =	sand.u32 @!p1 $0xFFFFF80, s12  }
0x12a: {  	s13 =	simm.s32 @!p1 $0x5600;
	s12 =	sadd.s32 @!p1 s0, s12  }
0x12b: {  	[tilespmem:s13], [sflag:$0x3] =	stream.strided.gather @!p1 [hbm4b:s12+s9], $0x800, s11, s9, $0x38;
	[tilespmem:$0x15180] =	vst v63  }
0x12c: {  	s12 =	spop @!p1 (v2sf)  }
0x12d: {  	(v2sf) =	vpush @!p1 v23, $0xC;
	s12 =	sand.u32 @!p1 $0xFFFFF80, s12  }
0x12e: {  	s13 =	simm.s32 @!p1 $0xD600;
	s12 =	sadd.s32 @!p1 s1, s12  }
0x12f: {  	[tilespmem:s13], [sflag:$0x3] =	stream.strided.gather @!p1 [hbm4b:s12+s9], $0x800, s11, s9, $0x38;
	[tilespmem:$0x15180] =	vst v63  }
0x130: {  	s12 =	spop @!p1 (v2sf)  }
0x131: {  	(v2sf) =	vpush @!p1 v22, $0xD;
	s12 =	sand.u32 @!p1 $0xFFFFF80, s12  }
0x132: {  	s13 =	simm.s32 @!p1 $0x5E00;
	s12 =	sadd.s32 @!p1 s0, s12  }
0x133: {  	[tilespmem:s13], [sflag:$0x3] =	stream.strided.gather @!p1 [hbm4b:s12+s9], $0x800, s11, s9, $0x38;
	[tilespmem:$0x15180] =	vst v63  }
0x134: {  	s12 =	spop @!p1 (v2sf)  }
0x135: {  	(v2sf) =	vpush @!p1 v23, $0xD;
	s12 =	sand.u32 @!p1 $0xFFFFF80, s12  }
0x136: {  	s13 =	simm.s32 @!p1 $0xDE00;
	s12 =	sadd.s32 @!p1 s1, s12  }
0x137: {  	[tilespmem:s13], [sflag:$0x3] =	stream.strided.gather @!p1 [hbm4b:s12+s9], $0x800, s11, s9, $0x38;
	[tilespmem:$0x15180] =	vst v63  }
0x138: {  	s12 =	spop @!p1 (v2sf)  }
0x139: {  	(v2sf) =	vpush @!p1 v22, $0xE;
	s12 =	sand.u32 @!p1 $0xFFFFF80, s12  }
0x13a: {  	s13 =	simm.s32 @!p1 $0x6600;
	s12 =	sadd.s32 @!p1 s0, s12  }
0x13b: {  	[tilespmem:s13], [sflag:$0x3] =	stream.strided.gather @!p1 [hbm4b:s12+s9], $0x800, s11, s9, $0x38;
	[tilespmem:$0x15180] =	vst v63  }
0x13c: {  	s12 =	spop @!p1 (v2sf)  }
0x13d: {  	(v2sf) =	vpush @!p1 v23, $0xE;
	s12 =	sand.u32 @!p1 $0xFFFFF80, s12  }
0x13e: {  	s13 =	simm.s32 @!p1 $0xE600;
	s12 =	sadd.s32 @!p1 s1, s12  }
0x13f: {  	[tilespmem:s13], [sflag:$0x3] =	stream.strided.gather @!p1 [hbm4b:s12+s9], $0x800, s11, s9, $0x38;
	[tilespmem:$0x15180] =	vst v63  }
0x140: {  	s12 =	spop @!p1 (v2sf)  }
0x141: {  	(v2sf) =	vpush @!p1 v22, $0xF;
	s12 =	sand.u32 @!p1 $0xFFFFF80, s12  }
0x142: {  	s13 =	simm.s32 @!p1 $0x6E00;
	s12 =	sadd.s32 @!p1 s0, s12  }
0x143: {  	[tilespmem:s13], [sflag:$0x3] =	stream.strided.gather @!p1 [hbm4b:s12+s9], $0x800, s11, s9, $0x38;
	[tilespmem:$0x15180] =	vst v63  }
0x144: {  	s12 =	spop @!p1 (v2sf)  }
0x145: {  	s12 =	sand.u32 @!p1 $0xFFFFF80, s12  }
0x146: {  	(v2sf) =	vpush @!p1 v23, $0xF;
	s13 =	simm.s32 @!p1 $0xEE00;
	s12 =	sadd.s32 @!p1 s1, s12  }
0x147: {  	[tilespmem:s13], [sflag:$0x3] =	stream.strided.gather @!p1 [hbm4b:s12+s9], $0x800, s11, s9, $0x38;
	[tilespmem:$0x15180] =	vst v63  }
0x148: {  	s12 =	spop @!p1 (v2sf)  }
0x149: {  	s12 =	sand.u32 @!p1 $0xFFFFF80, s12  }
0x14a: {  	s13 =	simm.s32 @!p1 $0x7600;
	s12 =	sadd.s32 @!p1 s0, s12  }
0x14b: {  	[tilespmem:s13], [sflag:$0x3] =	stream.strided.gather @!p1 [hbm4b:s12+s9], $0x800, s11, s9, $0x38;
	[tilespmem:$0x15180] =	vst v63  }
0x14c: {  	s12 =	spop @!p1 (v2sf)  }
0x14d: {  	s12 =	sand.u32 @!p1 $0xFFFFF80, s12  }
0x14e: {  	s13 =	simm.s32 @!p1 $0xF600;
	s12 =	sadd.s32 @!p1 s1, s12  }
0x14f: {  	[tilespmem:s13], [sflag:$0x3] =	stream.strided.gather @!p1 [hbm4b:s12+s9], $0x800, s11, s9, $0x38;
	[tilespmem:$0x15180] =	vst v63  }
0x150: {  	s6 =	sadd.s32 @!p1 $0x10, s6;
	s12 =	spop @!p1 (v2sf)  }
0x151: {  	p2 =	sne.s32 @!p1 s6, $0x20F;
	s12 =	sand.u32 @!p1 $0xFFFFF80, s12  }
0x152: {  	p2 =	por p1, !p2;
	s13 =	simm.s32 @!p1 $0x7E00;
	s12 =	sadd.s32 @!p1 s0, s12  }
0x153: {  	[tilespmem:s13], [sflag:$0x3] =	stream.strided.gather @!p1 [hbm4b:s12+s9], $0x800, s11, s9, $0x38;
	[tilespmem:$0x15180] =	vst v63  }
.Ltmp4:
0x154: {  	_ = 	snop;
	(pc) =	sbr.rel @p2 .LBB2_5-.Ltmp4, $4  }
0x155: {  	s12 =	spop @!p1 (v2sf)  }
0x156: {  	s15 =	sadd.s32 @!p1 $0x10, s15;
	s12 =	sand.u32 @!p1 $0xFFFFF80, s12  }
0x157: {  	s19 =	sadd.s32 @!p1 $0x10, s19;
	s13 =	simm.s32 @!p1 $0xFE00;
	s12 =	sadd.s32 @!p1 s1, s12  }
0x158: {  	[tilespmem:s13], [sflag:$0x3] =	stream.strided.gather @!p1 [hbm4b:s12+s9], $0x800, s11, s9, $0x38;
	[tilespmem:$0x15180] =	vst v63  }
.LBB2_2:
0x159: {  	_ =	swait.ge [sflag:s14], $0x2000  }
0x15a: {  	[sflag:s14] =	ssyncset.done $0x0  }
0x15b: {  	[sflag:s14] =	ssyncadd.s32 $0xFFFFE000  }
0x15c: {  	_ =	swait.ge [sflag:s14], $0x2000  }
0x15d: {  	[sflag:s14] =	ssyncset.done $0x0  }
0x15e: {  	[sflag:s14] =	ssyncadd.s32 $0xFFFFE000  }
0x15f: {  	_ =	swait.ge [sflag:s14], $0x2000  }
0x160: {  	[sflag:s14] =	ssyncset.done $0x0  }
0x161: {  	[sflag:s14] =	ssyncadd.s32 $0xFFFFE000  }
0x162: {  	_ =	swait.ge [sflag:s14], $0x2000  }
0x163: {  	[sflag:s14] =	ssyncset.done $0x0  }
0x164: {  	[sflag:s14] =	ssyncadd.s32 $0xFFFFE000  }
0x165: {  	v22 =	vld [tilespmem:s15+$0xFFFFFFF0]  }
0x166: {  	v23 =	vld [tilespmem:s19+$0xFFFFFFF0];
	_ =	sdelay $0x3  }
0x167: {  	(v2sf) =	vpush v22, $0x0  }
0x168: {  	(v2sf) =	vpush v23, $0x0;
	_ =	sdelay $0x5  }
0x169: {  	(v2sf) =	vpush v22, $0x1  }
0x16a: {  	(v2sf) =	vpush v23, $0x1;
	_ =	sdelay $0x5  }
0x16b: {  	(v2sf) =	vpush v22, $0x2  }
0x16c: {  	s9 =	spop (v2sf);
	(v2sf) =	vpush v23, $0x2  }
0x16d: {  	s9 =	sand.u32 $0x7F, s9;
	s11 =	spop (v2sf)  }
0x16e: {  	s12 =	sadd.s32 $0xFFFFFFF1, s6;
	s11 =	sand.u32 $0x7F, s11;
	v24 =	vor.u32 s9, v0  }
0x16f: {  	v25 =	vmov s12;
	v26 =	vor.u32 s11, v0  }
0x170: {  	v27 =	vshll.u32 v25, $0x3  }
0x171: {  	v25 =	vand.u32 $0x70, v25;
	v27 =	vand.u32 $0xC00, v27  }
0x172: {  	v25 =	vor.u32 v27, v25;
	(v2sf) =	vpush v22, $0x3  }
0x173: {  	v25 =	vor.u32 v1, v25;
	s11 =	spop (v2sf);
	(v2sf) =	vpush v23, $0x3;
	v24 =	vld.idx.msk [tilespmem:v24+s29+$0x0], $0xffff  }
0x174: {  	s9 =	sand.u32 $0x7F, s11;
	s12 =	spop (v2sf);
	v26 =	vld.idx.msk [tilespmem:v26+s30+$0x0], $0xffff  }
0x175: {  	s13 =	sadd.s32 $0xFFFFFFF2, s6;
	s11 =	sand.u32 $0x7F, s12;
	v55 =	vor.u32 s9, v0  }
0x176: {  	v28 =	vmov s13;
	v29 =	vor.u32 s11, v0  }
0x177: {  	v30 =	vshll.u32 v28, $0x3  }
0x178: {  	v56 =	vand.u32 $0x71, v28;
	v57 =	vand.u32 $0xC00, v30;
	[tilespmem:v25+s10+$0x0] =	vst.idx.msk $0xffff, v24  }
0x179: {  	(v2sf) =	vpush v22, $0x4;
	v24 =	vor.u32 v57, v56;
	[tilespmem:v25+s18+$0x0] =	vst.idx.msk $0xffff, v26  }
0x17a: {  	s11 =	spop (v2sf);
	(v2sf) =	vpush v23, $0x4;
	v24 =	vor.u32 v1, v24;
	v25 =	vld.idx.msk [tilespmem:v55+s31+$0x0], $0xffff  }
0x17b: {  	s9 =	sand.u32 $0x7F, s11;
	v26 =	vld.idx.msk [tilespmem:v29+s5+$0x0], $0xffff;
	s12 =	spop (v2sf)  }
0x17c: {  	s13 =	sadd.s32 $0xFFFFFFF3, s6;
	v58 =	vor.u32 s9, v0;
	s11 =	sand.u32 $0x7F, s12  }
0x17d: {  	v59 =	vmov s13;
	v60 =	vor.u32 s11, v0  }
0x17e: {  	v61 =	vshll.u32 v59, $0x3  }
0x17f: {  	v62 =	vand.u32 $0x72, v59;
	v63 =	vand.u32 $0xC00, v61;
	[tilespmem:v24+s10+$0x0] =	vst.idx.msk $0xffff, v25  }
0x180: {  	v32 =	vor.u32 v63, v62;
	(v2sf) =	vpush v22, $0x5;
	[tilespmem:v24+s18+$0x0] =	vst.idx.msk $0xffff, v26  }
0x181: {  	s11 =	spop (v2sf);
	(v2sf) =	vpush v23, $0x5;
	v24 =	vor.u32 v1, v32;
	v33 =	vld.idx.msk [tilespmem:v58+s2+$0x0], $0xffff  }
0x182: {  	s9 =	sand.u32 $0x7F, s11;
	s12 =	spop (v2sf);
	v26 =	vld.idx.msk [tilespmem:v60+s4+$0x0], $0xffff  }
0x183: {  	s13 =	sadd.s32 $0xFFFFFFF4, s6;
	s11 =	sand.u32 $0x7F, s12;
	v34 =	vor.u32 s9, v0  }
0x184: {  	v35 =	vmov s13;
	v36 =	vor.u32 s11, v0  }
0x185: {  	v37 =	vshll.u32 v35, $0x3  }
0x186: {  	v38 =	vand.u32 $0x73, v35;
	v39 =	vand.u32 $0xC00, v37;
	[tilespmem:v24+s10+$0x0] =	vst.idx.msk $0xffff, v33  }
0x187: {  	v40 =	vor.u32 v39, v38;
	(v2sf) =	vpush v22, $0x6;
	[tilespmem:v24+s18+$0x0] =	vst.idx.msk $0xffff, v26  }
0x188: {  	s11 =	spop (v2sf);
	(v2sf) =	vpush v23, $0x6;
	v24 =	vor.u32 v1, v40;
	v41 =	vld.idx.msk [tilespmem:v34+s7+$0x0], $0xffff  }
0x189: {  	s9 =	sand.u32 $0x7F, s11;
	s12 =	spop (v2sf);
	v26 =	vld.idx.msk [tilespmem:v36+s8+$0x0], $0xffff  }
0x18a: {  	s13 =	sadd.s32 $0xFFFFFFF5, s6;
	s11 =	sand.u32 $0x7F, s12;
	v42 =	vor.u32 s9, v0  }
0x18b: {  	v43 =	vmov s13;
	v44 =	vor.u32 s11, v0  }
0x18c: {  	v45 =	vshll.u32 v43, $0x3  }
0x18d: {  	v46 =	vand.u32 $0x74, v43;
	v47 =	vand.u32 $0xC00, v45;
	[tilespmem:v24+s10+$0x0] =	vst.idx.msk $0xffff, v41  }
0x18e: {  	v48 =	vor.u32 v47, v46;
	(v2sf) =	vpush v22, $0x7;
	[tilespmem:v24+s18+$0x0] =	vst.idx.msk $0xffff, v26  }
0x18f: {  	s11 =	spop (v2sf);
	(v2sf) =	vpush v23, $0x7;
	v24 =	vor.u32 v1, v48;
	v22 =	vld.idx.msk [tilespmem:v42+s16+$0x0], $0xffff  }
0x190: {  	s9 =	sand.u32 $0x7F, s11;
	s12 =	spop (v2sf);
	v23 =	vld.idx.msk [tilespmem:v44+s20+$0x0], $0xffff  }
0x191: {  	s13 =	sadd.s32 $0xFFFFFFF6, s6;
	v49 =	vor.u32 s9, v0;
	s11 =	sand.u32 $0x7F, s12  }
0x192: {  	v50 =	vmov s13;
	v51 =	vor.u32 s11, v0  }
0x193: {  	v52 =	vshll.u32 v50, $0x3  }
0x194: {  	v53 =	vand.u32 $0xC00, v52;
	[tilespmem:v24+s10+$0x0] =	vst.idx.msk $0xffff, v22;
	v22 =	vand.u32 $0x75, v50  }
0x195: {  	[tilespmem:v24+s18+$0x0] =	vst.idx.msk $0xffff, v23;
	v22 =	vor.u32 v53, v22  }
0x196: {  	s11 =	spop (v2sf);
	v23 =	vld.idx.msk [tilespmem:v49+s21+$0x0], $0xffff;
	v22 =	vor.u32 v1, v22  }
0x197: {  	s12 =	spop (v2sf);
	s9 =	sand.u32 $0x7F, s11;
	v24 =	vld.idx.msk [tilespmem:v51+s22+$0x0], $0xffff  }
0x198: {  	s13 =	sadd.s32 $0xFFFFFFF7, s6;
	s11 =	sand.u32 $0x7F, s12;
	v54 =	vor.u32 s9, v0  }
0x199: {  	v55 =	vmov s13;
	v56 =	vor.u32 s11, v0  }
0x19a: {  	v57 =	vshll.u32 v55, $0x3  }
0x19b: {  	v58 =	vand.u32 $0xC00, v57;
	[tilespmem:v22+s10+$0x0] =	vst.idx.msk $0xffff, v23;
	v23 =	vand.u32 $0x76, v55  }
0x19c: {  	[tilespmem:v22+s18+$0x0] =	vst.idx.msk $0xffff, v24;
	v22 =	vor.u32 v58, v23  }
0x19d: {  	s11 =	spop (v2sf);
	v23 =	vld.idx.msk [tilespmem:v54+s23+$0x0], $0xffff;
	v22 =	vor.u32 v1, v22  }
0x19e: {  	s9 =	sand.u32 $0x7F, s11;
	s12 =	spop (v2sf);
	v24 =	vld.idx.msk [tilespmem:v56+s24+$0x0], $0xffff  }
0x19f: {  	s13 =	sadd.s32 $0xFFFFFFF8, s6;
	v59 =	vor.u32 s9, v0;
	s11 =	sand.u32 $0x7F, s12  }
0x1a0: {  	v60 =	vmov s13;
	v61 =	vor.u32 s11, v0  }
0x1a1: {  	v62 =	vshll.u32 v60, $0x3  }
0x1a2: {  	v63 =	vand.u32 $0xC00, v62;
	[tilespmem:v22+s10+$0x0] =	vst.idx.msk $0xffff, v23;
	v23 =	vand.u32 $0x77, v60  }
0x1a3: {  	[tilespmem:v22+s18+$0x0] =	vst.idx.msk $0xffff, v24;
	v22 =	vor.u32 v63, v23  }
0x1a4: {  	v23 =	vld.idx.msk [tilespmem:v59+s25+$0x0], $0xffff;
	v22 =	vor.u32 v1, v22  }
0x1a5: {  	p1 =	seq.s32 s6, $0x1FF;
	v24 =	vld.idx.msk [tilespmem:v61+s28+$0x0], $0xffff  }
.Ltmp5:
0x1a6: {  	_ = 	snop;
	(pc) =	sbr.rel @p1 .LBB2_4-.Ltmp5, $3  }
0x1a7: {  	_ =	sdelay $0x1  }
0x1a8: {  	[tilespmem:v22+s10+$0x0] =	vst.idx.msk $0xffff, v23  }
0x1a9: {  	[tilespmem:v22+s18+$0x0] =	vst.idx.msk $0xffff, v24  }
0x1aa: {  	v22 =	vld [tilespmem:s15+$0x0];
	_ =	sdelay $0x1  }
0x1ab: {  	v23 =	vld [tilespmem:s19+$0x0];
	_ =	sdelay $0x2  }
0x1ac: {  	(v2sf) =	vpush v22, $0x0;
	_ =	sdelay $0x1  }
0x1ad: {  	(v2sf) =	vpush v23, $0x0;
	_ =	sdelay $0x1  }
0x1ae: {  	(v2sf) =	vpush v22, $0x1;
	_ =	sdelay $0x2  }
0x1af: {  	(v2sf) =	vpush v23, $0x1;
	_ =	sdelay $0x7  }
0x1b0: {  	s9 =	spop (v2sf);
	(v2sf) =	vpush v22, $0x2;
	_ =	sdelay $0x1  }
0x1b1: {  	s11 =	spop (v2sf);
	(v2sf) =	vpush v23, $0x2;
	_ =	sdelay $0x1  }
0x1b2: {  	s12 =	spop (v2sf);
	(v2sf) =	vpush v22, $0x3;
	_ =	sdelay $0x1  }
0x1b3: {  	s9 =	sand.u32 $0xFFFFF80, s9  }
0x1b4: {  	s9 =	sadd.s32 s0, s9;
	s13 =	spop (v2sf);
	(v2sf) =	vpush v23, $0x3  }
0x1b5: {  	[tilespmem:s29], [sflag:$0x1] =	stream.strided.gather [hbm4b:s9+s17], $0x800, s26, s17, $0x38;
	[tilespmem:$0x15180] =	vst v63  }
0x1b6: {  	s9 =	sand.u32 $0xFFFFF80, s11  }
0x1b7: {  	s9 =	sadd.s32 s1, s9  }
0x1b8: {  	[tilespmem:s30], [sflag:$0x1] =	stream.strided.gather [hbm4b:s9+s17], $0x800, s26, s17, $0x38;
	[tilespmem:$0x15180] =	vst v63  }
0x1b9: {  	s9 =	sand.u32 $0xFFFFF80, s12  }
0x1ba: {  	s9 =	sadd.s32 s0, s9  }
0x1bb: {  	[tilespmem:s31], [sflag:$0x1] =	stream.strided.gather [hbm4b:s9+s17], $0x800, s26, s17, $0x38;
	[tilespmem:$0x15180] =	vst v63  }
0x1bc: {  	s11 =	spop (v2sf);
	(v2sf) =	vpush v22, $0x4  }
0x1bd: {  	s9 =	sand.u32 $0xFFFFF80, s13  }
0x1be: {  	s9 =	sadd.s32 s1, s9;
	s12 =	spop (v2sf);
	(v2sf) =	vpush v23, $0x4  }
0x1bf: {  	[tilespmem:s5], [sflag:$0x1] =	stream.strided.gather [hbm4b:s9+s17], $0x800, s26, s17, $0x38;
	[tilespmem:$0x15180] =	vst v63  }
0x1c0: {  	s9 =	sand.u32 $0xFFFFF80, s11;
	s13 =	spop (v2sf);
	(v2sf) =	vpush v22, $0x5  }
0x1c1: {  	s9 =	sadd.s32 s0, s9  }
0x1c2: {  	[tilespmem:s2], [sflag:$0x1] =	stream.strided.gather [hbm4b:s9+s17], $0x800, s26, s17, $0x38;
	[tilespmem:$0x15180] =	vst v63  }
0x1c3: {  	s11 =	spop (v2sf);
	(v2sf) =	vpush v23, $0x5  }
0x1c4: {  	s9 =	sand.u32 $0xFFFFF80, s12  }
0x1c5: {  	s9 =	sadd.s32 s1, s9  }
0x1c6: {  	[tilespmem:s4], [sflag:$0x1] =	stream.strided.gather [hbm4b:s9+s17], $0x800, s26, s17, $0x38;
	[tilespmem:$0x15180] =	vst v63  }
0x1c7: {  	s9 =	sand.u32 $0xFFFFF80, s13  }
0x1c8: {  	s9 =	sadd.s32 s0, s9  }
0x1c9: {  	[tilespmem:s7], [sflag:$0x1] =	stream.strided.gather [hbm4b:s9+s17], $0x800, s26, s17, $0x38;
	[tilespmem:$0x15180] =	vst v63  }
0x1ca: {  	s9 =	sand.u32 $0xFFFFF80, s11  }
0x1cb: {  	s9 =	sadd.s32 s1, s9;
	s12 =	spop (v2sf);
	(v2sf) =	vpush v22, $0x6  }
0x1cc: {  	[tilespmem:s8], [sflag:$0x1] =	stream.strided.gather [hbm4b:s9+s17], $0x800, s26, s17, $0x38;
	[tilespmem:$0x15180] =	vst v63  }
0x1cd: {  	s13 =	spop (v2sf);
	(v2sf) =	vpush v23, $0x6  }
0x1ce: {  	s9 =	sand.u32 $0xFFFFF80, s12  }
0x1cf: {  	s9 =	sadd.s32 s0, s9;
	s11 =	spop (v2sf)  }
0x1d0: {  	(v2sf) =	vpush v22, $0x7;
	[tilespmem:s16], [sflag:$0x1] =	stream.strided.gather [hbm4b:s9+s17], $0x800, s26, s17, $0x38;
	[tilespmem:$0x15180] =	vst v63  }
0x1d1: {  	s9 =	sand.u32 $0xFFFFF80, s13  }
0x1d2: {  	s12 =	spop (v2sf);
	s9 =	sadd.s32 s1, s9  }
0x1d3: {  	(v2sf) =	vpush v23, $0x7;
	[tilespmem:s20], [sflag:$0x1] =	stream.strided.gather [hbm4b:s9+s17], $0x800, s26, s17, $0x38;
	[tilespmem:$0x15180] =	vst v63  }
0x1d4: {  	s9 =	sand.u32 $0xFFFFF80, s11  }
0x1d5: {  	s9 =	sadd.s32 s0, s9  }
0x1d6: {  	[tilespmem:s21], [sflag:$0x1] =	stream.strided.gather [hbm4b:s9+s17], $0x800, s26, s17, $0x38;
	[tilespmem:$0x15180] =	vst v63  }
0x1d7: {  	s9 =	sand.u32 $0xFFFFF80, s12  }
0x1d8: {  	s9 =	sadd.s32 s1, s9  }
0x1d9: {  	[tilespmem:s22], [sflag:$0x1] =	stream.strided.gather [hbm4b:s9+s17], $0x800, s26, s17, $0x38;
	[tilespmem:$0x15180] =	vst v63  }
0x1da: {  	s13 =	spop (v2sf)  }
0x1db: {  	s9 =	sand.u32 $0xFFFFF80, s13  }
0x1dc: {  	s11 =	spop (v2sf);
	s9 =	sadd.s32 s0, s9  }
0x1dd: {  	[tilespmem:s23], [sflag:$0x1] =	stream.strided.gather [hbm4b:s9+s17], $0x800, s26, s17, $0x38;
	[tilespmem:$0x15180] =	vst v63  }
0x1de: {  	s9 =	sand.u32 $0xFFFFF80, s11  }
0x1df: {  	s12 =	spop (v2sf);
	s9 =	sadd.s32 s1, s9  }
0x1e0: {  	[tilespmem:s24], [sflag:$0x1] =	stream.strided.gather [hbm4b:s9+s17], $0x800, s26, s17, $0x38;
	[tilespmem:$0x15180] =	vst v63  }
0x1e1: {  	s9 =	sand.u32 $0xFFFFF80, s12  }
.Ltmp6:
0x1e2: {  	s13 =	spop (v2sf);
	s9 =	sadd.s32 s0, s9;
	(pc) =	sbr.rel .LBB2_4-.Ltmp6, $4  }
0x1e3: {  	[tilespmem:s25], [sflag:$0x1] =	stream.strided.gather [hbm4b:s9+s17], $0x800, s26, s17, $0x38;
	[tilespmem:$0x15180] =	vst v63  }
0x1e4: {  	s9 =	sand.u32 $0xFFFFF80, s13  }
0x1e5: {  	s9 =	sadd.s32 s1, s9  }
0x1e6: {  	[tilespmem:s28], [sflag:$0x1] =	stream.strided.gather [hbm4b:s9+s17], $0x800, s26, s17, $0x38;
	[tilespmem:$0x15180] =	vst v63  }
.LBB2_6:
0x1e7: {  	s6 =	rddreg [dreg:$0x5];
	s2 =	simm.s32 $0x14800  }
0x1e8: {  	[tilespmem:s2], [sflag:$0x4] =	stream.linear.gather [hbm4b:s6+s11], $0x80, $0x38;
	[tilespmem:$0x15180] =	vst v63  }
0x1e9: {  	_ =	swait.ge [sflag:s12], $0x80  }
0x1ea: {  	[sflag:s12] =	ssyncset.done $0x0  }
0x1eb: {  	s8 =	simm.s32 $0x14880;
	[sflag:s12] =	ssyncadd.s32 $0xFFFFFF80  }
0x1ec: {  	[tilespmem:s8], [sflag:$0x4] =	stream.linear.gather [hbm4b:s6+s11], $0x80, $0x38;
	[tilespmem:$0x15180] =	vst v63  }
0x1ed: {  	_ =	swait.ge [sflag:s12], $0x80  }
0x1ee: {  	[sflag:s12] =	ssyncset.done $0x0  }
0x1ef: {  	[sflag:s12] =	ssyncadd.s32 $0xFFFFFF80  }
0x1f0: {  	s4 =	simm.s32 $0x20;
	s5 =	simm.s32 $0x15100;
	s9 =	rddreg [dreg:$0x4]  }
0x1f1: {  	[tilespmem:s5], [sflag:$0x2] =	stream.indirect.gather [hbm4b:s9+s4], $0x1, s8, s4, $0xb8;
	[tilespmem:$0x15180] =	vst v63  }
0x1f2: {  	v23 =	vld [tilespmem:$0x14800];
	_ =	sdelay $0x4  }
0x1f3: {  	(v2sf) =	vpush v23, $0x0;
	_ =	sdelay $0x3  }
0x1f4: {  	(v2sf) =	vpush v23, $0x1;
	_ =	sdelay $0x2  }
0x1f5: {  	(v2sf) =	vpush v23, $0x2;
	_ =	sdelay $0x1  }
0x1f6: {  	(v2sf) =	vpush v23, $0x3;
	_ =	sdelay $0x5  }
0x1f7: {  	s29 =	spop (v2sf);
	(v2sf) =	vpush v23, $0x4;
	_ =	sdelay $0x2  }
0x1f8: {  	s13 =	sand.u32 $0xFFFFF80, s29  }
0x1f9: {  	s6 =	sadd.s32 s1, s13;
	s13 =	spop (v2sf);
	(v2sf) =	vpush v23, $0x5;
	_ =	sdelay $0x2  }
0x1fa: {  	s2 =	spop (v2sf);
	(v2sf) =	vpush v23, $0x6;
	_ =	sdelay $0x1  }
0x1fb: {  	s7 =	spop (v2sf);
	(v2sf) =	vpush v23, $0x7;
	_ =	sdelay $0x2  }
0x1fc: {  	s16 =	simm.s32 $0x600  }
0x1fd: {  	v22 =	vld [tilespmem:$0x14810];
	[tilespmem:s16], [sflag:$0x1] =	stream.strided.gather [hbm4b:s6+s17], $0x800, s26, s17, $0x38  }
0x1fe: {  	s21 =	simm.s32 $0xE00;
	s20 =	sand.u32 $0xFFFFF80, s13  }
0x1ff: {  	s6 =	sadd.s32 s1, s20;
	s22 =	sand.u32 $0xFFFFF80, s2;
	s16 =	spop (v2sf);
	(v2sf) =	vpush v23, $0x8  }
0x200: {  	[tilespmem:s21], [sflag:$0x1] =	stream.strided.gather [hbm4b:s6+s17], $0x800, s26, s17, $0x38;
	[tilespmem:$0x15180] =	vst v63  }
0x201: {  	s23 =	simm.s32 $0x1600;
	s6 =	sadd.s32 s1, s22;
	s24 =	sand.u32 $0xFFFFF80, s7  }
0x202: {  	[tilespmem:s23], [sflag:$0x1] =	stream.strided.gather [hbm4b:s6+s17], $0x800, s26, s17, $0x38;
	[tilespmem:$0x15180] =	vst v63  }
0x203: {  	s25 =	simm.s32 $0x1E00;
	s6 =	sadd.s32 s1, s24;
	s21 =	spop (v2sf);
	(v2sf) =	vpush v23, $0x9  }
0x204: {  	[tilespmem:s25], [sflag:$0x1] =	stream.strided.gather [hbm4b:s6+s17], $0x800, s26, s17, $0x38;
	[tilespmem:$0x15180] =	vst v63  }
0x205: {  	s4 =	sand.u32 $0xFFFFF80, s16  }
0x206: {  	s5 =	simm.s32 $0x2600;
	s6 =	sadd.s32 s1, s4;
	s23 =	spop (v2sf);
	(v2sf) =	vpush v23, $0xA  }
0x207: {  	[tilespmem:s5], [sflag:$0x1] =	stream.strided.gather [hbm4b:s6+s17], $0x800, s26, s17, $0x38;
	[tilespmem:$0x15180] =	vst v63  }
0x208: {  	s5 =	spop (v2sf);
	(v2sf) =	vpush v23, $0xB;
	_ =	sdelay $0x2  }
0x209: {  	s9 =	simm.s32 $0x2E00;
	s8 =	sand.u32 $0xFFFFF80, s21  }
0x20a: {  	s25 =	simm.s32 $0x3600;
	s6 =	sadd.s32 s1, s8;
	s20 =	sand.u32 $0xFFFFF80, s23  }
0x20b: {  	[tilespmem:s9], [sflag:$0x1] =	stream.strided.gather [hbm4b:s6+s17], $0x800, s26, s17, $0x38;
	[tilespmem:$0x15180] =	vst v63  }
0x20c: {  	s6 =	sadd.s32 s1, s20;
	s22 =	sand.u32 $0xFFFFF80, s5;
	s24 =	spop (v2sf);
	(v2sf) =	vpush v23, $0xC  }
0x20d: {  	[tilespmem:s25], [sflag:$0x1] =	stream.strided.gather [hbm4b:s6+s17], $0x800, s26, s17, $0x38;
	[tilespmem:$0x15180] =	vst v63  }
0x20e: {  	s9 =	simm.s32 $0x3E00;
	s6 =	sadd.s32 s1, s22  }
0x20f: {  	[tilespmem:s9], [sflag:$0x1] =	stream.strided.gather [hbm4b:s6+s17], $0x800, s26, s17, $0x38;
	[tilespmem:$0x15180] =	vst v63  }
0x210: {  	s9 =	spop (v2sf);
	(v2sf) =	vpush v23, $0xD;
	_ =	sdelay $0x2  }
0x211: {  	[dreg:$0x12] =	wrdreg s24;
	s4 =	sand.u32 $0xFFFFF80, s24;
	s24 =	spop (v2sf);
	(v2sf) =	vpush v23, $0xE  }
0x212: {  	_ = 	snop  }
0x213: {  	[dreg:$0x13] =	wrdreg s9;
	s20 =	sand.u32 $0xFFFFF80, s9;
	s9 =	spop (v2sf);
	(v2sf) =	vpush v23, $0xF  }
0x214: {  	s8 =	simm.s32 $0x4600;
	s6 =	sadd.s32 s1, s4  }
0x215: {  	[tilespmem:s8], [sflag:$0x1] =	stream.strided.gather [hbm4b:s6+s17], $0x800, s26, s17, $0x38;
	[tilespmem:$0x15180] =	vst v63  }
0x216: {  	s22 =	simm.s32 $0x4E00;
	s8 =	simm.s32 $0x5600  }
0x217: {  	s6 =	sadd.s32 s1, s20;
	[dreg:$0x14] =	wrdreg s24;
	s4 =	sand.u32 $0xFFFFF80, s24  }
0x218: {  	[tilespmem:s22], [sflag:$0x1] =	stream.strided.gather [hbm4b:s6+s17], $0x800, s26, s17, $0x38;
	[tilespmem:$0x15180] =	vst v63  }
0x219: {  	s6 =	sadd.s32 s1, s4;
	s20 =	sand.u32 $0xFFFFF80, s9;
	s24 =	spop (v2sf);
	(v2sf) =	vpush v22, $0x0  }
0x21a: {  	[tilespmem:s8], [sflag:$0x1] =	stream.strided.gather [hbm4b:s6+s17], $0x800, s26, s17, $0x38;
	[tilespmem:$0x15180] =	vst v63  }
0x21b: {  	s22 =	simm.s32 $0x5E00;
	s6 =	sadd.s32 s1, s20  }
0x21c: {  	[tilespmem:s22], [sflag:$0x1] =	stream.strided.gather [hbm4b:s6+s17], $0x800, s26, s17, $0x38;
	[tilespmem:$0x15180] =	vst v63  }
0x21d: {  	[dreg:$0x15] =	wrdreg s9;
	s4 =	sand.u32 $0xFFFFF80, s24;
	s9 =	spop (v2sf);
	(v2sf) =	vpush v22, $0x1  }
0x21e: {  	s8 =	simm.s32 $0x6600;
	s6 =	sadd.s32 s1, s4  }
0x21f: {  	[tilespmem:s8], [sflag:$0x1] =	stream.strided.gather [hbm4b:s6+s17], $0x800, s26, s17, $0x38;
	[tilespmem:$0x15180] =	vst v63  }
0x220: {  	[dreg:$0x16] =	wrdreg s24;
	s24 =	spop (v2sf);
	(v2sf) =	vpush v22, $0x2  }
0x221: {  	s22 =	simm.s32 $0x6E00;
	s20 =	sand.u32 $0xFFFFF80, s9  }
0x222: {  	s6 =	sadd.s32 s1, s20;
	s4 =	sand.u32 $0xFFFFF80, s24;
	s20 =	spop (v2sf)  }
0x223: {  	(v2sf) =	vpush v22, $0x3;
	[tilespmem:s22], [sflag:$0x1] =	stream.strided.gather [hbm4b:s6+s17], $0x800, s26, s17, $0x38;
	[tilespmem:$0x15180] =	vst v63  }
0x224: {  	s8 =	simm.s32 $0x7600;
	s6 =	sadd.s32 s1, s4;
	s22 =	sand.u32 $0xFFFFF80, s20  }
0x225: {  	[tilespmem:s8], [sflag:$0x1] =	stream.strided.gather [hbm4b:s6+s17], $0x800, s26, s17, $0x38;
	[tilespmem:$0x15180] =	vst v63  }
0x226: {  	[dreg:$0x18] =	wrdreg s24;
	s24 =	simm.s32 $0x7E00;
	s6 =	sadd.s32 s1, s22  }
0x227: {  	[tilespmem:s24], [sflag:$0x1] =	stream.strided.gather [hbm4b:s6+s17], $0x800, s26, s17, $0x38;
	[tilespmem:$0x15180] =	vst v63  }
0x228: {  	s30 =	spop (v2sf);
	(v2sf) =	vpush v22, $0x4  }
0x229: {  	s4 =	sand.u32 $0xFFFFF80, s30  }
0x22a: {  	s8 =	simm.s32 $0x8600;
	s6 =	sadd.s32 s1, s4  }
0x22b: {  	[tilespmem:s8], [sflag:$0x1] =	stream.strided.gather [hbm4b:s6+s17], $0x800, s26, s17, $0x38;
	[tilespmem:$0x15180] =	vst v63  }
0x22c: {  	s8 =	spop (v2sf);
	(v2sf) =	vpush v22, $0x5;
	_ =	sdelay $0x1  }
0x22d: {  	[dreg:$0x17] =	wrdreg s9  }
0x22e: {  	[dreg:$0x1a] =	wrdreg s20;
	s9 =	sand.u32 $0xFFFFF80, s8;
	s4 =	spop (v2sf)  }
0x22f: {  	s20 =	simm.s32 $0x8E00;
	(v2sf) =	vpush v22, $0x6;
	s6 =	sadd.s32 s1, s9;
	s22 =	sand.u32 $0xFFFFF80, s4  }
0x230: {  	[tilespmem:s20], [sflag:$0x1] =	stream.strided.gather [hbm4b:s6+s17], $0x800, s26, s17, $0x38;
	[tilespmem:$0x15180] =	vst v63  }
0x231: {  	s6 =	sadd.s32 s1, s22;
	s22 =	spop (v2sf)  }
0x232: {  	s24 =	simm.s32 $0x9600;
	s20 =	sand.u32 $0xFFFFF80, s22  }
0x233: {  	(v2sf) =	vpush v22, $0x7;
	[tilespmem:s24], [sflag:$0x1] =	stream.strided.gather [hbm4b:s6+s17], $0x800, s26, s17, $0x38;
	[tilespmem:$0x15180] =	vst v63  }
0x234: {  	s6 =	sadd.s32 s1, s20;
	s24 =	simm.s32 $0x9E00  }
0x235: {  	[tilespmem:s24], [sflag:$0x1] =	stream.strided.gather [hbm4b:s6+s17], $0x800, s26, s17, $0x38;
	[tilespmem:$0x15180] =	vst v63  }
0x236: {  	s20 =	spop (v2sf)  }
0x237: {  	(v2sf) =	vpush v22, $0x8;
	s9 =	sand.u32 $0xFFFFF80, s20  }
0x238: {  	s24 =	simm.s32 $0xA600;
	s6 =	sadd.s32 s1, s9  }
0x239: {  	[tilespmem:s24], [sflag:$0x1] =	stream.strided.gather [hbm4b:s6+s17], $0x800, s26, s17, $0x38;
	[tilespmem:$0x15180] =	vst v63  }
0x23a: {  	s6 =	spop (v2sf)  }
0x23b: {  	(v2sf) =	vpush v22, $0x9;
	s24 =	sand.u32 $0xFFFFF80, s6  }
0x23c: {  	s9 =	sadd.s32 s1, s24;
	s24 =	simm.s32 $0xAE00  }
0x23d: {  	[tilespmem:s24], [sflag:$0x1] =	stream.strided.gather [hbm4b:s9+s17], $0x800, s26, s17, $0x38;
	[tilespmem:$0x15180] =	vst v63  }
0x23e: {  	s24 =	spop (v2sf)  }
0x23f: {  	(v2sf) =	vpush v22, $0xA;
	s9 =	sand.u32 $0xFFFFF80, s24  }
0x240: {  	s28 =	simm.s32 $0xB600;
	s9 =	sadd.s32 s1, s9  }
0x241: {  	[tilespmem:s28], [sflag:$0x1] =	stream.strided.gather [hbm4b:s9+s17], $0x800, s26, s17, $0x38;
	[tilespmem:$0x15180] =	vst v63  }
0x242: {  	s28 =	spop (v2sf)  }
0x243: {  	(v2sf) =	vpush v22, $0xB;
	s9 =	sand.u32 $0xFFFFF80, s28  }
0x244: {  	s31 =	simm.s32 $0xBE00;
	s9 =	sadd.s32 s1, s9  }
0x245: {  	[tilespmem:s31], [sflag:$0x1] =	stream.strided.gather [hbm4b:s9+s17], $0x800, s26, s17, $0x38;
	[tilespmem:$0x15180] =	vst v63  }
0x246: {  	s9 =	spop (v2sf)  }
0x247: {  	(v2sf) =	vpush v22, $0xC;
	[dreg:$0x1d] =	wrdreg s9;
	s9 =	sand.u32 $0xFFFFF80, s9  }
0x248: {  	s31 =	simm.s32 $0xC600;
	s9 =	sadd.s32 s1, s9  }
0x249: {  	[tilespmem:s31], [sflag:$0x1] =	stream.strided.gather [hbm4b:s9+s17], $0x800, s26, s17, $0x38;
	[tilespmem:$0x15180] =	vst v63  }
0x24a: {  	s9 =	spop (v2sf)  }
0x24b: {  	(v2sf) =	vpush v22, $0xD;
	[dreg:$0x1f] =	wrdreg s9;
	s9 =	sand.u32 $0xFFFFF80, s9  }
0x24c: {  	s31 =	simm.s32 $0xCE00;
	s9 =	sadd.s32 s1, s9  }
0x24d: {  	[tilespmem:s31], [sflag:$0x1] =	stream.strided.gather [hbm4b:s9+s17], $0x800, s26, s17, $0x38;
	[tilespmem:$0x15180] =	vst v63  }
0x24e: {  	s9 =	spop (v2sf)  }
0x24f: {  	(v2sf) =	vpush v22, $0xE;
	[smem:$0x7FC] =	sst s9;
	s9 =	sand.u32 $0xFFFFF80, s9  }
0x250: {  	s31 =	simm.s32 $0xD600;
	s9 =	sadd.s32 s1, s9  }
0x251: {  	[tilespmem:s31], [sflag:$0x1] =	stream.strided.gather [hbm4b:s9+s17], $0x800, s26, s17, $0x38;
	[tilespmem:$0x15180] =	vst v63  }
0x252: {  	s9 =	spop (v2sf)  }
0x253: {  	(v2sf) =	vpush v22, $0xF;
	[smem:$0x7FD] =	sst s9;
	s9 =	sand.u32 $0xFFFFF80, s9  }
0x254: {  	s31 =	simm.s32 $0xDE00;
	s9 =	sadd.s32 s1, s9  }
0x255: {  	[tilespmem:s31], [sflag:$0x1] =	stream.strided.gather [hbm4b:s9+s17], $0x800, s26, s17, $0x38;
	[tilespmem:$0x15180] =	vst v63  }
0x256: {  	s9 =	spop (v2sf)  }
0x257: {  	[dreg:$0x1e] =	wrdreg s9;
	s9 =	sand.u32 $0xFFFFF80, s9  }
0x258: {  	s31 =	simm.s32 $0xE600;
	s9 =	sadd.s32 s1, s9  }
0x259: {  	[tilespmem:s31], [sflag:$0x1] =	stream.strided.gather [hbm4b:s9+s17], $0x800, s26, s17, $0x38;
	[tilespmem:$0x15180] =	vst v63  }
0x25a: {  	s9 =	spop (v2sf)  }
0x25b: {  	[dreg:$0x1c] =	wrdreg s9;
	s9 =	sand.u32 $0xFFFFF80, s9  }
0x25c: {  	s31 =	simm.s32 $0xEE00;
	s9 =	sadd.s32 s1, s9  }
0x25d: {  	[tilespmem:s31], [sflag:$0x1] =	stream.strided.gather [hbm4b:s9+s17], $0x800, s26, s17, $0x38;
	[tilespmem:$0x15180] =	vst v63  }
0x25e: {  	s9 =	spop (v2sf)  }
0x25f: {  	[dreg:$0x1b] =	wrdreg s9;
	s9 =	sand.u32 $0xFFFFF80, s9  }
0x260: {  	s31 =	simm.s32 $0xF600;
	s9 =	sadd.s32 s1, s9  }
0x261: {  	[tilespmem:s31], [sflag:$0x1] =	stream.strided.gather [hbm4b:s9+s17], $0x800, s26, s17, $0x38;
	[tilespmem:$0x15180] =	vst v63  }
0x262: {  	s9 =	spop (v2sf)  }
0x263: {  	[dreg:$0x19] =	wrdreg s9;
	s9 =	sand.u32 $0xFFFFF80, s9  }
0x264: {  	s31 =	simm.s32 $0xFE00;
	s9 =	sadd.s32 s1, s9  }
0x265: {  	[tilespmem:s31], [sflag:$0x1] =	stream.strided.gather [hbm4b:s9+s17], $0x800, s26, s17, $0x38;
	[tilespmem:$0x15180] =	vst v63  }
0x266: {  	_ =	swait.ge [sflag:s14], $0x800  }
0x267: {  	[sflag:s14] =	ssyncset.done $0x0  }
0x268: {  	[sflag:s14] =	ssyncadd.s32 $0xFFFFF800  }
0x269: {  	_ =	swait.ge [sflag:s14], $0x800  }
0x26a: {  	[sflag:s14] =	ssyncset.done $0x0  }
0x26b: {  	[sflag:s14] =	ssyncadd.s32 $0xFFFFF800  }
0x26c: {  	_ =	swait.ge [sflag:s14], $0x800  }
0x26d: {  	[sflag:s14] =	ssyncset.done $0x0  }
0x26e: {  	[sflag:s14] =	ssyncadd.s32 $0xFFFFF800  }
0x26f: {  	_ =	swait.ge [sflag:s14], $0x800  }
0x270: {  	[sflag:s14] =	ssyncset.done $0x0  }
0x271: {  	[sflag:s14] =	ssyncadd.s32 $0xFFFFF800  }
0x272: {  	_ =	swait.ge [sflag:s14], $0x800  }
0x273: {  	[sflag:s14] =	ssyncset.done $0x0  }
0x274: {  	[sflag:s14] =	ssyncadd.s32 $0xFFFFF800  }
0x275: {  	_ =	swait.ge [sflag:s14], $0x800  }
0x276: {  	[sflag:s14] =	ssyncset.done $0x0  }
0x277: {  	[sflag:s14] =	ssyncadd.s32 $0xFFFFF800  }
0x278: {  	_ =	swait.ge [sflag:s14], $0x800  }
0x279: {  	[sflag:s14] =	ssyncset.done $0x0  }
0x27a: {  	[sflag:s14] =	ssyncadd.s32 $0xFFFFF800  }
0x27b: {  	_ =	swait.ge [sflag:s14], $0x800  }
0x27c: {  	[sflag:s14] =	ssyncset.done $0x0  }
0x27d: {  	[sflag:s14] =	ssyncadd.s32 $0xFFFFF800  }
0x27e: {  	_ =	swait.ge [sflag:s14], $0x800  }
0x27f: {  	[sflag:s14] =	ssyncset.done $0x0  }
0x280: {  	[sflag:s14] =	ssyncadd.s32 $0xFFFFF800  }
0x281: {  	_ =	swait.ge [sflag:s14], $0x800  }
0x282: {  	[sflag:s14] =	ssyncset.done $0x0  }
0x283: {  	[sflag:s14] =	ssyncadd.s32 $0xFFFFF800  }
0x284: {  	_ =	swait.ge [sflag:s14], $0x800  }
0x285: {  	[sflag:s14] =	ssyncset.done $0x0  }
0x286: {  	[sflag:s14] =	ssyncadd.s32 $0xFFFFF800  }
0x287: {  	_ =	swait.ge [sflag:s14], $0x800  }
0x288: {  	[sflag:s14] =	ssyncset.done $0x0  }
0x289: {  	[sflag:s14] =	ssyncadd.s32 $0xFFFFF800  }
0x28a: {  	_ =	swait.ge [sflag:s14], $0x800  }
0x28b: {  	[sflag:s14] =	ssyncset.done $0x0  }
0x28c: {  	[sflag:s14] =	ssyncadd.s32 $0xFFFFF800  }
0x28d: {  	_ =	swait.ge [sflag:s14], $0x800  }
0x28e: {  	[sflag:s14] =	ssyncset.done $0x0  }
0x28f: {  	[sflag:s14] =	ssyncadd.s32 $0xFFFFF800  }
0x290: {  	_ =	swait.ge [sflag:s14], $0x800  }
0x291: {  	[sflag:s14] =	ssyncset.done $0x0  }
0x292: {  	[sflag:s14] =	ssyncadd.s32 $0xFFFFF800  }
0x293: {  	_ =	swait.ge [sflag:s14], $0x800  }
0x294: {  	[sflag:s14] =	ssyncset.done $0x0  }
0x295: {  	[sflag:s14] =	ssyncadd.s32 $0xFFFFF800  }
0x296: {  	_ =	swait.ge [sflag:s14], $0x800  }
0x297: {  	[sflag:s14] =	ssyncset.done $0x0  }
0x298: {  	[sflag:s14] =	ssyncadd.s32 $0xFFFFF800  }
0x299: {  	_ =	swait.ge [sflag:s14], $0x800  }
0x29a: {  	[sflag:s14] =	ssyncset.done $0x0  }
0x29b: {  	[sflag:s14] =	ssyncadd.s32 $0xFFFFF800  }
0x29c: {  	_ =	swait.ge [sflag:s14], $0x800  }
0x29d: {  	[sflag:s14] =	ssyncset.done $0x0  }
0x29e: {  	[sflag:s14] =	ssyncadd.s32 $0xFFFFF800  }
0x29f: {  	_ =	swait.ge [sflag:s14], $0x800  }
0x2a0: {  	[sflag:s14] =	ssyncset.done $0x0  }
0x2a1: {  	[sflag:s14] =	ssyncadd.s32 $0xFFFFF800  }
0x2a2: {  	_ =	swait.ge [sflag:s14], $0x800  }
0x2a3: {  	[sflag:s14] =	ssyncset.done $0x0  }
0x2a4: {  	[sflag:s14] =	ssyncadd.s32 $0xFFFFF800  }
0x2a5: {  	_ =	swait.ge [sflag:s14], $0x800  }
0x2a6: {  	[sflag:s14] =	ssyncset.done $0x0  }
0x2a7: {  	[sflag:s14] =	ssyncadd.s32 $0xFFFFF800  }
0x2a8: {  	_ =	swait.ge [sflag:s14], $0x800  }
0x2a9: {  	[sflag:s14] =	ssyncset.done $0x0  }
0x2aa: {  	[sflag:s14] =	ssyncadd.s32 $0xFFFFF800  }
0x2ab: {  	_ =	swait.ge [sflag:s14], $0x800  }
0x2ac: {  	[sflag:s14] =	ssyncset.done $0x0  }
0x2ad: {  	[sflag:s14] =	ssyncadd.s32 $0xFFFFF800  }
0x2ae: {  	_ =	swait.ge [sflag:s14], $0x800  }
0x2af: {  	[sflag:s14] =	ssyncset.done $0x0  }
0x2b0: {  	[sflag:s14] =	ssyncadd.s32 $0xFFFFF800  }
0x2b1: {  	_ =	swait.ge [sflag:s14], $0x800  }
0x2b2: {  	[sflag:s14] =	ssyncset.done $0x0  }
0x2b3: {  	[sflag:s14] =	ssyncadd.s32 $0xFFFFF800  }
0x2b4: {  	_ =	swait.ge [sflag:s14], $0x800  }
0x2b5: {  	[sflag:s14] =	ssyncset.done $0x0  }
0x2b6: {  	[sflag:s14] =	ssyncadd.s32 $0xFFFFF800  }
0x2b7: {  	_ =	swait.ge [sflag:s14], $0x800  }
0x2b8: {  	[sflag:s14] =	ssyncset.done $0x0  }
0x2b9: {  	[sflag:s14] =	ssyncadd.s32 $0xFFFFF800  }
0x2ba: {  	_ =	swait.ge [sflag:s14], $0x800  }
0x2bb: {  	[sflag:s14] =	ssyncset.done $0x0  }
0x2bc: {  	[sflag:s14] =	ssyncadd.s32 $0xFFFFF800  }
0x2bd: {  	_ =	swait.ge [sflag:s14], $0x800  }
0x2be: {  	[sflag:s14] =	ssyncset.done $0x0  }
0x2bf: {  	[sflag:s14] =	ssyncadd.s32 $0xFFFFF800  }
0x2c0: {  	s9 =	sand.u32 $0x7F, s29;
	_ =	swait.ge [sflag:s14], $0x800  }
0x2c1: {  	v22 =	vor.u32 s9, v0;
	[sflag:s14] =	ssyncset.done $0x0  }
0x2c2: {  	[sflag:s14] =	ssyncadd.s32 $0xFFFFF800  }
0x2c3: {  	_ =	swait.ge [sflag:s14], $0x800  }
0x2c4: {  	[sflag:s14] =	ssyncset.done $0x0  }
0x2c5: {  	s9 =	simm.s32 $0x600;
	[sflag:s14] =	ssyncadd.s32 $0xFFFFF800  }
0x2c6: {  	s13 =	sand.u32 $0x7F, s13;
	v22 =	vld.idx.msk [tilespmem:v22+s9+$0x0], $0xffff  }
0x2c7: {  	v23 =	vor.u32 s13, v0;
	_ =	sdelay $0x2  }
0x2c8: {  	s13 =	simm.s32 $0x14900  }
0x2c9: {  	s9 =	simm.s32 $0xE00;
	[tilespmem:v0+s13+$0x0] =	vst.idx.msk $0xffff, v22  }
0x2ca: {  	s2 =	sand.u32 $0x7F, s2;
	v22 =	vld.idx.msk [tilespmem:v23+s9+$0x0], $0xffff  }
0x2cb: {  	v23 =	vor.u32 s2, v0;
	_ =	sdelay $0x3  }
0x2cc: {  	s9 =	simm.s32 $0x1600;
	[tilespmem:v2+s13+$0x0] =	vst.idx.msk $0xffff, v22  }
0x2cd: {  	s7 =	sand.u32 $0x7F, s7;
	v22 =	vld.idx.msk [tilespmem:v23+s9+$0x0], $0xffff  }
0x2ce: {  	v23 =	vor.u32 s7, v0;
	_ =	sdelay $0x3  }
0x2cf: {  	s9 =	simm.s32 $0x1E00;
	[tilespmem:v3+s13+$0x0] =	vst.idx.msk $0xffff, v22  }
0x2d0: {  	s16 =	sand.u32 $0x7F, s16;
	v22 =	vld.idx.msk [tilespmem:v23+s9+$0x0], $0xffff  }
0x2d1: {  	v23 =	vor.u32 s16, v0;
	_ =	sdelay $0x3  }
0x2d2: {  	s9 =	simm.s32 $0x2600;
	[tilespmem:v4+s13+$0x0] =	vst.idx.msk $0xffff, v22  }
0x2d3: {  	s21 =	sand.u32 $0x7F, s21;
	v22 =	vld.idx.msk [tilespmem:v23+s9+$0x0], $0xffff  }
0x2d4: {  	v23 =	vor.u32 s21, v0;
	_ =	sdelay $0x3  }
0x2d5: {  	s9 =	simm.s32 $0x2E00;
	[tilespmem:v5+s13+$0x0] =	vst.idx.msk $0xffff, v22  }
0x2d6: {  	s23 =	sand.u32 $0x7F, s23;
	v22 =	vld.idx.msk [tilespmem:v23+s9+$0x0], $0xffff  }
0x2d7: {  	v23 =	vor.u32 s23, v0;
	_ =	sdelay $0x3  }
0x2d8: {  	[tilespmem:v6+s13+$0x0] =	vst.idx.msk $0xffff, v22  }
0x2d9: {  	s5 =	sand.u32 $0x7F, s5;
	v22 =	vld.idx.msk [tilespmem:v23+s25+$0x0], $0xffff  }
0x2da: {  	v23 =	vor.u32 s5, v0;
	_ =	sdelay $0x3  }
0x2db: {  	s9 =	simm.s32 $0x3E00;
	[tilespmem:v7+s13+$0x0] =	vst.idx.msk $0xffff, v22  }
0x2dc: {  	v22 =	vld.idx.msk [tilespmem:v23+s9+$0x0], $0xffff;
	s9 =	rddreg [dreg:$0x12]  }
0x2dd: {  	s5 =	sand.u32 $0x7F, s9  }
0x2de: {  	v23 =	vor.u32 s5, v0;
	_ =	sdelay $0x3  }
0x2df: {  	s9 =	simm.s32 $0x4600;
	[tilespmem:v8+s13+$0x0] =	vst.idx.msk $0xffff, v22  }
0x2e0: {  	v22 =	vld.idx.msk [tilespmem:v23+s9+$0x0], $0xffff;
	s9 =	rddreg [dreg:$0x13]  }
0x2e1: {  	s5 =	sand.u32 $0x7F, s9  }
0x2e2: {  	v23 =	vor.u32 s5, v0;
	_ =	sdelay $0x3  }
0x2e3: {  	s9 =	simm.s32 $0x4E00;
	[tilespmem:v9+s13+$0x0] =	vst.idx.msk $0xffff, v22  }
0x2e4: {  	v22 =	vld.idx.msk [tilespmem:v23+s9+$0x0], $0xffff;
	s9 =	rddreg [dreg:$0x14]  }
0x2e5: {  	s5 =	sand.u32 $0x7F, s9  }
0x2e6: {  	v23 =	vor.u32 s5, v0;
	_ =	sdelay $0x3  }
0x2e7: {  	s9 =	simm.s32 $0x5600;
	[tilespmem:v10+s13+$0x0] =	vst.idx.msk $0xffff, v22  }
0x2e8: {  	v22 =	vld.idx.msk [tilespmem:v23+s9+$0x0], $0xffff;
	s9 =	rddreg [dreg:$0x15]  }
0x2e9: {  	s5 =	sand.u32 $0x7F, s9  }
0x2ea: {  	v23 =	vor.u32 s5, v0;
	_ =	sdelay $0x3  }
0x2eb: {  	s9 =	simm.s32 $0x5E00;
	[tilespmem:v11+s13+$0x0] =	vst.idx.msk $0xffff, v22  }
0x2ec: {  	v22 =	vld.idx.msk [tilespmem:v23+s9+$0x0], $0xffff;
	s9 =	rddreg [dreg:$0x16]  }
0x2ed: {  	s5 =	sand.u32 $0x7F, s9  }
0x2ee: {  	v23 =	vor.u32 s5, v0;
	_ =	sdelay $0x3  }
0x2ef: {  	s9 =	simm.s32 $0x6600;
	[tilespmem:v12+s13+$0x0] =	vst.idx.msk $0xffff, v22  }
0x2f0: {  	v22 =	vld.idx.msk [tilespmem:v23+s9+$0x0], $0xffff;
	s9 =	rddreg [dreg:$0x17]  }
0x2f1: {  	s5 =	sand.u32 $0x7F, s9  }
0x2f2: {  	v23 =	vor.u32 s5, v0;
	_ =	sdelay $0x3  }
0x2f3: {  	s9 =	simm.s32 $0x6E00;
	[tilespmem:v13+s13+$0x0] =	vst.idx.msk $0xffff, v22  }
0x2f4: {  	v22 =	vld.idx.msk [tilespmem:v23+s9+$0x0], $0xffff;
	s9 =	rddreg [dreg:$0x18]  }
0x2f5: {  	s5 =	sand.u32 $0x7F, s9  }
0x2f6: {  	v23 =	vor.u32 s5, v0;
	_ =	sdelay $0x3  }
0x2f7: {  	s9 =	simm.s32 $0x7600;
	[tilespmem:v14+s13+$0x0] =	vst.idx.msk $0xffff, v22  }
0x2f8: {  	v22 =	vld.idx.msk [tilespmem:v23+s9+$0x0], $0xffff;
	s9 =	rddreg [dreg:$0x1a]  }
0x2f9: {  	s5 =	sand.u32 $0x7F, s9  }
0x2fa: {  	v23 =	vor.u32 s5, v0;
	_ =	sdelay $0x3  }
0x2fb: {  	s9 =	simm.s32 $0x7E00;
	[tilespmem:v15+s13+$0x0] =	vst.idx.msk $0xffff, v22  }
0x2fc: {  	s5 =	sand.u32 $0x7F, s30;
	v22 =	vld.idx.msk [tilespmem:v23+s9+$0x0], $0xffff  }
0x2fd: {  	v23 =	vor.u32 s5, v0;
	_ =	sdelay $0x3  }
0x2fe: {  	s9 =	simm.s32 $0x8600;
	[tilespmem:v16+s13+$0x0] =	vst.idx.msk $0xffff, v22  }
0x2ff: {  	s8 =	sand.u32 $0x7F, s8;
	v22 =	vld.idx.msk [tilespmem:v23+s9+$0x0], $0xffff  }
0x300: {  	v23 =	vor.u32 s8, v0;
	_ =	sdelay $0x3  }
0x301: {  	s9 =	simm.s32 $0x8E00;
	[tilespmem:v17+s13+$0x0] =	vst.idx.msk $0xffff, v22  }
0x302: {  	s8 =	sand.u32 $0x7F, s4;
	v22 =	vld.idx.msk [tilespmem:v23+s9+$0x0], $0xffff  }
0x303: {  	v23 =	vor.u32 s8, v0;
	_ =	sdelay $0x3  }
0x304: {  	s9 =	simm.s32 $0x9600;
	[tilespmem:v18+s13+$0x0] =	vst.idx.msk $0xffff, v22  }
0x305: {  	s8 =	sand.u32 $0x7F, s22;
	v22 =	vld.idx.msk [tilespmem:v23+s9+$0x0], $0xffff  }
0x306: {  	v23 =	vor.u32 s8, v0;
	_ =	sdelay $0x3  }
0x307: {  	s22 =	simm.s32 $0x9E00;
	[tilespmem:v19+s13+$0x0] =	vst.idx.msk $0xffff, v22  }
0x308: {  	s20 =	sand.u32 $0x7F, s20;
	v22 =	vld.idx.msk [tilespmem:v23+s22+$0x0], $0xffff  }
0x309: {  	v23 =	vor.u32 s20, v0;
	_ =	sdelay $0x3  }
0x30a: {  	s22 =	simm.s32 $0xA600;
	[tilespmem:v20+s13+$0x0] =	vst.idx.msk $0xffff, v22  }
0x30b: {  	s6 =	sand.u32 $0x7F, s6;
	v22 =	vld.idx.msk [tilespmem:v23+s22+$0x0], $0xffff  }
0x30c: {  	v23 =	vor.u32 s6, v0;
	_ =	sdelay $0x3  }
0x30d: {  	s9 =	simm.s32 $0xAE00;
	[tilespmem:v21+s13+$0x0] =	vst.idx.msk $0xffff, v22  }
0x30e: {  	s24 =	sand.u32 $0x7F, s24;
	v22 =	vld.idx.msk [tilespmem:v23+s9+$0x0], $0xffff;
	v23 =	vor.u32 $0x15, v0  }
0x30f: {  	v24 =	vor.u32 s24, v0;
	_ =	sdelay $0x3  }
0x310: {  	s9 =	simm.s32 $0xB600;
	[tilespmem:v23+s13+$0x0] =	vst.idx.msk $0xffff, v22  }
0x311: {  	v23 =	vor.u32 $0x16, v0;
	v22 =	vld.idx.msk [tilespmem:v24+s9+$0x0], $0xffff;
	s9 =	sand.u32 $0x7F, s28  }
0x312: {  	v55 =	vor.u32 s9, v0;
	_ =	sdelay $0x3  }
0x313: {  	s9 =	simm.s32 $0xBE00;
	[tilespmem:v23+s13+$0x0] =	vst.idx.msk $0xffff, v22  }
0x314: {  	v22 =	vld.idx.msk [tilespmem:v55+s9+$0x0], $0xffff;
	s9 =	rddreg [dreg:$0x1d]  }
0x315: {  	v23 =	vor.u32 $0x17, v0;
	s6 =	sand.u32 $0x7F, s9  }
0x316: {  	v56 =	vor.u32 s6, v0;
	_ =	sdelay $0x3  }
0x317: {  	s9 =	simm.s32 $0xC600;
	[tilespmem:v23+s13+$0x0] =	vst.idx.msk $0xffff, v22  }
0x318: {  	v22 =	vld.idx.msk [tilespmem:v56+s9+$0x0], $0xffff;
	s9 =	rddreg [dreg:$0x1f]  }
0x319: {  	v23 =	vor.u32 $0x18, v0;
	s6 =	sand.u32 $0x7F, s9  }
0x31a: {  	v57 =	vor.u32 s6, v0;
	_ =	sdelay $0x3  }
0x31b: {  	s9 =	simm.s32 $0xCE00;
	[tilespmem:v23+s13+$0x0] =	vst.idx.msk $0xffff, v22  }
0x31c: {  	v22 =	vld.idx.msk [tilespmem:v57+s9+$0x0], $0xffff;
	s9 =	sld [smem:$0x7FC];
	_ =	sdelay $0x2  }
0x31d: {  	v23 =	vor.u32 $0x19, v0;
	s6 =	sand.u32 $0x7F, s9  }
0x31e: {  	v58 =	vor.u32 s6, v0;
	_ =	sdelay $0x3  }
0x31f: {  	s9 =	simm.s32 $0xD600;
	[tilespmem:v23+s13+$0x0] =	vst.idx.msk $0xffff, v22  }
0x320: {  	v22 =	vld.idx.msk [tilespmem:v58+s9+$0x0], $0xffff;
	s9 =	sld [smem:$0x7FD];
	_ =	sdelay $0x2  }
0x321: {  	v23 =	vor.u32 $0x1A, v0;
	s6 =	sand.u32 $0x7F, s9  }
0x322: {  	v59 =	vor.u32 s6, v0;
	_ =	sdelay $0x3  }
0x323: {  	s9 =	simm.s32 $0xDE00;
	[tilespmem:v23+s13+$0x0] =	vst.idx.msk $0xffff, v22  }
0x324: {  	v22 =	vld.idx.msk [tilespmem:v59+s9+$0x0], $0xffff;
	s9 =	rddreg [dreg:$0x1e]  }
0x325: {  	v23 =	vor.u32 $0x1B, v0;
	s6 =	sand.u32 $0x7F, s9  }
0x326: {  	v60 =	vor.u32 s6, v0;
	_ =	sdelay $0x3  }
0x327: {  	s9 =	simm.s32 $0xE600;
	[tilespmem:v23+s13+$0x0] =	vst.idx.msk $0xffff, v22  }
0x328: {  	v22 =	vld.idx.msk [tilespmem:v60+s9+$0x0], $0xffff;
	s9 =	rddreg [dreg:$0x1c]  }
0x329: {  	v23 =	vor.u32 $0x1C, v0;
	s6 =	sand.u32 $0x7F, s9  }
0x32a: {  	v61 =	vor.u32 s6, v0;
	_ =	sdelay $0x3  }
0x32b: {  	s9 =	simm.s32 $0xEE00;
	[tilespmem:v23+s13+$0x0] =	vst.idx.msk $0xffff, v22  }
0x32c: {  	v22 =	vld.idx.msk [tilespmem:v61+s9+$0x0], $0xffff;
	s9 =	rddreg [dreg:$0x1b]  }
0x32d: {  	v23 =	vor.u32 $0x1D, v0;
	s6 =	sand.u32 $0x7F, s9  }
0x32e: {  	v62 =	vor.u32 s6, v0;
	_ =	sdelay $0x3  }
0x32f: {  	s9 =	simm.s32 $0xF600;
	[tilespmem:v23+s13+$0x0] =	vst.idx.msk $0xffff, v22  }
0x330: {  	v22 =	vld.idx.msk [tilespmem:v62+s9+$0x0], $0xffff;
	s9 =	rddreg [dreg:$0x19]  }
0x331: {  	v23 =	vor.u32 $0x1E, v0;
	s6 =	sand.u32 $0x7F, s9  }
0x332: {  	v63 =	vor.u32 s6, v0;
	_ =	sdelay $0x3  }
0x333: {  	s9 =	simm.s32 $0xFE00;
	[tilespmem:v23+s13+$0x0] =	vst.idx.msk $0xffff, v22  }
0x334: {  	v23 =	vor.u32 $0x1F, v0;
	v22 =	vld.idx.msk [tilespmem:v63+s9+$0x0], $0xffff;
	_ =	sdelay $0x4  }
0x335: {  	s24 =	simm.s32 $0xB600;
	s29 =	simm.s32 $0x600;
	s9 =	simm.s32 $0x2;
	[tilespmem:v23+s13+$0x0] =	vst.idx.msk $0xffff, v22  }
0x336: {  	s31 =	simm.s32 $0xE00;
	s2 =	simm.s32 $0x1600;
	_ =	swait.ge [sflag:s9], $0x20  }
0x337: {  	s7 =	simm.s32 $0x1E00;
	s16 =	simm.s32 $0x2600;
	[sflag:s9] =	ssyncset.done $0x0  }
0x338: {  	s21 =	simm.s32 $0x2E00;
	[sflag:s9] =	ssyncadd.s32 $0xFFFFFFE0;
	s9 =	rddreg [dreg:$0x9]  }
0x339: {  	[hbm4b:s9+s11] =	stream.linear.scatter [tilespmem:s13], [sflag:$0x4], $0x800, $0x38;
	[tilespmem:$0x15180] =	vst v63  }
0x33a: {  	s23 =	simm.s32 $0x3600;
	s25 =	simm.s32 $0x3E00;
	_ =	swait.ge [sflag:s12], $0x800  }
0x33b: {  	s30 =	simm.s32 $0x8600;
	s13 =	simm.s32 $0x15100;
	[sflag:s12] =	ssyncset.done $0x0  }
.Ltmp7:
0x33c: {  	s9 =	rddreg [dreg:$0xa];
	[sflag:s12] =	ssyncadd.s32 $0xFFFFF800;
	(pc) =	sbr.rel .LBB2_7-.Ltmp7, $4  }
0x33d: {  	[hbm4b:s9+s11] =	stream.linear.scatter [tilespmem:s13], [sflag:$0x4], $0x80, $0x38;
	[tilespmem:$0x15180] =	vst v63  }
0x33e: {  	s5 =	simm.s32 $0x8E00;
	s4 =	simm.s32 $0x9600;
	_ =	swait.ge [sflag:s12], $0x80  }
0x33f: {  	s8 =	simm.s32 $0x9E00;
	s20 =	simm.s32 $0xA600;
	[sflag:s12] =	ssyncset.done $0x0  }
0x340: {  	s22 =	simm.s32 $0xAE00;
	s28 =	simm.s32 $0xBE00;
	[sflag:s12] =	ssyncadd.s32 $0xFFFFFF80  }
.LBB2_8:
0x341: {  	_ =	sfence.sel $0x180000  }
0x342: {  	[bflag:$0x0] =	sbarrier.arrive $0xFFFF  }
0x343: {  	_ =	strace $0x90000047  }
0x344: {  	s0 =	stileid.u32;
	[bflag:$0x2] =	sbarrier.arrive $0xFFFF  }
0x345: {  	p0 =	sne.s32 s0, $0x0;
	s0 =	rddreg [dreg:$0x8]  }
0x346: {  	s0 =	sadd.s32 @!p0 $0x100000, s0  }
0x347: {  	[sflag:s0] =	ssyncadd.tile.s32 @!p0 $0x1;
	_ =	shalt  }
.Lfunc_end2:
_tile_overlayer_lowered:
.L_overlay_start_2:
0x348: {  	(tag) =	ssettag $0x2  }
0x349: {  	s0 =	rddreg [dreg:$0x0];
	s2 =	stileid.u32  }
0x34a: {  	s1 =	rddreg [dreg:$0x1];
	p0 =	sne.s32 s2, $0x0  }
0x34b: {  	s3 =	rddreg [dreg:$0x2];
	[bflag:$0x3] =	sbarrier.arrive $0xFFFF;
	s2 =	simm.s32 @!p0 $0x1C04  }
0x34c: {  	[timem:s3], [sflag:s2] =	dma.local @!p0 [hbm:s0], s1  }
0x34d: {  	s0 =	simm.s32 @!p0 $0x4  }
0x34e: {  	_ =	swait.ge @!p0 [sflag:s0], s1  }
0x34f: {  	s1 =	ssub.s32 @!p0 $0x0, s1;
	[sflag:s0] =	ssyncset.done @!p0 $0x0  }
0x350: {  	[sflag:s0] =	ssyncadd.s32 @!p0 s1  }
0x351: {  	[bflag:$0x3] =	sbarrier.arrive $0xFFFF  }
0x352: {  	_ =	shalt  }

</sc_bundles>
